<compile_context>
chip_gen: v7x
topology: tpu7x:2x2x1
jax: 0.10.2.dev20260603
libtpu: 0.0.44.dev20260713+nightly
codegen_flags: <defaults>
</compile_context>

<pallas_src>
import functools

import jax
import jax.numpy as jnp
import numpy as np
from jax import lax
from jax.experimental import pallas as pl
from jax.experimental.pallas import tpu as pltpu
from jax.experimental.pallas import tpu_sc as plsc

N_NODES = 100000
N_EDGES = 1600000
B = 2048
K = 20
D = 128
D_TIME = 128
D_EDGE = 16
N_HEADS = 2
DH = D // N_HEADS

NC = 2
NS = 16
NW = NC * NS
BK = B * K
ROWS_W = BK // NW
SRC_W = B // NW
CH = 128
NCH = ROWS_W // CH


NBUF = 4
def _make_sc_body(nb):
  srcw = nb // NW
  rows_w = nb * K // NW
  nch = rows_w // CH

  def _sc_gather_body(mem_hbm, nf_hbm, sidx_hbm, nidx_hbm,
                    src_out, nbr_out,
                    sidx_v, nidx_v, b0, b1, b2, b3, sa_v,
                    sem_g, sem_h, sem_s, w0, w1, w2, w3):
    wid = lax.axis_index("s") * NC + lax.axis_index("c")
    nbase = wid * rows_w
    bufs = [b0, b1, b2, b3]
    wsems = [w0, w1, w2, w3]

    pltpu.sync_copy(nidx_hbm.at[wid], nidx_v)
    pltpu.sync_copy(sidx_hbm.at[pl.ds(wid * srcw, srcw)], sidx_v)

    pltpu.async_copy(mem_hbm.at[sidx_v], sa_v, sem_s).wait()
    pltpu.async_copy(nf_hbm.at[sidx_v], sa_v, sem_s, add=True).wait()
    w_src = pltpu.async_copy(sa_v, src_out.at[pl.ds(wid * srcw, srcw)], sem_s)

    g1 = [None] * nch
    g2 = [None] * nch
    wr = [None] * nch
    for c in range(min(NBUF, nch)):
        g1[c] = pltpu.async_copy(mem_hbm.at[nidx_v.at[c]], bufs[c % NBUF], sem_g)
    for c in range(nch):
        buf = bufs[c % NBUF]
        g1[c].wait()
        g2[c] = pltpu.async_copy(nf_hbm.at[nidx_v.at[c]], buf, sem_h, add=True)
        if c >= 1 and c - 1 + NBUF < nch:
            nxt = c - 1 + NBUF
            wr[c - 1].wait()
            g1[nxt] = pltpu.async_copy(
                mem_hbm.at[nidx_v.at[nxt]], bufs[nxt % NBUF], sem_g)
        g2[c].wait()
        wr[c] = pltpu.async_copy(
            buf, nbr_out.at[pl.ds(nbase + c * CH, CH)], wsems[c % NBUF])


    for c in range(max(0, nch - NBUF), nch):
        wr[c].wait()
    w_src.wait()



  return _sc_gather_body


def _sc_gather(memory, node_features, src_idx, nbr_idx3, nb):
    srcw = nb // NW
    nch = nb * K // NW // CH
    mesh = plsc.VectorSubcoreMesh(core_axis_name="c", subcore_axis_name="s")
    fn = pl.kernel(
        _make_sc_body(nb),
        mesh=mesh,
        out_type=(
            jax.ShapeDtypeStruct((nb, D), jnp.float32),
            jax.ShapeDtypeStruct((nb * K, D), jnp.float32),
        ),
        scratch_types=[
            pltpu.VMEM((srcw,), jnp.int32),
            pltpu.VMEM((nch, CH), jnp.int32),
            pltpu.VMEM((CH, D), jnp.float32),
            pltpu.VMEM((CH, D), jnp.float32),
            pltpu.VMEM((CH, D), jnp.float32),
            pltpu.VMEM((CH, D), jnp.float32),
            pltpu.VMEM((srcw, D), jnp.float32),
            pltpu.SemaphoreType.DMA,
            pltpu.SemaphoreType.DMA,
            pltpu.SemaphoreType.DMA,
            pltpu.SemaphoreType.DMA,
            pltpu.SemaphoreType.DMA,
            pltpu.SemaphoreType.DMA,
            pltpu.SemaphoreType.DMA,
        ],
    )
    return fn(memory, node_features, src_idx, nbr_idx3)


BB = 256
_PREC = lax.Precision.DEFAULT

_INV2PI = np.float32(1.0 / (2.0 * np.pi))
_RBIG = np.float32(12582912.0)
_C1 = np.float32(6.28125)
_C2 = np.float32(2.0 * np.pi - 6.28125)
_C3 = np.float32(2.0 * np.pi - 6.28125 - float(np.float32(2.0 * np.pi - 6.28125)))
_COS_COEF = tuple(np.float32(c) for c in (
    1.0, -0.5, 0.0416666641831398, -0.0013888857793062925,
    2.4800388928269967e-05, -2.753230603502743e-07,
    2.0584800530798475e-09, -9.666989431167394e-12))


def _vcos(x):
    n = lax.round(x * _INV2PI, lax.RoundingMethod.TO_NEAREST_EVEN)
    r = ((x - n * _C1) - n * _C2) - n * _C3
    s = r * r
    acc = jnp.full_like(s, _COS_COEF[7])
    for c in _COS_COEF[6::-1]:
        acc = acc * s + c
    return acc


_r = np.arange(K * D)
_colmap = (_r // D) + K * ((_r % D) >= DH)
_HM2 = (_colmap[:, None] == np.arange(2 * K)[None, :]).astype(np.float32)
_HM2T = np.ascontiguousarray(_HM2.T)
_ISTK = np.tile(np.eye(D, dtype=np.float32), (K, 1))
del _r, _colmap


def _tc_body(src_ref, nbr_ref, ef_ref, ts_ref, ets_ref, nid_ref, tw_ref, tb_ref,
             wq1, wq2, wk1, wk2, wk3bd, wv1, wv2, wv3bd, wo1, wo2,
             hm2, hm2t, istk, out_ref, pk_scr, vv_scr):
    src = src_ref[...]
    tw = tw_ref[...]
    tb = tb_ref[...]
    scale = np.float32(1.0 / np.sqrt(DH))
    q_const = jnp.dot(_vcos(tb), wq2[...])
    q = (jnp.dot(src, wq1[...]) + q_const) * scale
    EK = jnp.dot(ef_ref[...], wk3bd[...])
    EV = jnp.dot(ef_ref[...], wv3bd[...])
    delta_all = ts_ref[...] - ets_ref[...]

    for k in range(K):
        nbr_k = nbr_ref[k]
        dk = jnp.broadcast_to(delta_all[:, k:k + 1], (BB, D_TIME))
        te = _vcos(dk * tw + tb)
        sl = pl.ds(k * D, D)
        kk = jnp.dot(nbr_k, wk1[...]) + jnp.dot(te, wk2[...]) + EK[:, k * D:(k + 1) * D]
        vv = jnp.dot(nbr_k, wv1[...]) + jnp.dot(te, wv2[...]) + EV[:, k * D:(k + 1) * D]
        pk_scr[:, sl] = q * kk
        vv_scr[:, sl] = vv

    S = jnp.dot(pk_scr[...], hm2[...])
    padf = (nid_ref[...] == 0).astype(jnp.float32)
    mask2 = jnp.concatenate([padf, padf], axis=1)
    S = jnp.where(mask2 > 0.5, jnp.float32(-1e9), S)
    m0 = jnp.max(S[:, :K], axis=1, keepdims=True)
    m1 = jnp.max(S[:, K:], axis=1, keepdims=True)
    mb = jnp.concatenate([jnp.broadcast_to(m0, (BB, K)),
                          jnp.broadcast_to(m1, (BB, K))], axis=1)
    E = jnp.exp(S - mb)
    l0 = jnp.sum(E[:, :K], axis=1, keepdims=True)
    l1 = jnp.sum(E[:, K:], axis=1, keepdims=True)
    lb = jnp.concatenate([jnp.broadcast_to(l0, (BB, K)),
                          jnp.broadcast_to(l1, (BB, K))], axis=1)
    attn = E / lb
    W = jnp.dot(attn, hm2t[...])
    attn_out = jnp.dot(W * vv_scr[...], istk[...])
    out_ref[...] = jnp.dot(attn_out, wo1[...]) + jnp.dot(src, wo2[...])


def _tc_dense(src_conv, nbr3, ef2, ts2, ets, nids, time_w, time_b2,
              Wq1, Wq2, Wk1, Wk2, Wk3bd, Wv1, Wv2, Wv3bd, Wo1, Wo2, nb):
    row = lambda i: (i, 0)
    fixed = lambda i: (0, 0)
    return pl.pallas_call(
        _tc_body,
        grid=(nb // BB,),
        in_specs=[
            pl.BlockSpec((BB, D), row),
            pl.BlockSpec((K, BB, D), lambda i: (0, i, 0)),
            pl.BlockSpec((BB, K * D_EDGE), row),
            pl.BlockSpec((BB, 1), row),
            pl.BlockSpec((BB, K), row),
            pl.BlockSpec((BB, K), row),
            pl.BlockSpec((1, D_TIME), fixed),
            pl.BlockSpec((1, D_TIME), fixed),
            pl.BlockSpec((D, D), fixed),
            pl.BlockSpec((D_TIME, D), fixed),
            pl.BlockSpec((D, D), fixed),
            pl.BlockSpec((D_TIME, D), fixed),
            pl.BlockSpec((K * D_EDGE, K * D), fixed),
            pl.BlockSpec((D, D), fixed),
            pl.BlockSpec((D_TIME, D), fixed),
            pl.BlockSpec((K * D_EDGE, K * D), fixed),
            pl.BlockSpec((D, D), fixed),
            pl.BlockSpec((D, D), fixed),
            pl.BlockSpec((K * D, 2 * K), fixed),
            pl.BlockSpec((2 * K, K * D), fixed),
            pl.BlockSpec((K * D, D), fixed),
        ],
        out_specs=pl.BlockSpec((BB, D), row),
        out_shape=jax.ShapeDtypeStruct((nb, D), jnp.float32),
        scratch_shapes=[
            pltpu.VMEM((BB, K * D), jnp.float32),
            pltpu.VMEM((BB, K * D), jnp.float32),
        ],
    )(src_conv, nbr3, ef2, ts2, ets, nids, time_w, time_b2,
      Wq1, Wq2, Wk1, Wk2, Wk3bd, Wv1, Wv2, Wv3bd, Wo1, Wo2,
      jnp.asarray(_HM2), jnp.asarray(_HM2T), jnp.asarray(_ISTK))


def kernel(memory, source_nodes, timestamps, n_layers, neighbors, edge_idxs,
           edge_times, node_features, edge_features, time_w, time_b,
           Wq, Wk, Wv, Wout):
    del n_layers
    time_b2 = time_b.reshape(1, D_TIME)

    Wq1, Wq2 = Wq[:D], Wq[D:]
    Wk1, Wk2, Wk3 = Wk[:D], Wk[D:D + D_TIME], Wk[D + D_TIME:]
    Wv1, Wv2, Wv3 = Wv[:D], Wv[D:D + D_TIME], Wv[D + D_TIME:]
    Wo1, Wo2 = Wout[:D], Wout[D:]
    eyeK = jnp.eye(K, dtype=jnp.float32)
    Wk3bd = jnp.kron(eyeK, Wk3)
    Wv3bd = jnp.kron(eyeK, Wv3)

    NHALF = 2
    H = B // NHALF
    nbr_i32 = neighbors.astype(jnp.int32)
    src_i32 = source_nodes.astype(jnp.int32)
    gathered = []
    for h in range(NHALF):
        sl = slice(h * H, (h + 1) * H)
        rows_w = H * K // NW
        nbr_idx3 = nbr_i32[sl].T.reshape(NW, rows_w // CH, CH)
        gathered.append(_sc_gather(memory, node_features, src_i32[sl], nbr_idx3, H))
    efs = [jnp.take(edge_features, edge_idxs[h * H:(h + 1) * H].reshape(-1),
                    axis=0).reshape(H, K * D_EDGE) for h in range(NHALF)]
    outs = []
    for h in range(NHALF):
        sl = slice(h * H, (h + 1) * H)
        src_conv, nbr_emb = gathered[h]
        nbr3 = nbr_emb.reshape(K, H, D)
        outs.append(_tc_dense(
            src_conv, nbr3, efs[h], timestamps[sl].reshape(H, 1), edge_times[sl],
            nbr_i32[sl], time_w, time_b2, Wq1, Wq2, Wk1, Wk2, Wk3bd,
            Wv1, Wv2, Wv3bd, Wo1, Wo2, H))
    return jnp.concatenate(outs, axis=0)

# --- scband reference (transcript-rebuilt; emitter-appended) ---
"""Pipeline reference for scband-graph-embedding-12515534701232 (READ-ONLY COPY).

The authoritative reference and input builder live on the scoring server;
editing this copy changes nothing except your own understanding.
"""

import jax, jax.numpy as jnp
import numpy as np

N_NODES = 100000
N_EDGES = 1600000
B = 2048
K = 20
D = 128
D_TIME = 128
D_EDGE = 16
N_HEADS = 2


def setup_inputs(seed: int = 0) -> dict:
    key = jax.random.key(seed)
    ks = jax.random.split(key, 16)
    memory = jax.random.normal(ks[0], (N_NODES, D), dtype=jnp.float32)
    source_nodes = jax.random.randint(ks[1], (B,), 0, N_NODES)
    timestamps = jax.random.uniform(ks[2], (B,), dtype=jnp.float32) * 1000.0
    neighbors = jax.random.randint(ks[3], (B, K), 0, N_NODES)
    edge_idxs = jax.random.randint(ks[4], (B, K), 0, N_EDGES)
    edge_times = jax.random.uniform(ks[5], (B, K), dtype=jnp.float32) * 1000.0
    node_features = jax.random.normal(ks[6], (N_NODES, D), dtype=jnp.float32) * 0.1
    edge_features = jax.random.normal(ks[7], (N_EDGES, D_EDGE), dtype=jnp.float32) * 0.1
    time_w = jax.random.normal(ks[8], (1, D_TIME), dtype=jnp.float32)
    time_b = jax.random.normal(ks[9], (D_TIME,), dtype=jnp.float32)
    q_dim = D + D_TIME
    k_dim = D + D_TIME + D_EDGE
    Wq = jax.random.normal(ks[10], (q_dim, D), dtype=jnp.float32) / np.sqrt(q_dim)
    Wk = jax.random.normal(ks[11], (k_dim, D), dtype=jnp.float32) / np.sqrt(k_dim)
    Wv = jax.random.normal(ks[12], (k_dim, D), dtype=jnp.float32) / np.sqrt(k_dim)
    Wout = jax.random.normal(ks[13], (2 * D, D), dtype=jnp.float32) / np.sqrt(2 * D)
    return {
        "memory": memory,
        "source_nodes": source_nodes,
        "timestamps": timestamps,
        "n_layers": 1,
        "neighbors": neighbors,
        "edge_idxs": edge_idxs,
        "edge_times": edge_times,
        "node_features": node_features,
        "edge_features": edge_features,
        "time_w": time_w,
        "time_b": time_b,
        "Wq": Wq,
        "Wk": Wk,
        "Wv": Wv,
        "Wout": Wout,
    }


def _time_encode(t, time_w, time_b):
    # t: [...] scalar times -> cos(t * w + b): [..., D_TIME]  (TGN TimeEncode)
    return jnp.cos(t[..., None] * time_w[0] + time_b)


def reference(memory, source_nodes, timestamps, n_layers, neighbors, edge_idxs,
              edge_times, node_features, edge_features, time_w, time_b,
              Wq, Wk, Wv, Wout):
    # ---- layer-0 embeddings (use_memory=True): memory[idx] + node_features[idx]
    src_conv = jnp.take(memory, source_nodes, axis=0) + jnp.take(node_features, source_nodes, axis=0)  # [B, D]
    nbr_flat = neighbors.reshape(-1)
    nbr_emb = (jnp.take(memory, nbr_flat, axis=0) + jnp.take(node_features, nbr_flat, axis=0)).reshape(B, K, D)
    # ---- time embeddings
    src_time_emb = _time_encode(jnp.zeros((B, 1), dtype=jnp.float32), time_w, time_b)  # [B, 1, D_TIME]
    edge_deltas = timestamps[:, None] - edge_times  # [B, K]
    edge_time_emb = _time_encode(edge_deltas, time_w, time_b)  # [B, K, D_TIME]
    # ---- edge features gather
    e_feat = jnp.take(edge_features, edge_idxs.reshape(-1), axis=0).reshape(B, K, D_EDGE)
    mask = neighbors == 0  # [B, K]
    # ---- aggregate: TGN-style temporal multi-head graph attention (n_heads=2)
    q_in = jnp.concatenate([src_conv[:, None, :], src_time_emb], axis=2)  # [B, 1, D+D_TIME]
    k_in = jnp.concatenate([nbr_emb, edge_time_emb, e_feat], axis=2)      # [B, K, D+D_TIME+D_EDGE]
    dh = D // N_HEADS
    q = (q_in @ Wq).reshape(B, 1, N_HEADS, dh)
    k = (k_in @ Wk).reshape(B, K, N_HEADS, dh)
    v = (k_in @ Wv).reshape(B, K, N_HEADS, dh)
    logits = jnp.einsum('bqhd,bkhd->bhqk', q, k) / np.sqrt(dh)  # [B, H, 1, K]
    logits = jnp.where(mask[:, None, None, :], jnp.float32(-1e9), logits)
    attn = jax.nn.softmax(logits, axis=-1)
    attn_out = jnp.einsum('bhqk,bkhd->bqhd', attn, v).reshape(B, D)  # [B, D]
    # merge with skip connection to source features
    emb = jnp.concatenate([attn_out, src_conv], axis=1) @ Wout  # [B, D]
    return emb

if __name__ == "__main__":
    import jax
    _d = setup_inputs()
    print(jax.jit(kernel)(*tuple(_d.values())))

</pallas_src>

<mosaic_0001>
#map = affine_map<(d0, d1) -> (0, 0)>
#map1 = affine_map<(d0, d1) -> (0)>
#map2 = affine_map<(d0, d1) -> (0, 0, 0)>
module attributes {stable_mosaic.version = 14 : i64} {
  func.func @_sc_gather_body(%arg0: i32, %arg1: i32, %arg2: memref<100000x128xf32, #tpu.memory_space<hbm>>, %arg3: memref<100000x128xf32, #tpu.memory_space<hbm>>, %arg4: memref<1024xi32, #tpu.memory_space<hbm>>, %arg5: memref<32x5x128xi32, #tpu.memory_space<hbm>>, %arg6: memref<1024x128xf32, #tpu.memory_space<hbm>>, %arg7: memref<20480x128xf32, #tpu.memory_space<hbm>>, %arg8: memref<32xi32, #tpu.memory_space<vmem>>, %arg9: memref<5x128xi32, #tpu.memory_space<vmem>>, %arg10: memref<128x128xf32, #tpu.memory_space<vmem>>, %arg11: memref<128x128xf32, #tpu.memory_space<vmem>>, %arg12: memref<128x128xf32, #tpu.memory_space<vmem>>, %arg13: memref<128x128xf32, #tpu.memory_space<vmem>>, %arg14: memref<32x128xf32, #tpu.memory_space<vmem>>, %arg15: memref<!tpu.dma_semaphore, #tpu.memory_space<semaphore_mem>>, %arg16: memref<!tpu.dma_semaphore, #tpu.memory_space<semaphore_mem>>, %arg17: memref<!tpu.dma_semaphore, #tpu.memory_space<semaphore_mem>>, %arg18: memref<!tpu.dma_semaphore, #tpu.memory_space<semaphore_mem>>, %arg19: memref<!tpu.dma_semaphore, #tpu.memory_space<semaphore_mem>>, %arg20: memref<!tpu.dma_semaphore, #tpu.memory_space<semaphore_mem>>, %arg21: memref<!tpu.dma_semaphore, #tpu.memory_space<semaphore_mem>>) attributes {dimension_semantics = [#tpu.dimension_semantics<core_parallel>, #tpu.dimension_semantics<subcore_parallel>], iteration_bounds = array<i64: 2, 16>, scalar_prefetch = 0 : i64, scratch_operands = 14 : i64, tpu.core_type = #tpu.core_type<sc_vector_subcore>, window_params = [{transform_indices = #map}, {transform_indices = #map}, {transform_indices = #map1}, {transform_indices = #map2}, {transform_indices = #map}, {transform_indices = #map}]} {
    %mul3A = arith.constant 2 : i32
    %mul3A_0 = arith.muli %arg1, %mul3A : i32
    %add3A = arith.addi %mul3A_0, %arg0 : i32
    %mul3A_1 = arith.constant 640 : i32
    %mul3A_2 = arith.muli %add3A, %mul3A_1 : i32
    "tpu.region"() ({
      %run_scoped3A = tpu.sem_alloc : memref<!tpu.dma_semaphore, #tpu.memory_space<semaphore_mem>>
      %dma_start3A_215 = arith.constant 0 : i32
      %dma_start3A_216 = arith.constant 0 : i32
      %dma_start3A_217 = tpu.memref_slice %arg5[%add3A, %dma_start3A_215, %dma_start3A_216] : memref<32x5x128xi32, #tpu.memory_space<hbm>> -> memref<1x5x128xi32, #tpu.memory_space<hbm>>
      %dma_start3A_218 = tpu.memref_squeeze %dma_start3A_217 : memref<1x5x128xi32, #tpu.memory_space<hbm>> -> memref<5x128xi32, #tpu.memory_space<hbm>>
      %dma_start3A_219 = arith.constant 0 : i32
      %dma_start3A_220 = arith.constant 0 : i32
      %dma_start3A_221 = tpu.memref_slice %arg5[%add3A, %dma_start3A_219, %dma_start3A_220] : memref<32x5x128xi32, #tpu.memory_space<hbm>> -> memref<1x5x128xi32, #tpu.memory_space<hbm>>
      %dma_start3A_222 = tpu.memref_squeeze %dma_start3A_221 : memref<1x5x128xi32, #tpu.memory_space<hbm>> -> memref<5x128xi32, #tpu.memory_space<hbm>>
      tpu.enqueue_dma source(%dma_start3A_222 : memref<5x128xi32, #tpu.memory_space<hbm>>) target(%arg9 : memref<5x128xi32, #tpu.memory_space<vmem>>) target_semaphore(%run_scoped3A : memref<!tpu.dma_semaphore, #tpu.memory_space<semaphore_mem>>)
      %dma_wait3A_223 = arith.constant 0 : i32
      %dma_wait3A_224 = arith.constant 0 : i32
      %dma_wait3A_225 = tpu.memref_slice %arg5[%add3A, %dma_wait3A_223, %dma_wait3A_224] : memref<32x5x128xi32, #tpu.memory_space<hbm>> -> memref<1x5x128xi32, #tpu.memory_space<hbm>>
      %dma_wait3A_226 = tpu.memref_squeeze %dma_wait3A_225 : memref<1x5x128xi32, #tpu.memory_space<hbm>> -> memref<5x128xi32, #tpu.memory_space<hbm>>
      %dma_wait3A_227 = arith.constant 0 : i32
      %dma_wait3A_228 = arith.constant 0 : i32
      %dma_wait3A_229 = tpu.memref_slice %arg5[%add3A, %dma_wait3A_227, %dma_wait3A_228] : memref<32x5x128xi32, #tpu.memory_space<hbm>> -> memref<1x5x128xi32, #tpu.memory_space<hbm>>
      %dma_wait3A_230 = tpu.memref_squeeze %dma_wait3A_229 : memref<1x5x128xi32, #tpu.memory_space<hbm>> -> memref<5x128xi32, #tpu.memory_space<hbm>>
      tpu.wait_dma2 semaphore(%run_scoped3A : memref<!tpu.dma_semaphore, #tpu.memory_space<semaphore_mem>>) src(%dma_wait3A_230 : memref<5x128xi32, #tpu.memory_space<hbm>>) dst(%arg9 : memref<5x128xi32, #tpu.memory_space<vmem>>)
      tpu.yield
    }) : () -> ()
    %mul3A_3 = arith.constant 32 : i32
    %mul3A_4 = arith.muli %add3A, %mul3A_3 : i32
    "tpu.region"() ({
      %run_scoped3A = tpu.sem_alloc : memref<!tpu.dma_semaphore, #tpu.memory_space<semaphore_mem>>
      %dma_start3A_215 = tpu.memref_slice %arg4[%mul3A_4] : memref<1024xi32, #tpu.memory_space<hbm>> -> memref<32xi32, #tpu.memory_space<hbm>>
      %dma_start3A_216 = tpu.memref_slice %arg4[%mul3A_4] : memref<1024xi32, #tpu.memory_space<hbm>> -> memref<32xi32, #tpu.memory_space<hbm>>
      tpu.enqueue_dma source(%dma_start3A_216 : memref<32xi32, #tpu.memory_space<hbm>>) target(%arg8 : memref<32xi32, #tpu.memory_space<vmem>>) target_semaphore(%run_scoped3A : memref<!tpu.dma_semaphore, #tpu.memory_space<semaphore_mem>>)
      %dma_wait3A_217 = tpu.memref_slice %arg4[%mul3A_4] : memref<1024xi32, #tpu.memory_space<hbm>> -> memref<32xi32, #tpu.memory_space<hbm>>
      %dma_wait3A_218 = tpu.memref_slice %arg4[%mul3A_4] : memref<1024xi32, #tpu.memory_space<hbm>> -> memref<32xi32, #tpu.memory_space<hbm>>
      tpu.wait_dma2 semaphore(%run_scoped3A : memref<!tpu.dma_semaphore, #tpu.memory_space<semaphore_mem>>) src(%dma_wait3A_218 : memref<32xi32, #tpu.memory_space<hbm>>) dst(%arg8 : memref<32xi32, #tpu.memory_space<vmem>>)
      tpu.yield
    }) : () -> ()
    %dma_start3A = arith.constant 0 : i32
    %dma_start3A_5 = arith.constant 0 : i32
    %dma_start3A_6 = tpu.memref_slice %arg2[%dma_start3A, %dma_start3A_5] : memref<100000x128xf32, #tpu.memory_space<hbm>> -> memref<100000x128xf32, #tpu.memory_space<hbm>>
    tpu.enqueue_indirect_dma source(%dma_start3A_6 : memref<100000x128xf32, #tpu.memory_space<hbm>>) target(%arg14 : memref<32x128xf32, #tpu.memory_space<vmem>>) offsets(%arg8 : memref<32xi32, #tpu.memory_space<vmem>>) semaphore(%arg17 : memref<!tpu.dma_semaphore, #tpu.memory_space<semaphore_mem>>)
    %dma_wait3A = arith.constant 0 : i32
    %dma_wait3A_7 = arith.constant 0 : i32
    %dma_wait3A_8 = tpu.memref_slice %arg2[%dma_wait3A, %dma_wait3A_7] : memref<100000x128xf32, #tpu.memory_space<hbm>> -> memref<100000x128xf32, #tpu.memory_space<hbm>>
    tpu.wait_indirect_dma semaphore(%arg17 : memref<!tpu.dma_semaphore, #tpu.memory_space<semaphore_mem>>) src(%dma_wait3A_8 : memref<100000x128xf32, #tpu.memory_space<hbm>>) dst(%arg14 : memref<32x128xf32, #tpu.memory_space<vmem>>)
    %dma_start3A_9 = arith.constant 0 : i32
    %dma_start3A_10 = arith.constant 0 : i32
    %dma_start3A_11 = tpu.memref_slice %arg3[%dma_start3A_9, %dma_start3A_10] : memref<100000x128xf32, #tpu.memory_space<hbm>> -> memref<100000x128xf32, #tpu.memory_space<hbm>>
    tpu.enqueue_indirect_dma source(%dma_start3A_11 : memref<100000x128xf32, #tpu.memory_space<hbm>>) target(%arg14 : memref<32x128xf32, #tpu.memory_space<vmem>>) offsets(%arg8 : memref<32xi32, #tpu.memory_space<vmem>>) semaphore(%arg17 : memref<!tpu.dma_semaphore, #tpu.memory_space<semaphore_mem>>) {add = true}
    %dma_wait3A_12 = arith.constant 0 : i32
    %dma_wait3A_13 = arith.constant 0 : i32
    %dma_wait3A_14 = tpu.memref_slice %arg3[%dma_wait3A_12, %dma_wait3A_13] : memref<100000x128xf32, #tpu.memory_space<hbm>> -> memref<100000x128xf32, #tpu.memory_space<hbm>>
    tpu.wait_indirect_dma semaphore(%arg17 : memref<!tpu.dma_semaphore, #tpu.memory_space<semaphore_mem>>) src(%dma_wait3A_14 : memref<100000x128xf32, #tpu.memory_space<hbm>>) dst(%arg14 : memref<32x128xf32, #tpu.memory_space<vmem>>)
    %mul3A_15 = arith.constant 32 : i32
    %mul3A_16 = arith.muli %add3A, %mul3A_15 : i32
    %dma_start3A_17 = arith.constant 0 : i32
    %dma_start3A_18 = tpu.memref_slice %arg6[%mul3A_16, %dma_start3A_17] : memref<1024x128xf32, #tpu.memory_space<hbm>> -> memref<32x128xf32, #tpu.memory_space<hbm>>
    %dma_start3A_19 = arith.constant 0 : i32
    %dma_start3A_20 = tpu.memref_slice %arg6[%mul3A_16, %dma_start3A_19] : memref<1024x128xf32, #tpu.memory_space<hbm>> -> memref<32x128xf32, #tpu.memory_space<hbm>>
    tpu.enqueue_dma source(%arg14 : memref<32x128xf32, #tpu.memory_space<vmem>>) target(%dma_start3A_20 : memref<32x128xf32, #tpu.memory_space<hbm>>) target_semaphore(%arg17 : memref<!tpu.dma_semaphore, #tpu.memory_space<semaphore_mem>>)
    %dma_start3A_21 = arith.constant 0 : i32
    %dma_start3A_22 = arith.constant 0 : i32
    %dma_start3A_23 = tpu.memref_slice %arg9[%dma_start3A_21, %dma_start3A_22] : memref<5x128xi32, #tpu.memory_space<vmem>> -> memref<1x128xi32, #tpu.memory_space<vmem>>
    %dma_start3A_24 = tpu.memref_squeeze %dma_start3A_23 : memref<1x128xi32, #tpu.memory_space<vmem>> -> memref<128xi32, #tpu.memory_space<vmem>>
    %dma_start3A_25 = arith.constant 0 : i32
    %dma_start3A_26 = arith.constant 0 : i32
    %dma_start3A_27 = tpu.memref_slice %arg2[%dma_start3A_25, %dma_start3A_26] : memref<100000x128xf32, #tpu.memory_space<hbm>> -> memref<100000x128xf32, #tpu.memory_space<hbm>>
    tpu.enqueue_indirect_dma source(%dma_start3A_27 : memref<100000x128xf32, #tpu.memory_space<hbm>>) target(%arg10 : memref<128x128xf32, #tpu.memory_space<vmem>>) offsets(%dma_start3A_24 : memref<128xi32, #tpu.memory_space<vmem>>) semaphore(%arg15 : memref<!tpu.dma_semaphore, #tpu.memory_space<semaphore_mem>>)
    %dma_start3A_28 = arith.constant 1 : i32
    %dma_start3A_29 = arith.constant 0 : i32
    %dma_start3A_30 = tpu.memref_slice %arg9[%dma_start3A_28, %dma_start3A_29] : memref<5x128xi32, #tpu.memory_space<vmem>> -> memref<1x128xi32, #tpu.memory_space<vmem>>
    %dma_start3A_31 = tpu.memref_squeeze %dma_start3A_30 : memref<1x128xi32, #tpu.memory_space<vmem>> -> memref<128xi32, #tpu.memory_space<vmem>>
    %dma_start3A_32 = arith.constant 0 : i32
    %dma_start3A_33 = arith.constant 0 : i32
    %dma_start3A_34 = tpu.memref_slice %arg2[%dma_start3A_32, %dma_start3A_33] : memref<100000x128xf32, #tpu.memory_space<hbm>> -> memref<100000x128xf32, #tpu.memory_space<hbm>>
    tpu.enqueue_indirect_dma source(%dma_start3A_34 : memref<100000x128xf32, #tpu.memory_space<hbm>>) target(%arg11 : memref<128x128xf32, #tpu.memory_space<vmem>>) offsets(%dma_start3A_31 : memref<128xi32, #tpu.memory_space<vmem>>) semaphore(%arg15 : memref<!tpu.dma_semaphore, #tpu.memory_space<semaphore_mem>>)
    %dma_start3A_35 = arith.constant 2 : i32
    %dma_start3A_36 = arith.constant 0 : i32
    %dma_start3A_37 = tpu.memref_slice %arg9[%dma_start3A_35, %dma_start3A_36] : memref<5x128xi32, #tpu.memory_space<vmem>> -> memref<1x128xi32, #tpu.memory_space<vmem>>
    %dma_start3A_38 = tpu.memref_squeeze %dma_start3A_37 : memref<1x128xi32, #tpu.memory_space<vmem>> -> memref<128xi32, #tpu.memory_space<vmem>>
    %dma_start3A_39 = arith.constant 0 : i32
    %dma_start3A_40 = arith.constant 0 : i32
    %dma_start3A_41 = tpu.memref_slice %arg2[%dma_start3A_39, %dma_start3A_40] : memref<100000x128xf32, #tpu.memory_space<hbm>> -> memref<100000x128xf32, #tpu.memory_space<hbm>>
    tpu.enqueue_indirect_dma source(%dma_start3A_41 : memref<100000x128xf32, #tpu.memory_space<hbm>>) target(%arg12 : memref<128x128xf32, #tpu.memory_space<vmem>>) offsets(%dma_start3A_38 : memref<128xi32, #tpu.memory_space<vmem>>) semaphore(%arg15 : memref<!tpu.dma_semaphore, #tpu.memory_space<semaphore_mem>>)
    %dma_start3A_42 = arith.constant 3 : i32
    %dma_start3A_43 = arith.constant 0 : i32
    %dma_start3A_44 = tpu.memref_slice %arg9[%dma_start3A_42, %dma_start3A_43] : memref<5x128xi32, #tpu.memory_space<vmem>> -> memref<1x128xi32, #tpu.memory_space<vmem>>
    %dma_start3A_45 = tpu.memref_squeeze %dma_start3A_44 : memref<1x128xi32, #tpu.memory_space<vmem>> -> memref<128xi32, #tpu.memory_space<vmem>>
    %dma_start3A_46 = arith.constant 0 : i32
    %dma_start3A_47 = arith.constant 0 : i32
    %dma_start3A_48 = tpu.memref_slice %arg2[%dma_start3A_46, %dma_start3A_47] : memref<100000x128xf32, #tpu.memory_space<hbm>> -> memref<100000x128xf32, #tpu.memory_space<hbm>>
    tpu.enqueue_indirect_dma source(%dma_start3A_48 : memref<100000x128xf32, #tpu.memory_space<hbm>>) target(%arg13 : memref<128x128xf32, #tpu.memory_space<vmem>>) offsets(%dma_start3A_45 : memref<128xi32, #tpu.memory_space<vmem>>) semaphore(%arg15 : memref<!tpu.dma_semaphore, #tpu.memory_space<semaphore_mem>>)
    %dma_wait3A_49 = arith.constant 0 : i32
    %dma_wait3A_50 = arith.constant 0 : i32
    %dma_wait3A_51 = tpu.memref_slice %arg9[%dma_wait3A_49, %dma_wait3A_50] : memref<5x128xi32, #tpu.memory_space<vmem>> -> memref<1x128xi32, #tpu.memory_space<vmem>>
    %dma_wait3A_52 = tpu.memref_squeeze %dma_wait3A_51 : memref<1x128xi32, #tpu.memory_space<vmem>> -> memref<128xi32, #tpu.memory_space<vmem>>
    %dma_wait3A_53 = arith.constant 0 : i32
    %dma_wait3A_54 = arith.constant 0 : i32
    %dma_wait3A_55 = tpu.memref_slice %arg2[%dma_wait3A_53, %dma_wait3A_54] : memref<100000x128xf32, #tpu.memory_space<hbm>> -> memref<100000x128xf32, #tpu.memory_space<hbm>>
    tpu.wait_indirect_dma semaphore(%arg15 : memref<!tpu.dma_semaphore, #tpu.memory_space<semaphore_mem>>) src(%dma_wait3A_55 : memref<100000x128xf32, #tpu.memory_space<hbm>>) dst(%arg10 : memref<128x128xf32, #tpu.memory_space<vmem>>)
    %dma_start3A_56 = arith.constant 0 : i32
    %dma_start3A_57 = arith.constant 0 : i32
    %dma_start3A_58 = tpu.memref_slice %arg9[%dma_start3A_56, %dma_start3A_57] : memref<5x128xi32, #tpu.memory_space<vmem>> -> memref<1x128xi32, #tpu.memory_space<vmem>>
    %dma_start3A_59 = tpu.memref_squeeze %dma_start3A_58 : memref<1x128xi32, #tpu.memory_space<vmem>> -> memref<128xi32, #tpu.memory_space<vmem>>
    %dma_start3A_60 = arith.constant 0 : i32
    %dma_start3A_61 = arith.constant 0 : i32
    %dma_start3A_62 = tpu.memref_slice %arg3[%dma_start3A_60, %dma_start3A_61] : memref<100000x128xf32, #tpu.memory_space<hbm>> -> memref<100000x128xf32, #tpu.memory_space<hbm>>
    tpu.enqueue_indirect_dma source(%dma_start3A_62 : memref<100000x128xf32, #tpu.memory_space<hbm>>) target(%arg10 : memref<128x128xf32, #tpu.memory_space<vmem>>) offsets(%dma_start3A_59 : memref<128xi32, #tpu.memory_space<vmem>>) semaphore(%arg16 : memref<!tpu.dma_semaphore, #tpu.memory_space<semaphore_mem>>) {add = true}
    %dma_wait3A_63 = arith.constant 0 : i32
    %dma_wait3A_64 = arith.constant 0 : i32
    %dma_wait3A_65 = tpu.memref_slice %arg9[%dma_wait3A_63, %dma_wait3A_64] : memref<5x128xi32, #tpu.memory_space<vmem>> -> memref<1x128xi32, #tpu.memory_space<vmem>>
    %dma_wait3A_66 = tpu.memref_squeeze %dma_wait3A_65 : memref<1x128xi32, #tpu.memory_space<vmem>> -> memref<128xi32, #tpu.memory_space<vmem>>
    %dma_wait3A_67 = arith.constant 0 : i32
    %dma_wait3A_68 = arith.constant 0 : i32
    %dma_wait3A_69 = tpu.memref_slice %arg3[%dma_wait3A_67, %dma_wait3A_68] : memref<100000x128xf32, #tpu.memory_space<hbm>> -> memref<100000x128xf32, #tpu.memory_space<hbm>>
    tpu.wait_indirect_dma semaphore(%arg16 : memref<!tpu.dma_semaphore, #tpu.memory_space<semaphore_mem>>) src(%dma_wait3A_69 : memref<100000x128xf32, #tpu.memory_space<hbm>>) dst(%arg10 : memref<128x128xf32, #tpu.memory_space<vmem>>)
    %add3A_70 = arith.constant 0 : i32
    %add3A_71 = arith.addi %mul3A_2, %add3A_70 : i32
    %dma_start3A_72 = arith.constant 0 : i32
    %dma_start3A_73 = tpu.memref_slice %arg7[%add3A_71, %dma_start3A_72] : memref<20480x128xf32, #tpu.memory_space<hbm>> -> memref<128x128xf32, #tpu.memory_space<hbm>>
    %dma_start3A_74 = arith.constant 0 : i32
    %dma_start3A_75 = tpu.memref_slice %arg7[%add3A_71, %dma_start3A_74] : memref<20480x128xf32, #tpu.memory_space<hbm>> -> memref<128x128xf32, #tpu.memory_space<hbm>>
    tpu.enqueue_dma source(%arg10 : memref<128x128xf32, #tpu.memory_space<vmem>>) target(%dma_start3A_75 : memref<128x128xf32, #tpu.memory_space<hbm>>) target_semaphore(%arg18 : memref<!tpu.dma_semaphore, #tpu.memory_space<semaphore_mem>>)
    %dma_wait3A_76 = arith.constant 1 : i32
    %dma_wait3A_77 = arith.constant 0 : i32
    %dma_wait3A_78 = tpu.memref_slice %arg9[%dma_wait3A_76, %dma_wait3A_77] : memref<5x128xi32, #tpu.memory_space<vmem>> -> memref<1x128xi32, #tpu.memory_space<vmem>>
    %dma_wait3A_79 = tpu.memref_squeeze %dma_wait3A_78 : memref<1x128xi32, #tpu.memory_space<vmem>> -> memref<128xi32, #tpu.memory_space<vmem>>
    %dma_wait3A_80 = arith.constant 0 : i32
    %dma_wait3A_81 = arith.constant 0 : i32
    %dma_wait3A_82 = tpu.memref_slice %arg2[%dma_wait3A_80, %dma_wait3A_81] : memref<100000x128xf32, #tpu.memory_space<hbm>> -> memref<100000x128xf32, #tpu.memory_space<hbm>>
    tpu.wait_indirect_dma semaphore(%arg15 : memref<!tpu.dma_semaphore, #tpu.memory_space<semaphore_mem>>) src(%dma_wait3A_82 : memref<100000x128xf32, #tpu.memory_space<hbm>>) dst(%arg11 : memref<128x128xf32, #tpu.memory_space<vmem>>)
    %dma_start3A_83 = arith.constant 1 : i32
    %dma_start3A_84 = arith.constant 0 : i32
    %dma_start3A_85 = tpu.memref_slice %arg9[%dma_start3A_83, %dma_start3A_84] : memref<5x128xi32, #tpu.memory_space<vmem>> -> memref<1x128xi32, #tpu.memory_space<vmem>>
    %dma_start3A_86 = tpu.memref_squeeze %dma_start3A_85 : memref<1x128xi32, #tpu.memory_space<vmem>> -> memref<128xi32, #tpu.memory_space<vmem>>
    %dma_start3A_87 = arith.constant 0 : i32
    %dma_start3A_88 = arith.constant 0 : i32
    %dma_start3A_89 = tpu.memref_slice %arg3[%dma_start3A_87, %dma_start3A_88] : memref<100000x128xf32, #tpu.memory_space<hbm>> -> memref<100000x128xf32, #tpu.memory_space<hbm>>
    tpu.enqueue_indirect_dma source(%dma_start3A_89 : memref<100000x128xf32, #tpu.memory_space<hbm>>) target(%arg11 : memref<128x128xf32, #tpu.memory_space<vmem>>) offsets(%dma_start3A_86 : memref<128xi32, #tpu.memory_space<vmem>>) semaphore(%arg16 : memref<!tpu.dma_semaphore, #tpu.memory_space<semaphore_mem>>) {add = true}
    %dma_wait3A_90 = arith.constant 0 : i32
    %dma_wait3A_91 = tpu.memref_slice %arg7[%add3A_71, %dma_wait3A_90] : memref<20480x128xf32, #tpu.memory_space<hbm>> -> memref<128x128xf32, #tpu.memory_space<hbm>>
    %dma_wait3A_92 = arith.constant 0 : i32
    %dma_wait3A_93 = tpu.memref_slice %arg7[%add3A_71, %dma_wait3A_92] : memref<20480x128xf32, #tpu.memory_space<hbm>> -> memref<128x128xf32, #tpu.memory_space<hbm>>
    tpu.wait_dma2 semaphore(%arg18 : memref<!tpu.dma_semaphore, #tpu.memory_space<semaphore_mem>>) src(%arg10 : memref<128x128xf32, #tpu.memory_space<vmem>>) dst(%dma_wait3A_93 : memref<128x128xf32, #tpu.memory_space<hbm>>)
    %dma_start3A_94 = arith.constant 4 : i32
    %dma_start3A_95 = arith.constant 0 : i32
    %dma_start3A_96 = tpu.memref_slice %arg9[%dma_start3A_94, %dma_start3A_95] : memref<5x128xi32, #tpu.memory_space<vmem>> -> memref<1x128xi32, #tpu.memory_space<vmem>>
    %dma_start3A_97 = tpu.memref_squeeze %dma_start3A_96 : memref<1x128xi32, #tpu.memory_space<vmem>> -> memref<128xi32, #tpu.memory_space<vmem>>
    %dma_start3A_98 = arith.constant 0 : i32
    %dma_start3A_99 = arith.constant 0 : i32
    %dma_start3A_100 = tpu.memref_slice %arg2[%dma_start3A_98, %dma_start3A_99] : memref<100000x128xf32, #tpu.memory_space<hbm>> -> memref<100000x128xf32, #tpu.memory_space<hbm>>
    tpu.enqueue_indirect_dma source(%dma_start3A_100 : memref<100000x128xf32, #tpu.memory_space<hbm>>) target(%arg10 : memref<128x128xf32, #tpu.memory_space<vmem>>) offsets(%dma_start3A_97 : memref<128xi32, #tpu.memory_space<vmem>>) semaphore(%arg15 : memref<!tpu.dma_semaphore, #tpu.memory_space<semaphore_mem>>)
    %dma_wait3A_101 = arith.constant 1 : i32
    %dma_wait3A_102 = arith.constant 0 : i32
    %dma_wait3A_103 = tpu.memref_slice %arg9[%dma_wait3A_101, %dma_wait3A_102] : memref<5x128xi32, #tpu.memory_space<vmem>> -> memref<1x128xi32, #tpu.memory_space<vmem>>
    %dma_wait3A_104 = tpu.memref_squeeze %dma_wait3A_103 : memref<1x128xi32, #tpu.memory_space<vmem>> -> memref<128xi32, #tpu.memory_space<vmem>>
    %dma_wait3A_105 = arith.constant 0 : i32
    %dma_wait3A_106 = arith.constant 0 : i32
    %dma_wait3A_107 = tpu.memref_slice %arg3[%dma_wait3A_105, %dma_wait3A_106] : memref<100000x128xf32, #tpu.memory_space<hbm>> -> memref<100000x128xf32, #tpu.memory_space<hbm>>
    tpu.wait_indirect_dma semaphore(%arg16 : memref<!tpu.dma_semaphore, #tpu.memory_space<semaphore_mem>>) src(%dma_wait3A_107 : memref<100000x128xf32, #tpu.memory_space<hbm>>) dst(%arg11 : memref<128x128xf32, #tpu.memory_space<vmem>>)
    %add3A_108 = arith.constant 128 : i32
    %add3A_109 = arith.addi %mul3A_2, %add3A_108 : i32
    %dma_start3A_110 = arith.constant 0 : i32
    %dma_start3A_111 = tpu.memref_slice %arg7[%add3A_109, %dma_start3A_110] : memref<20480x128xf32, #tpu.memory_space<hbm>> -> memref<128x128xf32, #tpu.memory_space<hbm>>
    %dma_start3A_112 = arith.constant 0 : i32
    %dma_start3A_113 = tpu.memref_slice %arg7[%add3A_109, %dma_start3A_112] : memref<20480x128xf32, #tpu.memory_space<hbm>> -> memref<128x128xf32, #tpu.memory_space<hbm>>
    tpu.enqueue_dma source(%arg11 : memref<128x128xf32, #tpu.memory_space<vmem>>) target(%dma_start3A_113 : memref<128x128xf32, #tpu.memory_space<hbm>>) target_semaphore(%arg19 : memref<!tpu.dma_semaphore, #tpu.memory_space<semaphore_mem>>)
    %dma_wait3A_114 = arith.constant 2 : i32
    %dma_wait3A_115 = arith.constant 0 : i32
    %dma_wait3A_116 = tpu.memref_slice %arg9[%dma_wait3A_114, %dma_wait3A_115] : memref<5x128xi32, #tpu.memory_space<vmem>> -> memref<1x128xi32, #tpu.memory_space<vmem>>
    %dma_wait3A_117 = tpu.memref_squeeze %dma_wait3A_116 : memref<1x128xi32, #tpu.memory_space<vmem>> -> memref<128xi32, #tpu.memory_space<vmem>>
    %dma_wait3A_118 = arith.constant 0 : i32
    %dma_wait3A_119 = arith.constant 0 : i32
    %dma_wait3A_120 = tpu.memref_slice %arg2[%dma_wait3A_118, %dma_wait3A_119] : memref<100000x128xf32, #tpu.memory_space<hbm>> -> memref<100000x128xf32, #tpu.memory_space<hbm>>
    tpu.wait_indirect_dma semaphore(%arg15 : memref<!tpu.dma_semaphore, #tpu.memory_space<semaphore_mem>>) src(%dma_wait3A_120 : memref<100000x128xf32, #tpu.memory_space<hbm>>) dst(%arg12 : memref<128x128xf32, #tpu.memory_space<vmem>>)
    %dma_start3A_121 = arith.constant 2 : i32
    %dma_start3A_122 = arith.constant 0 : i32
    %dma_start3A_123 = tpu.memref_slice %arg9[%dma_start3A_121, %dma_start3A_122] : memref<5x128xi32, #tpu.memory_space<vmem>> -> memref<1x128xi32, #tpu.memory_space<vmem>>
    %dma_start3A_124 = tpu.memref_squeeze %dma_start3A_123 : memref<1x128xi32, #tpu.memory_space<vmem>> -> memref<128xi32, #tpu.memory_space<vmem>>
    %dma_start3A_125 = arith.constant 0 : i32
    %dma_start3A_126 = arith.constant 0 : i32
    %dma_start3A_127 = tpu.memref_slice %arg3[%dma_start3A_125, %dma_start3A_126] : memref<100000x128xf32, #tpu.memory_space<hbm>> -> memref<100000x128xf32, #tpu.memory_space<hbm>>
    tpu.enqueue_indirect_dma source(%dma_start3A_127 : memref<100000x128xf32, #tpu.memory_space<hbm>>) target(%arg12 : memref<128x128xf32, #tpu.memory_space<vmem>>) offsets(%dma_start3A_124 : memref<128xi32, #tpu.memory_space<vmem>>) semaphore(%arg16 : memref<!tpu.dma_semaphore, #tpu.memory_space<semaphore_mem>>) {add = true}
    %dma_wait3A_128 = arith.constant 2 : i32
    %dma_wait3A_129 = arith.constant 0 : i32
    %dma_wait3A_130 = tpu.memref_slice %arg9[%dma_wait3A_128, %dma_wait3A_129] : memref<5x128xi32, #tpu.memory_space<vmem>> -> memref<1x128xi32, #tpu.memory_space<vmem>>
    %dma_wait3A_131 = tpu.memref_squeeze %dma_wait3A_130 : memref<1x128xi32, #tpu.memory_space<vmem>> -> memref<128xi32, #tpu.memory_space<vmem>>
    %dma_wait3A_132 = arith.constant 0 : i32
    %dma_wait3A_133 = arith.constant 0 : i32
    %dma_wait3A_134 = tpu.memref_slice %arg3[%dma_wait3A_132, %dma_wait3A_133] : memref<100000x128xf32, #tpu.memory_space<hbm>> -> memref<100000x128xf32, #tpu.memory_space<hbm>>
    tpu.wait_indirect_dma semaphore(%arg16 : memref<!tpu.dma_semaphore, #tpu.memory_space<semaphore_mem>>) src(%dma_wait3A_134 : memref<100000x128xf32, #tpu.memory_space<hbm>>) dst(%arg12 : memref<128x128xf32, #tpu.memory_space<vmem>>)
    %add3A_135 = arith.constant 256 : i32
    %add3A_136 = arith.addi %mul3A_2, %add3A_135 : i32
    %dma_start3A_137 = arith.constant 0 : i32
    %dma_start3A_138 = tpu.memref_slice %arg7[%add3A_136, %dma_start3A_137] : memref<20480x128xf32, #tpu.memory_space<hbm>> -> memref<128x128xf32, #tpu.memory_space<hbm>>
    %dma_start3A_139 = arith.constant 0 : i32
    %dma_start3A_140 = tpu.memref_slice %arg7[%add3A_136, %dma_start3A_139] : memref<20480x128xf32, #tpu.memory_space<hbm>> -> memref<128x128xf32, #tpu.memory_space<hbm>>
    tpu.enqueue_dma source(%arg12 : memref<128x128xf32, #tpu.memory_space<vmem>>) target(%dma_start3A_140 : memref<128x128xf32, #tpu.memory_space<hbm>>) target_semaphore(%arg20 : memref<!tpu.dma_semaphore, #tpu.memory_space<semaphore_mem>>)
    %dma_wait3A_141 = arith.constant 3 : i32
    %dma_wait3A_142 = arith.constant 0 : i32
    %dma_wait3A_143 = tpu.memref_slice %arg9[%dma_wait3A_141, %dma_wait3A_142] : memref<5x128xi32, #tpu.memory_space<vmem>> -> memref<1x128xi32, #tpu.memory_space<vmem>>
    %dma_wait3A_144 = tpu.memref_squeeze %dma_wait3A_143 : memref<1x128xi32, #tpu.memory_space<vmem>> -> memref<128xi32, #tpu.memory_space<vmem>>
    %dma_wait3A_145 = arith.constant 0 : i32
    %dma_wait3A_146 = arith.constant 0 : i32
    %dma_wait3A_147 = tpu.memref_slice %arg2[%dma_wait3A_145, %dma_wait3A_146] : memref<100000x128xf32, #tpu.memory_space<hbm>> -> memref<100000x128xf32, #tpu.memory_space<hbm>>
    tpu.wait_indirect_dma semaphore(%arg15 : memref<!tpu.dma_semaphore, #tpu.memory_space<semaphore_mem>>) src(%dma_wait3A_147 : memref<100000x128xf32, #tpu.memory_space<hbm>>) dst(%arg13 : memref<128x128xf32, #tpu.memory_space<vmem>>)
    %dma_start3A_148 = arith.constant 3 : i32
    %dma_start3A_149 = arith.constant 0 : i32
    %dma_start3A_150 = tpu.memref_slice %arg9[%dma_start3A_148, %dma_start3A_149] : memref<5x128xi32, #tpu.memory_space<vmem>> -> memref<1x128xi32, #tpu.memory_space<vmem>>
    %dma_start3A_151 = tpu.memref_squeeze %dma_start3A_150 : memref<1x128xi32, #tpu.memory_space<vmem>> -> memref<128xi32, #tpu.memory_space<vmem>>
    %dma_start3A_152 = arith.constant 0 : i32
    %dma_start3A_153 = arith.constant 0 : i32
    %dma_start3A_154 = tpu.memref_slice %arg3[%dma_start3A_152, %dma_start3A_153] : memref<100000x128xf32, #tpu.memory_space<hbm>> -> memref<100000x128xf32, #tpu.memory_space<hbm>>
    tpu.enqueue_indirect_dma source(%dma_start3A_154 : memref<100000x128xf32, #tpu.memory_space<hbm>>) target(%arg13 : memref<128x128xf32, #tpu.memory_space<vmem>>) offsets(%dma_start3A_151 : memref<128xi32, #tpu.memory_space<vmem>>) semaphore(%arg16 : memref<!tpu.dma_semaphore, #tpu.memory_space<semaphore_mem>>) {add = true}
    %dma_wait3A_155 = arith.constant 3 : i32
    %dma_wait3A_156 = arith.constant 0 : i32
    %dma_wait3A_157 = tpu.memref_slice %arg9[%dma_wait3A_155, %dma_wait3A_156] : memref<5x128xi32, #tpu.memory_space<vmem>> -> memref<1x128xi32, #tpu.memory_space<vmem>>
    %dma_wait3A_158 = tpu.memref_squeeze %dma_wait3A_157 : memref<1x128xi32, #tpu.memory_space<vmem>> -> memref<128xi32, #tpu.memory_space<vmem>>
    %dma_wait3A_159 = arith.constant 0 : i32
    %dma_wait3A_160 = arith.constant 0 : i32
    %dma_wait3A_161 = tpu.memref_slice %arg3[%dma_wait3A_159, %dma_wait3A_160] : memref<100000x128xf32, #tpu.memory_space<hbm>> -> memref<100000x128xf32, #tpu.memory_space<hbm>>
    tpu.wait_indirect_dma semaphore(%arg16 : memref<!tpu.dma_semaphore, #tpu.memory_space<semaphore_mem>>) src(%dma_wait3A_161 : memref<100000x128xf32, #tpu.memory_space<hbm>>) dst(%arg13 : memref<128x128xf32, #tpu.memory_space<vmem>>)
    %add3A_162 = arith.constant 384 : i32
    %add3A_163 = arith.addi %mul3A_2, %add3A_162 : i32
    %dma_start3A_164 = arith.constant 0 : i32
    %dma_start3A_165 = tpu.memref_slice %arg7[%add3A_163, %dma_start3A_164] : memref<20480x128xf32, #tpu.memory_space<hbm>> -> memref<128x128xf32, #tpu.memory_space<hbm>>
    %dma_start3A_166 = arith.constant 0 : i32
    %dma_start3A_167 = tpu.memref_slice %arg7[%add3A_163, %dma_start3A_166] : memref<20480x128xf32, #tpu.memory_space<hbm>> -> memref<128x128xf32, #tpu.memory_space<hbm>>
    tpu.enqueue_dma source(%arg13 : memref<128x128xf32, #tpu.memory_space<vmem>>) target(%dma_start3A_167 : memref<128x128xf32, #tpu.memory_space<hbm>>) target_semaphore(%arg21 : memref<!tpu.dma_semaphore, #tpu.memory_space<semaphore_mem>>)
    %dma_wait3A_168 = arith.constant 4 : i32
    %dma_wait3A_169 = arith.constant 0 : i32
    %dma_wait3A_170 = tpu.memref_slice %arg9[%dma_wait3A_168, %dma_wait3A_169] : memref<5x128xi32, #tpu.memory_space<vmem>> -> memref<1x128xi32, #tpu.memory_space<vmem>>
    %dma_wait3A_171 = tpu.memref_squeeze %dma_wait3A_170 : memref<1x128xi32, #tpu.memory_space<vmem>> -> memref<128xi32, #tpu.memory_space<vmem>>
    %dma_wait3A_172 = arith.constant 0 : i32
    %dma_wait3A_173 = arith.constant 0 : i32
    %dma_wait3A_174 = tpu.memref_slice %arg2[%dma_wait3A_172, %dma_wait3A_173] : memref<100000x128xf32, #tpu.memory_space<hbm>> -> memref<100000x128xf32, #tpu.memory_space<hbm>>
    tpu.wait_indirect_dma semaphore(%arg15 : memref<!tpu.dma_semaphore, #tpu.memory_space<semaphore_mem>>) src(%dma_wait3A_174 : memref<100000x128xf32, #tpu.memory_space<hbm>>) dst(%arg10 : memref<128x128xf32, #tpu.memory_space<vmem>>)
    %dma_start3A_175 = arith.constant 4 : i32
    %dma_start3A_176 = arith.constant 0 : i32
    %dma_start3A_177 = tpu.memref_slice %arg9[%dma_start3A_175, %dma_start3A_176] : memref<5x128xi32, #tpu.memory_space<vmem>> -> memref<1x128xi32, #tpu.memory_space<vmem>>
    %dma_start3A_178 = tpu.memref_squeeze %dma_start3A_177 : memref<1x128xi32, #tpu.memory_space<vmem>> -> memref<128xi32, #tpu.memory_space<vmem>>
    %dma_start3A_179 = arith.constant 0 : i32
    %dma_start3A_180 = arith.constant 0 : i32
    %dma_start3A_181 = tpu.memref_slice %arg3[%dma_start3A_179, %dma_start3A_180] : memref<100000x128xf32, #tpu.memory_space<hbm>> -> memref<100000x128xf32, #tpu.memory_space<hbm>>
    tpu.enqueue_indirect_dma source(%dma_start3A_181 : memref<100000x128xf32, #tpu.memory_space<hbm>>) target(%arg10 : memref<128x128xf32, #tpu.memory_space<vmem>>) offsets(%dma_start3A_178 : memref<128xi32, #tpu.memory_space<vmem>>) semaphore(%arg16 : memref<!tpu.dma_semaphore, #tpu.memory_space<semaphore_mem>>) {add = true}
    %dma_wait3A_182 = arith.constant 4 : i32
    %dma_wait3A_183 = arith.constant 0 : i32
    %dma_wait3A_184 = tpu.memref_slice %arg9[%dma_wait3A_182, %dma_wait3A_183] : memref<5x128xi32, #tpu.memory_space<vmem>> -> memref<1x128xi32, #tpu.memory_space<vmem>>
    %dma_wait3A_185 = tpu.memref_squeeze %dma_wait3A_184 : memref<1x128xi32, #tpu.memory_space<vmem>> -> memref<128xi32, #tpu.memory_space<vmem>>
    %dma_wait3A_186 = arith.constant 0 : i32
    %dma_wait3A_187 = arith.constant 0 : i32
    %dma_wait3A_188 = tpu.memref_slice %arg3[%dma_wait3A_186, %dma_wait3A_187] : memref<100000x128xf32, #tpu.memory_space<hbm>> -> memref<100000x128xf32, #tpu.memory_space<hbm>>
    tpu.wait_indirect_dma semaphore(%arg16 : memref<!tpu.dma_semaphore, #tpu.memory_space<semaphore_mem>>) src(%dma_wait3A_188 : memref<100000x128xf32, #tpu.memory_space<hbm>>) dst(%arg10 : memref<128x128xf32, #tpu.memory_space<vmem>>)
    %add3A_189 = arith.constant 512 : i32
    %add3A_190 = arith.addi %mul3A_2, %add3A_189 : i32
    %dma_start3A_191 = arith.constant 0 : i32
    %dma_start3A_192 = tpu.memref_slice %arg7[%add3A_190, %dma_start3A_191] : memref<20480x128xf32, #tpu.memory_space<hbm>> -> memref<128x128xf32, #tpu.memory_space<hbm>>
    %dma_start3A_193 = arith.constant 0 : i32
    %dma_start3A_194 = tpu.memref_slice %arg7[%add3A_190, %dma_start3A_193] : memref<20480x128xf32, #tpu.memory_space<hbm>> -> memref<128x128xf32, #tpu.memory_space<hbm>>
    tpu.enqueue_dma source(%arg10 : memref<128x128xf32, #tpu.memory_space<vmem>>) target(%dma_start3A_194 : memref<128x128xf32, #tpu.memory_space<hbm>>) target_semaphore(%arg18 : memref<!tpu.dma_semaphore, #tpu.memory_space<semaphore_mem>>)
    %dma_wait3A_195 = arith.constant 0 : i32
    %dma_wait3A_196 = tpu.memref_slice %arg7[%add3A_109, %dma_wait3A_195] : memref<20480x128xf32, #tpu.memory_space<hbm>> -> memref<128x128xf32, #tpu.memory_space<hbm>>
    %dma_wait3A_197 = arith.constant 0 : i32
    %dma_wait3A_198 = tpu.memref_slice %arg7[%add3A_109, %dma_wait3A_197] : memref<20480x128xf32, #tpu.memory_space<hbm>> -> memref<128x128xf32, #tpu.memory_space<hbm>>
    tpu.wait_dma2 semaphore(%arg19 : memref<!tpu.dma_semaphore, #tpu.memory_space<semaphore_mem>>) src(%arg11 : memref<128x128xf32, #tpu.memory_space<vmem>>) dst(%dma_wait3A_198 : memref<128x128xf32, #tpu.memory_space<hbm>>)
    %dma_wait3A_199 = arith.constant 0 : i32
    %dma_wait3A_200 = tpu.memref_slice %arg7[%add3A_136, %dma_wait3A_199] : memref<20480x128xf32, #tpu.memory_space<hbm>> -> memref<128x128xf32, #tpu.memory_space<hbm>>
    %dma_wait3A_201 = arith.constant 0 : i32
    %dma_wait3A_202 = tpu.memref_slice %arg7[%add3A_136, %dma_wait3A_201] : memref<20480x128xf32, #tpu.memory_space<hbm>> -> memref<128x128xf32, #tpu.memory_space<hbm>>
    tpu.wait_dma2 semaphore(%arg20 : memref<!tpu.dma_semaphore, #tpu.memory_space<semaphore_mem>>) src(%arg12 : memref<128x128xf32, #tpu.memory_space<vmem>>) dst(%dma_wait3A_202 : memref<128x128xf32, #tpu.memory_space<hbm>>)
    %dma_wait3A_203 = arith.constant 0 : i32
    %dma_wait3A_204 = tpu.memref_slice %arg7[%add3A_163, %dma_wait3A_203] : memref<20480x128xf32, #tpu.memory_space<hbm>> -> memref<128x128xf32, #tpu.memory_space<hbm>>
    %dma_wait3A_205 = arith.constant 0 : i32
    %dma_wait3A_206 = tpu.memref_slice %arg7[%add3A_163, %dma_wait3A_205] : memref<20480x128xf32, #tpu.memory_space<hbm>> -> memref<128x128xf32, #tpu.memory_space<hbm>>
    tpu.wait_dma2 semaphore(%arg21 : memref<!tpu.dma_semaphore, #tpu.memory_space<semaphore_mem>>) src(%arg13 : memref<128x128xf32, #tpu.memory_space<vmem>>) dst(%dma_wait3A_206 : memref<128x128xf32, #tpu.memory_space<hbm>>)
    %dma_wait3A_207 = arith.constant 0 : i32
    %dma_wait3A_208 = tpu.memref_slice %arg7[%add3A_190, %dma_wait3A_207] : memref<20480x128xf32, #tpu.memory_space<hbm>> -> memref<128x128xf32, #tpu.memory_space<hbm>>
    %dma_wait3A_209 = arith.constant 0 : i32
    %dma_wait3A_210 = tpu.memref_slice %arg7[%add3A_190, %dma_wait3A_209] : memref<20480x128xf32, #tpu.memory_space<hbm>> -> memref<128x128xf32, #tpu.memory_space<hbm>>
    tpu.wait_dma2 semaphore(%arg18 : memref<!tpu.dma_semaphore, #tpu.memory_space<semaphore_mem>>) src(%arg10 : memref<128x128xf32, #tpu.memory_space<vmem>>) dst(%dma_wait3A_210 : memref<128x128xf32, #tpu.memory_space<hbm>>)
    %dma_wait3A_211 = arith.constant 0 : i32
    %dma_wait3A_212 = tpu.memref_slice %arg6[%mul3A_16, %dma_wait3A_211] : memref<1024x128xf32, #tpu.memory_space<hbm>> -> memref<32x128xf32, #tpu.memory_space<hbm>>
    %dma_wait3A_213 = arith.constant 0 : i32
    %dma_wait3A_214 = tpu.memref_slice %arg6[%mul3A_16, %dma_wait3A_213] : memref<1024x128xf32, #tpu.memory_space<hbm>> -> memref<32x128xf32, #tpu.memory_space<hbm>>
    tpu.wait_dma2 semaphore(%arg17 : memref<!tpu.dma_semaphore, #tpu.memory_space<semaphore_mem>>) src(%arg14 : memref<32x128xf32, #tpu.memory_space<vmem>>) dst(%dma_wait3A_214 : memref<32x128xf32, #tpu.memory_space<hbm>>)
    return
  }
}

#map = affine_map<(d0, d1) -> (0, 0)>
#map1 = affine_map<(d0, d1) -> (0)>
#map2 = affine_map<(d0, d1) -> (0, 0, 0)>
module attributes {stable_mosaic.version = 14 : i64} {
  func.func @_sc_gather_body(%arg0: i32, %arg1: i32, %arg2: memref<100000x128xf32, #tpu.memory_space<hbm>>, %arg3: memref<100000x128xf32, #tpu.memory_space<hbm>>, %arg4: memref<1024xi32, #tpu.memory_space<hbm>>, %arg5: memref<32x5x128xi32, #tpu.memory_space<hbm>>, %arg6: memref<1024x128xf32, #tpu.memory_space<hbm>>, %arg7: memref<20480x128xf32, #tpu.memory_space<hbm>>, %arg8: memref<32xi32, #tpu.memory_space<vmem>>, %arg9: memref<5x128xi32, #tpu.memory_space<vmem>>, %arg10: memref<128x128xf32, #tpu.memory_space<vmem>>, %arg11: memref<128x128xf32, #tpu.memory_space<vmem>>, %arg12: memref<128x128xf32, #tpu.memory_space<vmem>>, %arg13: memref<128x128xf32, #tpu.memory_space<vmem>>, %arg14: memref<32x128xf32, #tpu.memory_space<vmem>>, %arg15: memref<!tpu.dma_semaphore, #tpu.memory_space<semaphore_mem>>, %arg16: memref<!tpu.dma_semaphore, #tpu.memory_space<semaphore_mem>>, %arg17: memref<!tpu.dma_semaphore, #tpu.memory_space<semaphore_mem>>, %arg18: memref<!tpu.dma_semaphore, #tpu.memory_space<semaphore_mem>>, %arg19: memref<!tpu.dma_semaphore, #tpu.memory_space<semaphore_mem>>, %arg20: memref<!tpu.dma_semaphore, #tpu.memory_space<semaphore_mem>>, %arg21: memref<!tpu.dma_semaphore, #tpu.memory_space<semaphore_mem>>) attributes {dimension_semantics = [#tpu.dimension_semantics<core_parallel>, #tpu.dimension_semantics<subcore_parallel>], iteration_bounds = array<i64: 2, 16>, scalar_prefetch = 0 : i64, scratch_operands = 14 : i64, tpu.core_type = #tpu.core_type<sc_vector_subcore>, window_params = [{transform_indices = #map}, {transform_indices = #map}, {transform_indices = #map1}, {transform_indices = #map2}, {transform_indices = #map}, {transform_indices = #map}]} {
    %mul3A = arith.constant 2 : i32
    %mul3A_0 = arith.muli %arg1, %mul3A : i32
    %add3A = arith.addi %mul3A_0, %arg0 : i32
    %mul3A_1 = arith.constant 640 : i32
    %mul3A_2 = arith.muli %add3A, %mul3A_1 : i32
    "tpu.region"() ({
      %run_scoped3A = tpu.sem_alloc : memref<!tpu.dma_semaphore, #tpu.memory_space<semaphore_mem>>
      %dma_start3A_215 = arith.constant 0 : i32
      %dma_start3A_216 = arith.constant 0 : i32
      %dma_start3A_217 = tpu.memref_slice %arg5[%add3A, %dma_start3A_215, %dma_start3A_216] : memref<32x5x128xi32, #tpu.memory_space<hbm>> -> memref<1x5x128xi32, #tpu.memory_space<hbm>>
      %dma_start3A_218 = tpu.memref_squeeze %dma_start3A_217 : memref<1x5x128xi32, #tpu.memory_space<hbm>> -> memref<5x128xi32, #tpu.memory_space<hbm>>
      %dma_start3A_219 = arith.constant 0 : i32
      %dma_start3A_220 = arith.constant 0 : i32
      %dma_start3A_221 = tpu.memref_slice %arg5[%add3A, %dma_start3A_219, %dma_start3A_220] : memref<32x5x128xi32, #tpu.memory_space<hbm>> -> memref<1x5x128xi32, #tpu.memory_space<hbm>>
      %dma_start3A_222 = tpu.memref_squeeze %dma_start3A_221 : memref<1x5x128xi32, #tpu.memory_space<hbm>> -> memref<5x128xi32, #tpu.memory_space<hbm>>
      tpu.enqueue_dma source(%dma_start3A_222 : memref<5x128xi32, #tpu.memory_space<hbm>>) target(%arg9 : memref<5x128xi32, #tpu.memory_space<vmem>>) target_semaphore(%run_scoped3A : memref<!tpu.dma_semaphore, #tpu.memory_space<semaphore_mem>>)
      %dma_wait3A_223 = arith.constant 0 : i32
      %dma_wait3A_224 = arith.constant 0 : i32
      %dma_wait3A_225 = tpu.memref_slice %arg5[%add3A, %dma_wait3A_223, %dma_wait3A_224] : memref<32x5x128xi32, #tpu.memory_space<hbm>> -> memref<1x5x128xi32, #tpu.memory_space<hbm>>
      %dma_wait3A_226 = tpu.memref_squeeze %dma_wait3A_225 : memref<1x5x128xi32, #tpu.memory_space<hbm>> -> memref<5x128xi32, #tpu.memory_space<hbm>>
      %dma_wait3A_227 = arith.constant 0 : i32
      %dma_wait3A_228 = arith.constant 0 : i32
      %dma_wait3A_229 = tpu.memref_slice %arg5[%add3A, %dma_wait3A_227, %dma_wait3A_228] : memref<32x5x128xi32, #tpu.memory_space<hbm>> -> memref<1x5x128xi32, #tpu.memory_space<hbm>>
      %dma_wait3A_230 = tpu.memref_squeeze %dma_wait3A_229 : memref<1x5x128xi32, #tpu.memory_space<hbm>> -> memref<5x128xi32, #tpu.memory_space<hbm>>
      tpu.wait_dma2 semaphore(%run_scoped3A : memref<!tpu.dma_semaphore, #tpu.memory_space<semaphore_mem>>) src(%dma_wait3A_230 : memref<5x128xi32, #tpu.memory_space<hbm>>) dst(%arg9 : memref<5x128xi32, #tpu.memory_space<vmem>>)
      tpu.yield
    }) : () -> ()
    %mul3A_3 = arith.constant 32 : i32
    %mul3A_4 = arith.muli %add3A, %mul3A_3 : i32
    "tpu.region"() ({
      %run_scoped3A = tpu.sem_alloc : memref<!tpu.dma_semaphore, #tpu.memory_space<semaphore_mem>>
      %dma_start3A_215 = tpu.memref_slice %arg4[%mul3A_4] : memref<1024xi32, #tpu.memory_space<hbm>> -> memref<32xi32, #tpu.memory_space<hbm>>
      %dma_start3A_216 = tpu.memref_slice %arg4[%mul3A_4] : memref<1024xi32, #tpu.memory_space<hbm>> -> memref<32xi32, #tpu.memory_space<hbm>>
      tpu.enqueue_dma source(%dma_start3A_216 : memref<32xi32, #tpu.memory_space<hbm>>) target(%arg8 : memref<32xi32, #tpu.memory_space<vmem>>) target_semaphore(%run_scoped3A : memref<!tpu.dma_semaphore, #tpu.memory_space<semaphore_mem>>)
      %dma_wait3A_217 = tpu.memref_slice %arg4[%mul3A_4] : memref<1024xi32, #tpu.memory_space<hbm>> -> memref<32xi32, #tpu.memory_space<hbm>>
      %dma_wait3A_218 = tpu.memref_slice %arg4[%mul3A_4] : memref<1024xi32, #tpu.memory_space<hbm>> -> memref<32xi32, #tpu.memory_space<hbm>>
      tpu.wait_dma2 semaphore(%run_scoped3A : memref<!tpu.dma_semaphore, #tpu.memory_space<semaphore_mem>>) src(%dma_wait3A_218 : memref<32xi32, #tpu.memory_space<hbm>>) dst(%arg8 : memref<32xi32, #tpu.memory_space<vmem>>)
      tpu.yield
    }) : () -> ()
    %dma_start3A = arith.constant 0 : i32
    %dma_start3A_5 = arith.constant 0 : i32
    %dma_start3A_6 = tpu.memref_slice %arg2[%dma_start3A, %dma_start3A_5] : memref<100000x128xf32, #tpu.memory_space<hbm>> -> memref<100000x128xf32, #tpu.memory_space<hbm>>
    tpu.enqueue_indirect_dma source(%dma_start3A_6 : memref<100000x128xf32, #tpu.memory_space<hbm>>) target(%arg14 : memref<32x128xf32, #tpu.memory_space<vmem>>) offsets(%arg8 : memref<32xi32, #tpu.memory_space<vmem>>) semaphore(%arg17 : memref<!tpu.dma_semaphore, #tpu.memory_space<semaphore_mem>>)
    %dma_wait3A = arith.constant 0 : i32
    %dma_wait3A_7 = arith.constant 0 : i32
    %dma_wait3A_8 = tpu.memref_slice %arg2[%dma_wait3A, %dma_wait3A_7] : memref<100000x128xf32, #tpu.memory_space<hbm>> -> memref<100000x128xf32, #tpu.memory_space<hbm>>
    tpu.wait_indirect_dma semaphore(%arg17 : memref<!tpu.dma_semaphore, #tpu.memory_space<semaphore_mem>>) src(%dma_wait3A_8 : memref<100000x128xf32, #tpu.memory_space<hbm>>) dst(%arg14 : memref<32x128xf32, #tpu.memory_space<vmem>>)
    %dma_start3A_9 = arith.constant 0 : i32
    %dma_start3A_10 = arith.constant 0 : i32
    %dma_start3A_11 = tpu.memref_slice %arg3[%dma_start3A_9, %dma_start3A_10] : memref<100000x128xf32, #tpu.memory_space<hbm>> -> memref<100000x128xf32, #tpu.memory_space<hbm>>
    tpu.enqueue_indirect_dma source(%dma_start3A_11 : memref<100000x128xf32, #tpu.memory_space<hbm>>) target(%arg14 : memref<32x128xf32, #tpu.memory_space<vmem>>) offsets(%arg8 : memref<32xi32, #tpu.memory_space<vmem>>) semaphore(%arg17 : memref<!tpu.dma_semaphore, #tpu.memory_space<semaphore_mem>>) {add = true}
    %dma_wait3A_12 = arith.constant 0 : i32
    %dma_wait3A_13 = arith.constant 0 : i32
    %dma_wait3A_14 = tpu.memref_slice %arg3[%dma_wait3A_12, %dma_wait3A_13] : memref<100000x128xf32, #tpu.memory_space<hbm>> -> memref<100000x128xf32, #tpu.memory_space<hbm>>
    tpu.wait_indirect_dma semaphore(%arg17 : memref<!tpu.dma_semaphore, #tpu.memory_space<semaphore_mem>>) src(%dma_wait3A_14 : memref<100000x128xf32, #tpu.memory_space<hbm>>) dst(%arg14 : memref<32x128xf32, #tpu.memory_space<vmem>>)
    %mul3A_15 = arith.constant 32 : i32
    %mul3A_16 = arith.muli %add3A, %mul3A_15 : i32
    %dma_start3A_17 = arith.constant 0 : i32
    %dma_start3A_18 = tpu.memref_slice %arg6[%mul3A_16, %dma_start3A_17] : memref<1024x128xf32, #tpu.memory_space<hbm>> -> memref<32x128xf32, #tpu.memory_space<hbm>>
    %dma_start3A_19 = arith.constant 0 : i32
    %dma_start3A_20 = tpu.memref_slice %arg6[%mul3A_16, %dma_start3A_19] : memref<1024x128xf32, #tpu.memory_space<hbm>> -> memref<32x128xf32, #tpu.memory_space<hbm>>
    tpu.enqueue_dma source(%arg14 : memref<32x128xf32, #tpu.memory_space<vmem>>) target(%dma_start3A_20 : memref<32x128xf32, #tpu.memory_space<hbm>>) target_semaphore(%arg17 : memref<!tpu.dma_semaphore, #tpu.memory_space<semaphore_mem>>)
    %dma_start3A_21 = arith.constant 0 : i32
    %dma_start3A_22 = arith.constant 0 : i32
    %dma_start3A_23 = tpu.memref_slice %arg9[%dma_start3A_21, %dma_start3A_22] : memref<5x128xi32, #tpu.memory_space<vmem>> -> memref<1x128xi32, #tpu.memory_space<vmem>>
    %dma_start3A_24 = tpu.memref_squeeze %dma_start3A_23 : memref<1x128xi32, #tpu.memory_space<vmem>> -> memref<128xi32, #tpu.memory_space<vmem>>
    %dma_start3A_25 = arith.constant 0 : i32
    %dma_start3A_26 = arith.constant 0 : i32
    %dma_start3A_27 = tpu.memref_slice %arg2[%dma_start3A_25, %dma_start3A_26] : memref<100000x128xf32, #tpu.memory_space<hbm>> -> memref<100000x128xf32, #tpu.memory_space<hbm>>
    tpu.enqueue_indirect_dma source(%dma_start3A_27 : memref<100000x128xf32, #tpu.memory_space<hbm>>) target(%arg10 : memref<128x128xf32, #tpu.memory_space<vmem>>) offsets(%dma_start3A_24 : memref<128xi32, #tpu.memory_space<vmem>>) semaphore(%arg15 : memref<!tpu.dma_semaphore, #tpu.memory_space<semaphore_mem>>)
    %dma_start3A_28 = arith.constant 1 : i32
    %dma_start3A_29 = arith.constant 0 : i32
    %dma_start3A_30 = tpu.memref_slice %arg9[%dma_start3A_28, %dma_start3A_29] : memref<5x128xi32, #tpu.memory_space<vmem>> -> memref<1x128xi32, #tpu.memory_space<vmem>>
    %dma_start3A_31 = tpu.memref_squeeze %dma_start3A_30 : memref<1x128xi32, #tpu.memory_space<vmem>> -> memref<128xi32, #tpu.memory_space<vmem>>
    %dma_start3A_32 = arith.constant 0 : i32
    %dma_start3A_33 = arith.constant 0 : i32
    %dma_start3A_34 = tpu.memref_slice %arg2[%dma_start3A_32, %dma_start3A_33] : memref<100000x128xf32, #tpu.memory_space<hbm>> -> memref<100000x128xf32, #tpu.memory_space<hbm>>
    tpu.enqueue_indirect_dma source(%dma_start3A_34 : memref<100000x128xf32, #tpu.memory_space<hbm>>) target(%arg11 : memref<128x128xf32, #tpu.memory_space<vmem>>) offsets(%dma_start3A_31 : memref<128xi32, #tpu.memory_space<vmem>>) semaphore(%arg15 : memref<!tpu.dma_semaphore, #tpu.memory_space<semaphore_mem>>)
    %dma_start3A_35 = arith.constant 2 : i32
    %dma_start3A_36 = arith.constant 0 : i32
    %dma_start3A_37 = tpu.memref_slice %arg9[%dma_start3A_35, %dma_start3A_36] : memref<5x128xi32, #tpu.memory_space<vmem>> -> memref<1x128xi32, #tpu.memory_space<vmem>>
    %dma_start3A_38 = tpu.memref_squeeze %dma_start3A_37 : memref<1x128xi32, #tpu.memory_space<vmem>> -> memref<128xi32, #tpu.memory_space<vmem>>
    %dma_start3A_39 = arith.constant 0 : i32
    %dma_start3A_40 = arith.constant 0 : i32
    %dma_start3A_41 = tpu.memref_slice %arg2[%dma_start3A_39, %dma_start3A_40] : memref<100000x128xf32, #tpu.memory_space<hbm>> -> memref<100000x128xf32, #tpu.memory_space<hbm>>
    tpu.enqueue_indirect_dma source(%dma_start3A_41 : memref<100000x128xf32, #tpu.memory_space<hbm>>) target(%arg12 : memref<128x128xf32, #tpu.memory_space<vmem>>) offsets(%dma_start3A_38 : memref<128xi32, #tpu.memory_space<vmem>>) semaphore(%arg15 : memref<!tpu.dma_semaphore, #tpu.memory_space<semaphore_mem>>)
    %dma_start3A_42 = arith.constant 3 : i32
    %dma_start3A_43 = arith.constant 0 : i32
    %dma_start3A_44 = tpu.memref_slice %arg9[%dma_start3A_42, %dma_start3A_43] : memref<5x128xi32, #tpu.memory_space<vmem>> -> memref<1x128xi32, #tpu.memory_space<vmem>>
    %dma_start3A_45 = tpu.memref_squeeze %dma_start3A_44 : memref<1x128xi32, #tpu.memory_space<vmem>> -> memref<128xi32, #tpu.memory_space<vmem>>
    %dma_start3A_46 = arith.constant 0 : i32
    %dma_start3A_47 = arith.constant 0 : i32
    %dma_start3A_48 = tpu.memref_slice %arg2[%dma_start3A_46, %dma_start3A_47] : memref<100000x128xf32, #tpu.memory_space<hbm>> -> memref<100000x128xf32, #tpu.memory_space<hbm>>
    tpu.enqueue_indirect_dma source(%dma_start3A_48 : memref<100000x128xf32, #tpu.memory_space<hbm>>) target(%arg13 : memref<128x128xf32, #tpu.memory_space<vmem>>) offsets(%dma_start3A_45 : memref<128xi32, #tpu.memory_space<vmem>>) semaphore(%arg15 : memref<!tpu.dma_semaphore, #tpu.memory_space<semaphore_mem>>)
    %dma_wait3A_49 = arith.constant 0 : i32
    %dma_wait3A_50 = arith.constant 0 : i32
    %dma_wait3A_51 = tpu.memref_slice %arg9[%dma_wait3A_49, %dma_wait3A_50] : memref<5x128xi32, #tpu.memory_space<vmem>> -> memref<1x128xi32, #tpu.memory_space<vmem>>
    %dma_wait3A_52 = tpu.memref_squeeze %dma_wait3A_51 : memref<1x128xi32, #tpu.memory_space<vmem>> -> memref<128xi32, #tpu.memory_space<vmem>>
    %dma_wait3A_53 = arith.constant 0 : i32
    %dma_wait3A_54 = arith.constant 0 : i32
    %dma_wait3A_55 = tpu.memref_slice %arg2[%dma_wait3A_53, %dma_wait3A_54] : memref<100000x128xf32, #tpu.memory_space<hbm>> -> memref<100000x128xf32, #tpu.memory_space<hbm>>
    tpu.wait_indirect_dma semaphore(%arg15 : memref<!tpu.dma_semaphore, #tpu.memory_space<semaphore_mem>>) src(%dma_wait3A_55 : memref<100000x128xf32, #tpu.memory_space<hbm>>) dst(%arg10 : memref<128x128xf32, #tpu.memory_space<vmem>>)
    %dma_start3A_56 = arith.constant 0 : i32
    %dma_start3A_57 = arith.constant 0 : i32
    %dma_start3A_58 = tpu.memref_slice %arg9[%dma_start3A_56, %dma_start3A_57] : memref<5x128xi32, #tpu.memory_space<vmem>> -> memref<1x128xi32, #tpu.memory_space<vmem>>
    %dma_start3A_59 = tpu.memref_squeeze %dma_start3A_58 : memref<1x128xi32, #tpu.memory_space<vmem>> -> memref<128xi32, #tpu.memory_space<vmem>>
    %dma_start3A_60 = arith.constant 0 : i32
    %dma_start3A_61 = arith.constant 0 : i32
    %dma_start3A_62 = tpu.memref_slice %arg3[%dma_start3A_60, %dma_start3A_61] : memref<100000x128xf32, #tpu.memory_space<hbm>> -> memref<100000x128xf32, #tpu.memory_space<hbm>>
    tpu.enqueue_indirect_dma source(%dma_start3A_62 : memref<100000x128xf32, #tpu.memory_space<hbm>>) target(%arg10 : memref<128x128xf32, #tpu.memory_space<vmem>>) offsets(%dma_start3A_59 : memref<128xi32, #tpu.memory_space<vmem>>) semaphore(%arg16 : memref<!tpu.dma_semaphore, #tpu.memory_space<semaphore_mem>>) {add = true}
    %dma_wait3A_63 = arith.constant 0 : i32
    %dma_wait3A_64 = arith.constant 0 : i32
    %dma_wait3A_65 = tpu.memref_slice %arg9[%dma_wait3A_63, %dma_wait3A_64] : memref<5x128xi32, #tpu.memory_space<vmem>> -> memref<1x128xi32, #tpu.memory_space<vmem>>
    %dma_wait3A_66 = tpu.memref_squeeze %dma_wait3A_65 : memref<1x128xi32, #tpu.memory_space<vmem>> -> memref<128xi32, #tpu.memory_space<vmem>>
    %dma_wait3A_67 = arith.constant 0 : i32
    %dma_wait3A_68 = arith.constant 0 : i32
    %dma_wait3A_69 = tpu.memref_slice %arg3[%dma_wait3A_67, %dma_wait3A_68] : memref<100000x128xf32, #tpu.memory_space<hbm>> -> memref<100000x128xf32, #tpu.memory_space<hbm>>
    tpu.wait_indirect_dma semaphore(%arg16 : memref<!tpu.dma_semaphore, #tpu.memory_space<semaphore_mem>>) src(%dma_wait3A_69 : memref<100000x128xf32, #tpu.memory_space<hbm>>) dst(%arg10 : memref<128x128xf32, #tpu.memory_space<vmem>>)
    %add3A_70 = arith.constant 0 : i32
    %add3A_71 = arith.addi %mul3A_2, %add3A_70 : i32
    %dma_start3A_72 = arith.constant 0 : i32
    %dma_start3A_73 = tpu.memref_slice %arg7[%add3A_71, %dma_start3A_72] : memref<20480x128xf32, #tpu.memory_space<hbm>> -> memref<128x128xf32, #tpu.memory_space<hbm>>
    %dma_start3A_74 = arith.constant 0 : i32
    %dma_start3A_75 = tpu.memref_slice %arg7[%add3A_71, %dma_start3A_74] : memref<20480x128xf32, #tpu.memory_space<hbm>> -> memref<128x128xf32, #tpu.memory_space<hbm>>
    tpu.enqueue_dma source(%arg10 : memref<128x128xf32, #tpu.memory_space<vmem>>) target(%dma_start3A_75 : memref<128x128xf32, #tpu.memory_space<hbm>>) target_semaphore(%arg18 : memref<!tpu.dma_semaphore, #tpu.memory_space<semaphore_mem>>)
    %dma_wait3A_76 = arith.constant 1 : i32
    %dma_wait3A_77 = arith.constant 0 : i32
    %dma_wait3A_78 = tpu.memref_slice %arg9[%dma_wait3A_76, %dma_wait3A_77] : memref<5x128xi32, #tpu.memory_space<vmem>> -> memref<1x128xi32, #tpu.memory_space<vmem>>
    %dma_wait3A_79 = tpu.memref_squeeze %dma_wait3A_78 : memref<1x128xi32, #tpu.memory_space<vmem>> -> memref<128xi32, #tpu.memory_space<vmem>>
    %dma_wait3A_80 = arith.constant 0 : i32
    %dma_wait3A_81 = arith.constant 0 : i32
    %dma_wait3A_82 = tpu.memref_slice %arg2[%dma_wait3A_80, %dma_wait3A_81] : memref<100000x128xf32, #tpu.memory_space<hbm>> -> memref<100000x128xf32, #tpu.memory_space<hbm>>
    tpu.wait_indirect_dma semaphore(%arg15 : memref<!tpu.dma_semaphore, #tpu.memory_space<semaphore_mem>>) src(%dma_wait3A_82 : memref<100000x128xf32, #tpu.memory_space<hbm>>) dst(%arg11 : memref<128x128xf32, #tpu.memory_space<vmem>>)
    %dma_start3A_83 = arith.constant 1 : i32
    %dma_start3A_84 = arith.constant 0 : i32
    %dma_start3A_85 = tpu.memref_slice %arg9[%dma_start3A_83, %dma_start3A_84] : memref<5x128xi32, #tpu.memory_space<vmem>> -> memref<1x128xi32, #tpu.memory_space<vmem>>
    %dma_start3A_86 = tpu.memref_squeeze %dma_start3A_85 : memref<1x128xi32, #tpu.memory_space<vmem>> -> memref<128xi32, #tpu.memory_space<vmem>>
    %dma_start3A_87 = arith.constant 0 : i32
    %dma_start3A_88 = arith.constant 0 : i32
    %dma_start3A_89 = tpu.memref_slice %arg3[%dma_start3A_87, %dma_start3A_88] : memref<100000x128xf32, #tpu.memory_space<hbm>> -> memref<100000x128xf32, #tpu.memory_space<hbm>>
    tpu.enqueue_indirect_dma source(%dma_start3A_89 : memref<100000x128xf32, #tpu.memory_space<hbm>>) target(%arg11 : memref<128x128xf32, #tpu.memory_space<vmem>>) offsets(%dma_start3A_86 : memref<128xi32, #tpu.memory_space<vmem>>) semaphore(%arg16 : memref<!tpu.dma_semaphore, #tpu.memory_space<semaphore_mem>>) {add = true}
    %dma_wait3A_90 = arith.constant 0 : i32
    %dma_wait3A_91 = tpu.memref_slice %arg7[%add3A_71, %dma_wait3A_90] : memref<20480x128xf32, #tpu.memory_space<hbm>> -> memref<128x128xf32, #tpu.memory_space<hbm>>
    %dma_wait3A_92 = arith.constant 0 : i32
    %dma_wait3A_93 = tpu.memref_slice %arg7[%add3A_71, %dma_wait3A_92] : memref<20480x128xf32, #tpu.memory_space<hbm>> -> memref<128x128xf32, #tpu.memory_space<hbm>>
    tpu.wait_dma2 semaphore(%arg18 : memref<!tpu.dma_semaphore, #tpu.memory_space<semaphore_mem>>) src(%arg10 : memref<128x128xf32, #tpu.memory_space<vmem>>) dst(%dma_wait3A_93 : memref<128x128xf32, #tpu.memory_space<hbm>>)
    %dma_start3A_94 = arith.constant 4 : i32
    %dma_start3A_95 = arith.constant 0 : i32
    %dma_start3A_96 = tpu.memref_slice %arg9[%dma_start3A_94, %dma_start3A_95] : memref<5x128xi32, #tpu.memory_space<vmem>> -> memref<1x128xi32, #tpu.memory_space<vmem>>
    %dma_start3A_97 = tpu.memref_squeeze %dma_start3A_96 : memref<1x128xi32, #tpu.memory_space<vmem>> -> memref<128xi32, #tpu.memory_space<vmem>>
    %dma_start3A_98 = arith.constant 0 : i32
    %dma_start3A_99 = arith.constant 0 : i32
    %dma_start3A_100 = tpu.memref_slice %arg2[%dma_start3A_98, %dma_start3A_99] : memref<100000x128xf32, #tpu.memory_space<hbm>> -> memref<100000x128xf32, #tpu.memory_space<hbm>>
    tpu.enqueue_indirect_dma source(%dma_start3A_100 : memref<100000x128xf32, #tpu.memory_space<hbm>>) target(%arg10 : memref<128x128xf32, #tpu.memory_space<vmem>>) offsets(%dma_start3A_97 : memref<128xi32, #tpu.memory_space<vmem>>) semaphore(%arg15 : memref<!tpu.dma_semaphore, #tpu.memory_space<semaphore_mem>>)
    %dma_wait3A_101 = arith.constant 1 : i32
    %dma_wait3A_102 = arith.constant 0 : i32
    %dma_wait3A_103 = tpu.memref_slice %arg9[%dma_wait3A_101, %dma_wait3A_102] : memref<5x128xi32, #tpu.memory_space<vmem>> -> memref<1x128xi32, #tpu.memory_space<vmem>>
    %dma_wait3A_104 = tpu.memref_squeeze %dma_wait3A_103 : memref<1x128xi32, #tpu.memory_space<vmem>> -> memref<128xi32, #tpu.memory_space<vmem>>
    %dma_wait3A_105 = arith.constant 0 : i32
    %dma_wait3A_106 = arith.constant 0 : i32
    %dma_wait3A_107 = tpu.memref_slice %arg3[%dma_wait3A_105, %dma_wait3A_106] : memref<100000x128xf32, #tpu.memory_space<hbm>> -> memref<100000x128xf32, #tpu.memory_space<hbm>>
    tpu.wait_indirect_dma semaphore(%arg16 : memref<!tpu.dma_semaphore, #tpu.memory_space<semaphore_mem>>) src(%dma_wait3A_107 : memref<100000x128xf32, #tpu.memory_space<hbm>>) dst(%arg11 : memref<128x128xf32, #tpu.memory_space<vmem>>)
    %add3A_108 = arith.constant 128 : i32
    %add3A_109 = arith.addi %mul3A_2, %add3A_108 : i32
    %dma_start3A_110 = arith.constant 0 : i32
    %dma_start3A_111 = tpu.memref_slice %arg7[%add3A_109, %dma_start3A_110] : memref<20480x128xf32, #tpu.memory_space<hbm>> -> memref<128x128xf32, #tpu.memory_space<hbm>>
    %dma_start3A_112 = arith.constant 0 : i32
    %dma_start3A_113 = tpu.memref_slice %arg7[%add3A_109, %dma_start3A_112] : memref<20480x128xf32, #tpu.memory_space<hbm>> -> memref<128x128xf32, #tpu.memory_space<hbm>>
    tpu.enqueue_dma source(%arg11 : memref<128x128xf32, #tpu.memory_space<vmem>>) target(%dma_start3A_113 : memref<128x128xf32, #tpu.memory_space<hbm>>) target_semaphore(%arg19 : memref<!tpu.dma_semaphore, #tpu.memory_space<semaphore_mem>>)
    %dma_wait3A_114 = arith.constant 2 : i32
    %dma_wait3A_115 = arith.constant 0 : i32
    %dma_wait3A_116 = tpu.memref_slice %arg9[%dma_wait3A_114, %dma_wait3A_115] : memref<5x128xi32, #tpu.memory_space<vmem>> -> memref<1x128xi32, #tpu.memory_space<vmem>>
    %dma_wait3A_117 = tpu.memref_squeeze %dma_wait3A_116 : memref<1x128xi32, #tpu.memory_space<vmem>> -> memref<128xi32, #tpu.memory_space<vmem>>
    %dma_wait3A_118 = arith.constant 0 : i32
    %dma_wait3A_119 = arith.constant 0 : i32
    %dma_wait3A_120 = tpu.memref_slice %arg2[%dma_wait3A_118, %dma_wait3A_119] : memref<100000x128xf32, #tpu.memory_space<hbm>> -> memref<100000x128xf32, #tpu.memory_space<hbm>>
    tpu.wait_indirect_dma semaphore(%arg15 : memref<!tpu.dma_semaphore, #tpu.memory_space<semaphore_mem>>) src(%dma_wait3A_120 : memref<100000x128xf32, #tpu.memory_space<hbm>>) dst(%arg12 : memref<128x128xf32, #tpu.memory_space<vmem>>)
    %dma_start3A_121 = arith.constant 2 : i32
    %dma_start3A_122 = arith.constant 0 : i32
    %dma_start3A_123 = tpu.memref_slice %arg9[%dma_start3A_121, %dma_start3A_122] : memref<5x128xi32, #tpu.memory_space<vmem>> -> memref<1x128xi32, #tpu.memory_space<vmem>>
    %dma_start3A_124 = tpu.memref_squeeze %dma_start3A_123 : memref<1x128xi32, #tpu.memory_space<vmem>> -> memref<128xi32, #tpu.memory_space<vmem>>
    %dma_start3A_125 = arith.constant 0 : i32
    %dma_start3A_126 = arith.constant 0 : i32
    %dma_start3A_127 = tpu.memref_slice %arg3[%dma_start3A_125, %dma_start3A_126] : memref<100000x128xf32, #tpu.memory_space<hbm>> -> memref<100000x128xf32, #tpu.memory_space<hbm>>
    tpu.enqueue_indirect_dma source(%dma_start3A_127 : memref<100000x128xf32, #tpu.memory_space<hbm>>) target(%arg12 : memref<128x128xf32, #tpu.memory_space<vmem>>) offsets(%dma_start3A_124 : memref<128xi32, #tpu.memory_space<vmem>>) semaphore(%arg16 : memref<!tpu.dma_semaphore, #tpu.memory_space<semaphore_mem>>) {add = true}
    %dma_wait3A_128 = arith.constant 2 : i32
    %dma_wait3A_129 = arith.constant 0 : i32
    %dma_wait3A_130 = tpu.memref_slice %arg9[%dma_wait3A_128, %dma_wait3A_129] : memref<5x128xi32, #tpu.memory_space<vmem>> -> memref<1x128xi32, #tpu.memory_space<vmem>>
    %dma_wait3A_131 = tpu.memref_squeeze %dma_wait3A_130 : memref<1x128xi32, #tpu.memory_space<vmem>> -> memref<128xi32, #tpu.memory_space<vmem>>
    %dma_wait3A_132 = arith.constant 0 : i32
    %dma_wait3A_133 = arith.constant 0 : i32
    %dma_wait3A_134 = tpu.memref_slice %arg3[%dma_wait3A_132, %dma_wait3A_133] : memref<100000x128xf32, #tpu.memory_space<hbm>> -> memref<100000x128xf32, #tpu.memory_space<hbm>>
    tpu.wait_indirect_dma semaphore(%arg16 : memref<!tpu.dma_semaphore, #tpu.memory_space<semaphore_mem>>) src(%dma_wait3A_134 : memref<100000x128xf32, #tpu.memory_space<hbm>>) dst(%arg12 : memref<128x128xf32, #tpu.memory_space<vmem>>)
    %add3A_135 = arith.constant 256 : i32
    %add3A_136 = arith.addi %mul3A_2, %add3A_135 : i32
    %dma_start3A_137 = arith.constant 0 : i32
    %dma_start3A_138 = tpu.memref_slice %arg7[%add3A_136, %dma_start3A_137] : memref<20480x128xf32, #tpu.memory_space<hbm>> -> memref<128x128xf32, #tpu.memory_space<hbm>>
    %dma_start3A_139 = arith.constant 0 : i32
    %dma_start3A_140 = tpu.memref_slice %arg7[%add3A_136, %dma_start3A_139] : memref<20480x128xf32, #tpu.memory_space<hbm>> -> memref<128x128xf32, #tpu.memory_space<hbm>>
    tpu.enqueue_dma source(%arg12 : memref<128x128xf32, #tpu.memory_space<vmem>>) target(%dma_start3A_140 : memref<128x128xf32, #tpu.memory_space<hbm>>) target_semaphore(%arg20 : memref<!tpu.dma_semaphore, #tpu.memory_space<semaphore_mem>>)
    %dma_wait3A_141 = arith.constant 3 : i32
    %dma_wait3A_142 = arith.constant 0 : i32
    %dma_wait3A_143 = tpu.memref_slice %arg9[%dma_wait3A_141, %dma_wait3A_142] : memref<5x128xi32, #tpu.memory_space<vmem>> -> memref<1x128xi32, #tpu.memory_space<vmem>>
    %dma_wait3A_144 = tpu.memref_squeeze %dma_wait3A_143 : memref<1x128xi32, #tpu.memory_space<vmem>> -> memref<128xi32, #tpu.memory_space<vmem>>
    %dma_wait3A_145 = arith.constant 0 : i32
    %dma_wait3A_146 = arith.constant 0 : i32
    %dma_wait3A_147 = tpu.memref_slice %arg2[%dma_wait3A_145, %dma_wait3A_146] : memref<100000x128xf32, #tpu.memory_space<hbm>> -> memref<100000x128xf32, #tpu.memory_space<hbm>>
    tpu.wait_indirect_dma semaphore(%arg15 : memref<!tpu.dma_semaphore, #tpu.memory_space<semaphore_mem>>) src(%dma_wait3A_147 : memref<100000x128xf32, #tpu.memory_space<hbm>>) dst(%arg13 : memref<128x128xf32, #tpu.memory_space<vmem>>)
    %dma_start3A_148 = arith.constant 3 : i32
    %dma_start3A_149 = arith.constant 0 : i32
    %dma_start3A_150 = tpu.memref_slice %arg9[%dma_start3A_148, %dma_start3A_149] : memref<5x128xi32, #tpu.memory_space<vmem>> -> memref<1x128xi32, #tpu.memory_space<vmem>>
    %dma_start3A_151 = tpu.memref_squeeze %dma_start3A_150 : memref<1x128xi32, #tpu.memory_space<vmem>> -> memref<128xi32, #tpu.memory_space<vmem>>
    %dma_start3A_152 = arith.constant 0 : i32
    %dma_start3A_153 = arith.constant 0 : i32
    %dma_start3A_154 = tpu.memref_slice %arg3[%dma_start3A_152, %dma_start3A_153] : memref<100000x128xf32, #tpu.memory_space<hbm>> -> memref<100000x128xf32, #tpu.memory_space<hbm>>
    tpu.enqueue_indirect_dma source(%dma_start3A_154 : memref<100000x128xf32, #tpu.memory_space<hbm>>) target(%arg13 : memref<128x128xf32, #tpu.memory_space<vmem>>) offsets(%dma_start3A_151 : memref<128xi32, #tpu.memory_space<vmem>>) semaphore(%arg16 : memref<!tpu.dma_semaphore, #tpu.memory_space<semaphore_mem>>) {add = true}
    %dma_wait3A_155 = arith.constant 3 : i32
    %dma_wait3A_156 = arith.constant 0 : i32
    %dma_wait3A_157 = tpu.memref_slice %arg9[%dma_wait3A_155, %dma_wait3A_156] : memref<5x128xi32, #tpu.memory_space<vmem>> -> memref<1x128xi32, #tpu.memory_space<vmem>>
    %dma_wait3A_158 = tpu.memref_squeeze %dma_wait3A_157 : memref<1x128xi32, #tpu.memory_space<vmem>> -> memref<128xi32, #tpu.memory_space<vmem>>
    %dma_wait3A_159 = arith.constant 0 : i32
    %dma_wait3A_160 = arith.constant 0 : i32
    %dma_wait3A_161 = tpu.memref_slice %arg3[%dma_wait3A_159, %dma_wait3A_160] : memref<100000x128xf32, #tpu.memory_space<hbm>> -> memref<100000x128xf32, #tpu.memory_space<hbm>>
    tpu.wait_indirect_dma semaphore(%arg16 : memref<!tpu.dma_semaphore, #tpu.memory_space<semaphore_mem>>) src(%dma_wait3A_161 : memref<100000x128xf32, #tpu.memory_space<hbm>>) dst(%arg13 : memref<128x128xf32, #tpu.memory_space<vmem>>)
    %add3A_162 = arith.constant 384 : i32
    %add3A_163 = arith.addi %mul3A_2, %add3A_162 : i32
    %dma_start3A_164 = arith.constant 0 : i32
    %dma_start3A_165 = tpu.memref_slice %arg7[%add3A_163, %dma_start3A_164] : memref<20480x128xf32, #tpu.memory_space<hbm>> -> memref<128x128xf32, #tpu.memory_space<hbm>>
    %dma_start3A_166 = arith.constant 0 : i32
    %dma_start3A_167 = tpu.memref_slice %arg7[%add3A_163, %dma_start3A_166] : memref<20480x128xf32, #tpu.memory_space<hbm>> -> memref<128x128xf32, #tpu.memory_space<hbm>>
    tpu.enqueue_dma source(%arg13 : memref<128x128xf32, #tpu.memory_space<vmem>>) target(%dma_start3A_167 : memref<128x128xf32, #tpu.memory_space<hbm>>) target_semaphore(%arg21 : memref<!tpu.dma_semaphore, #tpu.memory_space<semaphore_mem>>)
    %dma_wait3A_168 = arith.constant 4 : i32
    %dma_wait3A_169 = arith.constant 0 : i32
    %dma_wait3A_170 = tpu.memref_slice %arg9[%dma_wait3A_168, %dma_wait3A_169] : memref<5x128xi32, #tpu.memory_space<vmem>> -> memref<1x128xi32, #tpu.memory_space<vmem>>
    %dma_wait3A_171 = tpu.memref_squeeze %dma_wait3A_170 : memref<1x128xi32, #tpu.memory_space<vmem>> -> memref<128xi32, #tpu.memory_space<vmem>>
    %dma_wait3A_172 = arith.constant 0 : i32
    %dma_wait3A_173 = arith.constant 0 : i32
    %dma_wait3A_174 = tpu.memref_slice %arg2[%dma_wait3A_172, %dma_wait3A_173] : memref<100000x128xf32, #tpu.memory_space<hbm>> -> memref<100000x128xf32, #tpu.memory_space<hbm>>
    tpu.wait_indirect_dma semaphore(%arg15 : memref<!tpu.dma_semaphore, #tpu.memory_space<semaphore_mem>>) src(%dma_wait3A_174 : memref<100000x128xf32, #tpu.memory_space<hbm>>) dst(%arg10 : memref<128x128xf32, #tpu.memory_space<vmem>>)
    %dma_start3A_175 = arith.constant 4 : i32
    %dma_start3A_176 = arith.constant 0 : i32
    %dma_start3A_177 = tpu.memref_slice %arg9[%dma_start3A_175, %dma_start3A_176] : memref<5x128xi32, #tpu.memory_space<vmem>> -> memref<1x128xi32, #tpu.memory_space<vmem>>
    %dma_start3A_178 = tpu.memref_squeeze %dma_start3A_177 : memref<1x128xi32, #tpu.memory_space<vmem>> -> memref<128xi32, #tpu.memory_space<vmem>>
    %dma_start3A_179 = arith.constant 0 : i32
    %dma_start3A_180 = arith.constant 0 : i32
    %dma_start3A_181 = tpu.memref_slice %arg3[%dma_start3A_179, %dma_start3A_180] : memref<100000x128xf32, #tpu.memory_space<hbm>> -> memref<100000x128xf32, #tpu.memory_space<hbm>>
    tpu.enqueue_indirect_dma source(%dma_start3A_181 : memref<100000x128xf32, #tpu.memory_space<hbm>>) target(%arg10 : memref<128x128xf32, #tpu.memory_space<vmem>>) offsets(%dma_start3A_178 : memref<128xi32, #tpu.memory_space<vmem>>) semaphore(%arg16 : memref<!tpu.dma_semaphore, #tpu.memory_space<semaphore_mem>>) {add = true}
    %dma_wait3A_182 = arith.constant 4 : i32
    %dma_wait3A_183 = arith.constant 0 : i32
    %dma_wait3A_184 = tpu.memref_slice %arg9[%dma_wait3A_182, %dma_wait3A_183] : memref<5x128xi32, #tpu.memory_space<vmem>> -> memref<1x128xi32, #tpu.memory_space<vmem>>
    %dma_wait3A_185 = tpu.memref_squeeze %dma_wait3A_184 : memref<1x128xi32, #tpu.memory_space<vmem>> -> memref<128xi32, #tpu.memory_space<vmem>>
    %dma_wait3A_186 = arith.constant 0 : i32
    %dma_wait3A_187 = arith.constant 0 : i32
    %dma_wait3A_188 = tpu.memref_slice %arg3[%dma_wait3A_186, %dma_wait3A_187] : memref<100000x128xf32, #tpu.memory_space<hbm>> -> memref<100000x128xf32, #tpu.memory_space<hbm>>
    tpu.wait_indirect_dma semaphore(%arg16 : memref<!tpu.dma_semaphore, #tpu.memory_space<semaphore_mem>>) src(%dma_wait3A_188 : memref<100000x128xf32, #tpu.memory_space<hbm>>) dst(%arg10 : memref<128x128xf32, #tpu.memory_space<vmem>>)
    %add3A_189 = arith.constant 512 : i32
    %add3A_190 = arith.addi %mul3A_2, %add3A_189 : i32
    %dma_start3A_191 = arith.constant 0 : i32
    %dma_start3A_192 = tpu.memref_slice %arg7[%add3A_190, %dma_start3A_191] : memref<20480x128xf32, #tpu.memory_space<hbm>> -> memref<128x128xf32, #tpu.memory_space<hbm>>
    %dma_start3A_193 = arith.constant 0 : i32
    %dma_start3A_194 = tpu.memref_slice %arg7[%add3A_190, %dma_start3A_193] : memref<20480x128xf32, #tpu.memory_space<hbm>> -> memref<128x128xf32, #tpu.memory_space<hbm>>
    tpu.enqueue_dma source(%arg10 : memref<128x128xf32, #tpu.memory_space<vmem>>) target(%dma_start3A_194 : memref<128x128xf32, #tpu.memory_space<hbm>>) target_semaphore(%arg18 : memref<!tpu.dma_semaphore, #tpu.memory_space<semaphore_mem>>)
    %dma_wait3A_195 = arith.constant 0 : i32
    %dma_wait3A_196 = tpu.memref_slice %arg7[%add3A_109, %dma_wait3A_195] : memref<20480x128xf32, #tpu.memory_space<hbm>> -> memref<128x128xf32, #tpu.memory_space<hbm>>
    %dma_wait3A_197 = arith.constant 0 : i32
    %dma_wait3A_198 = tpu.memref_slice %arg7[%add3A_109, %dma_wait3A_197] : memref<20480x128xf32, #tpu.memory_space<hbm>> -> memref<128x128xf32, #tpu.memory_space<hbm>>
    tpu.wait_dma2 semaphore(%arg19 : memref<!tpu.dma_semaphore, #tpu.memory_space<semaphore_mem>>) src(%arg11 : memref<128x128xf32, #tpu.memory_space<vmem>>) dst(%dma_wait3A_198 : memref<128x128xf32, #tpu.memory_space<hbm>>)
    %dma_wait3A_199 = arith.constant 0 : i32
    %dma_wait3A_200 = tpu.memref_slice %arg7[%add3A_136, %dma_wait3A_199] : memref<20480x128xf32, #tpu.memory_space<hbm>> -> memref<128x128xf32, #tpu.memory_space<hbm>>
    %dma_wait3A_201 = arith.constant 0 : i32
    %dma_wait3A_202 = tpu.memref_slice %arg7[%add3A_136, %dma_wait3A_201] : memref<20480x128xf32, #tpu.memory_space<hbm>> -> memref<128x128xf32, #tpu.memory_space<hbm>>
    tpu.wait_dma2 semaphore(%arg20 : memref<!tpu.dma_semaphore, #tpu.memory_space<semaphore_mem>>) src(%arg12 : memref<128x128xf32, #tpu.memory_space<vmem>>) dst(%dma_wait3A_202 : memref<128x128xf32, #tpu.memory_space<hbm>>)
    %dma_wait3A_203 = arith.constant 0 : i32
    %dma_wait3A_204 = tpu.memref_slice %arg7[%add3A_163, %dma_wait3A_203] : memref<20480x128xf32, #tpu.memory_space<hbm>> -> memref<128x128xf32, #tpu.memory_space<hbm>>
    %dma_wait3A_205 = arith.constant 0 : i32
    %dma_wait3A_206 = tpu.memref_slice %arg7[%add3A_163, %dma_wait3A_205] : memref<20480x128xf32, #tpu.memory_space<hbm>> -> memref<128x128xf32, #tpu.memory_space<hbm>>
    tpu.wait_dma2 semaphore(%arg21 : memref<!tpu.dma_semaphore, #tpu.memory_space<semaphore_mem>>) src(%arg13 : memref<128x128xf32, #tpu.memory_space<vmem>>) dst(%dma_wait3A_206 : memref<128x128xf32, #tpu.memory_space<hbm>>)
    %dma_wait3A_207 = arith.constant 0 : i32
    %dma_wait3A_208 = tpu.memref_slice %arg7[%add3A_190, %dma_wait3A_207] : memref<20480x128xf32, #tpu.memory_space<hbm>> -> memref<128x128xf32, #tpu.memory_space<hbm>>
    %dma_wait3A_209 = arith.constant 0 : i32
    %dma_wait3A_210 = tpu.memref_slice %arg7[%add3A_190, %dma_wait3A_209] : memref<20480x128xf32, #tpu.memory_space<hbm>> -> memref<128x128xf32, #tpu.memory_space<hbm>>
    tpu.wait_dma2 semaphore(%arg18 : memref<!tpu.dma_semaphore, #tpu.memory_space<semaphore_mem>>) src(%arg10 : memref<128x128xf32, #tpu.memory_space<vmem>>) dst(%dma_wait3A_210 : memref<128x128xf32, #tpu.memory_space<hbm>>)
    %dma_wait3A_211 = arith.constant 0 : i32
    %dma_wait3A_212 = tpu.memref_slice %arg6[%mul3A_16, %dma_wait3A_211] : memref<1024x128xf32, #tpu.memory_space<hbm>> -> memref<32x128xf32, #tpu.memory_space<hbm>>
    %dma_wait3A_213 = arith.constant 0 : i32
    %dma_wait3A_214 = tpu.memref_slice %arg6[%mul3A_16, %dma_wait3A_213] : memref<1024x128xf32, #tpu.memory_space<hbm>> -> memref<32x128xf32, #tpu.memory_space<hbm>>
    tpu.wait_dma2 semaphore(%arg17 : memref<!tpu.dma_semaphore, #tpu.memory_space<semaphore_mem>>) src(%arg14 : memref<32x128xf32, #tpu.memory_space<vmem>>) dst(%dma_wait3A_214 : memref<32x128xf32, #tpu.memory_space<hbm>>)
    return
  }
}

module attributes {stable_mosaic.version = 14 : i64} {
  func.func @_tc_body(%arg0: i32, %arg1: memref<256x128xf32, #tpu.memory_space<vmem>>, %arg2: memref<20x256x128xf32, #tpu.memory_space<vmem>>, %arg3: memref<256x320xf32, #tpu.memory_space<vmem>>, %arg4: memref<256x1xf32, #tpu.memory_space<vmem>>, %arg5: memref<256x20xf32, #tpu.memory_space<vmem>>, %arg6: memref<256x20xi32, #tpu.memory_space<vmem>>, %arg7: memref<1x128xf32, #tpu.memory_space<vmem>>, %arg8: memref<1x128xf32, #tpu.memory_space<vmem>>, %arg9: memref<128x128xf32, #tpu.memory_space<vmem>>, %arg10: memref<128x128xf32, #tpu.memory_space<vmem>>, %arg11: memref<128x128xf32, #tpu.memory_space<vmem>>, %arg12: memref<128x128xf32, #tpu.memory_space<vmem>>, %arg13: memref<320x2560xf32, #tpu.memory_space<vmem>>, %arg14: memref<128x128xf32, #tpu.memory_space<vmem>>, %arg15: memref<128x128xf32, #tpu.memory_space<vmem>>, %arg16: memref<320x2560xf32, #tpu.memory_space<vmem>>, %arg17: memref<128x128xf32, #tpu.memory_space<vmem>>, %arg18: memref<128x128xf32, #tpu.memory_space<vmem>>, %arg19: memref<2560x40xf32, #tpu.memory_space<vmem>>, %arg20: memref<40x2560xf32, #tpu.memory_space<vmem>>, %arg21: memref<2560x128xf32, #tpu.memory_space<vmem>>, %arg22: memref<256x128xf32, #tpu.memory_space<vmem>>, %arg23: memref<256x2560xf32, #tpu.memory_space<vmem>>, %arg24: memref<256x2560xf32, #tpu.memory_space<vmem>>) attributes {dimension_semantics = [#tpu.dimension_semantics<arbitrary>], iteration_bounds = array<i64: 4>, scalar_prefetch = 0 : i64, scratch_operands = 2 : i64, tpu.core_type = #tpu.core_type<tc>, window_params = [{transform_indices = @transform_0, window_bounds = array<i64: 256, 128>}, {transform_indices = @transform_1, window_bounds = array<i64: 20, 256, 128>}, {transform_indices = @transform_2, window_bounds = array<i64: 256, 320>}, {transform_indices = @transform_3, window_bounds = array<i64: 256, 1>}, {transform_indices = @transform_4, window_bounds = array<i64: 256, 20>}, {transform_indices = @transform_5, window_bounds = array<i64: 256, 20>}, {pipeline_mode = #tpu.pipeline_mode<synchronous>, transform_indices = @transform_6, window_bounds = array<i64: 1, 128>}, {pipeline_mode = #tpu.pipeline_mode<synchronous>, transform_indices = @transform_7, window_bounds = array<i64: 1, 128>}, {pipeline_mode = #tpu.pipeline_mode<synchronous>, transform_indices = @transform_8, window_bounds = array<i64: 128, 128>}, {pipeline_mode = #tpu.pipeline_mode<synchronous>, transform_indices = @transform_9, window_bounds = array<i64: 128, 128>}, {pipeline_mode = #tpu.pipeline_mode<synchronous>, transform_indices = @transform_10, window_bounds = array<i64: 128, 128>}, {pipeline_mode = #tpu.pipeline_mode<synchronous>, transform_indices = @transform_11, window_bounds = array<i64: 128, 128>}, {pipeline_mode = #tpu.pipeline_mode<synchronous>, transform_indices = @transform_12, window_bounds = array<i64: 320, 2560>}, {pipeline_mode = #tpu.pipeline_mode<synchronous>, transform_indices = @transform_13, window_bounds = array<i64: 128, 128>}, {pipeline_mode = #tpu.pipeline_mode<synchronous>, transform_indices = @transform_14, window_bounds = array<i64: 128, 128>}, {pipeline_mode = #tpu.pipeline_mode<synchronous>, transform_indices = @transform_15, window_bounds = array<i64: 320, 2560>}, {pipeline_mode = #tpu.pipeline_mode<synchronous>, transform_indices = @transform_16, window_bounds = array<i64: 128, 128>}, {pipeline_mode = #tpu.pipeline_mode<synchronous>, transform_indices = @transform_17, window_bounds = array<i64: 128, 128>}, {pipeline_mode = #tpu.pipeline_mode<synchronous>, transform_indices = @transform_18, window_bounds = array<i64: 2560, 40>}, {pipeline_mode = #tpu.pipeline_mode<synchronous>, transform_indices = @transform_19, window_bounds = array<i64: 40, 2560>}, {pipeline_mode = #tpu.pipeline_mode<synchronous>, transform_indices = @transform_20, window_bounds = array<i64: 2560, 128>}, {transform_indices = @transform_21, window_bounds = array<i64: 256, 128>}]} {
    %get3A = arith.constant 0 : index
    %get3A_0 = arith.constant 0 : index
    %get3A_1 = vector.load %arg1[%get3A, %get3A_0] : memref<256x128xf32, #tpu.memory_space<vmem>>, vector<256x128xf32>
    %get3A_2 = arith.constant 0 : index
    %get3A_3 = arith.constant 0 : index
    %get3A_4 = vector.load %arg7[%get3A_2, %get3A_3] : memref<1x128xf32, #tpu.memory_space<vmem>>, vector<1x128xf32>
    %get3A_5 = arith.constant 0 : index
    %get3A_6 = arith.constant 0 : index
    %get3A_7 = vector.load %arg8[%get3A_5, %get3A_6] : memref<1x128xf32, #tpu.memory_space<vmem>>, vector<1x128xf32>
    %mul3A = arith.constant 0.159154937 : f32
    %mul3A_8 = vector.broadcast %mul3A : f32 to vector<1x128xf32>
    %mul3A_9 = arith.mulf %get3A_7, %mul3A_8 : vector<1x128xf32>
    %round3A = math.roundeven %mul3A_9 : vector<1x128xf32>
    %mul3A_10 = arith.constant 6.281250e+00 : f32
    %mul3A_11 = vector.broadcast %mul3A_10 : f32 to vector<1x128xf32>
    %mul3A_12 = arith.mulf %round3A, %mul3A_11 : vector<1x128xf32>
    %sub3A = arith.subf %get3A_7, %mul3A_12 : vector<1x128xf32>
    %mul3A_13 = arith.constant 0.00193530717 : f32
    %mul3A_14 = vector.broadcast %mul3A_13 : f32 to vector<1x128xf32>
    %mul3A_15 = arith.mulf %round3A, %mul3A_14 : vector<1x128xf32>
    %sub3A_16 = arith.subf %sub3A, %mul3A_15 : vector<1x128xf32>
    %mul3A_17 = arith.constant 1.02531317E-11 : f32
    %mul3A_18 = vector.broadcast %mul3A_17 : f32 to vector<1x128xf32>
    %mul3A_19 = arith.mulf %round3A, %mul3A_18 : vector<1x128xf32>
    %sub3A_20 = arith.subf %sub3A_16, %mul3A_19 : vector<1x128xf32>
    %mul3A_21 = arith.mulf %sub3A_20, %sub3A_20 : vector<1x128xf32>
    %broadcast_in_dim3A = arith.constant -9.66698943E-12 : f32
    %broadcast_in_dim3A_22 = vector.broadcast %broadcast_in_dim3A : f32 to vector<1x128xf32>
    %mul3A_23 = arith.mulf %broadcast_in_dim3A_22, %mul3A_21 : vector<1x128xf32>
    %add3A = arith.constant 2.058480e-09 : f32
    %add3A_24 = vector.broadcast %add3A : f32 to vector<1x128xf32>
    %add3A_25 = arith.addf %mul3A_23, %add3A_24 : vector<1x128xf32>
    %mul3A_26 = arith.mulf %add3A_25, %mul3A_21 : vector<1x128xf32>
    %add3A_27 = arith.constant -2.7532306E-7 : f32
    %add3A_28 = vector.broadcast %add3A_27 : f32 to vector<1x128xf32>
    %add3A_29 = arith.addf %mul3A_26, %add3A_28 : vector<1x128xf32>
    %mul3A_30 = arith.mulf %add3A_29, %mul3A_21 : vector<1x128xf32>
    %add3A_31 = arith.constant 2.48003889E-5 : f32
    %add3A_32 = vector.broadcast %add3A_31 : f32 to vector<1x128xf32>
    %add3A_33 = arith.addf %mul3A_30, %add3A_32 : vector<1x128xf32>
    %mul3A_34 = arith.mulf %add3A_33, %mul3A_21 : vector<1x128xf32>
    %add3A_35 = arith.constant -0.00138888578 : f32
    %add3A_36 = vector.broadcast %add3A_35 : f32 to vector<1x128xf32>
    %add3A_37 = arith.addf %mul3A_34, %add3A_36 : vector<1x128xf32>
    %mul3A_38 = arith.mulf %add3A_37, %mul3A_21 : vector<1x128xf32>
    %add3A_39 = arith.constant 0.0416666642 : f32
    %add3A_40 = vector.broadcast %add3A_39 : f32 to vector<1x128xf32>
    %add3A_41 = arith.addf %mul3A_38, %add3A_40 : vector<1x128xf32>
    %mul3A_42 = arith.mulf %add3A_41, %mul3A_21 : vector<1x128xf32>
    %add3A_43 = arith.constant -5.000000e-01 : f32
    %add3A_44 = vector.broadcast %add3A_43 : f32 to vector<1x128xf32>
    %add3A_45 = arith.addf %mul3A_42, %add3A_44 : vector<1x128xf32>
    %mul3A_46 = arith.mulf %add3A_45, %mul3A_21 : vector<1x128xf32>
    %add3A_47 = arith.constant 1.000000e+00 : f32
    %add3A_48 = vector.broadcast %add3A_47 : f32 to vector<1x128xf32>
    %add3A_49 = arith.addf %mul3A_46, %add3A_48 : vector<1x128xf32>
    %get3A_50 = arith.constant 0 : index
    %get3A_51 = arith.constant 0 : index
    %get3A_52 = vector.load %arg10[%get3A_50, %get3A_51] : memref<128x128xf32, #tpu.memory_space<vmem>>, vector<128x128xf32>
    %dot_general3A = arith.constant dense<0.000000e+00> : vector<1x128xf32>
    %dot_general3A_53 = tpu.matmul %add3A_49, %get3A_52, %dot_general3A {dimension_numbers = #tpu.dot_dimension_numbers<[1], [0], [0], [1], [0, 0, 1, 1], [], []>, transpose_lhs_hint = false} : vector<1x128xf32>, vector<128x128xf32>, vector<1x128xf32> -> vector<1x128xf32>
    %get3A_54 = arith.constant 0 : index
    %get3A_55 = arith.constant 0 : index
    %get3A_56 = vector.load %arg9[%get3A_54, %get3A_55] : memref<128x128xf32, #tpu.memory_space<vmem>>, vector<128x128xf32>
    %dot_general3A_57 = arith.constant dense<0.000000e+00> : vector<256x128xf32>
    %dot_general3A_58 = tpu.matmul %get3A_1, %get3A_56, %dot_general3A_57 {dimension_numbers = #tpu.dot_dimension_numbers<[1], [0], [0], [1], [0, 0, 1, 1], [], []>, transpose_lhs_hint = false} : vector<256x128xf32>, vector<128x128xf32>, vector<256x128xf32> -> vector<256x128xf32>
    %add3A_59 = vector.broadcast %dot_general3A_53 : vector<1x128xf32> to vector<256x128xf32>
    %add3A_60 = arith.addf %dot_general3A_58, %add3A_59 : vector<256x128xf32>
    %mul3A_61 = arith.constant 1.250000e-01 : f32
    %mul3A_62 = vector.broadcast %mul3A_61 : f32 to vector<256x128xf32>
    %mul3A_63 = arith.mulf %add3A_60, %mul3A_62 : vector<256x128xf32>
    %get3A_64 = arith.constant 0 : index
    %get3A_65 = arith.constant 0 : index
    %get3A_66 = vector.load %arg3[%get3A_64, %get3A_65] : memref<256x320xf32, #tpu.memory_space<vmem>>, vector<256x320xf32>
    %get3A_67 = arith.constant 0 : index
    %get3A_68 = arith.constant 0 : index
    %get3A_69 = vector.load %arg13[%get3A_67, %get3A_68] : memref<320x2560xf32, #tpu.memory_space<vmem>>, vector<320x2560xf32>
    %dot_general3A_70 = arith.constant dense<0.000000e+00> : vector<256x2560xf32>
    %dot_general3A_71 = tpu.matmul %get3A_66, %get3A_69, %dot_general3A_70 {dimension_numbers = #tpu.dot_dimension_numbers<[1], [0], [0], [1], [0, 0, 1, 1], [], []>, transpose_lhs_hint = false} : vector<256x320xf32>, vector<320x2560xf32>, vector<256x2560xf32> -> vector<256x2560xf32>
    %get3A_72 = arith.constant 0 : index
    %get3A_73 = arith.constant 0 : index
    %get3A_74 = vector.load %arg3[%get3A_72, %get3A_73] : memref<256x320xf32, #tpu.memory_space<vmem>>, vector<256x320xf32>
    %get3A_75 = arith.constant 0 : index
    %get3A_76 = arith.constant 0 : index
    %get3A_77 = vector.load %arg16[%get3A_75, %get3A_76] : memref<320x2560xf32, #tpu.memory_space<vmem>>, vector<320x2560xf32>
    %dot_general3A_78 = arith.constant dense<0.000000e+00> : vector<256x2560xf32>
    %dot_general3A_79 = tpu.matmul %get3A_74, %get3A_77, %dot_general3A_78 {dimension_numbers = #tpu.dot_dimension_numbers<[1], [0], [0], [1], [0, 0, 1, 1], [], []>, transpose_lhs_hint = false} : vector<256x320xf32>, vector<320x2560xf32>, vector<256x2560xf32> -> vector<256x2560xf32>
    %get3A_80 = arith.constant 0 : index
    %get3A_81 = arith.constant 0 : index
    %get3A_82 = vector.load %arg4[%get3A_80, %get3A_81] : memref<256x1xf32, #tpu.memory_space<vmem>>, vector<256x1xf32>
    %get3A_83 = arith.constant 0 : index
    %get3A_84 = arith.constant 0 : index
    %get3A_85 = vector.load %arg5[%get3A_83, %get3A_84] : memref<256x20xf32, #tpu.memory_space<vmem>>, vector<256x20xf32>
    %sub3A_86 = vector.broadcast %get3A_82 : vector<256x1xf32> to vector<256x20xf32>
    %sub3A_87 = arith.subf %sub3A_86, %get3A_85 : vector<256x20xf32>
    %get3A_88 = arith.constant 0 : index
    %get3A_89 = arith.constant 0 : index
    %get3A_90 = arith.constant 0 : index
    %get3A_91 = vector.load %arg2[%get3A_88, %get3A_89, %get3A_90] : memref<20x256x128xf32, #tpu.memory_space<vmem>>, vector<1x256x128xf32>
    %get3A_92 = vector.shape_cast %get3A_91 : vector<1x256x128xf32> to vector<256x128xf32>
    %slice3A = vector.extract_strided_slice %sub3A_87 {offsets = [0, 0], sizes = [256, 1], strides = [1, 1]} : vector<256x20xf32> to vector<256x1xf32>
    %broadcast_in_dim3A_93 = vector.shape_cast %slice3A : vector<256x1xf32> to vector<256x1xf32>
    %broadcast_in_dim3A_94 = vector.broadcast %broadcast_in_dim3A_93 : vector<256x1xf32> to vector<256x128xf32>
    %mul3A_95 = vector.broadcast %get3A_4 : vector<1x128xf32> to vector<256x128xf32>
    %mul3A_96 = arith.mulf %broadcast_in_dim3A_94, %mul3A_95 : vector<256x128xf32>
    %add3A_97 = vector.broadcast %get3A_7 : vector<1x128xf32> to vector<256x128xf32>
    %add3A_98 = arith.addf %mul3A_96, %add3A_97 : vector<256x128xf32>
    %mul3A_99 = arith.constant 0.159154937 : f32
    %mul3A_100 = vector.broadcast %mul3A_99 : f32 to vector<256x128xf32>
    %mul3A_101 = arith.mulf %add3A_98, %mul3A_100 : vector<256x128xf32>
    %round3A_102 = math.roundeven %mul3A_101 : vector<256x128xf32>
    %mul3A_103 = arith.constant 6.281250e+00 : f32
    %mul3A_104 = vector.broadcast %mul3A_103 : f32 to vector<256x128xf32>
    %mul3A_105 = arith.mulf %round3A_102, %mul3A_104 : vector<256x128xf32>
    %sub3A_106 = arith.subf %add3A_98, %mul3A_105 : vector<256x128xf32>
    %mul3A_107 = arith.constant 0.00193530717 : f32
    %mul3A_108 = vector.broadcast %mul3A_107 : f32 to vector<256x128xf32>
    %mul3A_109 = arith.mulf %round3A_102, %mul3A_108 : vector<256x128xf32>
    %sub3A_110 = arith.subf %sub3A_106, %mul3A_109 : vector<256x128xf32>
    %mul3A_111 = arith.constant 1.02531317E-11 : f32
    %mul3A_112 = vector.broadcast %mul3A_111 : f32 to vector<256x128xf32>
    %mul3A_113 = arith.mulf %round3A_102, %mul3A_112 : vector<256x128xf32>
    %sub3A_114 = arith.subf %sub3A_110, %mul3A_113 : vector<256x128xf32>
    %mul3A_115 = arith.mulf %sub3A_114, %sub3A_114 : vector<256x128xf32>
    %broadcast_in_dim3A_116 = arith.constant -9.66698943E-12 : f32
    %broadcast_in_dim3A_117 = vector.broadcast %broadcast_in_dim3A_116 : f32 to vector<256x128xf32>
    %mul3A_118 = arith.mulf %broadcast_in_dim3A_117, %mul3A_115 : vector<256x128xf32>
    %add3A_119 = arith.constant 2.058480e-09 : f32
    %add3A_120 = vector.broadcast %add3A_119 : f32 to vector<256x128xf32>
    %add3A_121 = arith.addf %mul3A_118, %add3A_120 : vector<256x128xf32>
    %mul3A_122 = arith.mulf %add3A_121, %mul3A_115 : vector<256x128xf32>
    %add3A_123 = arith.constant -2.7532306E-7 : f32
    %add3A_124 = vector.broadcast %add3A_123 : f32 to vector<256x128xf32>
    %add3A_125 = arith.addf %mul3A_122, %add3A_124 : vector<256x128xf32>
    %mul3A_126 = arith.mulf %add3A_125, %mul3A_115 : vector<256x128xf32>
    %add3A_127 = arith.constant 2.48003889E-5 : f32
    %add3A_128 = vector.broadcast %add3A_127 : f32 to vector<256x128xf32>
    %add3A_129 = arith.addf %mul3A_126, %add3A_128 : vector<256x128xf32>
    %mul3A_130 = arith.mulf %add3A_129, %mul3A_115 : vector<256x128xf32>
    %add3A_131 = arith.constant -0.00138888578 : f32
    %add3A_132 = vector.broadcast %add3A_131 : f32 to vector<256x128xf32>
    %add3A_133 = arith.addf %mul3A_130, %add3A_132 : vector<256x128xf32>
    %mul3A_134 = arith.mulf %add3A_133, %mul3A_115 : vector<256x128xf32>
    %add3A_135 = arith.constant 0.0416666642 : f32
    %add3A_136 = vector.broadcast %add3A_135 : f32 to vector<256x128xf32>
    %add3A_137 = arith.addf %mul3A_134, %add3A_136 : vector<256x128xf32>
    %mul3A_138 = arith.mulf %add3A_137, %mul3A_115 : vector<256x128xf32>
    %add3A_139 = arith.constant -5.000000e-01 : f32
    %add3A_140 = vector.broadcast %add3A_139 : f32 to vector<256x128xf32>
    %add3A_141 = arith.addf %mul3A_138, %add3A_140 : vector<256x128xf32>
    %mul3A_142 = arith.mulf %add3A_141, %mul3A_115 : vector<256x128xf32>
    %add3A_143 = arith.constant 1.000000e+00 : f32
    %add3A_144 = vector.broadcast %add3A_143 : f32 to vector<256x128xf32>
    %add3A_145 = arith.addf %mul3A_142, %add3A_144 : vector<256x128xf32>
    %get3A_146 = arith.constant 0 : index
    %get3A_147 = arith.constant 0 : index
    %get3A_148 = vector.load %arg11[%get3A_146, %get3A_147] : memref<128x128xf32, #tpu.memory_space<vmem>>, vector<128x128xf32>
    %dot_general3A_149 = arith.constant dense<0.000000e+00> : vector<256x128xf32>
    %dot_general3A_150 = tpu.matmul %get3A_92, %get3A_148, %dot_general3A_149 {dimension_numbers = #tpu.dot_dimension_numbers<[1], [0], [0], [1], [0, 0, 1, 1], [], []>, transpose_lhs_hint = false} : vector<256x128xf32>, vector<128x128xf32>, vector<256x128xf32> -> vector<256x128xf32>
    %get3A_151 = arith.constant 0 : index
    %get3A_152 = arith.constant 0 : index
    %get3A_153 = vector.load %arg12[%get3A_151, %get3A_152] : memref<128x128xf32, #tpu.memory_space<vmem>>, vector<128x128xf32>
    %dot_general3A_154 = arith.constant dense<0.000000e+00> : vector<256x128xf32>
    %dot_general3A_155 = tpu.matmul %add3A_145, %get3A_153, %dot_general3A_154 {dimension_numbers = #tpu.dot_dimension_numbers<[1], [0], [0], [1], [0, 0, 1, 1], [], []>, transpose_lhs_hint = false} : vector<256x128xf32>, vector<128x128xf32>, vector<256x128xf32> -> vector<256x128xf32>
    %add3A_156 = arith.addf %dot_general3A_150, %dot_general3A_155 : vector<256x128xf32>
    %slice3A_157 = vector.extract_strided_slice %dot_general3A_71 {offsets = [0, 0], sizes = [256, 128], strides = [1, 1]} : vector<256x2560xf32> to vector<256x128xf32>
    %add3A_158 = arith.addf %add3A_156, %slice3A_157 : vector<256x128xf32>
    %get3A_159 = arith.constant 0 : index
    %get3A_160 = arith.constant 0 : index
    %get3A_161 = vector.load %arg14[%get3A_159, %get3A_160] : memref<128x128xf32, #tpu.memory_space<vmem>>, vector<128x128xf32>
    %dot_general3A_162 = arith.constant dense<0.000000e+00> : vector<256x128xf32>
    %dot_general3A_163 = tpu.matmul %get3A_92, %get3A_161, %dot_general3A_162 {dimension_numbers = #tpu.dot_dimension_numbers<[1], [0], [0], [1], [0, 0, 1, 1], [], []>, transpose_lhs_hint = false} : vector<256x128xf32>, vector<128x128xf32>, vector<256x128xf32> -> vector<256x128xf32>
    %get3A_164 = arith.constant 0 : index
    %get3A_165 = arith.constant 0 : index
    %get3A_166 = vector.load %arg15[%get3A_164, %get3A_165] : memref<128x128xf32, #tpu.memory_space<vmem>>, vector<128x128xf32>
    %dot_general3A_167 = arith.constant dense<0.000000e+00> : vector<256x128xf32>
    %dot_general3A_168 = tpu.matmul %add3A_145, %get3A_166, %dot_general3A_167 {dimension_numbers = #tpu.dot_dimension_numbers<[1], [0], [0], [1], [0, 0, 1, 1], [], []>, transpose_lhs_hint = false} : vector<256x128xf32>, vector<128x128xf32>, vector<256x128xf32> -> vector<256x128xf32>
    %add3A_169 = arith.addf %dot_general3A_163, %dot_general3A_168 : vector<256x128xf32>
    %slice3A_170 = vector.extract_strided_slice %dot_general3A_79 {offsets = [0, 0], sizes = [256, 128], strides = [1, 1]} : vector<256x2560xf32> to vector<256x128xf32>
    %add3A_171 = arith.addf %add3A_169, %slice3A_170 : vector<256x128xf32>
    %mul3A_172 = arith.mulf %mul3A_63, %add3A_158 : vector<256x128xf32>
    %swap3A = arith.constant 0 : index
    %swap3A_173 = arith.constant 0 : index
    %swap3A_174 = vector.load %arg23[%swap3A, %swap3A_173] : memref<256x2560xf32, #tpu.memory_space<vmem>>, vector<256x128xf32>
    tpu.vector_store %arg23[%swap3A, %swap3A_173], %mul3A_172 {strides = array<i32>} : memref<256x2560xf32, #tpu.memory_space<vmem>>, vector<256x128xf32>,
    %swap3A_175 = arith.constant 0 : index
    %swap3A_176 = arith.constant 0 : index
    %swap3A_177 = vector.load %arg24[%swap3A_175, %swap3A_176] : memref<256x2560xf32, #tpu.memory_space<vmem>>, vector<256x128xf32>
    tpu.vector_store %arg24[%swap3A_175, %swap3A_176], %add3A_171 {strides = array<i32>} : memref<256x2560xf32, #tpu.memory_space<vmem>>, vector<256x128xf32>,
    %get3A_178 = arith.constant 1 : index
    %get3A_179 = arith.constant 0 : index
    %get3A_180 = arith.constant 0 : index
    %get3A_181 = vector.load %arg2[%get3A_178, %get3A_179, %get3A_180] : memref<20x256x128xf32, #tpu.memory_space<vmem>>, vector<1x256x128xf32>
    %get3A_182 = vector.shape_cast %get3A_181 : vector<1x256x128xf32> to vector<256x128xf32>
    %slice3A_183 = vector.extract_strided_slice %sub3A_87 {offsets = [0, 1], sizes = [256, 1], strides = [1, 1]} : vector<256x20xf32> to vector<256x1xf32>
    %broadcast_in_dim3A_184 = vector.shape_cast %slice3A_183 : vector<256x1xf32> to vector<256x1xf32>
    %broadcast_in_dim3A_185 = vector.broadcast %broadcast_in_dim3A_184 : vector<256x1xf32> to vector<256x128xf32>
    %mul3A_186 = vector.broadcast %get3A_4 : vector<1x128xf32> to vector<256x128xf32>
    %mul3A_187 = arith.mulf %broadcast_in_dim3A_185, %mul3A_186 : vector<256x128xf32>
    %add3A_188 = vector.broadcast %get3A_7 : vector<1x128xf32> to vector<256x128xf32>
    %add3A_189 = arith.addf %mul3A_187, %add3A_188 : vector<256x128xf32>
    %mul3A_190 = arith.constant 0.159154937 : f32
    %mul3A_191 = vector.broadcast %mul3A_190 : f32 to vector<256x128xf32>
    %mul3A_192 = arith.mulf %add3A_189, %mul3A_191 : vector<256x128xf32>
    %round3A_193 = math.roundeven %mul3A_192 : vector<256x128xf32>
    %mul3A_194 = arith.constant 6.281250e+00 : f32
    %mul3A_195 = vector.broadcast %mul3A_194 : f32 to vector<256x128xf32>
    %mul3A_196 = arith.mulf %round3A_193, %mul3A_195 : vector<256x128xf32>
    %sub3A_197 = arith.subf %add3A_189, %mul3A_196 : vector<256x128xf32>
    %mul3A_198 = arith.constant 0.00193530717 : f32
    %mul3A_199 = vector.broadcast %mul3A_198 : f32 to vector<256x128xf32>
    %mul3A_200 = arith.mulf %round3A_193, %mul3A_199 : vector<256x128xf32>
    %sub3A_201 = arith.subf %sub3A_197, %mul3A_200 : vector<256x128xf32>
    %mul3A_202 = arith.constant 1.02531317E-11 : f32
    %mul3A_203 = vector.broadcast %mul3A_202 : f32 to vector<256x128xf32>
    %mul3A_204 = arith.mulf %round3A_193, %mul3A_203 : vector<256x128xf32>
    %sub3A_205 = arith.subf %sub3A_201, %mul3A_204 : vector<256x128xf32>
    %mul3A_206 = arith.mulf %sub3A_205, %sub3A_205 : vector<256x128xf32>
    %broadcast_in_dim3A_207 = arith.constant -9.66698943E-12 : f32
    %broadcast_in_dim3A_208 = vector.broadcast %broadcast_in_dim3A_207 : f32 to vector<256x128xf32>
    %mul3A_209 = arith.mulf %broadcast_in_dim3A_208, %mul3A_206 : vector<256x128xf32>
    %add3A_210 = arith.constant 2.058480e-09 : f32
    %add3A_211 = vector.broadcast %add3A_210 : f32 to vector<256x128xf32>
    %add3A_212 = arith.addf %mul3A_209, %add3A_211 : vector<256x128xf32>
    %mul3A_213 = arith.mulf %add3A_212, %mul3A_206 : vector<256x128xf32>
    %add3A_214 = arith.constant -2.7532306E-7 : f32
    %add3A_215 = vector.broadcast %add3A_214 : f32 to vector<256x128xf32>
    %add3A_216 = arith.addf %mul3A_213, %add3A_215 : vector<256x128xf32>
    %mul3A_217 = arith.mulf %add3A_216, %mul3A_206 : vector<256x128xf32>
    %add3A_218 = arith.constant 2.48003889E-5 : f32
    %add3A_219 = vector.broadcast %add3A_218 : f32 to vector<256x128xf32>
    %add3A_220 = arith.addf %mul3A_217, %add3A_219 : vector<256x128xf32>
    %mul3A_221 = arith.mulf %add3A_220, %mul3A_206 : vector<256x128xf32>
    %add3A_222 = arith.constant -0.00138888578 : f32
    %add3A_223 = vector.broadcast %add3A_222 : f32 to vector<256x128xf32>
    %add3A_224 = arith.addf %mul3A_221, %add3A_223 : vector<256x128xf32>
    %mul3A_225 = arith.mulf %add3A_224, %mul3A_206 : vector<256x128xf32>
    %add3A_226 = arith.constant 0.0416666642 : f32
    %add3A_227 = vector.broadcast %add3A_226 : f32 to vector<256x128xf32>
    %add3A_228 = arith.addf %mul3A_225, %add3A_227 : vector<256x128xf32>
    %mul3A_229 = arith.mulf %add3A_228, %mul3A_206 : vector<256x128xf32>
    %add3A_230 = arith.constant -5.000000e-01 : f32
    %add3A_231 = vector.broadcast %add3A_230 : f32 to vector<256x128xf32>
    %add3A_232 = arith.addf %mul3A_229, %add3A_231 : vector<256x128xf32>
    %mul3A_233 = arith.mulf %add3A_232, %mul3A_206 : vector<256x128xf32>
    %add3A_234 = arith.constant 1.000000e+00 : f32
    %add3A_235 = vector.broadcast %add3A_234 : f32 to vector<256x128xf32>
    %add3A_236 = arith.addf %mul3A_233, %add3A_235 : vector<256x128xf32>
    %get3A_237 = arith.constant 0 : index
    %get3A_238 = arith.constant 0 : index
    %get3A_239 = vector.load %arg11[%get3A_237, %get3A_238] : memref<128x128xf32, #tpu.memory_space<vmem>>, vector<128x128xf32>
    %dot_general3A_240 = arith.constant dense<0.000000e+00> : vector<256x128xf32>
    %dot_general3A_241 = tpu.matmul %get3A_182, %get3A_239, %dot_general3A_240 {dimension_numbers = #tpu.dot_dimension_numbers<[1], [0], [0], [1], [0, 0, 1, 1], [], []>, transpose_lhs_hint = false} : vector<256x128xf32>, vector<128x128xf32>, vector<256x128xf32> -> vector<256x128xf32>
    %get3A_242 = arith.constant 0 : index
    %get3A_243 = arith.constant 0 : index
    %get3A_244 = vector.load %arg12[%get3A_242, %get3A_243] : memref<128x128xf32, #tpu.memory_space<vmem>>, vector<128x128xf32>
    %dot_general3A_245 = arith.constant dense<0.000000e+00> : vector<256x128xf32>
    %dot_general3A_246 = tpu.matmul %add3A_236, %get3A_244, %dot_general3A_245 {dimension_numbers = #tpu.dot_dimension_numbers<[1], [0], [0], [1], [0, 0, 1, 1], [], []>, transpose_lhs_hint = false} : vector<256x128xf32>, vector<128x128xf32>, vector<256x128xf32> -> vector<256x128xf32>
    %add3A_247 = arith.addf %dot_general3A_241, %dot_general3A_246 : vector<256x128xf32>
    %slice3A_248 = vector.extract_strided_slice %dot_general3A_71 {offsets = [0, 128], sizes = [256, 128], strides = [1, 1]} : vector<256x2560xf32> to vector<256x128xf32>
    %add3A_249 = arith.addf %add3A_247, %slice3A_248 : vector<256x128xf32>
    %get3A_250 = arith.constant 0 : index
    %get3A_251 = arith.constant 0 : index
    %get3A_252 = vector.load %arg14[%get3A_250, %get3A_251] : memref<128x128xf32, #tpu.memory_space<vmem>>, vector<128x128xf32>
    %dot_general3A_253 = arith.constant dense<0.000000e+00> : vector<256x128xf32>
    %dot_general3A_254 = tpu.matmul %get3A_182, %get3A_252, %dot_general3A_253 {dimension_numbers = #tpu.dot_dimension_numbers<[1], [0], [0], [1], [0, 0, 1, 1], [], []>, transpose_lhs_hint = false} : vector<256x128xf32>, vector<128x128xf32>, vector<256x128xf32> -> vector<256x128xf32>
    %get3A_255 = arith.constant 0 : index
    %get3A_256 = arith.constant 0 : index
    %get3A_257 = vector.load %arg15[%get3A_255, %get3A_256] : memref<128x128xf32, #tpu.memory_space<vmem>>, vector<128x128xf32>
    %dot_general3A_258 = arith.constant dense<0.000000e+00> : vector<256x128xf32>
    %dot_general3A_259 = tpu.matmul %add3A_236, %get3A_257, %dot_general3A_258 {dimension_numbers = #tpu.dot_dimension_numbers<[1], [0], [0], [1], [0, 0, 1, 1], [], []>, transpose_lhs_hint = false} : vector<256x128xf32>, vector<128x128xf32>, vector<256x128xf32> -> vector<256x128xf32>
    %add3A_260 = arith.addf %dot_general3A_254, %dot_general3A_259 : vector<256x128xf32>
    %slice3A_261 = vector.extract_strided_slice %dot_general3A_79 {offsets = [0, 128], sizes = [256, 128], strides = [1, 1]} : vector<256x2560xf32> to vector<256x128xf32>
    %add3A_262 = arith.addf %add3A_260, %slice3A_261 : vector<256x128xf32>
    %mul3A_263 = arith.mulf %mul3A_63, %add3A_249 : vector<256x128xf32>
    %swap3A_264 = arith.constant 0 : index
    %swap3A_265 = arith.constant 128 : index
    %swap3A_266 = vector.load %arg23[%swap3A_264, %swap3A_265] : memref<256x2560xf32, #tpu.memory_space<vmem>>, vector<256x128xf32>
    tpu.vector_store %arg23[%swap3A_264, %swap3A_265], %mul3A_263 {strides = array<i32>} : memref<256x2560xf32, #tpu.memory_space<vmem>>, vector<256x128xf32>,
    %swap3A_267 = arith.constant 0 : index
    %swap3A_268 = arith.constant 128 : index
    %swap3A_269 = vector.load %arg24[%swap3A_267, %swap3A_268] : memref<256x2560xf32, #tpu.memory_space<vmem>>, vector<256x128xf32>
    tpu.vector_store %arg24[%swap3A_267, %swap3A_268], %add3A_262 {strides = array<i32>} : memref<256x2560xf32, #tpu.memory_space<vmem>>, vector<256x128xf32>,
    %get3A_270 = arith.constant 2 : index
    %get3A_271 = arith.constant 0 : index
    %get3A_272 = arith.constant 0 : index
    %get3A_273 = vector.load %arg2[%get3A_270, %get3A_271, %get3A_272] : memref<20x256x128xf32, #tpu.memory_space<vmem>>, vector<1x256x128xf32>
    %get3A_274 = vector.shape_cast %get3A_273 : vector<1x256x128xf32> to vector<256x128xf32>
    %slice3A_275 = vector.extract_strided_slice %sub3A_87 {offsets = [0, 2], sizes = [256, 1], strides = [1, 1]} : vector<256x20xf32> to vector<256x1xf32>
    %broadcast_in_dim3A_276 = vector.shape_cast %slice3A_275 : vector<256x1xf32> to vector<256x1xf32>
    %broadcast_in_dim3A_277 = vector.broadcast %broadcast_in_dim3A_276 : vector<256x1xf32> to vector<256x128xf32>
    %mul3A_278 = vector.broadcast %get3A_4 : vector<1x128xf32> to vector<256x128xf32>
    %mul3A_279 = arith.mulf %broadcast_in_dim3A_277, %mul3A_278 : vector<256x128xf32>
    %add3A_280 = vector.broadcast %get3A_7 : vector<1x128xf32> to vector<256x128xf32>
    %add3A_281 = arith.addf %mul3A_279, %add3A_280 : vector<256x128xf32>
    %mul3A_282 = arith.constant 0.159154937 : f32
    %mul3A_283 = vector.broadcast %mul3A_282 : f32 to vector<256x128xf32>
    %mul3A_284 = arith.mulf %add3A_281, %mul3A_283 : vector<256x128xf32>
    %round3A_285 = math.roundeven %mul3A_284 : vector<256x128xf32>
    %mul3A_286 = arith.constant 6.281250e+00 : f32
    %mul3A_287 = vector.broadcast %mul3A_286 : f32 to vector<256x128xf32>
    %mul3A_288 = arith.mulf %round3A_285, %mul3A_287 : vector<256x128xf32>
    %sub3A_289 = arith.subf %add3A_281, %mul3A_288 : vector<256x128xf32>
    %mul3A_290 = arith.constant 0.00193530717 : f32
    %mul3A_291 = vector.broadcast %mul3A_290 : f32 to vector<256x128xf32>
    %mul3A_292 = arith.mulf %round3A_285, %mul3A_291 : vector<256x128xf32>
    %sub3A_293 = arith.subf %sub3A_289, %mul3A_292 : vector<256x128xf32>
    %mul3A_294 = arith.constant 1.02531317E-11 : f32
    %mul3A_295 = vector.broadcast %mul3A_294 : f32 to vector<256x128xf32>
    %mul3A_296 = arith.mulf %round3A_285, %mul3A_295 : vector<256x128xf32>
    %sub3A_297 = arith.subf %sub3A_293, %mul3A_296 : vector<256x128xf32>
    %mul3A_298 = arith.mulf %sub3A_297, %sub3A_297 : vector<256x128xf32>
    %broadcast_in_dim3A_299 = arith.constant -9.66698943E-12 : f32
    %broadcast_in_dim3A_300 = vector.broadcast %broadcast_in_dim3A_299 : f32 to vector<256x128xf32>
    %mul3A_301 = arith.mulf %broadcast_in_dim3A_300, %mul3A_298 : vector<256x128xf32>
    %add3A_302 = arith.constant 2.058480e-09 : f32
    %add3A_303 = vector.broadcast %add3A_302 : f32 to vector<256x128xf32>
    %add3A_304 = arith.addf %mul3A_301, %add3A_303 : vector<256x128xf32>
    %mul3A_305 = arith.mulf %add3A_304, %mul3A_298 : vector<256x128xf32>
    %add3A_306 = arith.constant -2.7532306E-7 : f32
    %add3A_307 = vector.broadcast %add3A_306 : f32 to vector<256x128xf32>
    %add3A_308 = arith.addf %mul3A_305, %add3A_307 : vector<256x128xf32>
    %mul3A_309 = arith.mulf %add3A_308, %mul3A_298 : vector<256x128xf32>
    %add3A_310 = arith.constant 2.48003889E-5 : f32
    %add3A_311 = vector.broadcast %add3A_310 : f32 to vector<256x128xf32>
    %add3A_312 = arith.addf %mul3A_309, %add3A_311 : vector<256x128xf32>
    %mul3A_313 = arith.mulf %add3A_312, %mul3A_298 : vector<256x128xf32>
    %add3A_314 = arith.constant -0.00138888578 : f32
    %add3A_315 = vector.broadcast %add3A_314 : f32 to vector<256x128xf32>
    %add3A_316 = arith.addf %mul3A_313, %add3A_315 : vector<256x128xf32>
    %mul3A_317 = arith.mulf %add3A_316, %mul3A_298 : vector<256x128xf32>
    %add3A_318 = arith.constant 0.0416666642 : f32
    %add3A_319 = vector.broadcast %add3A_318 : f32 to vector<256x128xf32>
    %add3A_320 = arith.addf %mul3A_317, %add3A_319 : vector<256x128xf32>
    %mul3A_321 = arith.mulf %add3A_320, %mul3A_298 : vector<256x128xf32>
    %add3A_322 = arith.constant -5.000000e-01 : f32
    %add3A_323 = vector.broadcast %add3A_322 : f32 to vector<256x128xf32>
    %add3A_324 = arith.addf %mul3A_321, %add3A_323 : vector<256x128xf32>
    %mul3A_325 = arith.mulf %add3A_324, %mul3A_298 : vector<256x128xf32>
    %add3A_326 = arith.constant 1.000000e+00 : f32
    %add3A_327 = vector.broadcast %add3A_326 : f32 to vector<256x128xf32>
    %add3A_328 = arith.addf %mul3A_325, %add3A_327 : vector<256x128xf32>
    %get3A_329 = arith.constant 0 : index
    %get3A_330 = arith.constant 0 : index
    %get3A_331 = vector.load %arg11[%get3A_329, %get3A_330] : memref<128x128xf32, #tpu.memory_space<vmem>>, vector<128x128xf32>
    %dot_general3A_332 = arith.constant dense<0.000000e+00> : vector<256x128xf32>
    %dot_general3A_333 = tpu.matmul %get3A_274, %get3A_331, %dot_general3A_332 {dimension_numbers = #tpu.dot_dimension_numbers<[1], [0], [0], [1], [0, 0, 1, 1], [], []>, transpose_lhs_hint = false} : vector<256x128xf32>, vector<128x128xf32>, vector<256x128xf32> -> vector<256x128xf32>
    %get3A_334 = arith.constant 0 : index
    %get3A_335 = arith.constant 0 : index
    %get3A_336 = vector.load %arg12[%get3A_334, %get3A_335] : memref<128x128xf32, #tpu.memory_space<vmem>>, vector<128x128xf32>
    %dot_general3A_337 = arith.constant dense<0.000000e+00> : vector<256x128xf32>
    %dot_general3A_338 = tpu.matmul %add3A_328, %get3A_336, %dot_general3A_337 {dimension_numbers = #tpu.dot_dimension_numbers<[1], [0], [0], [1], [0, 0, 1, 1], [], []>, transpose_lhs_hint = false} : vector<256x128xf32>, vector<128x128xf32>, vector<256x128xf32> -> vector<256x128xf32>
    %add3A_339 = arith.addf %dot_general3A_333, %dot_general3A_338 : vector<256x128xf32>
    %slice3A_340 = vector.extract_strided_slice %dot_general3A_71 {offsets = [0, 256], sizes = [256, 128], strides = [1, 1]} : vector<256x2560xf32> to vector<256x128xf32>
    %add3A_341 = arith.addf %add3A_339, %slice3A_340 : vector<256x128xf32>
    %get3A_342 = arith.constant 0 : index
    %get3A_343 = arith.constant 0 : index
    %get3A_344 = vector.load %arg14[%get3A_342, %get3A_343] : memref<128x128xf32, #tpu.memory_space<vmem>>, vector<128x128xf32>
    %dot_general3A_345 = arith.constant dense<0.000000e+00> : vector<256x128xf32>
    %dot_general3A_346 = tpu.matmul %get3A_274, %get3A_344, %dot_general3A_345 {dimension_numbers = #tpu.dot_dimension_numbers<[1], [0], [0], [1], [0, 0, 1, 1], [], []>, transpose_lhs_hint = false} : vector<256x128xf32>, vector<128x128xf32>, vector<256x128xf32> -> vector<256x128xf32>
    %get3A_347 = arith.constant 0 : index
    %get3A_348 = arith.constant 0 : index
    %get3A_349 = vector.load %arg15[%get3A_347, %get3A_348] : memref<128x128xf32, #tpu.memory_space<vmem>>, vector<128x128xf32>
    %dot_general3A_350 = arith.constant dense<0.000000e+00> : vector<256x128xf32>
    %dot_general3A_351 = tpu.matmul %add3A_328, %get3A_349, %dot_general3A_350 {dimension_numbers = #tpu.dot_dimension_numbers<[1], [0], [0], [1], [0, 0, 1, 1], [], []>, transpose_lhs_hint = false} : vector<256x128xf32>, vector<128x128xf32>, vector<256x128xf32> -> vector<256x128xf32>
    %add3A_352 = arith.addf %dot_general3A_346, %dot_general3A_351 : vector<256x128xf32>
    %slice3A_353 = vector.extract_strided_slice %dot_general3A_79 {offsets = [0, 256], sizes = [256, 128], strides = [1, 1]} : vector<256x2560xf32> to vector<256x128xf32>
    %add3A_354 = arith.addf %add3A_352, %slice3A_353 : vector<256x128xf32>
    %mul3A_355 = arith.mulf %mul3A_63, %add3A_341 : vector<256x128xf32>
    %swap3A_356 = arith.constant 0 : index
    %swap3A_357 = arith.constant 256 : index
    %swap3A_358 = vector.load %arg23[%swap3A_356, %swap3A_357] : memref<256x2560xf32, #tpu.memory_space<vmem>>, vector<256x128xf32>
    tpu.vector_store %arg23[%swap3A_356, %swap3A_357], %mul3A_355 {strides = array<i32>} : memref<256x2560xf32, #tpu.memory_space<vmem>>, vector<256x128xf32>,
    %swap3A_359 = arith.constant 0 : index
    %swap3A_360 = arith.constant 256 : index
    %swap3A_361 = vector.load %arg24[%swap3A_359, %swap3A_360] : memref<256x2560xf32, #tpu.memory_space<vmem>>, vector<256x128xf32>
    tpu.vector_store %arg24[%swap3A_359, %swap3A_360], %add3A_354 {strides = array<i32>} : memref<256x2560xf32, #tpu.memory_space<vmem>>, vector<256x128xf32>,
    %get3A_362 = arith.constant 3 : index
    %get3A_363 = arith.constant 0 : index
    %get3A_364 = arith.constant 0 : index
    %get3A_365 = vector.load %arg2[%get3A_362, %get3A_363, %get3A_364] : memref<20x256x128xf32, #tpu.memory_space<vmem>>, vector<1x256x128xf32>
    %get3A_366 = vector.shape_cast %get3A_365 : vector<1x256x128xf32> to vector<256x128xf32>
    %slice3A_367 = vector.extract_strided_slice %sub3A_87 {offsets = [0, 3], sizes = [256, 1], strides = [1, 1]} : vector<256x20xf32> to vector<256x1xf32>
    %broadcast_in_dim3A_368 = vector.shape_cast %slice3A_367 : vector<256x1xf32> to vector<256x1xf32>
    %broadcast_in_dim3A_369 = vector.broadcast %broadcast_in_dim3A_368 : vector<256x1xf32> to vector<256x128xf32>
    %mul3A_370 = vector.broadcast %get3A_4 : vector<1x128xf32> to vector<256x128xf32>
    %mul3A_371 = arith.mulf %broadcast_in_dim3A_369, %mul3A_370 : vector<256x128xf32>
    %add3A_372 = vector.broadcast %get3A_7 : vector<1x128xf32> to vector<256x128xf32>
    %add3A_373 = arith.addf %mul3A_371, %add3A_372 : vector<256x128xf32>
    %mul3A_374 = arith.constant 0.159154937 : f32
    %mul3A_375 = vector.broadcast %mul3A_374 : f32 to vector<256x128xf32>
    %mul3A_376 = arith.mulf %add3A_373, %mul3A_375 : vector<256x128xf32>
    %round3A_377 = math.roundeven %mul3A_376 : vector<256x128xf32>
    %mul3A_378 = arith.constant 6.281250e+00 : f32
    %mul3A_379 = vector.broadcast %mul3A_378 : f32 to vector<256x128xf32>
    %mul3A_380 = arith.mulf %round3A_377, %mul3A_379 : vector<256x128xf32>
    %sub3A_381 = arith.subf %add3A_373, %mul3A_380 : vector<256x128xf32>
    %mul3A_382 = arith.constant 0.00193530717 : f32
    %mul3A_383 = vector.broadcast %mul3A_382 : f32 to vector<256x128xf32>
    %mul3A_384 = arith.mulf %round3A_377, %mul3A_383 : vector<256x128xf32>
    %sub3A_385 = arith.subf %sub3A_381, %mul3A_384 : vector<256x128xf32>
    %mul3A_386 = arith.constant 1.02531317E-11 : f32
    %mul3A_387 = vector.broadcast %mul3A_386 : f32 to vector<256x128xf32>
    %mul3A_388 = arith.mulf %round3A_377, %mul3A_387 : vector<256x128xf32>
    %sub3A_389 = arith.subf %sub3A_385, %mul3A_388 : vector<256x128xf32>
    %mul3A_390 = arith.mulf %sub3A_389, %sub3A_389 : vector<256x128xf32>
    %broadcast_in_dim3A_391 = arith.constant -9.66698943E-12 : f32
    %broadcast_in_dim3A_392 = vector.broadcast %broadcast_in_dim3A_391 : f32 to vector<256x128xf32>
    %mul3A_393 = arith.mulf %broadcast_in_dim3A_392, %mul3A_390 : vector<256x128xf32>
    %add3A_394 = arith.constant 2.058480e-09 : f32
    %add3A_395 = vector.broadcast %add3A_394 : f32 to vector<256x128xf32>
    %add3A_396 = arith.addf %mul3A_393, %add3A_395 : vector<256x128xf32>
    %mul3A_397 = arith.mulf %add3A_396, %mul3A_390 : vector<256x128xf32>
    %add3A_398 = arith.constant -2.7532306E-7 : f32
    %add3A_399 = vector.broadcast %add3A_398 : f32 to vector<256x128xf32>
    %add3A_400 = arith.addf %mul3A_397, %add3A_399 : vector<256x128xf32>
    %mul3A_401 = arith.mulf %add3A_400, %mul3A_390 : vector<256x128xf32>
    %add3A_402 = arith.constant 2.48003889E-5 : f32
    %add3A_403 = vector.broadcast %add3A_402 : f32 to vector<256x128xf32>
    %add3A_404 = arith.addf %mul3A_401, %add3A_403 : vector<256x128xf32>
    %mul3A_405 = arith.mulf %add3A_404, %mul3A_390 : vector<256x128xf32>
    %add3A_406 = arith.constant -0.00138888578 : f32
    %add3A_407 = vector.broadcast %add3A_406 : f32 to vector<256x128xf32>
    %add3A_408 = arith.addf %mul3A_405, %add3A_407 : vector<256x128xf32>
    %mul3A_409 = arith.mulf %add3A_408, %mul3A_390 : vector<256x128xf32>
    %add3A_410 = arith.constant 0.0416666642 : f32
    %add3A_411 = vector.broadcast %add3A_410 : f32 to vector<256x128xf32>
    %add3A_412 = arith.addf %mul3A_409, %add3A_411 : vector<256x128xf32>
    %mul3A_413 = arith.mulf %add3A_412, %mul3A_390 : vector<256x128xf32>
    %add3A_414 = arith.constant -5.000000e-01 : f32
    %add3A_415 = vector.broadcast %add3A_414 : f32 to vector<256x128xf32>
    %add3A_416 = arith.addf %mul3A_413, %add3A_415 : vector<256x128xf32>
    %mul3A_417 = arith.mulf %add3A_416, %mul3A_390 : vector<256x128xf32>
    %add3A_418 = arith.constant 1.000000e+00 : f32
    %add3A_419 = vector.broadcast %add3A_418 : f32 to vector<256x128xf32>
    %add3A_420 = arith.addf %mul3A_417, %add3A_419 : vector<256x128xf32>
    %get3A_421 = arith.constant 0 : index
    %get3A_422 = arith.constant 0 : index
    %get3A_423 = vector.load %arg11[%get3A_421, %get3A_422] : memref<128x128xf32, #tpu.memory_space<vmem>>, vector<128x128xf32>
    %dot_general3A_424 = arith.constant dense<0.000000e+00> : vector<256x128xf32>
    %dot_general3A_425 = tpu.matmul %get3A_366, %get3A_423, %dot_general3A_424 {dimension_numbers = #tpu.dot_dimension_numbers<[1], [0], [0], [1], [0, 0, 1, 1], [], []>, transpose_lhs_hint = false} : vector<256x128xf32>, vector<128x128xf32>, vector<256x128xf32> -> vector<256x128xf32>
    %get3A_426 = arith.constant 0 : index
    %get3A_427 = arith.constant 0 : index
    %get3A_428 = vector.load %arg12[%get3A_426, %get3A_427] : memref<128x128xf32, #tpu.memory_space<vmem>>, vector<128x128xf32>
    %dot_general3A_429 = arith.constant dense<0.000000e+00> : vector<256x128xf32>
    %dot_general3A_430 = tpu.matmul %add3A_420, %get3A_428, %dot_general3A_429 {dimension_numbers = #tpu.dot_dimension_numbers<[1], [0], [0], [1], [0, 0, 1, 1], [], []>, transpose_lhs_hint = false} : vector<256x128xf32>, vector<128x128xf32>, vector<256x128xf32> -> vector<256x128xf32>
    %add3A_431 = arith.addf %dot_general3A_425, %dot_general3A_430 : vector<256x128xf32>
    %slice3A_432 = vector.extract_strided_slice %dot_general3A_71 {offsets = [0, 384], sizes = [256, 128], strides = [1, 1]} : vector<256x2560xf32> to vector<256x128xf32>
    %add3A_433 = arith.addf %add3A_431, %slice3A_432 : vector<256x128xf32>
    %get3A_434 = arith.constant 0 : index
    %get3A_435 = arith.constant 0 : index
    %get3A_436 = vector.load %arg14[%get3A_434, %get3A_435] : memref<128x128xf32, #tpu.memory_space<vmem>>, vector<128x128xf32>
    %dot_general3A_437 = arith.constant dense<0.000000e+00> : vector<256x128xf32>
    %dot_general3A_438 = tpu.matmul %get3A_366, %get3A_436, %dot_general3A_437 {dimension_numbers = #tpu.dot_dimension_numbers<[1], [0], [0], [1], [0, 0, 1, 1], [], []>, transpose_lhs_hint = false} : vector<256x128xf32>, vector<128x128xf32>, vector<256x128xf32> -> vector<256x128xf32>
    %get3A_439 = arith.constant 0 : index
    %get3A_440 = arith.constant 0 : index
    %get3A_441 = vector.load %arg15[%get3A_439, %get3A_440] : memref<128x128xf32, #tpu.memory_space<vmem>>, vector<128x128xf32>
    %dot_general3A_442 = arith.constant dense<0.000000e+00> : vector<256x128xf32>
    %dot_general3A_443 = tpu.matmul %add3A_420, %get3A_441, %dot_general3A_442 {dimension_numbers = #tpu.dot_dimension_numbers<[1], [0], [0], [1], [0, 0, 1, 1], [], []>, transpose_lhs_hint = false} : vector<256x128xf32>, vector<128x128xf32>, vector<256x128xf32> -> vector<256x128xf32>
    %add3A_444 = arith.addf %dot_general3A_438, %dot_general3A_443 : vector<256x128xf32>
    %slice3A_445 = vector.extract_strided_slice %dot_general3A_79 {offsets = [0, 384], sizes = [256, 128], strides = [1, 1]} : vector<256x2560xf32> to vector<256x128xf32>
    %add3A_446 = arith.addf %add3A_444, %slice3A_445 : vector<256x128xf32>
    %mul3A_447 = arith.mulf %mul3A_63, %add3A_433 : vector<256x128xf32>
    %swap3A_448 = arith.constant 0 : index
    %swap3A_449 = arith.constant 384 : index
    %swap3A_450 = vector.load %arg23[%swap3A_448, %swap3A_449] : memref<256x2560xf32, #tpu.memory_space<vmem>>, vector<256x128xf32>
    tpu.vector_store %arg23[%swap3A_448, %swap3A_449], %mul3A_447 {strides = array<i32>} : memref<256x2560xf32, #tpu.memory_space<vmem>>, vector<256x128xf32>,
    %swap3A_451 = arith.constant 0 : index
    %swap3A_452 = arith.constant 384 : index
    %swap3A_453 = vector.load %arg24[%swap3A_451, %swap3A_452] : memref<256x2560xf32, #tpu.memory_space<vmem>>, vector<256x128xf32>
    tpu.vector_store %arg24[%swap3A_451, %swap3A_452], %add3A_446 {strides = array<i32>} : memref<256x2560xf32, #tpu.memory_space<vmem>>, vector<256x128xf32>,
    %get3A_454 = arith.constant 4 : index
    %get3A_455 = arith.constant 0 : index
    %get3A_456 = arith.constant 0 : index
    %get3A_457 = vector.load %arg2[%get3A_454, %get3A_455, %get3A_456] : memref<20x256x128xf32, #tpu.memory_space<vmem>>, vector<1x256x128xf32>
    %get3A_458 = vector.shape_cast %get3A_457 : vector<1x256x128xf32> to vector<256x128xf32>
    %slice3A_459 = vector.extract_strided_slice %sub3A_87 {offsets = [0, 4], sizes = [256, 1], strides = [1, 1]} : vector<256x20xf32> to vector<256x1xf32>
    %broadcast_in_dim3A_460 = vector.shape_cast %slice3A_459 : vector<256x1xf32> to vector<256x1xf32>
    %broadcast_in_dim3A_461 = vector.broadcast %broadcast_in_dim3A_460 : vector<256x1xf32> to vector<256x128xf32>
    %mul3A_462 = vector.broadcast %get3A_4 : vector<1x128xf32> to vector<256x128xf32>
    %mul3A_463 = arith.mulf %broadcast_in_dim3A_461, %mul3A_462 : vector<256x128xf32>
    %add3A_464 = vector.broadcast %get3A_7 : vector<1x128xf32> to vector<256x128xf32>
    %add3A_465 = arith.addf %mul3A_463, %add3A_464 : vector<256x128xf32>
    %mul3A_466 = arith.constant 0.159154937 : f32
    %mul3A_467 = vector.broadcast %mul3A_466 : f32 to vector<256x128xf32>
    %mul3A_468 = arith.mulf %add3A_465, %mul3A_467 : vector<256x128xf32>
    %round3A_469 = math.roundeven %mul3A_468 : vector<256x128xf32>
    %mul3A_470 = arith.constant 6.281250e+00 : f32
    %mul3A_471 = vector.broadcast %mul3A_470 : f32 to vector<256x128xf32>
    %mul3A_472 = arith.mulf %round3A_469, %mul3A_471 : vector<256x128xf32>
    %sub3A_473 = arith.subf %add3A_465, %mul3A_472 : vector<256x128xf32>
    %mul3A_474 = arith.constant 0.00193530717 : f32
    %mul3A_475 = vector.broadcast %mul3A_474 : f32 to vector<256x128xf32>
    %mul3A_476 = arith.mulf %round3A_469, %mul3A_475 : vector<256x128xf32>
    %sub3A_477 = arith.subf %sub3A_473, %mul3A_476 : vector<256x128xf32>
    %mul3A_478 = arith.constant 1.02531317E-11 : f32
    %mul3A_479 = vector.broadcast %mul3A_478 : f32 to vector<256x128xf32>
    %mul3A_480 = arith.mulf %round3A_469, %mul3A_479 : vector<256x128xf32>
    %sub3A_481 = arith.subf %sub3A_477, %mul3A_480 : vector<256x128xf32>
    %mul3A_482 = arith.mulf %sub3A_481, %sub3A_481 : vector<256x128xf32>
    %broadcast_in_dim3A_483 = arith.constant -9.66698943E-12 : f32
    %broadcast_in_dim3A_484 = vector.broadcast %broadcast_in_dim3A_483 : f32 to vector<256x128xf32>
    %mul3A_485 = arith.mulf %broadcast_in_dim3A_484, %mul3A_482 : vector<256x128xf32>
    %add3A_486 = arith.constant 2.058480e-09 : f32
    %add3A_487 = vector.broadcast %add3A_486 : f32 to vector<256x128xf32>
    %add3A_488 = arith.addf %mul3A_485, %add3A_487 : vector<256x128xf32>
    %mul3A_489 = arith.mulf %add3A_488, %mul3A_482 : vector<256x128xf32>
    %add3A_490 = arith.constant -2.7532306E-7 : f32
    %add3A_491 = vector.broadcast %add3A_490 : f32 to vector<256x128xf32>
    %add3A_492 = arith.addf %mul3A_489, %add3A_491 : vector<256x128xf32>
    %mul3A_493 = arith.mulf %add3A_492, %mul3A_482 : vector<256x128xf32>
    %add3A_494 = arith.constant 2.48003889E-5 : f32
    %add3A_495 = vector.broadcast %add3A_494 : f32 to vector<256x128xf32>
    %add3A_496 = arith.addf %mul3A_493, %add3A_495 : vector<256x128xf32>
    %mul3A_497 = arith.mulf %add3A_496, %mul3A_482 : vector<256x128xf32>
    %add3A_498 = arith.constant -0.00138888578 : f32
    %add3A_499 = vector.broadcast %add3A_498 : f32 to vector<256x128xf32>
    %add3A_500 = arith.addf %mul3A_497, %add3A_499 : vector<256x128xf32>
    %mul3A_501 = arith.mulf %add3A_500, %mul3A_482 : vector<256x128xf32>
    %add3A_502 = arith.constant 0.0416666642 : f32
    %add3A_503 = vector.broadcast %add3A_502 : f32 to vector<256x128xf32>
    %add3A_504 = arith.addf %mul3A_501, %add3A_503 : vector<256x128xf32>
    %mul3A_505 = arith.mulf %add3A_504, %mul3A_482 : vector<256x128xf32>
    %add3A_506 = arith.constant -5.000000e-01 : f32
    %add3A_507 = vector.broadcast %add3A_506 : f32 to vector<256x128xf32>
    %add3A_508 = arith.addf %mul3A_505, %add3A_507 : vector<256x128xf32>
    %mul3A_509 = arith.mulf %add3A_508, %mul3A_482 : vector<256x128xf32>
    %add3A_510 = arith.constant 1.000000e+00 : f32
    %add3A_511 = vector.broadcast %add3A_510 : f32 to vector<256x128xf32>
    %add3A_512 = arith.addf %mul3A_509, %add3A_511 : vector<256x128xf32>
    %get3A_513 = arith.constant 0 : index
    %get3A_514 = arith.constant 0 : index
    %get3A_515 = vector.load %arg11[%get3A_513, %get3A_514] : memref<128x128xf32, #tpu.memory_space<vmem>>, vector<128x128xf32>
    %dot_general3A_516 = arith.constant dense<0.000000e+00> : vector<256x128xf32>
    %dot_general3A_517 = tpu.matmul %get3A_458, %get3A_515, %dot_general3A_516 {dimension_numbers = #tpu.dot_dimension_numbers<[1], [0], [0], [1], [0, 0, 1, 1], [], []>, transpose_lhs_hint = false} : vector<256x128xf32>, vector<128x128xf32>, vector<256x128xf32> -> vector<256x128xf32>
    %get3A_518 = arith.constant 0 : index
    %get3A_519 = arith.constant 0 : index
    %get3A_520 = vector.load %arg12[%get3A_518, %get3A_519] : memref<128x128xf32, #tpu.memory_space<vmem>>, vector<128x128xf32>
    %dot_general3A_521 = arith.constant dense<0.000000e+00> : vector<256x128xf32>
    %dot_general3A_522 = tpu.matmul %add3A_512, %get3A_520, %dot_general3A_521 {dimension_numbers = #tpu.dot_dimension_numbers<[1], [0], [0], [1], [0, 0, 1, 1], [], []>, transpose_lhs_hint = false} : vector<256x128xf32>, vector<128x128xf32>, vector<256x128xf32> -> vector<256x128xf32>
    %add3A_523 = arith.addf %dot_general3A_517, %dot_general3A_522 : vector<256x128xf32>
    %slice3A_524 = vector.extract_strided_slice %dot_general3A_71 {offsets = [0, 512], sizes = [256, 128], strides = [1, 1]} : vector<256x2560xf32> to vector<256x128xf32>
    %add3A_525 = arith.addf %add3A_523, %slice3A_524 : vector<256x128xf32>
    %get3A_526 = arith.constant 0 : index
    %get3A_527 = arith.constant 0 : index
    %get3A_528 = vector.load %arg14[%get3A_526, %get3A_527] : memref<128x128xf32, #tpu.memory_space<vmem>>, vector<128x128xf32>
    %dot_general3A_529 = arith.constant dense<0.000000e+00> : vector<256x128xf32>
    %dot_general3A_530 = tpu.matmul %get3A_458, %get3A_528, %dot_general3A_529 {dimension_numbers = #tpu.dot_dimension_numbers<[1], [0], [0], [1], [0, 0, 1, 1], [], []>, transpose_lhs_hint = false} : vector<256x128xf32>, vector<128x128xf32>, vector<256x128xf32> -> vector<256x128xf32>
    %get3A_531 = arith.constant 0 : index
    %get3A_532 = arith.constant 0 : index
    %get3A_533 = vector.load %arg15[%get3A_531, %get3A_532] : memref<128x128xf32, #tpu.memory_space<vmem>>, vector<128x128xf32>
    %dot_general3A_534 = arith.constant dense<0.000000e+00> : vector<256x128xf32>
    %dot_general3A_535 = tpu.matmul %add3A_512, %get3A_533, %dot_general3A_534 {dimension_numbers = #tpu.dot_dimension_numbers<[1], [0], [0], [1], [0, 0, 1, 1], [], []>, transpose_lhs_hint = false} : vector<256x128xf32>, vector<128x128xf32>, vector<256x128xf32> -> vector<256x128xf32>
    %add3A_536 = arith.addf %dot_general3A_530, %dot_general3A_535 : vector<256x128xf32>
    %slice3A_537 = vector.extract_strided_slice %dot_general3A_79 {offsets = [0, 512], sizes = [256, 128], strides = [1, 1]} : vector<256x2560xf32> to vector<256x128xf32>
    %add3A_538 = arith.addf %add3A_536, %slice3A_537 : vector<256x128xf32>
    %mul3A_539 = arith.mulf %mul3A_63, %add3A_525 : vector<256x128xf32>
    %swap3A_540 = arith.constant 0 : index
    %swap3A_541 = arith.constant 512 : index
    %swap3A_542 = vector.load %arg23[%swap3A_540, %swap3A_541] : memref<256x2560xf32, #tpu.memory_space<vmem>>, vector<256x128xf32>
    tpu.vector_store %arg23[%swap3A_540, %swap3A_541], %mul3A_539 {strides = array<i32>} : memref<256x2560xf32, #tpu.memory_space<vmem>>, vector<256x128xf32>,
    %swap3A_543 = arith.constant 0 : index
    %swap3A_544 = arith.constant 512 : index
    %swap3A_545 = vector.load %arg24[%swap3A_543, %swap3A_544] : memref<256x2560xf32, #tpu.memory_space<vmem>>, vector<256x128xf32>
    tpu.vector_store %arg24[%swap3A_543, %swap3A_544], %add3A_538 {strides = array<i32>} : memref<256x2560xf32, #tpu.memory_space<vmem>>, vector<256x128xf32>,
    %get3A_546 = arith.constant 5 : index
    %get3A_547 = arith.constant 0 : index
    %get3A_548 = arith.constant 0 : index
    %get3A_549 = vector.load %arg2[%get3A_546, %get3A_547, %get3A_548] : memref<20x256x128xf32, #tpu.memory_space<vmem>>, vector<1x256x128xf32>
    %get3A_550 = vector.shape_cast %get3A_549 : vector<1x256x128xf32> to vector<256x128xf32>
    %slice3A_551 = vector.extract_strided_slice %sub3A_87 {offsets = [0, 5], sizes = [256, 1], strides = [1, 1]} : vector<256x20xf32> to vector<256x1xf32>
    %broadcast_in_dim3A_552 = vector.shape_cast %slice3A_551 : vector<256x1xf32> to vector<256x1xf32>
    %broadcast_in_dim3A_553 = vector.broadcast %broadcast_in_dim3A_552 : vector<256x1xf32> to vector<256x128xf32>
    %mul3A_554 = vector.broadcast %get3A_4 : vector<1x128xf32> to vector<256x128xf32>
    %mul3A_555 = arith.mulf %broadcast_in_dim3A_553, %mul3A_554 : vector<256x128xf32>
    %add3A_556 = vector.broadcast %get3A_7 : vector<1x128xf32> to vector<256x128xf32>
    %add3A_557 = arith.addf %mul3A_555, %add3A_556 : vector<256x128xf32>
    %mul3A_558 = arith.constant 0.159154937 : f32
    %mul3A_559 = vector.broadcast %mul3A_558 : f32 to vector<256x128xf32>
    %mul3A_560 = arith.mulf %add3A_557, %mul3A_559 : vector<256x128xf32>
    %round3A_561 = math.roundeven %mul3A_560 : vector<256x128xf32>
    %mul3A_562 = arith.constant 6.281250e+00 : f32
    %mul3A_563 = vector.broadcast %mul3A_562 : f32 to vector<256x128xf32>
    %mul3A_564 = arith.mulf %round3A_561, %mul3A_563 : vector<256x128xf32>
    %sub3A_565 = arith.subf %add3A_557, %mul3A_564 : vector<256x128xf32>
    %mul3A_566 = arith.constant 0.00193530717 : f32
    %mul3A_567 = vector.broadcast %mul3A_566 : f32 to vector<256x128xf32>
    %mul3A_568 = arith.mulf %round3A_561, %mul3A_567 : vector<256x128xf32>
    %sub3A_569 = arith.subf %sub3A_565, %mul3A_568 : vector<256x128xf32>
    %mul3A_570 = arith.constant 1.02531317E-11 : f32
    %mul3A_571 = vector.broadcast %mul3A_570 : f32 to vector<256x128xf32>
    %mul3A_572 = arith.mulf %round3A_561, %mul3A_571 : vector<256x128xf32>
    %sub3A_573 = arith.subf %sub3A_569, %mul3A_572 : vector<256x128xf32>
    %mul3A_574 = arith.mulf %sub3A_573, %sub3A_573 : vector<256x128xf32>
    %broadcast_in_dim3A_575 = arith.constant -9.66698943E-12 : f32
    %broadcast_in_dim3A_576 = vector.broadcast %broadcast_in_dim3A_575 : f32 to vector<256x128xf32>
    %mul3A_577 = arith.mulf %broadcast_in_dim3A_576, %mul3A_574 : vector<256x128xf32>
    %add3A_578 = arith.constant 2.058480e-09 : f32
    %add3A_579 = vector.broadcast %add3A_578 : f32 to vector<256x128xf32>
    %add3A_580 = arith.addf %mul3A_577, %add3A_579 : vector<256x128xf32>
    %mul3A_581 = arith.mulf %add3A_580, %mul3A_574 : vector<256x128xf32>
    %add3A_582 = arith.constant -2.7532306E-7 : f32
    %add3A_583 = vector.broadcast %add3A_582 : f32 to vector<256x128xf32>
    %add3A_584 = arith.addf %mul3A_581, %add3A_583 : vector<256x128xf32>
    %mul3A_585 = arith.mulf %add3A_584, %mul3A_574 : vector<256x128xf32>
    %add3A_586 = arith.constant 2.48003889E-5 : f32
    %add3A_587 = vector.broadcast %add3A_586 : f32 to vector<256x128xf32>
    %add3A_588 = arith.addf %mul3A_585, %add3A_587 : vector<256x128xf32>
    %mul3A_589 = arith.mulf %add3A_588, %mul3A_574 : vector<256x128xf32>
    %add3A_590 = arith.constant -0.00138888578 : f32
    %add3A_591 = vector.broadcast %add3A_590 : f32 to vector<256x128xf32>
    %add3A_592 = arith.addf %mul3A_589, %add3A_591 : vector<256x128xf32>
    %mul3A_593 = arith.mulf %add3A_592, %mul3A_574 : vector<256x128xf32>
    %add3A_594 = arith.constant 0.0416666642 : f32
    %add3A_595 = vector.broadcast %add3A_594 : f32 to vector<256x128xf32>
    %add3A_596 = arith.addf %mul3A_593, %add3A_595 : vector<256x128xf32>
    %mul3A_597 = arith.mulf %add3A_596, %mul3A_574 : vector<256x128xf32>
    %add3A_598 = arith.constant -5.000000e-01 : f32
    %add3A_599 = vector.broadcast %add3A_598 : f32 to vector<256x128xf32>
    %add3A_600 = arith.addf %mul3A_597, %add3A_599 : vector<256x128xf32>
    %mul3A_601 = arith.mulf %add3A_600, %mul3A_574 : vector<256x128xf32>
    %add3A_602 = arith.constant 1.000000e+00 : f32
    %add3A_603 = vector.broadcast %add3A_602 : f32 to vector<256x128xf32>
    %add3A_604 = arith.addf %mul3A_601, %add3A_603 : vector<256x128xf32>
    %get3A_605 = arith.constant 0 : index
    %get3A_606 = arith.constant 0 : index
    %get3A_607 = vector.load %arg11[%get3A_605, %get3A_606] : memref<128x128xf32, #tpu.memory_space<vmem>>, vector<128x128xf32>
    %dot_general3A_608 = arith.constant dense<0.000000e+00> : vector<256x128xf32>
    %dot_general3A_609 = tpu.matmul %get3A_550, %get3A_607, %dot_general3A_608 {dimension_numbers = #tpu.dot_dimension_numbers<[1], [0], [0], [1], [0, 0, 1, 1], [], []>, transpose_lhs_hint = false} : vector<256x128xf32>, vector<128x128xf32>, vector<256x128xf32> -> vector<256x128xf32>
    %get3A_610 = arith.constant 0 : index
    %get3A_611 = arith.constant 0 : index
    %get3A_612 = vector.load %arg12[%get3A_610, %get3A_611] : memref<128x128xf32, #tpu.memory_space<vmem>>, vector<128x128xf32>
    %dot_general3A_613 = arith.constant dense<0.000000e+00> : vector<256x128xf32>
    %dot_general3A_614 = tpu.matmul %add3A_604, %get3A_612, %dot_general3A_613 {dimension_numbers = #tpu.dot_dimension_numbers<[1], [0], [0], [1], [0, 0, 1, 1], [], []>, transpose_lhs_hint = false} : vector<256x128xf32>, vector<128x128xf32>, vector<256x128xf32> -> vector<256x128xf32>
    %add3A_615 = arith.addf %dot_general3A_609, %dot_general3A_614 : vector<256x128xf32>
    %slice3A_616 = vector.extract_strided_slice %dot_general3A_71 {offsets = [0, 640], sizes = [256, 128], strides = [1, 1]} : vector<256x2560xf32> to vector<256x128xf32>
    %add3A_617 = arith.addf %add3A_615, %slice3A_616 : vector<256x128xf32>
    %get3A_618 = arith.constant 0 : index
    %get3A_619 = arith.constant 0 : index
    %get3A_620 = vector.load %arg14[%get3A_618, %get3A_619] : memref<128x128xf32, #tpu.memory_space<vmem>>, vector<128x128xf32>
    %dot_general3A_621 = arith.constant dense<0.000000e+00> : vector<256x128xf32>
    %dot_general3A_622 = tpu.matmul %get3A_550, %get3A_620, %dot_general3A_621 {dimension_numbers = #tpu.dot_dimension_numbers<[1], [0], [0], [1], [0, 0, 1, 1], [], []>, transpose_lhs_hint = false} : vector<256x128xf32>, vector<128x128xf32>, vector<256x128xf32> -> vector<256x128xf32>
    %get3A_623 = arith.constant 0 : index
    %get3A_624 = arith.constant 0 : index
    %get3A_625 = vector.load %arg15[%get3A_623, %get3A_624] : memref<128x128xf32, #tpu.memory_space<vmem>>, vector<128x128xf32>
    %dot_general3A_626 = arith.constant dense<0.000000e+00> : vector<256x128xf32>
    %dot_general3A_627 = tpu.matmul %add3A_604, %get3A_625, %dot_general3A_626 {dimension_numbers = #tpu.dot_dimension_numbers<[1], [0], [0], [1], [0, 0, 1, 1], [], []>, transpose_lhs_hint = false} : vector<256x128xf32>, vector<128x128xf32>, vector<256x128xf32> -> vector<256x128xf32>
    %add3A_628 = arith.addf %dot_general3A_622, %dot_general3A_627 : vector<256x128xf32>
    %slice3A_629 = vector.extract_strided_slice %dot_general3A_79 {offsets = [0, 640], sizes = [256, 128], strides = [1, 1]} : vector<256x2560xf32> to vector<256x128xf32>
    %add3A_630 = arith.addf %add3A_628, %slice3A_629 : vector<256x128xf32>
    %mul3A_631 = arith.mulf %mul3A_63, %add3A_617 : vector<256x128xf32>
    %swap3A_632 = arith.constant 0 : index
    %swap3A_633 = arith.constant 640 : index
    %swap3A_634 = vector.load %arg23[%swap3A_632, %swap3A_633] : memref<256x2560xf32, #tpu.memory_space<vmem>>, vector<256x128xf32>
    tpu.vector_store %arg23[%swap3A_632, %swap3A_633], %mul3A_631 {strides = array<i32>} : memref<256x2560xf32, #tpu.memory_space<vmem>>, vector<256x128xf32>,
    %swap3A_635 = arith.constant 0 : index
    %swap3A_636 = arith.constant 640 : index
    %swap3A_637 = vector.load %arg24[%swap3A_635, %swap3A_636] : memref<256x2560xf32, #tpu.memory_space<vmem>>, vector<256x128xf32>
    tpu.vector_store %arg24[%swap3A_635, %swap3A_636], %add3A_630 {strides = array<i32>} : memref<256x2560xf32, #tpu.memory_space<vmem>>, vector<256x128xf32>,
    %get3A_638 = arith.constant 6 : index
    %get3A_639 = arith.constant 0 : index
    %get3A_640 = arith.constant 0 : index
    %get3A_641 = vector.load %arg2[%get3A_638, %get3A_639, %get3A_640] : memref<20x256x128xf32, #tpu.memory_space<vmem>>, vector<1x256x128xf32>
    %get3A_642 = vector.shape_cast %get3A_641 : vector<1x256x128xf32> to vector<256x128xf32>
    %slice3A_643 = vector.extract_strided_slice %sub3A_87 {offsets = [0, 6], sizes = [256, 1], strides = [1, 1]} : vector<256x20xf32> to vector<256x1xf32>
    %broadcast_in_dim3A_644 = vector.shape_cast %slice3A_643 : vector<256x1xf32> to vector<256x1xf32>
    %broadcast_in_dim3A_645 = vector.broadcast %broadcast_in_dim3A_644 : vector<256x1xf32> to vector<256x128xf32>
    %mul3A_646 = vector.broadcast %get3A_4 : vector<1x128xf32> to vector<256x128xf32>
    %mul3A_647 = arith.mulf %broadcast_in_dim3A_645, %mul3A_646 : vector<256x128xf32>
    %add3A_648 = vector.broadcast %get3A_7 : vector<1x128xf32> to vector<256x128xf32>
    %add3A_649 = arith.addf %mul3A_647, %add3A_648 : vector<256x128xf32>
    %mul3A_650 = arith.constant 0.159154937 : f32
    %mul3A_651 = vector.broadcast %mul3A_650 : f32 to vector<256x128xf32>
    %mul3A_652 = arith.mulf %add3A_649, %mul3A_651 : vector<256x128xf32>
    %round3A_653 = math.roundeven %mul3A_652 : vector<256x128xf32>
    %mul3A_654 = arith.constant 6.281250e+00 : f32
    %mul3A_655 = vector.broadcast %mul3A_654 : f32 to vector<256x128xf32>
    %mul3A_656 = arith.mulf %round3A_653, %mul3A_655 : vector<256x128xf32>
    %sub3A_657 = arith.subf %add3A_649, %mul3A_656 : vector<256x128xf32>
    %mul3A_658 = arith.constant 0.00193530717 : f32
    %mul3A_659 = vector.broadcast %mul3A_658 : f32 to vector<256x128xf32>
    %mul3A_660 = arith.mulf %round3A_653, %mul3A_659 : vector<256x128xf32>
    %sub3A_661 = arith.subf %sub3A_657, %mul3A_660 : vector<256x128xf32>
    %mul3A_662 = arith.constant 1.02531317E-11 : f32
    %mul3A_663 = vector.broadcast %mul3A_662 : f32 to vector<256x128xf32>
    %mul3A_664 = arith.mulf %round3A_653, %mul3A_663 : vector<256x128xf32>
    %sub3A_665 = arith.subf %sub3A_661, %mul3A_664 : vector<256x128xf32>
    %mul3A_666 = arith.mulf %sub3A_665, %sub3A_665 : vector<256x128xf32>
    %broadcast_in_dim3A_667 = arith.constant -9.66698943E-12 : f32
    %broadcast_in_dim3A_668 = vector.broadcast %broadcast_in_dim3A_667 : f32 to vector<256x128xf32>
    %mul3A_669 = arith.mulf %broadcast_in_dim3A_668, %mul3A_666 : vector<256x128xf32>
    %add3A_670 = arith.constant 2.058480e-09 : f32
    %add3A_671 = vector.broadcast %add3A_670 : f32 to vector<256x128xf32>
    %add3A_672 = arith.addf %mul3A_669, %add3A_671 : vector<256x128xf32>
    %mul3A_673 = arith.mulf %add3A_672, %mul3A_666 : vector<256x128xf32>
    %add3A_674 = arith.constant -2.7532306E-7 : f32
    %add3A_675 = vector.broadcast %add3A_674 : f32 to vector<256x128xf32>
    %add3A_676 = arith.addf %mul3A_673, %add3A_675 : vector<256x128xf32>
    %mul3A_677 = arith.mulf %add3A_676, %mul3A_666 : vector<256x128xf32>
    %add3A_678 = arith.constant 2.48003889E-5 : f32
    %add3A_679 = vector.broadcast %add3A_678 : f32 to vector<256x128xf32>
    %add3A_680 = arith.addf %mul3A_677, %add3A_679 : vector<256x128xf32>
    %mul3A_681 = arith.mulf %add3A_680, %mul3A_666 : vector<256x128xf32>
    %add3A_682 = arith.constant -0.00138888578 : f32
    %add3A_683 = vector.broadcast %add3A_682 : f32 to vector<256x128xf32>
    %add3A_684 = arith.addf %mul3A_681, %add3A_683 : vector<256x128xf32>
    %mul3A_685 = arith.mulf %add3A_684, %mul3A_666 : vector<256x128xf32>
    %add3A_686 = arith.constant 0.0416666642 : f32
    %add3A_687 = vector.broadcast %add3A_686 : f32 to vector<256x128xf32>
    %add3A_688 = arith.addf %mul3A_685, %add3A_687 : vector<256x128xf32>
    %mul3A_689 = arith.mulf %add3A_688, %mul3A_666 : vector<256x128xf32>
    %add3A_690 = arith.constant -5.000000e-01 : f32
    %add3A_691 = vector.broadcast %add3A_690 : f32 to vector<256x128xf32>
    %add3A_692 = arith.addf %mul3A_689, %add3A_691 : vector<256x128xf32>
    %mul3A_693 = arith.mulf %add3A_692, %mul3A_666 : vector<256x128xf32>
    %add3A_694 = arith.constant 1.000000e+00 : f32
    %add3A_695 = vector.broadcast %add3A_694 : f32 to vector<256x128xf32>
    %add3A_696 = arith.addf %mul3A_693, %add3A_695 : vector<256x128xf32>
    %get3A_697 = arith.constant 0 : index
    %get3A_698 = arith.constant 0 : index
    %get3A_699 = vector.load %arg11[%get3A_697, %get3A_698] : memref<128x128xf32, #tpu.memory_space<vmem>>, vector<128x128xf32>
    %dot_general3A_700 = arith.constant dense<0.000000e+00> : vector<256x128xf32>
    %dot_general3A_701 = tpu.matmul %get3A_642, %get3A_699, %dot_general3A_700 {dimension_numbers = #tpu.dot_dimension_numbers<[1], [0], [0], [1], [0, 0, 1, 1], [], []>, transpose_lhs_hint = false} : vector<256x128xf32>, vector<128x128xf32>, vector<256x128xf32> -> vector<256x128xf32>
    %get3A_702 = arith.constant 0 : index
    %get3A_703 = arith.constant 0 : index
    %get3A_704 = vector.load %arg12[%get3A_702, %get3A_703] : memref<128x128xf32, #tpu.memory_space<vmem>>, vector<128x128xf32>
    %dot_general3A_705 = arith.constant dense<0.000000e+00> : vector<256x128xf32>
    %dot_general3A_706 = tpu.matmul %add3A_696, %get3A_704, %dot_general3A_705 {dimension_numbers = #tpu.dot_dimension_numbers<[1], [0], [0], [1], [0, 0, 1, 1], [], []>, transpose_lhs_hint = false} : vector<256x128xf32>, vector<128x128xf32>, vector<256x128xf32> -> vector<256x128xf32>
    %add3A_707 = arith.addf %dot_general3A_701, %dot_general3A_706 : vector<256x128xf32>
    %slice3A_708 = vector.extract_strided_slice %dot_general3A_71 {offsets = [0, 768], sizes = [256, 128], strides = [1, 1]} : vector<256x2560xf32> to vector<256x128xf32>
    %add3A_709 = arith.addf %add3A_707, %slice3A_708 : vector<256x128xf32>
    %get3A_710 = arith.constant 0 : index
    %get3A_711 = arith.constant 0 : index
    %get3A_712 = vector.load %arg14[%get3A_710, %get3A_711] : memref<128x128xf32, #tpu.memory_space<vmem>>, vector<128x128xf32>
    %dot_general3A_713 = arith.constant dense<0.000000e+00> : vector<256x128xf32>
    %dot_general3A_714 = tpu.matmul %get3A_642, %get3A_712, %dot_general3A_713 {dimension_numbers = #tpu.dot_dimension_numbers<[1], [0], [0], [1], [0, 0, 1, 1], [], []>, transpose_lhs_hint = false} : vector<256x128xf32>, vector<128x128xf32>, vector<256x128xf32> -> vector<256x128xf32>
    %get3A_715 = arith.constant 0 : index
    %get3A_716 = arith.constant 0 : index
    %get3A_717 = vector.load %arg15[%get3A_715, %get3A_716] : memref<128x128xf32, #tpu.memory_space<vmem>>, vector<128x128xf32>
    %dot_general3A_718 = arith.constant dense<0.000000e+00> : vector<256x128xf32>
    %dot_general3A_719 = tpu.matmul %add3A_696, %get3A_717, %dot_general3A_718 {dimension_numbers = #tpu.dot_dimension_numbers<[1], [0], [0], [1], [0, 0, 1, 1], [], []>, transpose_lhs_hint = false} : vector<256x128xf32>, vector<128x128xf32>, vector<256x128xf32> -> vector<256x128xf32>
    %add3A_720 = arith.addf %dot_general3A_714, %dot_general3A_719 : vector<256x128xf32>
    %slice3A_721 = vector.extract_strided_slice %dot_general3A_79 {offsets = [0, 768], sizes = [256, 128], strides = [1, 1]} : vector<256x2560xf32> to vector<256x128xf32>
    %add3A_722 = arith.addf %add3A_720, %slice3A_721 : vector<256x128xf32>
    %mul3A_723 = arith.mulf %mul3A_63, %add3A_709 : vector<256x128xf32>
    %swap3A_724 = arith.constant 0 : index
    %swap3A_725 = arith.constant 768 : index
    %swap3A_726 = vector.load %arg23[%swap3A_724, %swap3A_725] : memref<256x2560xf32, #tpu.memory_space<vmem>>, vector<256x128xf32>
    tpu.vector_store %arg23[%swap3A_724, %swap3A_725], %mul3A_723 {strides = array<i32>} : memref<256x2560xf32, #tpu.memory_space<vmem>>, vector<256x128xf32>,
    %swap3A_727 = arith.constant 0 : index
    %swap3A_728 = arith.constant 768 : index
    %swap3A_729 = vector.load %arg24[%swap3A_727, %swap3A_728] : memref<256x2560xf32, #tpu.memory_space<vmem>>, vector<256x128xf32>
    tpu.vector_store %arg24[%swap3A_727, %swap3A_728], %add3A_722 {strides = array<i32>} : memref<256x2560xf32, #tpu.memory_space<vmem>>, vector<256x128xf32>,
    %get3A_730 = arith.constant 7 : index
    %get3A_731 = arith.constant 0 : index
    %get3A_732 = arith.constant 0 : index
    %get3A_733 = vector.load %arg2[%get3A_730, %get3A_731, %get3A_732] : memref<20x256x128xf32, #tpu.memory_space<vmem>>, vector<1x256x128xf32>
    %get3A_734 = vector.shape_cast %get3A_733 : vector<1x256x128xf32> to vector<256x128xf32>
    %slice3A_735 = vector.extract_strided_slice %sub3A_87 {offsets = [0, 7], sizes = [256, 1], strides = [1, 1]} : vector<256x20xf32> to vector<256x1xf32>
    %broadcast_in_dim3A_736 = vector.shape_cast %slice3A_735 : vector<256x1xf32> to vector<256x1xf32>
    %broadcast_in_dim3A_737 = vector.broadcast %broadcast_in_dim3A_736 : vector<256x1xf32> to vector<256x128xf32>
    %mul3A_738 = vector.broadcast %get3A_4 : vector<1x128xf32> to vector<256x128xf32>
    %mul3A_739 = arith.mulf %broadcast_in_dim3A_737, %mul3A_738 : vector<256x128xf32>
    %add3A_740 = vector.broadcast %get3A_7 : vector<1x128xf32> to vector<256x128xf32>
    %add3A_741 = arith.addf %mul3A_739, %add3A_740 : vector<256x128xf32>
    %mul3A_742 = arith.constant 0.159154937 : f32
    %mul3A_743 = vector.broadcast %mul3A_742 : f32 to vector<256x128xf32>
    %mul3A_744 = arith.mulf %add3A_741, %mul3A_743 : vector<256x128xf32>
    %round3A_745 = math.roundeven %mul3A_744 : vector<256x128xf32>
    %mul3A_746 = arith.constant 6.281250e+00 : f32
    %mul3A_747 = vector.broadcast %mul3A_746 : f32 to vector<256x128xf32>
    %mul3A_748 = arith.mulf %round3A_745, %mul3A_747 : vector<256x128xf32>
    %sub3A_749 = arith.subf %add3A_741, %mul3A_748 : vector<256x128xf32>
    %mul3A_750 = arith.constant 0.00193530717 : f32
    %mul3A_751 = vector.broadcast %mul3A_750 : f32 to vector<256x128xf32>
    %mul3A_752 = arith.mulf %round3A_745, %mul3A_751 : vector<256x128xf32>
    %sub3A_753 = arith.subf %sub3A_749, %mul3A_752 : vector<256x128xf32>
    %mul3A_754 = arith.constant 1.02531317E-11 : f32
    %mul3A_755 = vector.broadcast %mul3A_754 : f32 to vector<256x128xf32>
    %mul3A_756 = arith.mulf %round3A_745, %mul3A_755 : vector<256x128xf32>
    %sub3A_757 = arith.subf %sub3A_753, %mul3A_756 : vector<256x128xf32>
    %mul3A_758 = arith.mulf %sub3A_757, %sub3A_757 : vector<256x128xf32>
    %broadcast_in_dim3A_759 = arith.constant -9.66698943E-12 : f32
    %broadcast_in_dim3A_760 = vector.broadcast %broadcast_in_dim3A_759 : f32 to vector<256x128xf32>
    %mul3A_761 = arith.mulf %broadcast_in_dim3A_760, %mul3A_758 : vector<256x128xf32>
    %add3A_762 = arith.constant 2.058480e-09 : f32
    %add3A_763 = vector.broadcast %add3A_762 : f32 to vector<256x128xf32>
    %add3A_764 = arith.addf %mul3A_761, %add3A_763 : vector<256x128xf32>
    %mul3A_765 = arith.mulf %add3A_764, %mul3A_758 : vector<256x128xf32>
    %add3A_766 = arith.constant -2.7532306E-7 : f32
    %add3A_767 = vector.broadcast %add3A_766 : f32 to vector<256x128xf32>
    %add3A_768 = arith.addf %mul3A_765, %add3A_767 : vector<256x128xf32>
    %mul3A_769 = arith.mulf %add3A_768, %mul3A_758 : vector<256x128xf32>
    %add3A_770 = arith.constant 2.48003889E-5 : f32
    %add3A_771 = vector.broadcast %add3A_770 : f32 to vector<256x128xf32>
    %add3A_772 = arith.addf %mul3A_769, %add3A_771 : vector<256x128xf32>
    %mul3A_773 = arith.mulf %add3A_772, %mul3A_758 : vector<256x128xf32>
    %add3A_774 = arith.constant -0.00138888578 : f32
    %add3A_775 = vector.broadcast %add3A_774 : f32 to vector<256x128xf32>
    %add3A_776 = arith.addf %mul3A_773, %add3A_775 : vector<256x128xf32>
    %mul3A_777 = arith.mulf %add3A_776, %mul3A_758 : vector<256x128xf32>
    %add3A_778 = arith.constant 0.0416666642 : f32
    %add3A_779 = vector.broadcast %add3A_778 : f32 to vector<256x128xf32>
    %add3A_780 = arith.addf %mul3A_777, %add3A_779 : vector<256x128xf32>
    %mul3A_781 = arith.mulf %add3A_780, %mul3A_758 : vector<256x128xf32>
    %add3A_782 = arith.constant -5.000000e-01 : f32
    %add3A_783 = vector.broadcast %add3A_782 : f32 to vector<256x128xf32>
    %add3A_784 = arith.addf %mul3A_781, %add3A_783 : vector<256x128xf32>
    %mul3A_785 = arith.mulf %add3A_784, %mul3A_758 : vector<256x128xf32>
    %add3A_786 = arith.constant 1.000000e+00 : f32
    %add3A_787 = vector.broadcast %add3A_786 : f32 to vector<256x128xf32>
    %add3A_788 = arith.addf %mul3A_785, %add3A_787 : vector<256x128xf32>
    %get3A_789 = arith.constant 0 : index
    %get3A_790 = arith.constant 0 : index
    %get3A_791 = vector.load %arg11[%get3A_789, %get3A_790] : memref<128x128xf32, #tpu.memory_space<vmem>>, vector<128x128xf32>
    %dot_general3A_792 = arith.constant dense<0.000000e+00> : vector<256x128xf32>
    %dot_general3A_793 = tpu.matmul %get3A_734, %get3A_791, %dot_general3A_792 {dimension_numbers = #tpu.dot_dimension_numbers<[1], [0], [0], [1], [0, 0, 1, 1], [], []>, transpose_lhs_hint = false} : vector<256x128xf32>, vector<128x128xf32>, vector<256x128xf32> -> vector<256x128xf32>
    %get3A_794 = arith.constant 0 : index
    %get3A_795 = arith.constant 0 : index
    %get3A_796 = vector.load %arg12[%get3A_794, %get3A_795] : memref<128x128xf32, #tpu.memory_space<vmem>>, vector<128x128xf32>
    %dot_general3A_797 = arith.constant dense<0.000000e+00> : vector<256x128xf32>
    %dot_general3A_798 = tpu.matmul %add3A_788, %get3A_796, %dot_general3A_797 {dimension_numbers = #tpu.dot_dimension_numbers<[1], [0], [0], [1], [0, 0, 1, 1], [], []>, transpose_lhs_hint = false} : vector<256x128xf32>, vector<128x128xf32>, vector<256x128xf32> -> vector<256x128xf32>
    %add3A_799 = arith.addf %dot_general3A_793, %dot_general3A_798 : vector<256x128xf32>
    %slice3A_800 = vector.extract_strided_slice %dot_general3A_71 {offsets = [0, 896], sizes = [256, 128], strides = [1, 1]} : vector<256x2560xf32> to vector<256x128xf32>
    %add3A_801 = arith.addf %add3A_799, %slice3A_800 : vector<256x128xf32>
    %get3A_802 = arith.constant 0 : index
    %get3A_803 = arith.constant 0 : index
    %get3A_804 = vector.load %arg14[%get3A_802, %get3A_803] : memref<128x128xf32, #tpu.memory_space<vmem>>, vector<128x128xf32>
    %dot_general3A_805 = arith.constant dense<0.000000e+00> : vector<256x128xf32>
    %dot_general3A_806 = tpu.matmul %get3A_734, %get3A_804, %dot_general3A_805 {dimension_numbers = #tpu.dot_dimension_numbers<[1], [0], [0], [1], [0, 0, 1, 1], [], []>, transpose_lhs_hint = false} : vector<256x128xf32>, vector<128x128xf32>, vector<256x128xf32> -> vector<256x128xf32>
    %get3A_807 = arith.constant 0 : index
    %get3A_808 = arith.constant 0 : index
    %get3A_809 = vector.load %arg15[%get3A_807, %get3A_808] : memref<128x128xf32, #tpu.memory_space<vmem>>, vector<128x128xf32>
    %dot_general3A_810 = arith.constant dense<0.000000e+00> : vector<256x128xf32>
    %dot_general3A_811 = tpu.matmul %add3A_788, %get3A_809, %dot_general3A_810 {dimension_numbers = #tpu.dot_dimension_numbers<[1], [0], [0], [1], [0, 0, 1, 1], [], []>, transpose_lhs_hint = false} : vector<256x128xf32>, vector<128x128xf32>, vector<256x128xf32> -> vector<256x128xf32>
    %add3A_812 = arith.addf %dot_general3A_806, %dot_general3A_811 : vector<256x128xf32>
    %slice3A_813 = vector.extract_strided_slice %dot_general3A_79 {offsets = [0, 896], sizes = [256, 128], strides = [1, 1]} : vector<256x2560xf32> to vector<256x128xf32>
    %add3A_814 = arith.addf %add3A_812, %slice3A_813 : vector<256x128xf32>
    %mul3A_815 = arith.mulf %mul3A_63, %add3A_801 : vector<256x128xf32>
    %swap3A_816 = arith.constant 0 : index
    %swap3A_817 = arith.constant 896 : index
    %swap3A_818 = vector.load %arg23[%swap3A_816, %swap3A_817] : memref<256x2560xf32, #tpu.memory_space<vmem>>, vector<256x128xf32>
    tpu.vector_store %arg23[%swap3A_816, %swap3A_817], %mul3A_815 {strides = array<i32>} : memref<256x2560xf32, #tpu.memory_space<vmem>>, vector<256x128xf32>,
    %swap3A_819 = arith.constant 0 : index
    %swap3A_820 = arith.constant 896 : index
    %swap3A_821 = vector.load %arg24[%swap3A_819, %swap3A_820] : memref<256x2560xf32, #tpu.memory_space<vmem>>, vector<256x128xf32>
    tpu.vector_store %arg24[%swap3A_819, %swap3A_820], %add3A_814 {strides = array<i32>} : memref<256x2560xf32, #tpu.memory_space<vmem>>, vector<256x128xf32>,
    %get3A_822 = arith.constant 8 : index
    %get3A_823 = arith.constant 0 : index
    %get3A_824 = arith.constant 0 : index
    %get3A_825 = vector.load %arg2[%get3A_822, %get3A_823, %get3A_824] : memref<20x256x128xf32, #tpu.memory_space<vmem>>, vector<1x256x128xf32>
    %get3A_826 = vector.shape_cast %get3A_825 : vector<1x256x128xf32> to vector<256x128xf32>
    %slice3A_827 = vector.extract_strided_slice %sub3A_87 {offsets = [0, 8], sizes = [256, 1], strides = [1, 1]} : vector<256x20xf32> to vector<256x1xf32>
    %broadcast_in_dim3A_828 = vector.shape_cast %slice3A_827 : vector<256x1xf32> to vector<256x1xf32>
    %broadcast_in_dim3A_829 = vector.broadcast %broadcast_in_dim3A_828 : vector<256x1xf32> to vector<256x128xf32>
    %mul3A_830 = vector.broadcast %get3A_4 : vector<1x128xf32> to vector<256x128xf32>
    %mul3A_831 = arith.mulf %broadcast_in_dim3A_829, %mul3A_830 : vector<256x128xf32>
    %add3A_832 = vector.broadcast %get3A_7 : vector<1x128xf32> to vector<256x128xf32>
    %add3A_833 = arith.addf %mul3A_831, %add3A_832 : vector<256x128xf32>
    %mul3A_834 = arith.constant 0.159154937 : f32
    %mul3A_835 = vector.broadcast %mul3A_834 : f32 to vector<256x128xf32>
    %mul3A_836 = arith.mulf %add3A_833, %mul3A_835 : vector<256x128xf32>
    %round3A_837 = math.roundeven %mul3A_836 : vector<256x128xf32>
    %mul3A_838 = arith.constant 6.281250e+00 : f32
    %mul3A_839 = vector.broadcast %mul3A_838 : f32 to vector<256x128xf32>
    %mul3A_840 = arith.mulf %round3A_837, %mul3A_839 : vector<256x128xf32>
    %sub3A_841 = arith.subf %add3A_833, %mul3A_840 : vector<256x128xf32>
    %mul3A_842 = arith.constant 0.00193530717 : f32
    %mul3A_843 = vector.broadcast %mul3A_842 : f32 to vector<256x128xf32>
    %mul3A_844 = arith.mulf %round3A_837, %mul3A_843 : vector<256x128xf32>
    %sub3A_845 = arith.subf %sub3A_841, %mul3A_844 : vector<256x128xf32>
    %mul3A_846 = arith.constant 1.02531317E-11 : f32
    %mul3A_847 = vector.broadcast %mul3A_846 : f32 to vector<256x128xf32>
    %mul3A_848 = arith.mulf %round3A_837, %mul3A_847 : vector<256x128xf32>
    %sub3A_849 = arith.subf %sub3A_845, %mul3A_848 : vector<256x128xf32>
    %mul3A_850 = arith.mulf %sub3A_849, %sub3A_849 : vector<256x128xf32>
    %broadcast_in_dim3A_851 = arith.constant -9.66698943E-12 : f32
    %broadcast_in_dim3A_852 = vector.broadcast %broadcast_in_dim3A_851 : f32 to vector<256x128xf32>
    %mul3A_853 = arith.mulf %broadcast_in_dim3A_852, %mul3A_850 : vector<256x128xf32>
    %add3A_854 = arith.constant 2.058480e-09 : f32
    %add3A_855 = vector.broadcast %add3A_854 : f32 to vector<256x128xf32>
    %add3A_856 = arith.addf %mul3A_853, %add3A_855 : vector<256x128xf32>
    %mul3A_857 = arith.mulf %add3A_856, %mul3A_850 : vector<256x128xf32>
    %add3A_858 = arith.constant -2.7532306E-7 : f32
    %add3A_859 = vector.broadcast %add3A_858 : f32 to vector<256x128xf32>
    %add3A_860 = arith.addf %mul3A_857, %add3A_859 : vector<256x128xf32>
    %mul3A_861 = arith.mulf %add3A_860, %mul3A_850 : vector<256x128xf32>
    %add3A_862 = arith.constant 2.48003889E-5 : f32
    %add3A_863 = vector.broadcast %add3A_862 : f32 to vector<256x128xf32>
    %add3A_864 = arith.addf %mul3A_861, %add3A_863 : vector<256x128xf32>
    %mul3A_865 = arith.mulf %add3A_864, %mul3A_850 : vector<256x128xf32>
    %add3A_866 = arith.constant -0.00138888578 : f32
    %add3A_867 = vector.broadcast %add3A_866 : f32 to vector<256x128xf32>
    %add3A_868 = arith.addf %mul3A_865, %add3A_867 : vector<256x128xf32>
    %mul3A_869 = arith.mulf %add3A_868, %mul3A_850 : vector<256x128xf32>
    %add3A_870 = arith.constant 0.0416666642 : f32
    %add3A_871 = vector.broadcast %add3A_870 : f32 to vector<256x128xf32>
    %add3A_872 = arith.addf %mul3A_869, %add3A_871 : vector<256x128xf32>
    %mul3A_873 = arith.mulf %add3A_872, %mul3A_850 : vector<256x128xf32>
    %add3A_874 = arith.constant -5.000000e-01 : f32
    %add3A_875 = vector.broadcast %add3A_874 : f32 to vector<256x128xf32>
    %add3A_876 = arith.addf %mul3A_873, %add3A_875 : vector<256x128xf32>
    %mul3A_877 = arith.mulf %add3A_876, %mul3A_850 : vector<256x128xf32>
    %add3A_878 = arith.constant 1.000000e+00 : f32
    %add3A_879 = vector.broadcast %add3A_878 : f32 to vector<256x128xf32>
    %add3A_880 = arith.addf %mul3A_877, %add3A_879 : vector<256x128xf32>
    %get3A_881 = arith.constant 0 : index
    %get3A_882 = arith.constant 0 : index
    %get3A_883 = vector.load %arg11[%get3A_881, %get3A_882] : memref<128x128xf32, #tpu.memory_space<vmem>>, vector<128x128xf32>
    %dot_general3A_884 = arith.constant dense<0.000000e+00> : vector<256x128xf32>
    %dot_general3A_885 = tpu.matmul %get3A_826, %get3A_883, %dot_general3A_884 {dimension_numbers = #tpu.dot_dimension_numbers<[1], [0], [0], [1], [0, 0, 1, 1], [], []>, transpose_lhs_hint = false} : vector<256x128xf32>, vector<128x128xf32>, vector<256x128xf32> -> vector<256x128xf32>
    %get3A_886 = arith.constant 0 : index
    %get3A_887 = arith.constant 0 : index
    %get3A_888 = vector.load %arg12[%get3A_886, %get3A_887] : memref<128x128xf32, #tpu.memory_space<vmem>>, vector<128x128xf32>
    %dot_general3A_889 = arith.constant dense<0.000000e+00> : vector<256x128xf32>
    %dot_general3A_890 = tpu.matmul %add3A_880, %get3A_888, %dot_general3A_889 {dimension_numbers = #tpu.dot_dimension_numbers<[1], [0], [0], [1], [0, 0, 1, 1], [], []>, transpose_lhs_hint = false} : vector<256x128xf32>, vector<128x128xf32>, vector<256x128xf32> -> vector<256x128xf32>
    %add3A_891 = arith.addf %dot_general3A_885, %dot_general3A_890 : vector<256x128xf32>
    %slice3A_892 = vector.extract_strided_slice %dot_general3A_71 {offsets = [0, 1024], sizes = [256, 128], strides = [1, 1]} : vector<256x2560xf32> to vector<256x128xf32>
    %add3A_893 = arith.addf %add3A_891, %slice3A_892 : vector<256x128xf32>
    %get3A_894 = arith.constant 0 : index
    %get3A_895 = arith.constant 0 : index
    %get3A_896 = vector.load %arg14[%get3A_894, %get3A_895] : memref<128x128xf32, #tpu.memory_space<vmem>>, vector<128x128xf32>
    %dot_general3A_897 = arith.constant dense<0.000000e+00> : vector<256x128xf32>
    %dot_general3A_898 = tpu.matmul %get3A_826, %get3A_896, %dot_general3A_897 {dimension_numbers = #tpu.dot_dimension_numbers<[1], [0], [0], [1], [0, 0, 1, 1], [], []>, transpose_lhs_hint = false} : vector<256x128xf32>, vector<128x128xf32>, vector<256x128xf32> -> vector<256x128xf32>
    %get3A_899 = arith.constant 0 : index
    %get3A_900 = arith.constant 0 : index
    %get3A_901 = vector.load %arg15[%get3A_899, %get3A_900] : memref<128x128xf32, #tpu.memory_space<vmem>>, vector<128x128xf32>
    %dot_general3A_902 = arith.constant dense<0.000000e+00> : vector<256x128xf32>
    %dot_general3A_903 = tpu.matmul %add3A_880, %get3A_901, %dot_general3A_902 {dimension_numbers = #tpu.dot_dimension_numbers<[1], [0], [0], [1], [0, 0, 1, 1], [], []>, transpose_lhs_hint = false} : vector<256x128xf32>, vector<128x128xf32>, vector<256x128xf32> -> vector<256x128xf32>
    %add3A_904 = arith.addf %dot_general3A_898, %dot_general3A_903 : vector<256x128xf32>
    %slice3A_905 = vector.extract_strided_slice %dot_general3A_79 {offsets = [0, 1024], sizes = [256, 128], strides = [1, 1]} : vector<256x2560xf32> to vector<256x128xf32>
    %add3A_906 = arith.addf %add3A_904, %slice3A_905 : vector<256x128xf32>
    %mul3A_907 = arith.mulf %mul3A_63, %add3A_893 : vector<256x128xf32>
    %swap3A_908 = arith.constant 0 : index
    %swap3A_909 = arith.constant 1024 : index
    %swap3A_910 = vector.load %arg23[%swap3A_908, %swap3A_909] : memref<256x2560xf32, #tpu.memory_space<vmem>>, vector<256x128xf32>
    tpu.vector_store %arg23[%swap3A_908, %swap3A_909], %mul3A_907 {strides = array<i32>} : memref<256x2560xf32, #tpu.memory_space<vmem>>, vector<256x128xf32>,
    %swap3A_911 = arith.constant 0 : index
    %swap3A_912 = arith.constant 1024 : index
    %swap3A_913 = vector.load %arg24[%swap3A_911, %swap3A_912] : memref<256x2560xf32, #tpu.memory_space<vmem>>, vector<256x128xf32>
    tpu.vector_store %arg24[%swap3A_911, %swap3A_912], %add3A_906 {strides = array<i32>} : memref<256x2560xf32, #tpu.memory_space<vmem>>, vector<256x128xf32>,
    %get3A_914 = arith.constant 9 : index
    %get3A_915 = arith.constant 0 : index
    %get3A_916 = arith.constant 0 : index
    %get3A_917 = vector.load %arg2[%get3A_914, %get3A_915, %get3A_916] : memref<20x256x128xf32, #tpu.memory_space<vmem>>, vector<1x256x128xf32>
    %get3A_918 = vector.shape_cast %get3A_917 : vector<1x256x128xf32> to vector<256x128xf32>
    %slice3A_919 = vector.extract_strided_slice %sub3A_87 {offsets = [0, 9], sizes = [256, 1], strides = [1, 1]} : vector<256x20xf32> to vector<256x1xf32>
    %broadcast_in_dim3A_920 = vector.shape_cast %slice3A_919 : vector<256x1xf32> to vector<256x1xf32>
    %broadcast_in_dim3A_921 = vector.broadcast %broadcast_in_dim3A_920 : vector<256x1xf32> to vector<256x128xf32>
    %mul3A_922 = vector.broadcast %get3A_4 : vector<1x128xf32> to vector<256x128xf32>
    %mul3A_923 = arith.mulf %broadcast_in_dim3A_921, %mul3A_922 : vector<256x128xf32>
    %add3A_924 = vector.broadcast %get3A_7 : vector<1x128xf32> to vector<256x128xf32>
    %add3A_925 = arith.addf %mul3A_923, %add3A_924 : vector<256x128xf32>
    %mul3A_926 = arith.constant 0.159154937 : f32
    %mul3A_927 = vector.broadcast %mul3A_926 : f32 to vector<256x128xf32>
    %mul3A_928 = arith.mulf %add3A_925, %mul3A_927 : vector<256x128xf32>
    %round3A_929 = math.roundeven %mul3A_928 : vector<256x128xf32>
    %mul3A_930 = arith.constant 6.281250e+00 : f32
    %mul3A_931 = vector.broadcast %mul3A_930 : f32 to vector<256x128xf32>
    %mul3A_932 = arith.mulf %round3A_929, %mul3A_931 : vector<256x128xf32>
    %sub3A_933 = arith.subf %add3A_925, %mul3A_932 : vector<256x128xf32>
    %mul3A_934 = arith.constant 0.00193530717 : f32
    %mul3A_935 = vector.broadcast %mul3A_934 : f32 to vector<256x128xf32>
    %mul3A_936 = arith.mulf %round3A_929, %mul3A_935 : vector<256x128xf32>
    %sub3A_937 = arith.subf %sub3A_933, %mul3A_936 : vector<256x128xf32>
    %mul3A_938 = arith.constant 1.02531317E-11 : f32
    %mul3A_939 = vector.broadcast %mul3A_938 : f32 to vector<256x128xf32>
    %mul3A_940 = arith.mulf %round3A_929, %mul3A_939 : vector<256x128xf32>
    %sub3A_941 = arith.subf %sub3A_937, %mul3A_940 : vector<256x128xf32>
    %mul3A_942 = arith.mulf %sub3A_941, %sub3A_941 : vector<256x128xf32>
    %broadcast_in_dim3A_943 = arith.constant -9.66698943E-12 : f32
    %broadcast_in_dim3A_944 = vector.broadcast %broadcast_in_dim3A_943 : f32 to vector<256x128xf32>
    %mul3A_945 = arith.mulf %broadcast_in_dim3A_944, %mul3A_942 : vector<256x128xf32>
    %add3A_946 = arith.constant 2.058480e-09 : f32
    %add3A_947 = vector.broadcast %add3A_946 : f32 to vector<256x128xf32>
    %add3A_948 = arith.addf %mul3A_945, %add3A_947 : vector<256x128xf32>
    %mul3A_949 = arith.mulf %add3A_948, %mul3A_942 : vector<256x128xf32>
    %add3A_950 = arith.constant -2.7532306E-7 : f32
    %add3A_951 = vector.broadcast %add3A_950 : f32 to vector<256x128xf32>
    %add3A_952 = arith.addf %mul3A_949, %add3A_951 : vector<256x128xf32>
    %mul3A_953 = arith.mulf %add3A_952, %mul3A_942 : vector<256x128xf32>
    %add3A_954 = arith.constant 2.48003889E-5 : f32
    %add3A_955 = vector.broadcast %add3A_954 : f32 to vector<256x128xf32>
    %add3A_956 = arith.addf %mul3A_953, %add3A_955 : vector<256x128xf32>
    %mul3A_957 = arith.mulf %add3A_956, %mul3A_942 : vector<256x128xf32>
    %add3A_958 = arith.constant -0.00138888578 : f32
    %add3A_959 = vector.broadcast %add3A_958 : f32 to vector<256x128xf32>
    %add3A_960 = arith.addf %mul3A_957, %add3A_959 : vector<256x128xf32>
    %mul3A_961 = arith.mulf %add3A_960, %mul3A_942 : vector<256x128xf32>
    %add3A_962 = arith.constant 0.0416666642 : f32
    %add3A_963 = vector.broadcast %add3A_962 : f32 to vector<256x128xf32>
    %add3A_964 = arith.addf %mul3A_961, %add3A_963 : vector<256x128xf32>
    %mul3A_965 = arith.mulf %add3A_964, %mul3A_942 : vector<256x128xf32>
    %add3A_966 = arith.constant -5.000000e-01 : f32
    %add3A_967 = vector.broadcast %add3A_966 : f32 to vector<256x128xf32>
    %add3A_968 = arith.addf %mul3A_965, %add3A_967 : vector<256x128xf32>
    %mul3A_969 = arith.mulf %add3A_968, %mul3A_942 : vector<256x128xf32>
    %add3A_970 = arith.constant 1.000000e+00 : f32
    %add3A_971 = vector.broadcast %add3A_970 : f32 to vector<256x128xf32>
    %add3A_972 = arith.addf %mul3A_969, %add3A_971 : vector<256x128xf32>
    %get3A_973 = arith.constant 0 : index
    %get3A_974 = arith.constant 0 : index
    %get3A_975 = vector.load %arg11[%get3A_973, %get3A_974] : memref<128x128xf32, #tpu.memory_space<vmem>>, vector<128x128xf32>
    %dot_general3A_976 = arith.constant dense<0.000000e+00> : vector<256x128xf32>
    %dot_general3A_977 = tpu.matmul %get3A_918, %get3A_975, %dot_general3A_976 {dimension_numbers = #tpu.dot_dimension_numbers<[1], [0], [0], [1], [0, 0, 1, 1], [], []>, transpose_lhs_hint = false} : vector<256x128xf32>, vector<128x128xf32>, vector<256x128xf32> -> vector<256x128xf32>
    %get3A_978 = arith.constant 0 : index
    %get3A_979 = arith.constant 0 : index
    %get3A_980 = vector.load %arg12[%get3A_978, %get3A_979] : memref<128x128xf32, #tpu.memory_space<vmem>>, vector<128x128xf32>
    %dot_general3A_981 = arith.constant dense<0.000000e+00> : vector<256x128xf32>
    %dot_general3A_982 = tpu.matmul %add3A_972, %get3A_980, %dot_general3A_981 {dimension_numbers = #tpu.dot_dimension_numbers<[1], [0], [0], [1], [0, 0, 1, 1], [], []>, transpose_lhs_hint = false} : vector<256x128xf32>, vector<128x128xf32>, vector<256x128xf32> -> vector<256x128xf32>
    %add3A_983 = arith.addf %dot_general3A_977, %dot_general3A_982 : vector<256x128xf32>
    %slice3A_984 = vector.extract_strided_slice %dot_general3A_71 {offsets = [0, 1152], sizes = [256, 128], strides = [1, 1]} : vector<256x2560xf32> to vector<256x128xf32>
    %add3A_985 = arith.addf %add3A_983, %slice3A_984 : vector<256x128xf32>
    %get3A_986 = arith.constant 0 : index
    %get3A_987 = arith.constant 0 : index
    %get3A_988 = vector.load %arg14[%get3A_986, %get3A_987] : memref<128x128xf32, #tpu.memory_space<vmem>>, vector<128x128xf32>
    %dot_general3A_989 = arith.constant dense<0.000000e+00> : vector<256x128xf32>
    %dot_general3A_990 = tpu.matmul %get3A_918, %get3A_988, %dot_general3A_989 {dimension_numbers = #tpu.dot_dimension_numbers<[1], [0], [0], [1], [0, 0, 1, 1], [], []>, transpose_lhs_hint = false} : vector<256x128xf32>, vector<128x128xf32>, vector<256x128xf32> -> vector<256x128xf32>
    %get3A_991 = arith.constant 0 : index
    %get3A_992 = arith.constant 0 : index
    %get3A_993 = vector.load %arg15[%get3A_991, %get3A_992] : memref<128x128xf32, #tpu.memory_space<vmem>>, vector<128x128xf32>
    %dot_general3A_994 = arith.constant dense<0.000000e+00> : vector<256x128xf32>
    %dot_general3A_995 = tpu.matmul %add3A_972, %get3A_993, %dot_general3A_994 {dimension_numbers = #tpu.dot_dimension_numbers<[1], [0], [0], [1], [0, 0, 1, 1], [], []>, transpose_lhs_hint = false} : vector<256x128xf32>, vector<128x128xf32>, vector<256x128xf32> -> vector<256x128xf32>
    %add3A_996 = arith.addf %dot_general3A_990, %dot_general3A_995 : vector<256x128xf32>
    %slice3A_997 = vector.extract_strided_slice %dot_general3A_79 {offsets = [0, 1152], sizes = [256, 128], strides = [1, 1]} : vector<256x2560xf32> to vector<256x128xf32>
    %add3A_998 = arith.addf %add3A_996, %slice3A_997 : vector<256x128xf32>
    %mul3A_999 = arith.mulf %mul3A_63, %add3A_985 : vector<256x128xf32>
    %swap3A_1000 = arith.constant 0 : index
    %swap3A_1001 = arith.constant 1152 : index
    %swap3A_1002 = vector.load %arg23[%swap3A_1000, %swap3A_1001] : memref<256x2560xf32, #tpu.memory_space<vmem>>, vector<256x128xf32>
    tpu.vector_store %arg23[%swap3A_1000, %swap3A_1001], %mul3A_999 {strides = array<i32>} : memref<256x2560xf32, #tpu.memory_space<vmem>>, vector<256x128xf32>,
    %swap3A_1003 = arith.constant 0 : index
    %swap3A_1004 = arith.constant 1152 : index
    %swap3A_1005 = vector.load %arg24[%swap3A_1003, %swap3A_1004] : memref<256x2560xf32, #tpu.memory_space<vmem>>, vector<256x128xf32>
    tpu.vector_store %arg24[%swap3A_1003, %swap3A_1004], %add3A_998 {strides = array<i32>} : memref<256x2560xf32, #tpu.memory_space<vmem>>, vector<256x128xf32>,
    %get3A_1006 = arith.constant 10 : index
    %get3A_1007 = arith.constant 0 : index
    %get3A_1008 = arith.constant 0 : index
    %get3A_1009 = vector.load %arg2[%get3A_1006, %get3A_1007, %get3A_1008] : memref<20x256x128xf32, #tpu.memory_space<vmem>>, vector<1x256x128xf32>
    %get3A_1010 = vector.shape_cast %get3A_1009 : vector<1x256x128xf32> to vector<256x128xf32>
    %slice3A_1011 = vector.extract_strided_slice %sub3A_87 {offsets = [0, 10], sizes = [256, 1], strides = [1, 1]} : vector<256x20xf32> to vector<256x1xf32>
    %broadcast_in_dim3A_1012 = vector.shape_cast %slice3A_1011 : vector<256x1xf32> to vector<256x1xf32>
    %broadcast_in_dim3A_1013 = vector.broadcast %broadcast_in_dim3A_1012 : vector<256x1xf32> to vector<256x128xf32>
    %mul3A_1014 = vector.broadcast %get3A_4 : vector<1x128xf32> to vector<256x128xf32>
    %mul3A_1015 = arith.mulf %broadcast_in_dim3A_1013, %mul3A_1014 : vector<256x128xf32>
    %add3A_1016 = vector.broadcast %get3A_7 : vector<1x128xf32> to vector<256x128xf32>
    %add3A_1017 = arith.addf %mul3A_1015, %add3A_1016 : vector<256x128xf32>
    %mul3A_1018 = arith.constant 0.159154937 : f32
    %mul3A_1019 = vector.broadcast %mul3A_1018 : f32 to vector<256x128xf32>
    %mul3A_1020 = arith.mulf %add3A_1017, %mul3A_1019 : vector<256x128xf32>
    %round3A_1021 = math.roundeven %mul3A_1020 : vector<256x128xf32>
    %mul3A_1022 = arith.constant 6.281250e+00 : f32
    %mul3A_1023 = vector.broadcast %mul3A_1022 : f32 to vector<256x128xf32>
    %mul3A_1024 = arith.mulf %round3A_1021, %mul3A_1023 : vector<256x128xf32>
    %sub3A_1025 = arith.subf %add3A_1017, %mul3A_1024 : vector<256x128xf32>
    %mul3A_1026 = arith.constant 0.00193530717 : f32
    %mul3A_1027 = vector.broadcast %mul3A_1026 : f32 to vector<256x128xf32>
    %mul3A_1028 = arith.mulf %round3A_1021, %mul3A_1027 : vector<256x128xf32>
    %sub3A_1029 = arith.subf %sub3A_1025, %mul3A_1028 : vector<256x128xf32>
    %mul3A_1030 = arith.constant 1.02531317E-11 : f32
    %mul3A_1031 = vector.broadcast %mul3A_1030 : f32 to vector<256x128xf32>
    %mul3A_1032 = arith.mulf %round3A_1021, %mul3A_1031 : vector<256x128xf32>
    %sub3A_1033 = arith.subf %sub3A_1029, %mul3A_1032 : vector<256x128xf32>
    %mul3A_1034 = arith.mulf %sub3A_1033, %sub3A_1033 : vector<256x128xf32>
    %broadcast_in_dim3A_1035 = arith.constant -9.66698943E-12 : f32
    %broadcast_in_dim3A_1036 = vector.broadcast %broadcast_in_dim3A_1035 : f32 to vector<256x128xf32>
    %mul3A_1037 = arith.mulf %broadcast_in_dim3A_1036, %mul3A_1034 : vector<256x128xf32>
    %add3A_1038 = arith.constant 2.058480e-09 : f32
    %add3A_1039 = vector.broadcast %add3A_1038 : f32 to vector<256x128xf32>
    %add3A_1040 = arith.addf %mul3A_1037, %add3A_1039 : vector<256x128xf32>
    %mul3A_1041 = arith.mulf %add3A_1040, %mul3A_1034 : vector<256x128xf32>
    %add3A_1042 = arith.constant -2.7532306E-7 : f32
    %add3A_1043 = vector.broadcast %add3A_1042 : f32 to vector<256x128xf32>
    %add3A_1044 = arith.addf %mul3A_1041, %add3A_1043 : vector<256x128xf32>
    %mul3A_1045 = arith.mulf %add3A_1044, %mul3A_1034 : vector<256x128xf32>
    %add3A_1046 = arith.constant 2.48003889E-5 : f32
    %add3A_1047 = vector.broadcast %add3A_1046 : f32 to vector<256x128xf32>
    %add3A_1048 = arith.addf %mul3A_1045, %add3A_1047 : vector<256x128xf32>
    %mul3A_1049 = arith.mulf %add3A_1048, %mul3A_1034 : vector<256x128xf32>
    %add3A_1050 = arith.constant -0.00138888578 : f32
    %add3A_1051 = vector.broadcast %add3A_1050 : f32 to vector<256x128xf32>
    %add3A_1052 = arith.addf %mul3A_1049, %add3A_1051 : vector<256x128xf32>
    %mul3A_1053 = arith.mulf %add3A_1052, %mul3A_1034 : vector<256x128xf32>
    %add3A_1054 = arith.constant 0.0416666642 : f32
    %add3A_1055 = vector.broadcast %add3A_1054 : f32 to vector<256x128xf32>
    %add3A_1056 = arith.addf %mul3A_1053, %add3A_1055 : vector<256x128xf32>
    %mul3A_1057 = arith.mulf %add3A_1056, %mul3A_1034 : vector<256x128xf32>
    %add3A_1058 = arith.constant -5.000000e-01 : f32
    %add3A_1059 = vector.broadcast %add3A_1058 : f32 to vector<256x128xf32>
    %add3A_1060 = arith.addf %mul3A_1057, %add3A_1059 : vector<256x128xf32>
    %mul3A_1061 = arith.mulf %add3A_1060, %mul3A_1034 : vector<256x128xf32>
    %add3A_1062 = arith.constant 1.000000e+00 : f32
    %add3A_1063 = vector.broadcast %add3A_1062 : f32 to vector<256x128xf32>
    %add3A_1064 = arith.addf %mul3A_1061, %add3A_1063 : vector<256x128xf32>
    %get3A_1065 = arith.constant 0 : index
    %get3A_1066 = arith.constant 0 : index
    %get3A_1067 = vector.load %arg11[%get3A_1065, %get3A_1066] : memref<128x128xf32, #tpu.memory_space<vmem>>, vector<128x128xf32>
    %dot_general3A_1068 = arith.constant dense<0.000000e+00> : vector<256x128xf32>
    %dot_general3A_1069 = tpu.matmul %get3A_1010, %get3A_1067, %dot_general3A_1068 {dimension_numbers = #tpu.dot_dimension_numbers<[1], [0], [0], [1], [0, 0, 1, 1], [], []>, transpose_lhs_hint = false} : vector<256x128xf32>, vector<128x128xf32>, vector<256x128xf32> -> vector<256x128xf32>
    %get3A_1070 = arith.constant 0 : index
    %get3A_1071 = arith.constant 0 : index
    %get3A_1072 = vector.load %arg12[%get3A_1070, %get3A_1071] : memref<128x128xf32, #tpu.memory_space<vmem>>, vector<128x128xf32>
    %dot_general3A_1073 = arith.constant dense<0.000000e+00> : vector<256x128xf32>
    %dot_general3A_1074 = tpu.matmul %add3A_1064, %get3A_1072, %dot_general3A_1073 {dimension_numbers = #tpu.dot_dimension_numbers<[1], [0], [0], [1], [0, 0, 1, 1], [], []>, transpose_lhs_hint = false} : vector<256x128xf32>, vector<128x128xf32>, vector<256x128xf32> -> vector<256x128xf32>
    %add3A_1075 = arith.addf %dot_general3A_1069, %dot_general3A_1074 : vector<256x128xf32>
    %slice3A_1076 = vector.extract_strided_slice %dot_general3A_71 {offsets = [0, 1280], sizes = [256, 128], strides = [1, 1]} : vector<256x2560xf32> to vector<256x128xf32>
    %add3A_1077 = arith.addf %add3A_1075, %slice3A_1076 : vector<256x128xf32>
    %get3A_1078 = arith.constant 0 : index
    %get3A_1079 = arith.constant 0 : index
    %get3A_1080 = vector.load %arg14[%get3A_1078, %get3A_1079] : memref<128x128xf32, #tpu.memory_space<vmem>>, vector<128x128xf32>
    %dot_general3A_1081 = arith.constant dense<0.000000e+00> : vector<256x128xf32>
    %dot_general3A_1082 = tpu.matmul %get3A_1010, %get3A_1080, %dot_general3A_1081 {dimension_numbers = #tpu.dot_dimension_numbers<[1], [0], [0], [1], [0, 0, 1, 1], [], []>, transpose_lhs_hint = false} : vector<256x128xf32>, vector<128x128xf32>, vector<256x128xf32> -> vector<256x128xf32>
    %get3A_1083 = arith.constant 0 : index
    %get3A_1084 = arith.constant 0 : index
    %get3A_1085 = vector.load %arg15[%get3A_1083, %get3A_1084] : memref<128x128xf32, #tpu.memory_space<vmem>>, vector<128x128xf32>
    %dot_general3A_1086 = arith.constant dense<0.000000e+00> : vector<256x128xf32>
    %dot_general3A_1087 = tpu.matmul %add3A_1064, %get3A_1085, %dot_general3A_1086 {dimension_numbers = #tpu.dot_dimension_numbers<[1], [0], [0], [1], [0, 0, 1, 1], [], []>, transpose_lhs_hint = false} : vector<256x128xf32>, vector<128x128xf32>, vector<256x128xf32> -> vector<256x128xf32>
    %add3A_1088 = arith.addf %dot_general3A_1082, %dot_general3A_1087 : vector<256x128xf32>
    %slice3A_1089 = vector.extract_strided_slice %dot_general3A_79 {offsets = [0, 1280], sizes = [256, 128], strides = [1, 1]} : vector<256x2560xf32> to vector<256x128xf32>
    %add3A_1090 = arith.addf %add3A_1088, %slice3A_1089 : vector<256x128xf32>
    %mul3A_1091 = arith.mulf %mul3A_63, %add3A_1077 : vector<256x128xf32>
    %swap3A_1092 = arith.constant 0 : index
    %swap3A_1093 = arith.constant 1280 : index
    %swap3A_1094 = vector.load %arg23[%swap3A_1092, %swap3A_1093] : memref<256x2560xf32, #tpu.memory_space<vmem>>, vector<256x128xf32>
    tpu.vector_store %arg23[%swap3A_1092, %swap3A_1093], %mul3A_1091 {strides = array<i32>} : memref<256x2560xf32, #tpu.memory_space<vmem>>, vector<256x128xf32>,
    %swap3A_1095 = arith.constant 0 : index
    %swap3A_1096 = arith.constant 1280 : index
    %swap3A_1097 = vector.load %arg24[%swap3A_1095, %swap3A_1096] : memref<256x2560xf32, #tpu.memory_space<vmem>>, vector<256x128xf32>
    tpu.vector_store %arg24[%swap3A_1095, %swap3A_1096], %add3A_1090 {strides = array<i32>} : memref<256x2560xf32, #tpu.memory_space<vmem>>, vector<256x128xf32>,
    %get3A_1098 = arith.constant 11 : index
    %get3A_1099 = arith.constant 0 : index
    %get3A_1100 = arith.constant 0 : index
    %get3A_1101 = vector.load %arg2[%get3A_1098, %get3A_1099, %get3A_1100] : memref<20x256x128xf32, #tpu.memory_space<vmem>>, vector<1x256x128xf32>
    %get3A_1102 = vector.shape_cast %get3A_1101 : vector<1x256x128xf32> to vector<256x128xf32>
    %slice3A_1103 = vector.extract_strided_slice %sub3A_87 {offsets = [0, 11], sizes = [256, 1], strides = [1, 1]} : vector<256x20xf32> to vector<256x1xf32>
    %broadcast_in_dim3A_1104 = vector.shape_cast %slice3A_1103 : vector<256x1xf32> to vector<256x1xf32>
    %broadcast_in_dim3A_1105 = vector.broadcast %broadcast_in_dim3A_1104 : vector<256x1xf32> to vector<256x128xf32>
    %mul3A_1106 = vector.broadcast %get3A_4 : vector<1x128xf32> to vector<256x128xf32>
    %mul3A_1107 = arith.mulf %broadcast_in_dim3A_1105, %mul3A_1106 : vector<256x128xf32>
    %add3A_1108 = vector.broadcast %get3A_7 : vector<1x128xf32> to vector<256x128xf32>
    %add3A_1109 = arith.addf %mul3A_1107, %add3A_1108 : vector<256x128xf32>
    %mul3A_1110 = arith.constant 0.159154937 : f32
    %mul3A_1111 = vector.broadcast %mul3A_1110 : f32 to vector<256x128xf32>
    %mul3A_1112 = arith.mulf %add3A_1109, %mul3A_1111 : vector<256x128xf32>
    %round3A_1113 = math.roundeven %mul3A_1112 : vector<256x128xf32>
    %mul3A_1114 = arith.constant 6.281250e+00 : f32
    %mul3A_1115 = vector.broadcast %mul3A_1114 : f32 to vector<256x128xf32>
    %mul3A_1116 = arith.mulf %round3A_1113, %mul3A_1115 : vector<256x128xf32>
    %sub3A_1117 = arith.subf %add3A_1109, %mul3A_1116 : vector<256x128xf32>
    %mul3A_1118 = arith.constant 0.00193530717 : f32
    %mul3A_1119 = vector.broadcast %mul3A_1118 : f32 to vector<256x128xf32>
    %mul3A_1120 = arith.mulf %round3A_1113, %mul3A_1119 : vector<256x128xf32>
    %sub3A_1121 = arith.subf %sub3A_1117, %mul3A_1120 : vector<256x128xf32>
    %mul3A_1122 = arith.constant 1.02531317E-11 : f32
    %mul3A_1123 = vector.broadcast %mul3A_1122 : f32 to vector<256x128xf32>
    %mul3A_1124 = arith.mulf %round3A_1113, %mul3A_1123 : vector<256x128xf32>
    %sub3A_1125 = arith.subf %sub3A_1121, %mul3A_1124 : vector<256x128xf32>
    %mul3A_1126 = arith.mulf %sub3A_1125, %sub3A_1125 : vector<256x128xf32>
    %broadcast_in_dim3A_1127 = arith.constant -9.66698943E-12 : f32
    %broadcast_in_dim3A_1128 = vector.broadcast %broadcast_in_dim3A_1127 : f32 to vector<256x128xf32>
    %mul3A_1129 = arith.mulf %broadcast_in_dim3A_1128, %mul3A_1126 : vector<256x128xf32>
    %add3A_1130 = arith.constant 2.058480e-09 : f32
    %add3A_1131 = vector.broadcast %add3A_1130 : f32 to vector<256x128xf32>
    %add3A_1132 = arith.addf %mul3A_1129, %add3A_1131 : vector<256x128xf32>
    %mul3A_1133 = arith.mulf %add3A_1132, %mul3A_1126 : vector<256x128xf32>
    %add3A_1134 = arith.constant -2.7532306E-7 : f32
    %add3A_1135 = vector.broadcast %add3A_1134 : f32 to vector<256x128xf32>
    %add3A_1136 = arith.addf %mul3A_1133, %add3A_1135 : vector<256x128xf32>
    %mul3A_1137 = arith.mulf %add3A_1136, %mul3A_1126 : vector<256x128xf32>
    %add3A_1138 = arith.constant 2.48003889E-5 : f32
    %add3A_1139 = vector.broadcast %add3A_1138 : f32 to vector<256x128xf32>
    %add3A_1140 = arith.addf %mul3A_1137, %add3A_1139 : vector<256x128xf32>
    %mul3A_1141 = arith.mulf %add3A_1140, %mul3A_1126 : vector<256x128xf32>
    %add3A_1142 = arith.constant -0.00138888578 : f32
    %add3A_1143 = vector.broadcast %add3A_1142 : f32 to vector<256x128xf32>
    %add3A_1144 = arith.addf %mul3A_1141, %add3A_1143 : vector<256x128xf32>
    %mul3A_1145 = arith.mulf %add3A_1144, %mul3A_1126 : vector<256x128xf32>
    %add3A_1146 = arith.constant 0.0416666642 : f32
    %add3A_1147 = vector.broadcast %add3A_1146 : f32 to vector<256x128xf32>
    %add3A_1148 = arith.addf %mul3A_1145, %add3A_1147 : vector<256x128xf32>
    %mul3A_1149 = arith.mulf %add3A_1148, %mul3A_1126 : vector<256x128xf32>
    %add3A_1150 = arith.constant -5.000000e-01 : f32
    %add3A_1151 = vector.broadcast %add3A_1150 : f32 to vector<256x128xf32>
    %add3A_1152 = arith.addf %mul3A_1149, %add3A_1151 : vector<256x128xf32>
    %mul3A_1153 = arith.mulf %add3A_1152, %mul3A_1126 : vector<256x128xf32>
    %add3A_1154 = arith.constant 1.000000e+00 : f32
    %add3A_1155 = vector.broadcast %add3A_1154 : f32 to vector<256x128xf32>
    %add3A_1156 = arith.addf %mul3A_1153, %add3A_1155 : vector<256x128xf32>
    %get3A_1157 = arith.constant 0 : index
    %get3A_1158 = arith.constant 0 : index
    %get3A_1159 = vector.load %arg11[%get3A_1157, %get3A_1158] : memref<128x128xf32, #tpu.memory_space<vmem>>, vector<128x128xf32>
    %dot_general3A_1160 = arith.constant dense<0.000000e+00> : vector<256x128xf32>
    %dot_general3A_1161 = tpu.matmul %get3A_1102, %get3A_1159, %dot_general3A_1160 {dimension_numbers = #tpu.dot_dimension_numbers<[1], [0], [0], [1], [0, 0, 1, 1], [], []>, transpose_lhs_hint = false} : vector<256x128xf32>, vector<128x128xf32>, vector<256x128xf32> -> vector<256x128xf32>
    %get3A_1162 = arith.constant 0 : index
    %get3A_1163 = arith.constant 0 : index
    %get3A_1164 = vector.load %arg12[%get3A_1162, %get3A_1163] : memref<128x128xf32, #tpu.memory_space<vmem>>, vector<128x128xf32>
    %dot_general3A_1165 = arith.constant dense<0.000000e+00> : vector<256x128xf32>
    %dot_general3A_1166 = tpu.matmul %add3A_1156, %get3A_1164, %dot_general3A_1165 {dimension_numbers = #tpu.dot_dimension_numbers<[1], [0], [0], [1], [0, 0, 1, 1], [], []>, transpose_lhs_hint = false} : vector<256x128xf32>, vector<128x128xf32>, vector<256x128xf32> -> vector<256x128xf32>
    %add3A_1167 = arith.addf %dot_general3A_1161, %dot_general3A_1166 : vector<256x128xf32>
    %slice3A_1168 = vector.extract_strided_slice %dot_general3A_71 {offsets = [0, 1408], sizes = [256, 128], strides = [1, 1]} : vector<256x2560xf32> to vector<256x128xf32>
    %add3A_1169 = arith.addf %add3A_1167, %slice3A_1168 : vector<256x128xf32>
    %get3A_1170 = arith.constant 0 : index
    %get3A_1171 = arith.constant 0 : index
    %get3A_1172 = vector.load %arg14[%get3A_1170, %get3A_1171] : memref<128x128xf32, #tpu.memory_space<vmem>>, vector<128x128xf32>
    %dot_general3A_1173 = arith.constant dense<0.000000e+00> : vector<256x128xf32>
    %dot_general3A_1174 = tpu.matmul %get3A_1102, %get3A_1172, %dot_general3A_1173 {dimension_numbers = #tpu.dot_dimension_numbers<[1], [0], [0], [1], [0, 0, 1, 1], [], []>, transpose_lhs_hint = false} : vector<256x128xf32>, vector<128x128xf32>, vector<256x128xf32> -> vector<256x128xf32>
    %get3A_1175 = arith.constant 0 : index
    %get3A_1176 = arith.constant 0 : index
    %get3A_1177 = vector.load %arg15[%get3A_1175, %get3A_1176] : memref<128x128xf32, #tpu.memory_space<vmem>>, vector<128x128xf32>
    %dot_general3A_1178 = arith.constant dense<0.000000e+00> : vector<256x128xf32>
    %dot_general3A_1179 = tpu.matmul %add3A_1156, %get3A_1177, %dot_general3A_1178 {dimension_numbers = #tpu.dot_dimension_numbers<[1], [0], [0], [1], [0, 0, 1, 1], [], []>, transpose_lhs_hint = false} : vector<256x128xf32>, vector<128x128xf32>, vector<256x128xf32> -> vector<256x128xf32>
    %add3A_1180 = arith.addf %dot_general3A_1174, %dot_general3A_1179 : vector<256x128xf32>
    %slice3A_1181 = vector.extract_strided_slice %dot_general3A_79 {offsets = [0, 1408], sizes = [256, 128], strides = [1, 1]} : vector<256x2560xf32> to vector<256x128xf32>
    %add3A_1182 = arith.addf %add3A_1180, %slice3A_1181 : vector<256x128xf32>
    %mul3A_1183 = arith.mulf %mul3A_63, %add3A_1169 : vector<256x128xf32>
    %swap3A_1184 = arith.constant 0 : index
    %swap3A_1185 = arith.constant 1408 : index
    %swap3A_1186 = vector.load %arg23[%swap3A_1184, %swap3A_1185] : memref<256x2560xf32, #tpu.memory_space<vmem>>, vector<256x128xf32>
    tpu.vector_store %arg23[%swap3A_1184, %swap3A_1185], %mul3A_1183 {strides = array<i32>} : memref<256x2560xf32, #tpu.memory_space<vmem>>, vector<256x128xf32>,
    %swap3A_1187 = arith.constant 0 : index
    %swap3A_1188 = arith.constant 1408 : index
    %swap3A_1189 = vector.load %arg24[%swap3A_1187, %swap3A_1188] : memref<256x2560xf32, #tpu.memory_space<vmem>>, vector<256x128xf32>
    tpu.vector_store %arg24[%swap3A_1187, %swap3A_1188], %add3A_1182 {strides = array<i32>} : memref<256x2560xf32, #tpu.memory_space<vmem>>, vector<256x128xf32>,
    %get3A_1190 = arith.constant 12 : index
    %get3A_1191 = arith.constant 0 : index
    %get3A_1192 = arith.constant 0 : index
    %get3A_1193 = vector.load %arg2[%get3A_1190, %get3A_1191, %get3A_1192] : memref<20x256x128xf32, #tpu.memory_space<vmem>>, vector<1x256x128xf32>
    %get3A_1194 = vector.shape_cast %get3A_1193 : vector<1x256x128xf32> to vector<256x128xf32>
    %slice3A_1195 = vector.extract_strided_slice %sub3A_87 {offsets = [0, 12], sizes = [256, 1], strides = [1, 1]} : vector<256x20xf32> to vector<256x1xf32>
    %broadcast_in_dim3A_1196 = vector.shape_cast %slice3A_1195 : vector<256x1xf32> to vector<256x1xf32>
    %broadcast_in_dim3A_1197 = vector.broadcast %broadcast_in_dim3A_1196 : vector<256x1xf32> to vector<256x128xf32>
    %mul3A_1198 = vector.broadcast %get3A_4 : vector<1x128xf32> to vector<256x128xf32>
    %mul3A_1199 = arith.mulf %broadcast_in_dim3A_1197, %mul3A_1198 : vector<256x128xf32>
    %add3A_1200 = vector.broadcast %get3A_7 : vector<1x128xf32> to vector<256x128xf32>
    %add3A_1201 = arith.addf %mul3A_1199, %add3A_1200 : vector<256x128xf32>
    %mul3A_1202 = arith.constant 0.159154937 : f32
    %mul3A_1203 = vector.broadcast %mul3A_1202 : f32 to vector<256x128xf32>
    %mul3A_1204 = arith.mulf %add3A_1201, %mul3A_1203 : vector<256x128xf32>
    %round3A_1205 = math.roundeven %mul3A_1204 : vector<256x128xf32>
    %mul3A_1206 = arith.constant 6.281250e+00 : f32
    %mul3A_1207 = vector.broadcast %mul3A_1206 : f32 to vector<256x128xf32>
    %mul3A_1208 = arith.mulf %round3A_1205, %mul3A_1207 : vector<256x128xf32>
    %sub3A_1209 = arith.subf %add3A_1201, %mul3A_1208 : vector<256x128xf32>
    %mul3A_1210 = arith.constant 0.00193530717 : f32
    %mul3A_1211 = vector.broadcast %mul3A_1210 : f32 to vector<256x128xf32>
    %mul3A_1212 = arith.mulf %round3A_1205, %mul3A_1211 : vector<256x128xf32>
    %sub3A_1213 = arith.subf %sub3A_1209, %mul3A_1212 : vector<256x128xf32>
    %mul3A_1214 = arith.constant 1.02531317E-11 : f32
    %mul3A_1215 = vector.broadcast %mul3A_1214 : f32 to vector<256x128xf32>
    %mul3A_1216 = arith.mulf %round3A_1205, %mul3A_1215 : vector<256x128xf32>
    %sub3A_1217 = arith.subf %sub3A_1213, %mul3A_1216 : vector<256x128xf32>
    %mul3A_1218 = arith.mulf %sub3A_1217, %sub3A_1217 : vector<256x128xf32>
    %broadcast_in_dim3A_1219 = arith.constant -9.66698943E-12 : f32
    %broadcast_in_dim3A_1220 = vector.broadcast %broadcast_in_dim3A_1219 : f32 to vector<256x128xf32>
    %mul3A_1221 = arith.mulf %broadcast_in_dim3A_1220, %mul3A_1218 : vector<256x128xf32>
    %add3A_1222 = arith.constant 2.058480e-09 : f32
    %add3A_1223 = vector.broadcast %add3A_1222 : f32 to vector<256x128xf32>
    %add3A_1224 = arith.addf %mul3A_1221, %add3A_1223 : vector<256x128xf32>
    %mul3A_1225 = arith.mulf %add3A_1224, %mul3A_1218 : vector<256x128xf32>
    %add3A_1226 = arith.constant -2.7532306E-7 : f32
    %add3A_1227 = vector.broadcast %add3A_1226 : f32 to vector<256x128xf32>
    %add3A_1228 = arith.addf %mul3A_1225, %add3A_1227 : vector<256x128xf32>
    %mul3A_1229 = arith.mulf %add3A_1228, %mul3A_1218 : vector<256x128xf32>
    %add3A_1230 = arith.constant 2.48003889E-5 : f32
    %add3A_1231 = vector.broadcast %add3A_1230 : f32 to vector<256x128xf32>
    %add3A_1232 = arith.addf %mul3A_1229, %add3A_1231 : vector<256x128xf32>
    %mul3A_1233 = arith.mulf %add3A_1232, %mul3A_1218 : vector<256x128xf32>
    %add3A_1234 = arith.constant -0.00138888578 : f32
    %add3A_1235 = vector.broadcast %add3A_1234 : f32 to vector<256x128xf32>
    %add3A_1236 = arith.addf %mul3A_1233, %add3A_1235 : vector<256x128xf32>
    %mul3A_1237 = arith.mulf %add3A_1236, %mul3A_1218 : vector<256x128xf32>
    %add3A_1238 = arith.constant 0.0416666642 : f32
    %add3A_1239 = vector.broadcast %add3A_1238 : f32 to vector<256x128xf32>
    %add3A_1240 = arith.addf %mul3A_1237, %add3A_1239 : vector<256x128xf32>
    %mul3A_1241 = arith.mulf %add3A_1240, %mul3A_1218 : vector<256x128xf32>
    %add3A_1242 = arith.constant -5.000000e-01 : f32
    %add3A_1243 = vector.broadcast %add3A_1242 : f32 to vector<256x128xf32>
    %add3A_1244 = arith.addf %mul3A_1241, %add3A_1243 : vector<256x128xf32>
    %mul3A_1245 = arith.mulf %add3A_1244, %mul3A_1218 : vector<256x128xf32>
    %add3A_1246 = arith.constant 1.000000e+00 : f32
    %add3A_1247 = vector.broadcast %add3A_1246 : f32 to vector<256x128xf32>
    %add3A_1248 = arith.addf %mul3A_1245, %add3A_1247 : vector<256x128xf32>
    %get3A_1249 = arith.constant 0 : index
    %get3A_1250 = arith.constant 0 : index
    %get3A_1251 = vector.load %arg11[%get3A_1249, %get3A_1250] : memref<128x128xf32, #tpu.memory_space<vmem>>, vector<128x128xf32>
    %dot_general3A_1252 = arith.constant dense<0.000000e+00> : vector<256x128xf32>
    %dot_general3A_1253 = tpu.matmul %get3A_1194, %get3A_1251, %dot_general3A_1252 {dimension_numbers = #tpu.dot_dimension_numbers<[1], [0], [0], [1], [0, 0, 1, 1], [], []>, transpose_lhs_hint = false} : vector<256x128xf32>, vector<128x128xf32>, vector<256x128xf32> -> vector<256x128xf32>
    %get3A_1254 = arith.constant 0 : index
    %get3A_1255 = arith.constant 0 : index
    %get3A_1256 = vector.load %arg12[%get3A_1254, %get3A_1255] : memref<128x128xf32, #tpu.memory_space<vmem>>, vector<128x128xf32>
    %dot_general3A_1257 = arith.constant dense<0.000000e+00> : vector<256x128xf32>
    %dot_general3A_1258 = tpu.matmul %add3A_1248, %get3A_1256, %dot_general3A_1257 {dimension_numbers = #tpu.dot_dimension_numbers<[1], [0], [0], [1], [0, 0, 1, 1], [], []>, transpose_lhs_hint = false} : vector<256x128xf32>, vector<128x128xf32>, vector<256x128xf32> -> vector<256x128xf32>
    %add3A_1259 = arith.addf %dot_general3A_1253, %dot_general3A_1258 : vector<256x128xf32>
    %slice3A_1260 = vector.extract_strided_slice %dot_general3A_71 {offsets = [0, 1536], sizes = [256, 128], strides = [1, 1]} : vector<256x2560xf32> to vector<256x128xf32>
    %add3A_1261 = arith.addf %add3A_1259, %slice3A_1260 : vector<256x128xf32>
    %get3A_1262 = arith.constant 0 : index
    %get3A_1263 = arith.constant 0 : index
    %get3A_1264 = vector.load %arg14[%get3A_1262, %get3A_1263] : memref<128x128xf32, #tpu.memory_space<vmem>>, vector<128x128xf32>
    %dot_general3A_1265 = arith.constant dense<0.000000e+00> : vector<256x128xf32>
    %dot_general3A_1266 = tpu.matmul %get3A_1194, %get3A_1264, %dot_general3A_1265 {dimension_numbers = #tpu.dot_dimension_numbers<[1], [0], [0], [1], [0, 0, 1, 1], [], []>, transpose_lhs_hint = false} : vector<256x128xf32>, vector<128x128xf32>, vector<256x128xf32> -> vector<256x128xf32>
    %get3A_1267 = arith.constant 0 : index
    %get3A_1268 = arith.constant 0 : index
    %get3A_1269 = vector.load %arg15[%get3A_1267, %get3A_1268] : memref<128x128xf32, #tpu.memory_space<vmem>>, vector<128x128xf32>
    %dot_general3A_1270 = arith.constant dense<0.000000e+00> : vector<256x128xf32>
    %dot_general3A_1271 = tpu.matmul %add3A_1248, %get3A_1269, %dot_general3A_1270 {dimension_numbers = #tpu.dot_dimension_numbers<[1], [0], [0], [1], [0, 0, 1, 1], [], []>, transpose_lhs_hint = false} : vector<256x128xf32>, vector<128x128xf32>, vector<256x128xf32> -> vector<256x128xf32>
    %add3A_1272 = arith.addf %dot_general3A_1266, %dot_general3A_1271 : vector<256x128xf32>
    %slice3A_1273 = vector.extract_strided_slice %dot_general3A_79 {offsets = [0, 1536], sizes = [256, 128], strides = [1, 1]} : vector<256x2560xf32> to vector<256x128xf32>
    %add3A_1274 = arith.addf %add3A_1272, %slice3A_1273 : vector<256x128xf32>
    %mul3A_1275 = arith.mulf %mul3A_63, %add3A_1261 : vector<256x128xf32>
    %swap3A_1276 = arith.constant 0 : index
    %swap3A_1277 = arith.constant 1536 : index
    %swap3A_1278 = vector.load %arg23[%swap3A_1276, %swap3A_1277] : memref<256x2560xf32, #tpu.memory_space<vmem>>, vector<256x128xf32>
    tpu.vector_store %arg23[%swap3A_1276, %swap3A_1277], %mul3A_1275 {strides = array<i32>} : memref<256x2560xf32, #tpu.memory_space<vmem>>, vector<256x128xf32>,
    %swap3A_1279 = arith.constant 0 : index
    %swap3A_1280 = arith.constant 1536 : index
    %swap3A_1281 = vector.load %arg24[%swap3A_1279, %swap3A_1280] : memref<256x2560xf32, #tpu.memory_space<vmem>>, vector<256x128xf32>
    tpu.vector_store %arg24[%swap3A_1279, %swap3A_1280], %add3A_1274 {strides = array<i32>} : memref<256x2560xf32, #tpu.memory_space<vmem>>, vector<256x128xf32>,
    %get3A_1282 = arith.constant 13 : index
    %get3A_1283 = arith.constant 0 : index
    %get3A_1284 = arith.constant 0 : index
    %get3A_1285 = vector.load %arg2[%get3A_1282, %get3A_1283, %get3A_1284] : memref<20x256x128xf32, #tpu.memory_space<vmem>>, vector<1x256x128xf32>
    %get3A_1286 = vector.shape_cast %get3A_1285 : vector<1x256x128xf32> to vector<256x128xf32>
    %slice3A_1287 = vector.extract_strided_slice %sub3A_87 {offsets = [0, 13], sizes = [256, 1], strides = [1, 1]} : vector<256x20xf32> to vector<256x1xf32>
    %broadcast_in_dim3A_1288 = vector.shape_cast %slice3A_1287 : vector<256x1xf32> to vector<256x1xf32>
    %broadcast_in_dim3A_1289 = vector.broadcast %broadcast_in_dim3A_1288 : vector<256x1xf32> to vector<256x128xf32>
    %mul3A_1290 = vector.broadcast %get3A_4 : vector<1x128xf32> to vector<256x128xf32>
    %mul3A_1291 = arith.mulf %broadcast_in_dim3A_1289, %mul3A_1290 : vector<256x128xf32>
    %add3A_1292 = vector.broadcast %get3A_7 : vector<1x128xf32> to vector<256x128xf32>
    %add3A_1293 = arith.addf %mul3A_1291, %add3A_1292 : vector<256x128xf32>
    %mul3A_1294 = arith.constant 0.159154937 : f32
    %mul3A_1295 = vector.broadcast %mul3A_1294 : f32 to vector<256x128xf32>
    %mul3A_1296 = arith.mulf %add3A_1293, %mul3A_1295 : vector<256x128xf32>
    %round3A_1297 = math.roundeven %mul3A_1296 : vector<256x128xf32>
    %mul3A_1298 = arith.constant 6.281250e+00 : f32
    %mul3A_1299 = vector.broadcast %mul3A_1298 : f32 to vector<256x128xf32>
    %mul3A_1300 = arith.mulf %round3A_1297, %mul3A_1299 : vector<256x128xf32>
    %sub3A_1301 = arith.subf %add3A_1293, %mul3A_1300 : vector<256x128xf32>
    %mul3A_1302 = arith.constant 0.00193530717 : f32
    %mul3A_1303 = vector.broadcast %mul3A_1302 : f32 to vector<256x128xf32>
    %mul3A_1304 = arith.mulf %round3A_1297, %mul3A_1303 : vector<256x128xf32>
    %sub3A_1305 = arith.subf %sub3A_1301, %mul3A_1304 : vector<256x128xf32>
    %mul3A_1306 = arith.constant 1.02531317E-11 : f32
    %mul3A_1307 = vector.broadcast %mul3A_1306 : f32 to vector<256x128xf32>
    %mul3A_1308 = arith.mulf %round3A_1297, %mul3A_1307 : vector<256x128xf32>
    %sub3A_1309 = arith.subf %sub3A_1305, %mul3A_1308 : vector<256x128xf32>
    %mul3A_1310 = arith.mulf %sub3A_1309, %sub3A_1309 : vector<256x128xf32>
    %broadcast_in_dim3A_1311 = arith.constant -9.66698943E-12 : f32
    %broadcast_in_dim3A_1312 = vector.broadcast %broadcast_in_dim3A_1311 : f32 to vector<256x128xf32>
    %mul3A_1313 = arith.mulf %broadcast_in_dim3A_1312, %mul3A_1310 : vector<256x128xf32>
    %add3A_1314 = arith.constant 2.058480e-09 : f32
    %add3A_1315 = vector.broadcast %add3A_1314 : f32 to vector<256x128xf32>
    %add3A_1316 = arith.addf %mul3A_1313, %add3A_1315 : vector<256x128xf32>
    %mul3A_1317 = arith.mulf %add3A_1316, %mul3A_1310 : vector<256x128xf32>
    %add3A_1318 = arith.constant -2.7532306E-7 : f32
    %add3A_1319 = vector.broadcast %add3A_1318 : f32 to vector<256x128xf32>
    %add3A_1320 = arith.addf %mul3A_1317, %add3A_1319 : vector<256x128xf32>
    %mul3A_1321 = arith.mulf %add3A_1320, %mul3A_1310 : vector<256x128xf32>
    %add3A_1322 = arith.constant 2.48003889E-5 : f32
    %add3A_1323 = vector.broadcast %add3A_1322 : f32 to vector<256x128xf32>
    %add3A_1324 = arith.addf %mul3A_1321, %add3A_1323 : vector<256x128xf32>
    %mul3A_1325 = arith.mulf %add3A_1324, %mul3A_1310 : vector<256x128xf32>
    %add3A_1326 = arith.constant -0.00138888578 : f32
    %add3A_1327 = vector.broadcast %add3A_1326 : f32 to vector<256x128xf32>
    %add3A_1328 = arith.addf %mul3A_1325, %add3A_1327 : vector<256x128xf32>
    %mul3A_1329 = arith.mulf %add3A_1328, %mul3A_1310 : vector<256x128xf32>
    %add3A_1330 = arith.constant 0.0416666642 : f32
    %add3A_1331 = vector.broadcast %add3A_1330 : f32 to vector<256x128xf32>
    %add3A_1332 = arith.addf %mul3A_1329, %add3A_1331 : vector<256x128xf32>
    %mul3A_1333 = arith.mulf %add3A_1332, %mul3A_1310 : vector<256x128xf32>
    %add3A_1334 = arith.constant -5.000000e-01 : f32
    %add3A_1335 = vector.broadcast %add3A_1334 : f32 to vector<256x128xf32>
    %add3A_1336 = arith.addf %mul3A_1333, %add3A_1335 : vector<256x128xf32>
    %mul3A_1337 = arith.mulf %add3A_1336, %mul3A_1310 : vector<256x128xf32>
    %add3A_1338 = arith.constant 1.000000e+00 : f32
    %add3A_1339 = vector.broadcast %add3A_1338 : f32 to vector<256x128xf32>
    %add3A_1340 = arith.addf %mul3A_1337, %add3A_1339 : vector<256x128xf32>
    %get3A_1341 = arith.constant 0 : index
    %get3A_1342 = arith.constant 0 : index
    %get3A_1343 = vector.load %arg11[%get3A_1341, %get3A_1342] : memref<128x128xf32, #tpu.memory_space<vmem>>, vector<128x128xf32>
    %dot_general3A_1344 = arith.constant dense<0.000000e+00> : vector<256x128xf32>
    %dot_general3A_1345 = tpu.matmul %get3A_1286, %get3A_1343, %dot_general3A_1344 {dimension_numbers = #tpu.dot_dimension_numbers<[1], [0], [0], [1], [0, 0, 1, 1], [], []>, transpose_lhs_hint = false} : vector<256x128xf32>, vector<128x128xf32>, vector<256x128xf32> -> vector<256x128xf32>
    %get3A_1346 = arith.constant 0 : index
    %get3A_1347 = arith.constant 0 : index
    %get3A_1348 = vector.load %arg12[%get3A_1346, %get3A_1347] : memref<128x128xf32, #tpu.memory_space<vmem>>, vector<128x128xf32>
    %dot_general3A_1349 = arith.constant dense<0.000000e+00> : vector<256x128xf32>
    %dot_general3A_1350 = tpu.matmul %add3A_1340, %get3A_1348, %dot_general3A_1349 {dimension_numbers = #tpu.dot_dimension_numbers<[1], [0], [0], [1], [0, 0, 1, 1], [], []>, transpose_lhs_hint = false} : vector<256x128xf32>, vector<128x128xf32>, vector<256x128xf32> -> vector<256x128xf32>
    %add3A_1351 = arith.addf %dot_general3A_1345, %dot_general3A_1350 : vector<256x128xf32>
    %slice3A_1352 = vector.extract_strided_slice %dot_general3A_71 {offsets = [0, 1664], sizes = [256, 128], strides = [1, 1]} : vector<256x2560xf32> to vector<256x128xf32>
    %add3A_1353 = arith.addf %add3A_1351, %slice3A_1352 : vector<256x128xf32>
    %get3A_1354 = arith.constant 0 : index
    %get3A_1355 = arith.constant 0 : index
    %get3A_1356 = vector.load %arg14[%get3A_1354, %get3A_1355] : memref<128x128xf32, #tpu.memory_space<vmem>>, vector<128x128xf32>
    %dot_general3A_1357 = arith.constant dense<0.000000e+00> : vector<256x128xf32>
    %dot_general3A_1358 = tpu.matmul %get3A_1286, %get3A_1356, %dot_general3A_1357 {dimension_numbers = #tpu.dot_dimension_numbers<[1], [0], [0], [1], [0, 0, 1, 1], [], []>, transpose_lhs_hint = false} : vector<256x128xf32>, vector<128x128xf32>, vector<256x128xf32> -> vector<256x128xf32>
    %get3A_1359 = arith.constant 0 : index
    %get3A_1360 = arith.constant 0 : index
    %get3A_1361 = vector.load %arg15[%get3A_1359, %get3A_1360] : memref<128x128xf32, #tpu.memory_space<vmem>>, vector<128x128xf32>
    %dot_general3A_1362 = arith.constant dense<0.000000e+00> : vector<256x128xf32>
    %dot_general3A_1363 = tpu.matmul %add3A_1340, %get3A_1361, %dot_general3A_1362 {dimension_numbers = #tpu.dot_dimension_numbers<[1], [0], [0], [1], [0, 0, 1, 1], [], []>, transpose_lhs_hint = false} : vector<256x128xf32>, vector<128x128xf32>, vector<256x128xf32> -> vector<256x128xf32>
    %add3A_1364 = arith.addf %dot_general3A_1358, %dot_general3A_1363 : vector<256x128xf32>
    %slice3A_1365 = vector.extract_strided_slice %dot_general3A_79 {offsets = [0, 1664], sizes = [256, 128], strides = [1, 1]} : vector<256x2560xf32> to vector<256x128xf32>
    %add3A_1366 = arith.addf %add3A_1364, %slice3A_1365 : vector<256x128xf32>
    %mul3A_1367 = arith.mulf %mul3A_63, %add3A_1353 : vector<256x128xf32>
    %swap3A_1368 = arith.constant 0 : index
    %swap3A_1369 = arith.constant 1664 : index
    %swap3A_1370 = vector.load %arg23[%swap3A_1368, %swap3A_1369] : memref<256x2560xf32, #tpu.memory_space<vmem>>, vector<256x128xf32>
    tpu.vector_store %arg23[%swap3A_1368, %swap3A_1369], %mul3A_1367 {strides = array<i32>} : memref<256x2560xf32, #tpu.memory_space<vmem>>, vector<256x128xf32>,
    %swap3A_1371 = arith.constant 0 : index
    %swap3A_1372 = arith.constant 1664 : index
    %swap3A_1373 = vector.load %arg24[%swap3A_1371, %swap3A_1372] : memref<256x2560xf32, #tpu.memory_space<vmem>>, vector<256x128xf32>
    tpu.vector_store %arg24[%swap3A_1371, %swap3A_1372], %add3A_1366 {strides = array<i32>} : memref<256x2560xf32, #tpu.memory_space<vmem>>, vector<256x128xf32>,
    %get3A_1374 = arith.constant 14 : index
    %get3A_1375 = arith.constant 0 : index
    %get3A_1376 = arith.constant 0 : index
    %get3A_1377 = vector.load %arg2[%get3A_1374, %get3A_1375, %get3A_1376] : memref<20x256x128xf32, #tpu.memory_space<vmem>>, vector<1x256x128xf32>
    %get3A_1378 = vector.shape_cast %get3A_1377 : vector<1x256x128xf32> to vector<256x128xf32>
    %slice3A_1379 = vector.extract_strided_slice %sub3A_87 {offsets = [0, 14], sizes = [256, 1], strides = [1, 1]} : vector<256x20xf32> to vector<256x1xf32>
    %broadcast_in_dim3A_1380 = vector.shape_cast %slice3A_1379 : vector<256x1xf32> to vector<256x1xf32>
    %broadcast_in_dim3A_1381 = vector.broadcast %broadcast_in_dim3A_1380 : vector<256x1xf32> to vector<256x128xf32>
    %mul3A_1382 = vector.broadcast %get3A_4 : vector<1x128xf32> to vector<256x128xf32>
    %mul3A_1383 = arith.mulf %broadcast_in_dim3A_1381, %mul3A_1382 : vector<256x128xf32>
    %add3A_1384 = vector.broadcast %get3A_7 : vector<1x128xf32> to vector<256x128xf32>
    %add3A_1385 = arith.addf %mul3A_1383, %add3A_1384 : vector<256x128xf32>
    %mul3A_1386 = arith.constant 0.159154937 : f32
    %mul3A_1387 = vector.broadcast %mul3A_1386 : f32 to vector<256x128xf32>
    %mul3A_1388 = arith.mulf %add3A_1385, %mul3A_1387 : vector<256x128xf32>
    %round3A_1389 = math.roundeven %mul3A_1388 : vector<256x128xf32>
    %mul3A_1390 = arith.constant 6.281250e+00 : f32
    %mul3A_1391 = vector.broadcast %mul3A_1390 : f32 to vector<256x128xf32>
    %mul3A_1392 = arith.mulf %round3A_1389, %mul3A_1391 : vector<256x128xf32>
    %sub3A_1393 = arith.subf %add3A_1385, %mul3A_1392 : vector<256x128xf32>
    %mul3A_1394 = arith.constant 0.00193530717 : f32
    %mul3A_1395 = vector.broadcast %mul3A_1394 : f32 to vector<256x128xf32>
    %mul3A_1396 = arith.mulf %round3A_1389, %mul3A_1395 : vector<256x128xf32>
    %sub3A_1397 = arith.subf %sub3A_1393, %mul3A_1396 : vector<256x128xf32>
    %mul3A_1398 = arith.constant 1.02531317E-11 : f32
    %mul3A_1399 = vector.broadcast %mul3A_1398 : f32 to vector<256x128xf32>
    %mul3A_1400 = arith.mulf %round3A_1389, %mul3A_1399 : vector<256x128xf32>
    %sub3A_1401 = arith.subf %sub3A_1397, %mul3A_1400 : vector<256x128xf32>
    %mul3A_1402 = arith.mulf %sub3A_1401, %sub3A_1401 : vector<256x128xf32>
    %broadcast_in_dim3A_1403 = arith.constant -9.66698943E-12 : f32
    %broadcast_in_dim3A_1404 = vector.broadcast %broadcast_in_dim3A_1403 : f32 to vector<256x128xf32>
    %mul3A_1405 = arith.mulf %broadcast_in_dim3A_1404, %mul3A_1402 : vector<256x128xf32>
    %add3A_1406 = arith.constant 2.058480e-09 : f32
    %add3A_1407 = vector.broadcast %add3A_1406 : f32 to vector<256x128xf32>
    %add3A_1408 = arith.addf %mul3A_1405, %add3A_1407 : vector<256x128xf32>
    %mul3A_1409 = arith.mulf %add3A_1408, %mul3A_1402 : vector<256x128xf32>
    %add3A_1410 = arith.constant -2.7532306E-7 : f32
    %add3A_1411 = vector.broadcast %add3A_1410 : f32 to vector<256x128xf32>
    %add3A_1412 = arith.addf %mul3A_1409, %add3A_1411 : vector<256x128xf32>
    %mul3A_1413 = arith.mulf %add3A_1412, %mul3A_1402 : vector<256x128xf32>
    %add3A_1414 = arith.constant 2.48003889E-5 : f32
    %add3A_1415 = vector.broadcast %add3A_1414 : f32 to vector<256x128xf32>
    %add3A_1416 = arith.addf %mul3A_1413, %add3A_1415 : vector<256x128xf32>
    %mul3A_1417 = arith.mulf %add3A_1416, %mul3A_1402 : vector<256x128xf32>
    %add3A_1418 = arith.constant -0.00138888578 : f32
    %add3A_1419 = vector.broadcast %add3A_1418 : f32 to vector<256x128xf32>
    %add3A_1420 = arith.addf %mul3A_1417, %add3A_1419 : vector<256x128xf32>
    %mul3A_1421 = arith.mulf %add3A_1420, %mul3A_1402 : vector<256x128xf32>
    %add3A_1422 = arith.constant 0.0416666642 : f32
    %add3A_1423 = vector.broadcast %add3A_1422 : f32 to vector<256x128xf32>
    %add3A_1424 = arith.addf %mul3A_1421, %add3A_1423 : vector<256x128xf32>
    %mul3A_1425 = arith.mulf %add3A_1424, %mul3A_1402 : vector<256x128xf32>
    %add3A_1426 = arith.constant -5.000000e-01 : f32
    %add3A_1427 = vector.broadcast %add3A_1426 : f32 to vector<256x128xf32>
    %add3A_1428 = arith.addf %mul3A_1425, %add3A_1427 : vector<256x128xf32>
    %mul3A_1429 = arith.mulf %add3A_1428, %mul3A_1402 : vector<256x128xf32>
    %add3A_1430 = arith.constant 1.000000e+00 : f32
    %add3A_1431 = vector.broadcast %add3A_1430 : f32 to vector<256x128xf32>
    %add3A_1432 = arith.addf %mul3A_1429, %add3A_1431 : vector<256x128xf32>
    %get3A_1433 = arith.constant 0 : index
    %get3A_1434 = arith.constant 0 : index
    %get3A_1435 = vector.load %arg11[%get3A_1433, %get3A_1434] : memref<128x128xf32, #tpu.memory_space<vmem>>, vector<128x128xf32>
    %dot_general3A_1436 = arith.constant dense<0.000000e+00> : vector<256x128xf32>
    %dot_general3A_1437 = tpu.matmul %get3A_1378, %get3A_1435, %dot_general3A_1436 {dimension_numbers = #tpu.dot_dimension_numbers<[1], [0], [0], [1], [0, 0, 1, 1], [], []>, transpose_lhs_hint = false} : vector<256x128xf32>, vector<128x128xf32>, vector<256x128xf32> -> vector<256x128xf32>
    %get3A_1438 = arith.constant 0 : index
    %get3A_1439 = arith.constant 0 : index
    %get3A_1440 = vector.load %arg12[%get3A_1438, %get3A_1439] : memref<128x128xf32, #tpu.memory_space<vmem>>, vector<128x128xf32>
    %dot_general3A_1441 = arith.constant dense<0.000000e+00> : vector<256x128xf32>
    %dot_general3A_1442 = tpu.matmul %add3A_1432, %get3A_1440, %dot_general3A_1441 {dimension_numbers = #tpu.dot_dimension_numbers<[1], [0], [0], [1], [0, 0, 1, 1], [], []>, transpose_lhs_hint = false} : vector<256x128xf32>, vector<128x128xf32>, vector<256x128xf32> -> vector<256x128xf32>
    %add3A_1443 = arith.addf %dot_general3A_1437, %dot_general3A_1442 : vector<256x128xf32>
    %slice3A_1444 = vector.extract_strided_slice %dot_general3A_71 {offsets = [0, 1792], sizes = [256, 128], strides = [1, 1]} : vector<256x2560xf32> to vector<256x128xf32>
    %add3A_1445 = arith.addf %add3A_1443, %slice3A_1444 : vector<256x128xf32>
    %get3A_1446 = arith.constant 0 : index
    %get3A_1447 = arith.constant 0 : index
    %get3A_1448 = vector.load %arg14[%get3A_1446, %get3A_1447] : memref<128x128xf32, #tpu.memory_space<vmem>>, vector<128x128xf32>
    %dot_general3A_1449 = arith.constant dense<0.000000e+00> : vector<256x128xf32>
    %dot_general3A_1450 = tpu.matmul %get3A_1378, %get3A_1448, %dot_general3A_1449 {dimension_numbers = #tpu.dot_dimension_numbers<[1], [0], [0], [1], [0, 0, 1, 1], [], []>, transpose_lhs_hint = false} : vector<256x128xf32>, vector<128x128xf32>, vector<256x128xf32> -> vector<256x128xf32>
    %get3A_1451 = arith.constant 0 : index
    %get3A_1452 = arith.constant 0 : index
    %get3A_1453 = vector.load %arg15[%get3A_1451, %get3A_1452] : memref<128x128xf32, #tpu.memory_space<vmem>>, vector<128x128xf32>
    %dot_general3A_1454 = arith.constant dense<0.000000e+00> : vector<256x128xf32>
    %dot_general3A_1455 = tpu.matmul %add3A_1432, %get3A_1453, %dot_general3A_1454 {dimension_numbers = #tpu.dot_dimension_numbers<[1], [0], [0], [1], [0, 0, 1, 1], [], []>, transpose_lhs_hint = false} : vector<256x128xf32>, vector<128x128xf32>, vector<256x128xf32> -> vector<256x128xf32>
    %add3A_1456 = arith.addf %dot_general3A_1450, %dot_general3A_1455 : vector<256x128xf32>
    %slice3A_1457 = vector.extract_strided_slice %dot_general3A_79 {offsets = [0, 1792], sizes = [256, 128], strides = [1, 1]} : vector<256x2560xf32> to vector<256x128xf32>
    %add3A_1458 = arith.addf %add3A_1456, %slice3A_1457 : vector<256x128xf32>
    %mul3A_1459 = arith.mulf %mul3A_63, %add3A_1445 : vector<256x128xf32>
    %swap3A_1460 = arith.constant 0 : index
    %swap3A_1461 = arith.constant 1792 : index
    %swap3A_1462 = vector.load %arg23[%swap3A_1460, %swap3A_1461] : memref<256x2560xf32, #tpu.memory_space<vmem>>, vector<256x128xf32>
    tpu.vector_store %arg23[%swap3A_1460, %swap3A_1461], %mul3A_1459 {strides = array<i32>} : memref<256x2560xf32, #tpu.memory_space<vmem>>, vector<256x128xf32>,
    %swap3A_1463 = arith.constant 0 : index
    %swap3A_1464 = arith.constant 1792 : index
    %swap3A_1465 = vector.load %arg24[%swap3A_1463, %swap3A_1464] : memref<256x2560xf32, #tpu.memory_space<vmem>>, vector<256x128xf32>
    tpu.vector_store %arg24[%swap3A_1463, %swap3A_1464], %add3A_1458 {strides = array<i32>} : memref<256x2560xf32, #tpu.memory_space<vmem>>, vector<256x128xf32>,
    %get3A_1466 = arith.constant 15 : index
    %get3A_1467 = arith.constant 0 : index
    %get3A_1468 = arith.constant 0 : index
    %get3A_1469 = vector.load %arg2[%get3A_1466, %get3A_1467, %get3A_1468] : memref<20x256x128xf32, #tpu.memory_space<vmem>>, vector<1x256x128xf32>
    %get3A_1470 = vector.shape_cast %get3A_1469 : vector<1x256x128xf32> to vector<256x128xf32>
    %slice3A_1471 = vector.extract_strided_slice %sub3A_87 {offsets = [0, 15], sizes = [256, 1], strides = [1, 1]} : vector<256x20xf32> to vector<256x1xf32>
    %broadcast_in_dim3A_1472 = vector.shape_cast %slice3A_1471 : vector<256x1xf32> to vector<256x1xf32>
    %broadcast_in_dim3A_1473 = vector.broadcast %broadcast_in_dim3A_1472 : vector<256x1xf32> to vector<256x128xf32>
    %mul3A_1474 = vector.broadcast %get3A_4 : vector<1x128xf32> to vector<256x128xf32>
    %mul3A_1475 = arith.mulf %broadcast_in_dim3A_1473, %mul3A_1474 : vector<256x128xf32>
    %add3A_1476 = vector.broadcast %get3A_7 : vector<1x128xf32> to vector<256x128xf32>
    %add3A_1477 = arith.addf %mul3A_1475, %add3A_1476 : vector<256x128xf32>
    %mul3A_1478 = arith.constant 0.159154937 : f32
    %mul3A_1479 = vector.broadcast %mul3A_1478 : f32 to vector<256x128xf32>
    %mul3A_1480 = arith.mulf %add3A_1477, %mul3A_1479 : vector<256x128xf32>
    %round3A_1481 = math.roundeven %mul3A_1480 : vector<256x128xf32>
    %mul3A_1482 = arith.constant 6.281250e+00 : f32
    %mul3A_1483 = vector.broadcast %mul3A_1482 : f32 to vector<256x128xf32>
    %mul3A_1484 = arith.mulf %round3A_1481, %mul3A_1483 : vector<256x128xf32>
    %sub3A_1485 = arith.subf %add3A_1477, %mul3A_1484 : vector<256x128xf32>
    %mul3A_1486 = arith.constant 0.00193530717 : f32
    %mul3A_1487 = vector.broadcast %mul3A_1486 : f32 to vector<256x128xf32>
    %mul3A_1488 = arith.mulf %round3A_1481, %mul3A_1487 : vector<256x128xf32>
    %sub3A_1489 = arith.subf %sub3A_1485, %mul3A_1488 : vector<256x128xf32>
    %mul3A_1490 = arith.constant 1.02531317E-11 : f32
    %mul3A_1491 = vector.broadcast %mul3A_1490 : f32 to vector<256x128xf32>
    %mul3A_1492 = arith.mulf %round3A_1481, %mul3A_1491 : vector<256x128xf32>
    %sub3A_1493 = arith.subf %sub3A_1489, %mul3A_1492 : vector<256x128xf32>
    %mul3A_1494 = arith.mulf %sub3A_1493, %sub3A_1493 : vector<256x128xf32>
    %broadcast_in_dim3A_1495 = arith.constant -9.66698943E-12 : f32
    %broadcast_in_dim3A_1496 = vector.broadcast %broadcast_in_dim3A_1495 : f32 to vector<256x128xf32>
    %mul3A_1497 = arith.mulf %broadcast_in_dim3A_1496, %mul3A_1494 : vector<256x128xf32>
    %add3A_1498 = arith.constant 2.058480e-09 : f32
    %add3A_1499 = vector.broadcast %add3A_1498 : f32 to vector<256x128xf32>
    %add3A_1500 = arith.addf %mul3A_1497, %add3A_1499 : vector<256x128xf32>
    %mul3A_1501 = arith.mulf %add3A_1500, %mul3A_1494 : vector<256x128xf32>
    %add3A_1502 = arith.constant -2.7532306E-7 : f32
    %add3A_1503 = vector.broadcast %add3A_1502 : f32 to vector<256x128xf32>
    %add3A_1504 = arith.addf %mul3A_1501, %add3A_1503 : vector<256x128xf32>
    %mul3A_1505 = arith.mulf %add3A_1504, %mul3A_1494 : vector<256x128xf32>
    %add3A_1506 = arith.constant 2.48003889E-5 : f32
    %add3A_1507 = vector.broadcast %add3A_1506 : f32 to vector<256x128xf32>
    %add3A_1508 = arith.addf %mul3A_1505, %add3A_1507 : vector<256x128xf32>
    %mul3A_1509 = arith.mulf %add3A_1508, %mul3A_1494 : vector<256x128xf32>
    %add3A_1510 = arith.constant -0.00138888578 : f32
    %add3A_1511 = vector.broadcast %add3A_1510 : f32 to vector<256x128xf32>
    %add3A_1512 = arith.addf %mul3A_1509, %add3A_1511 : vector<256x128xf32>
    %mul3A_1513 = arith.mulf %add3A_1512, %mul3A_1494 : vector<256x128xf32>
    %add3A_1514 = arith.constant 0.0416666642 : f32
    %add3A_1515 = vector.broadcast %add3A_1514 : f32 to vector<256x128xf32>
    %add3A_1516 = arith.addf %mul3A_1513, %add3A_1515 : vector<256x128xf32>
    %mul3A_1517 = arith.mulf %add3A_1516, %mul3A_1494 : vector<256x128xf32>
    %add3A_1518 = arith.constant -5.000000e-01 : f32
    %add3A_1519 = vector.broadcast %add3A_1518 : f32 to vector<256x128xf32>
    %add3A_1520 = arith.addf %mul3A_1517, %add3A_1519 : vector<256x128xf32>
    %mul3A_1521 = arith.mulf %add3A_1520, %mul3A_1494 : vector<256x128xf32>
    %add3A_1522 = arith.constant 1.000000e+00 : f32
    %add3A_1523 = vector.broadcast %add3A_1522 : f32 to vector<256x128xf32>
    %add3A_1524 = arith.addf %mul3A_1521, %add3A_1523 : vector<256x128xf32>
    %get3A_1525 = arith.constant 0 : index
    %get3A_1526 = arith.constant 0 : index
    %get3A_1527 = vector.load %arg11[%get3A_1525, %get3A_1526] : memref<128x128xf32, #tpu.memory_space<vmem>>, vector<128x128xf32>
    %dot_general3A_1528 = arith.constant dense<0.000000e+00> : vector<256x128xf32>
    %dot_general3A_1529 = tpu.matmul %get3A_1470, %get3A_1527, %dot_general3A_1528 {dimension_numbers = #tpu.dot_dimension_numbers<[1], [0], [0], [1], [0, 0, 1, 1], [], []>, transpose_lhs_hint = false} : vector<256x128xf32>, vector<128x128xf32>, vector<256x128xf32> -> vector<256x128xf32>
    %get3A_1530 = arith.constant 0 : index
    %get3A_1531 = arith.constant 0 : index
    %get3A_1532 = vector.load %arg12[%get3A_1530, %get3A_1531] : memref<128x128xf32, #tpu.memory_space<vmem>>, vector<128x128xf32>
    %dot_general3A_1533 = arith.constant dense<0.000000e+00> : vector<256x128xf32>
    %dot_general3A_1534 = tpu.matmul %add3A_1524, %get3A_1532, %dot_general3A_1533 {dimension_numbers = #tpu.dot_dimension_numbers<[1], [0], [0], [1], [0, 0, 1, 1], [], []>, transpose_lhs_hint = false} : vector<256x128xf32>, vector<128x128xf32>, vector<256x128xf32> -> vector<256x128xf32>
    %add3A_1535 = arith.addf %dot_general3A_1529, %dot_general3A_1534 : vector<256x128xf32>
    %slice3A_1536 = vector.extract_strided_slice %dot_general3A_71 {offsets = [0, 1920], sizes = [256, 128], strides = [1, 1]} : vector<256x2560xf32> to vector<256x128xf32>
    %add3A_1537 = arith.addf %add3A_1535, %slice3A_1536 : vector<256x128xf32>
    %get3A_1538 = arith.constant 0 : index
    %get3A_1539 = arith.constant 0 : index
    %get3A_1540 = vector.load %arg14[%get3A_1538, %get3A_1539] : memref<128x128xf32, #tpu.memory_space<vmem>>, vector<128x128xf32>
    %dot_general3A_1541 = arith.constant dense<0.000000e+00> : vector<256x128xf32>
    %dot_general3A_1542 = tpu.matmul %get3A_1470, %get3A_1540, %dot_general3A_1541 {dimension_numbers = #tpu.dot_dimension_numbers<[1], [0], [0], [1], [0, 0, 1, 1], [], []>, transpose_lhs_hint = false} : vector<256x128xf32>, vector<128x128xf32>, vector<256x128xf32> -> vector<256x128xf32>
    %get3A_1543 = arith.constant 0 : index
    %get3A_1544 = arith.constant 0 : index
    %get3A_1545 = vector.load %arg15[%get3A_1543, %get3A_1544] : memref<128x128xf32, #tpu.memory_space<vmem>>, vector<128x128xf32>
    %dot_general3A_1546 = arith.constant dense<0.000000e+00> : vector<256x128xf32>
    %dot_general3A_1547 = tpu.matmul %add3A_1524, %get3A_1545, %dot_general3A_1546 {dimension_numbers = #tpu.dot_dimension_numbers<[1], [0], [0], [1], [0, 0, 1, 1], [], []>, transpose_lhs_hint = false} : vector<256x128xf32>, vector<128x128xf32>, vector<256x128xf32> -> vector<256x128xf32>
    %add3A_1548 = arith.addf %dot_general3A_1542, %dot_general3A_1547 : vector<256x128xf32>
    %slice3A_1549 = vector.extract_strided_slice %dot_general3A_79 {offsets = [0, 1920], sizes = [256, 128], strides = [1, 1]} : vector<256x2560xf32> to vector<256x128xf32>
    %add3A_1550 = arith.addf %add3A_1548, %slice3A_1549 : vector<256x128xf32>
    %mul3A_1551 = arith.mulf %mul3A_63, %add3A_1537 : vector<256x128xf32>
    %swap3A_1552 = arith.constant 0 : index
    %swap3A_1553 = arith.constant 1920 : index
    %swap3A_1554 = vector.load %arg23[%swap3A_1552, %swap3A_1553] : memref<256x2560xf32, #tpu.memory_space<vmem>>, vector<256x128xf32>
    tpu.vector_store %arg23[%swap3A_1552, %swap3A_1553], %mul3A_1551 {strides = array<i32>} : memref<256x2560xf32, #tpu.memory_space<vmem>>, vector<256x128xf32>,
    %swap3A_1555 = arith.constant 0 : index
    %swap3A_1556 = arith.constant 1920 : index
    %swap3A_1557 = vector.load %arg24[%swap3A_1555, %swap3A_1556] : memref<256x2560xf32, #tpu.memory_space<vmem>>, vector<256x128xf32>
    tpu.vector_store %arg24[%swap3A_1555, %swap3A_1556], %add3A_1550 {strides = array<i32>} : memref<256x2560xf32, #tpu.memory_space<vmem>>, vector<256x128xf32>,
    %get3A_1558 = arith.constant 16 : index
    %get3A_1559 = arith.constant 0 : index
    %get3A_1560 = arith.constant 0 : index
    %get3A_1561 = vector.load %arg2[%get3A_1558, %get3A_1559, %get3A_1560] : memref<20x256x128xf32, #tpu.memory_space<vmem>>, vector<1x256x128xf32>
    %get3A_1562 = vector.shape_cast %get3A_1561 : vector<1x256x128xf32> to vector<256x128xf32>
    %slice3A_1563 = vector.extract_strided_slice %sub3A_87 {offsets = [0, 16], sizes = [256, 1], strides = [1, 1]} : vector<256x20xf32> to vector<256x1xf32>
    %broadcast_in_dim3A_1564 = vector.shape_cast %slice3A_1563 : vector<256x1xf32> to vector<256x1xf32>
    %broadcast_in_dim3A_1565 = vector.broadcast %broadcast_in_dim3A_1564 : vector<256x1xf32> to vector<256x128xf32>
    %mul3A_1566 = vector.broadcast %get3A_4 : vector<1x128xf32> to vector<256x128xf32>
    %mul3A_1567 = arith.mulf %broadcast_in_dim3A_1565, %mul3A_1566 : vector<256x128xf32>
    %add3A_1568 = vector.broadcast %get3A_7 : vector<1x128xf32> to vector<256x128xf32>
    %add3A_1569 = arith.addf %mul3A_1567, %add3A_1568 : vector<256x128xf32>
    %mul3A_1570 = arith.constant 0.159154937 : f32
    %mul3A_1571 = vector.broadcast %mul3A_1570 : f32 to vector<256x128xf32>
    %mul3A_1572 = arith.mulf %add3A_1569, %mul3A_1571 : vector<256x128xf32>
    %round3A_1573 = math.roundeven %mul3A_1572 : vector<256x128xf32>
    %mul3A_1574 = arith.constant 6.281250e+00 : f32
    %mul3A_1575 = vector.broadcast %mul3A_1574 : f32 to vector<256x128xf32>
    %mul3A_1576 = arith.mulf %round3A_1573, %mul3A_1575 : vector<256x128xf32>
    %sub3A_1577 = arith.subf %add3A_1569, %mul3A_1576 : vector<256x128xf32>
    %mul3A_1578 = arith.constant 0.00193530717 : f32
    %mul3A_1579 = vector.broadcast %mul3A_1578 : f32 to vector<256x128xf32>
    %mul3A_1580 = arith.mulf %round3A_1573, %mul3A_1579 : vector<256x128xf32>
    %sub3A_1581 = arith.subf %sub3A_1577, %mul3A_1580 : vector<256x128xf32>
    %mul3A_1582 = arith.constant 1.02531317E-11 : f32
    %mul3A_1583 = vector.broadcast %mul3A_1582 : f32 to vector<256x128xf32>
    %mul3A_1584 = arith.mulf %round3A_1573, %mul3A_1583 : vector<256x128xf32>
    %sub3A_1585 = arith.subf %sub3A_1581, %mul3A_1584 : vector<256x128xf32>
    %mul3A_1586 = arith.mulf %sub3A_1585, %sub3A_1585 : vector<256x128xf32>
    %broadcast_in_dim3A_1587 = arith.constant -9.66698943E-12 : f32
    %broadcast_in_dim3A_1588 = vector.broadcast %broadcast_in_dim3A_1587 : f32 to vector<256x128xf32>
    %mul3A_1589 = arith.mulf %broadcast_in_dim3A_1588, %mul3A_1586 : vector<256x128xf32>
    %add3A_1590 = arith.constant 2.058480e-09 : f32
    %add3A_1591 = vector.broadcast %add3A_1590 : f32 to vector<256x128xf32>
    %add3A_1592 = arith.addf %mul3A_1589, %add3A_1591 : vector<256x128xf32>
    %mul3A_1593 = arith.mulf %add3A_1592, %mul3A_1586 : vector<256x128xf32>
    %add3A_1594 = arith.constant -2.7532306E-7 : f32
    %add3A_1595 = vector.broadcast %add3A_1594 : f32 to vector<256x128xf32>
    %add3A_1596 = arith.addf %mul3A_1593, %add3A_1595 : vector<256x128xf32>
    %mul3A_1597 = arith.mulf %add3A_1596, %mul3A_1586 : vector<256x128xf32>
    %add3A_1598 = arith.constant 2.48003889E-5 : f32
    %add3A_1599 = vector.broadcast %add3A_1598 : f32 to vector<256x128xf32>
    %add3A_1600 = arith.addf %mul3A_1597, %add3A_1599 : vector<256x128xf32>
    %mul3A_1601 = arith.mulf %add3A_1600, %mul3A_1586 : vector<256x128xf32>
    %add3A_1602 = arith.constant -0.00138888578 : f32
    %add3A_1603 = vector.broadcast %add3A_1602 : f32 to vector<256x128xf32>
    %add3A_1604 = arith.addf %mul3A_1601, %add3A_1603 : vector<256x128xf32>
    %mul3A_1605 = arith.mulf %add3A_1604, %mul3A_1586 : vector<256x128xf32>
    %add3A_1606 = arith.constant 0.0416666642 : f32
    %add3A_1607 = vector.broadcast %add3A_1606 : f32 to vector<256x128xf32>
    %add3A_1608 = arith.addf %mul3A_1605, %add3A_1607 : vector<256x128xf32>
    %mul3A_1609 = arith.mulf %add3A_1608, %mul3A_1586 : vector<256x128xf32>
    %add3A_1610 = arith.constant -5.000000e-01 : f32
    %add3A_1611 = vector.broadcast %add3A_1610 : f32 to vector<256x128xf32>
    %add3A_1612 = arith.addf %mul3A_1609, %add3A_1611 : vector<256x128xf32>
    %mul3A_1613 = arith.mulf %add3A_1612, %mul3A_1586 : vector<256x128xf32>
    %add3A_1614 = arith.constant 1.000000e+00 : f32
    %add3A_1615 = vector.broadcast %add3A_1614 : f32 to vector<256x128xf32>
    %add3A_1616 = arith.addf %mul3A_1613, %add3A_1615 : vector<256x128xf32>
    %get3A_1617 = arith.constant 0 : index
    %get3A_1618 = arith.constant 0 : index
    %get3A_1619 = vector.load %arg11[%get3A_1617, %get3A_1618] : memref<128x128xf32, #tpu.memory_space<vmem>>, vector<128x128xf32>
    %dot_general3A_1620 = arith.constant dense<0.000000e+00> : vector<256x128xf32>
    %dot_general3A_1621 = tpu.matmul %get3A_1562, %get3A_1619, %dot_general3A_1620 {dimension_numbers = #tpu.dot_dimension_numbers<[1], [0], [0], [1], [0, 0, 1, 1], [], []>, transpose_lhs_hint = false} : vector<256x128xf32>, vector<128x128xf32>, vector<256x128xf32> -> vector<256x128xf32>
    %get3A_1622 = arith.constant 0 : index
    %get3A_1623 = arith.constant 0 : index
    %get3A_1624 = vector.load %arg12[%get3A_1622, %get3A_1623] : memref<128x128xf32, #tpu.memory_space<vmem>>, vector<128x128xf32>
    %dot_general3A_1625 = arith.constant dense<0.000000e+00> : vector<256x128xf32>
    %dot_general3A_1626 = tpu.matmul %add3A_1616, %get3A_1624, %dot_general3A_1625 {dimension_numbers = #tpu.dot_dimension_numbers<[1], [0], [0], [1], [0, 0, 1, 1], [], []>, transpose_lhs_hint = false} : vector<256x128xf32>, vector<128x128xf32>, vector<256x128xf32> -> vector<256x128xf32>
    %add3A_1627 = arith.addf %dot_general3A_1621, %dot_general3A_1626 : vector<256x128xf32>
    %slice3A_1628 = vector.extract_strided_slice %dot_general3A_71 {offsets = [0, 2048], sizes = [256, 128], strides = [1, 1]} : vector<256x2560xf32> to vector<256x128xf32>
    %add3A_1629 = arith.addf %add3A_1627, %slice3A_1628 : vector<256x128xf32>
    %get3A_1630 = arith.constant 0 : index
    %get3A_1631 = arith.constant 0 : index
    %get3A_1632 = vector.load %arg14[%get3A_1630, %get3A_1631] : memref<128x128xf32, #tpu.memory_space<vmem>>, vector<128x128xf32>
    %dot_general3A_1633 = arith.constant dense<0.000000e+00> : vector<256x128xf32>
    %dot_general3A_1634 = tpu.matmul %get3A_1562, %get3A_1632, %dot_general3A_1633 {dimension_numbers = #tpu.dot_dimension_numbers<[1], [0], [0], [1], [0, 0, 1, 1], [], []>, transpose_lhs_hint = false} : vector<256x128xf32>, vector<128x128xf32>, vector<256x128xf32> -> vector<256x128xf32>
    %get3A_1635 = arith.constant 0 : index
    %get3A_1636 = arith.constant 0 : index
    %get3A_1637 = vector.load %arg15[%get3A_1635, %get3A_1636] : memref<128x128xf32, #tpu.memory_space<vmem>>, vector<128x128xf32>
    %dot_general3A_1638 = arith.constant dense<0.000000e+00> : vector<256x128xf32>
    %dot_general3A_1639 = tpu.matmul %add3A_1616, %get3A_1637, %dot_general3A_1638 {dimension_numbers = #tpu.dot_dimension_numbers<[1], [0], [0], [1], [0, 0, 1, 1], [], []>, transpose_lhs_hint = false} : vector<256x128xf32>, vector<128x128xf32>, vector<256x128xf32> -> vector<256x128xf32>
    %add3A_1640 = arith.addf %dot_general3A_1634, %dot_general3A_1639 : vector<256x128xf32>
    %slice3A_1641 = vector.extract_strided_slice %dot_general3A_79 {offsets = [0, 2048], sizes = [256, 128], strides = [1, 1]} : vector<256x2560xf32> to vector<256x128xf32>
    %add3A_1642 = arith.addf %add3A_1640, %slice3A_1641 : vector<256x128xf32>
    %mul3A_1643 = arith.mulf %mul3A_63, %add3A_1629 : vector<256x128xf32>
    %swap3A_1644 = arith.constant 0 : index
    %swap3A_1645 = arith.constant 2048 : index
    %swap3A_1646 = vector.load %arg23[%swap3A_1644, %swap3A_1645] : memref<256x2560xf32, #tpu.memory_space<vmem>>, vector<256x128xf32>
    tpu.vector_store %arg23[%swap3A_1644, %swap3A_1645], %mul3A_1643 {strides = array<i32>} : memref<256x2560xf32, #tpu.memory_space<vmem>>, vector<256x128xf32>,
    %swap3A_1647 = arith.constant 0 : index
    %swap3A_1648 = arith.constant 2048 : index
    %swap3A_1649 = vector.load %arg24[%swap3A_1647, %swap3A_1648] : memref<256x2560xf32, #tpu.memory_space<vmem>>, vector<256x128xf32>
    tpu.vector_store %arg24[%swap3A_1647, %swap3A_1648], %add3A_1642 {strides = array<i32>} : memref<256x2560xf32, #tpu.memory_space<vmem>>, vector<256x128xf32>,
    %get3A_1650 = arith.constant 17 : index
    %get3A_1651 = arith.constant 0 : index
    %get3A_1652 = arith.constant 0 : index
    %get3A_1653 = vector.load %arg2[%get3A_1650, %get3A_1651, %get3A_1652] : memref<20x256x128xf32, #tpu.memory_space<vmem>>, vector<1x256x128xf32>
    %get3A_1654 = vector.shape_cast %get3A_1653 : vector<1x256x128xf32> to vector<256x128xf32>
    %slice3A_1655 = vector.extract_strided_slice %sub3A_87 {offsets = [0, 17], sizes = [256, 1], strides = [1, 1]} : vector<256x20xf32> to vector<256x1xf32>
    %broadcast_in_dim3A_1656 = vector.shape_cast %slice3A_1655 : vector<256x1xf32> to vector<256x1xf32>
    %broadcast_in_dim3A_1657 = vector.broadcast %broadcast_in_dim3A_1656 : vector<256x1xf32> to vector<256x128xf32>
    %mul3A_1658 = vector.broadcast %get3A_4 : vector<1x128xf32> to vector<256x128xf32>
    %mul3A_1659 = arith.mulf %broadcast_in_dim3A_1657, %mul3A_1658 : vector<256x128xf32>
    %add3A_1660 = vector.broadcast %get3A_7 : vector<1x128xf32> to vector<256x128xf32>
    %add3A_1661 = arith.addf %mul3A_1659, %add3A_1660 : vector<256x128xf32>
    %mul3A_1662 = arith.constant 0.159154937 : f32
    %mul3A_1663 = vector.broadcast %mul3A_1662 : f32 to vector<256x128xf32>
    %mul3A_1664 = arith.mulf %add3A_1661, %mul3A_1663 : vector<256x128xf32>
    %round3A_1665 = math.roundeven %mul3A_1664 : vector<256x128xf32>
    %mul3A_1666 = arith.constant 6.281250e+00 : f32
    %mul3A_1667 = vector.broadcast %mul3A_1666 : f32 to vector<256x128xf32>
    %mul3A_1668 = arith.mulf %round3A_1665, %mul3A_1667 : vector<256x128xf32>
    %sub3A_1669 = arith.subf %add3A_1661, %mul3A_1668 : vector<256x128xf32>
    %mul3A_1670 = arith.constant 0.00193530717 : f32
    %mul3A_1671 = vector.broadcast %mul3A_1670 : f32 to vector<256x128xf32>
    %mul3A_1672 = arith.mulf %round3A_1665, %mul3A_1671 : vector<256x128xf32>
    %sub3A_1673 = arith.subf %sub3A_1669, %mul3A_1672 : vector<256x128xf32>
    %mul3A_1674 = arith.constant 1.02531317E-11 : f32
    %mul3A_1675 = vector.broadcast %mul3A_1674 : f32 to vector<256x128xf32>
    %mul3A_1676 = arith.mulf %round3A_1665, %mul3A_1675 : vector<256x128xf32>
    %sub3A_1677 = arith.subf %sub3A_1673, %mul3A_1676 : vector<256x128xf32>
    %mul3A_1678 = arith.mulf %sub3A_1677, %sub3A_1677 : vector<256x128xf32>
    %broadcast_in_dim3A_1679 = arith.constant -9.66698943E-12 : f32
    %broadcast_in_dim3A_1680 = vector.broadcast %broadcast_in_dim3A_1679 : f32 to vector<256x128xf32>
    %mul3A_1681 = arith.mulf %broadcast_in_dim3A_1680, %mul3A_1678 : vector<256x128xf32>
    %add3A_1682 = arith.constant 2.058480e-09 : f32
    %add3A_1683 = vector.broadcast %add3A_1682 : f32 to vector<256x128xf32>
    %add3A_1684 = arith.addf %mul3A_1681, %add3A_1683 : vector<256x128xf32>
    %mul3A_1685 = arith.mulf %add3A_1684, %mul3A_1678 : vector<256x128xf32>
    %add3A_1686 = arith.constant -2.7532306E-7 : f32
    %add3A_1687 = vector.broadcast %add3A_1686 : f32 to vector<256x128xf32>
    %add3A_1688 = arith.addf %mul3A_1685, %add3A_1687 : vector<256x128xf32>
    %mul3A_1689 = arith.mulf %add3A_1688, %mul3A_1678 : vector<256x128xf32>
    %add3A_1690 = arith.constant 2.48003889E-5 : f32
    %add3A_1691 = vector.broadcast %add3A_1690 : f32 to vector<256x128xf32>
    %add3A_1692 = arith.addf %mul3A_1689, %add3A_1691 : vector<256x128xf32>
    %mul3A_1693 = arith.mulf %add3A_1692, %mul3A_1678 : vector<256x128xf32>
    %add3A_1694 = arith.constant -0.00138888578 : f32
    %add3A_1695 = vector.broadcast %add3A_1694 : f32 to vector<256x128xf32>
    %add3A_1696 = arith.addf %mul3A_1693, %add3A_1695 : vector<256x128xf32>
    %mul3A_1697 = arith.mulf %add3A_1696, %mul3A_1678 : vector<256x128xf32>
    %add3A_1698 = arith.constant 0.0416666642 : f32
    %add3A_1699 = vector.broadcast %add3A_1698 : f32 to vector<256x128xf32>
    %add3A_1700 = arith.addf %mul3A_1697, %add3A_1699 : vector<256x128xf32>
    %mul3A_1701 = arith.mulf %add3A_1700, %mul3A_1678 : vector<256x128xf32>
    %add3A_1702 = arith.constant -5.000000e-01 : f32
    %add3A_1703 = vector.broadcast %add3A_1702 : f32 to vector<256x128xf32>
    %add3A_1704 = arith.addf %mul3A_1701, %add3A_1703 : vector<256x128xf32>
    %mul3A_1705 = arith.mulf %add3A_1704, %mul3A_1678 : vector<256x128xf32>
    %add3A_1706 = arith.constant 1.000000e+00 : f32
    %add3A_1707 = vector.broadcast %add3A_1706 : f32 to vector<256x128xf32>
    %add3A_1708 = arith.addf %mul3A_1705, %add3A_1707 : vector<256x128xf32>
    %get3A_1709 = arith.constant 0 : index
    %get3A_1710 = arith.constant 0 : index
    %get3A_1711 = vector.load %arg11[%get3A_1709, %get3A_1710] : memref<128x128xf32, #tpu.memory_space<vmem>>, vector<128x128xf32>
    %dot_general3A_1712 = arith.constant dense<0.000000e+00> : vector<256x128xf32>
    %dot_general3A_1713 = tpu.matmul %get3A_1654, %get3A_1711, %dot_general3A_1712 {dimension_numbers = #tpu.dot_dimension_numbers<[1], [0], [0], [1], [0, 0, 1, 1], [], []>, transpose_lhs_hint = false} : vector<256x128xf32>, vector<128x128xf32>, vector<256x128xf32> -> vector<256x128xf32>
    %get3A_1714 = arith.constant 0 : index
    %get3A_1715 = arith.constant 0 : index
    %get3A_1716 = vector.load %arg12[%get3A_1714, %get3A_1715] : memref<128x128xf32, #tpu.memory_space<vmem>>, vector<128x128xf32>
    %dot_general3A_1717 = arith.constant dense<0.000000e+00> : vector<256x128xf32>
    %dot_general3A_1718 = tpu.matmul %add3A_1708, %get3A_1716, %dot_general3A_1717 {dimension_numbers = #tpu.dot_dimension_numbers<[1], [0], [0], [1], [0, 0, 1, 1], [], []>, transpose_lhs_hint = false} : vector<256x128xf32>, vector<128x128xf32>, vector<256x128xf32> -> vector<256x128xf32>
    %add3A_1719 = arith.addf %dot_general3A_1713, %dot_general3A_1718 : vector<256x128xf32>
    %slice3A_1720 = vector.extract_strided_slice %dot_general3A_71 {offsets = [0, 2176], sizes = [256, 128], strides = [1, 1]} : vector<256x2560xf32> to vector<256x128xf32>
    %add3A_1721 = arith.addf %add3A_1719, %slice3A_1720 : vector<256x128xf32>
    %get3A_1722 = arith.constant 0 : index
    %get3A_1723 = arith.constant 0 : index
    %get3A_1724 = vector.load %arg14[%get3A_1722, %get3A_1723] : memref<128x128xf32, #tpu.memory_space<vmem>>, vector<128x128xf32>
    %dot_general3A_1725 = arith.constant dense<0.000000e+00> : vector<256x128xf32>
    %dot_general3A_1726 = tpu.matmul %get3A_1654, %get3A_1724, %dot_general3A_1725 {dimension_numbers = #tpu.dot_dimension_numbers<[1], [0], [0], [1], [0, 0, 1, 1], [], []>, transpose_lhs_hint = false} : vector<256x128xf32>, vector<128x128xf32>, vector<256x128xf32> -> vector<256x128xf32>
    %get3A_1727 = arith.constant 0 : index
    %get3A_1728 = arith.constant 0 : index
    %get3A_1729 = vector.load %arg15[%get3A_1727, %get3A_1728] : memref<128x128xf32, #tpu.memory_space<vmem>>, vector<128x128xf32>
    %dot_general3A_1730 = arith.constant dense<0.000000e+00> : vector<256x128xf32>
    %dot_general3A_1731 = tpu.matmul %add3A_1708, %get3A_1729, %dot_general3A_1730 {dimension_numbers = #tpu.dot_dimension_numbers<[1], [0], [0], [1], [0, 0, 1, 1], [], []>, transpose_lhs_hint = false} : vector<256x128xf32>, vector<128x128xf32>, vector<256x128xf32> -> vector<256x128xf32>
    %add3A_1732 = arith.addf %dot_general3A_1726, %dot_general3A_1731 : vector<256x128xf32>
    %slice3A_1733 = vector.extract_strided_slice %dot_general3A_79 {offsets = [0, 2176], sizes = [256, 128], strides = [1, 1]} : vector<256x2560xf32> to vector<256x128xf32>
    %add3A_1734 = arith.addf %add3A_1732, %slice3A_1733 : vector<256x128xf32>
    %mul3A_1735 = arith.mulf %mul3A_63, %add3A_1721 : vector<256x128xf32>
    %swap3A_1736 = arith.constant 0 : index
    %swap3A_1737 = arith.constant 2176 : index
    %swap3A_1738 = vector.load %arg23[%swap3A_1736, %swap3A_1737] : memref<256x2560xf32, #tpu.memory_space<vmem>>, vector<256x128xf32>
    tpu.vector_store %arg23[%swap3A_1736, %swap3A_1737], %mul3A_1735 {strides = array<i32>} : memref<256x2560xf32, #tpu.memory_space<vmem>>, vector<256x128xf32>,
    %swap3A_1739 = arith.constant 0 : index
    %swap3A_1740 = arith.constant 2176 : index
    %swap3A_1741 = vector.load %arg24[%swap3A_1739, %swap3A_1740] : memref<256x2560xf32, #tpu.memory_space<vmem>>, vector<256x128xf32>
    tpu.vector_store %arg24[%swap3A_1739, %swap3A_1740], %add3A_1734 {strides = array<i32>} : memref<256x2560xf32, #tpu.memory_space<vmem>>, vector<256x128xf32>,
    %get3A_1742 = arith.constant 18 : index
    %get3A_1743 = arith.constant 0 : index
    %get3A_1744 = arith.constant 0 : index
    %get3A_1745 = vector.load %arg2[%get3A_1742, %get3A_1743, %get3A_1744] : memref<20x256x128xf32, #tpu.memory_space<vmem>>, vector<1x256x128xf32>
    %get3A_1746 = vector.shape_cast %get3A_1745 : vector<1x256x128xf32> to vector<256x128xf32>
    %slice3A_1747 = vector.extract_strided_slice %sub3A_87 {offsets = [0, 18], sizes = [256, 1], strides = [1, 1]} : vector<256x20xf32> to vector<256x1xf32>
    %broadcast_in_dim3A_1748 = vector.shape_cast %slice3A_1747 : vector<256x1xf32> to vector<256x1xf32>
    %broadcast_in_dim3A_1749 = vector.broadcast %broadcast_in_dim3A_1748 : vector<256x1xf32> to vector<256x128xf32>
    %mul3A_1750 = vector.broadcast %get3A_4 : vector<1x128xf32> to vector<256x128xf32>
    %mul3A_1751 = arith.mulf %broadcast_in_dim3A_1749, %mul3A_1750 : vector<256x128xf32>
    %add3A_1752 = vector.broadcast %get3A_7 : vector<1x128xf32> to vector<256x128xf32>
    %add3A_1753 = arith.addf %mul3A_1751, %add3A_1752 : vector<256x128xf32>
    %mul3A_1754 = arith.constant 0.159154937 : f32
    %mul3A_1755 = vector.broadcast %mul3A_1754 : f32 to vector<256x128xf32>
    %mul3A_1756 = arith.mulf %add3A_1753, %mul3A_1755 : vector<256x128xf32>
    %round3A_1757 = math.roundeven %mul3A_1756 : vector<256x128xf32>
    %mul3A_1758 = arith.constant 6.281250e+00 : f32
    %mul3A_1759 = vector.broadcast %mul3A_1758 : f32 to vector<256x128xf32>
    %mul3A_1760 = arith.mulf %round3A_1757, %mul3A_1759 : vector<256x128xf32>
    %sub3A_1761 = arith.subf %add3A_1753, %mul3A_1760 : vector<256x128xf32>
    %mul3A_1762 = arith.constant 0.00193530717 : f32
    %mul3A_1763 = vector.broadcast %mul3A_1762 : f32 to vector<256x128xf32>
    %mul3A_1764 = arith.mulf %round3A_1757, %mul3A_1763 : vector<256x128xf32>
    %sub3A_1765 = arith.subf %sub3A_1761, %mul3A_1764 : vector<256x128xf32>
    %mul3A_1766 = arith.constant 1.02531317E-11 : f32
    %mul3A_1767 = vector.broadcast %mul3A_1766 : f32 to vector<256x128xf32>
    %mul3A_1768 = arith.mulf %round3A_1757, %mul3A_1767 : vector<256x128xf32>
    %sub3A_1769 = arith.subf %sub3A_1765, %mul3A_1768 : vector<256x128xf32>
    %mul3A_1770 = arith.mulf %sub3A_1769, %sub3A_1769 : vector<256x128xf32>
    %broadcast_in_dim3A_1771 = arith.constant -9.66698943E-12 : f32
    %broadcast_in_dim3A_1772 = vector.broadcast %broadcast_in_dim3A_1771 : f32 to vector<256x128xf32>
    %mul3A_1773 = arith.mulf %broadcast_in_dim3A_1772, %mul3A_1770 : vector<256x128xf32>
    %add3A_1774 = arith.constant 2.058480e-09 : f32
    %add3A_1775 = vector.broadcast %add3A_1774 : f32 to vector<256x128xf32>
    %add3A_1776 = arith.addf %mul3A_1773, %add3A_1775 : vector<256x128xf32>
    %mul3A_1777 = arith.mulf %add3A_1776, %mul3A_1770 : vector<256x128xf32>
    %add3A_1778 = arith.constant -2.7532306E-7 : f32
    %add3A_1779 = vector.broadcast %add3A_1778 : f32 to vector<256x128xf32>
    %add3A_1780 = arith.addf %mul3A_1777, %add3A_1779 : vector<256x128xf32>
    %mul3A_1781 = arith.mulf %add3A_1780, %mul3A_1770 : vector<256x128xf32>
    %add3A_1782 = arith.constant 2.48003889E-5 : f32
    %add3A_1783 = vector.broadcast %add3A_1782 : f32 to vector<256x128xf32>
    %add3A_1784 = arith.addf %mul3A_1781, %add3A_1783 : vector<256x128xf32>
    %mul3A_1785 = arith.mulf %add3A_1784, %mul3A_1770 : vector<256x128xf32>
    %add3A_1786 = arith.constant -0.00138888578 : f32
    %add3A_1787 = vector.broadcast %add3A_1786 : f32 to vector<256x128xf32>
    %add3A_1788 = arith.addf %mul3A_1785, %add3A_1787 : vector<256x128xf32>
    %mul3A_1789 = arith.mulf %add3A_1788, %mul3A_1770 : vector<256x128xf32>
    %add3A_1790 = arith.constant 0.0416666642 : f32
    %add3A_1791 = vector.broadcast %add3A_1790 : f32 to vector<256x128xf32>
    %add3A_1792 = arith.addf %mul3A_1789, %add3A_1791 : vector<256x128xf32>
    %mul3A_1793 = arith.mulf %add3A_1792, %mul3A_1770 : vector<256x128xf32>
    %add3A_1794 = arith.constant -5.000000e-01 : f32
    %add3A_1795 = vector.broadcast %add3A_1794 : f32 to vector<256x128xf32>
    %add3A_1796 = arith.addf %mul3A_1793, %add3A_1795 : vector<256x128xf32>
    %mul3A_1797 = arith.mulf %add3A_1796, %mul3A_1770 : vector<256x128xf32>
    %add3A_1798 = arith.constant 1.000000e+00 : f32
    %add3A_1799 = vector.broadcast %add3A_1798 : f32 to vector<256x128xf32>
    %add3A_1800 = arith.addf %mul3A_1797, %add3A_1799 : vector<256x128xf32>
    %get3A_1801 = arith.constant 0 : index
    %get3A_1802 = arith.constant 0 : index
    %get3A_1803 = vector.load %arg11[%get3A_1801, %get3A_1802] : memref<128x128xf32, #tpu.memory_space<vmem>>, vector<128x128xf32>
    %dot_general3A_1804 = arith.constant dense<0.000000e+00> : vector<256x128xf32>
    %dot_general3A_1805 = tpu.matmul %get3A_1746, %get3A_1803, %dot_general3A_1804 {dimension_numbers = #tpu.dot_dimension_numbers<[1], [0], [0], [1], [0, 0, 1, 1], [], []>, transpose_lhs_hint = false} : vector<256x128xf32>, vector<128x128xf32>, vector<256x128xf32> -> vector<256x128xf32>
    %get3A_1806 = arith.constant 0 : index
    %get3A_1807 = arith.constant 0 : index
    %get3A_1808 = vector.load %arg12[%get3A_1806, %get3A_1807] : memref<128x128xf32, #tpu.memory_space<vmem>>, vector<128x128xf32>
    %dot_general3A_1809 = arith.constant dense<0.000000e+00> : vector<256x128xf32>
    %dot_general3A_1810 = tpu.matmul %add3A_1800, %get3A_1808, %dot_general3A_1809 {dimension_numbers = #tpu.dot_dimension_numbers<[1], [0], [0], [1], [0, 0, 1, 1], [], []>, transpose_lhs_hint = false} : vector<256x128xf32>, vector<128x128xf32>, vector<256x128xf32> -> vector<256x128xf32>
    %add3A_1811 = arith.addf %dot_general3A_1805, %dot_general3A_1810 : vector<256x128xf32>
    %slice3A_1812 = vector.extract_strided_slice %dot_general3A_71 {offsets = [0, 2304], sizes = [256, 128], strides = [1, 1]} : vector<256x2560xf32> to vector<256x128xf32>
    %add3A_1813 = arith.addf %add3A_1811, %slice3A_1812 : vector<256x128xf32>
    %get3A_1814 = arith.constant 0 : index
    %get3A_1815 = arith.constant 0 : index
    %get3A_1816 = vector.load %arg14[%get3A_1814, %get3A_1815] : memref<128x128xf32, #tpu.memory_space<vmem>>, vector<128x128xf32>
    %dot_general3A_1817 = arith.constant dense<0.000000e+00> : vector<256x128xf32>
    %dot_general3A_1818 = tpu.matmul %get3A_1746, %get3A_1816, %dot_general3A_1817 {dimension_numbers = #tpu.dot_dimension_numbers<[1], [0], [0], [1], [0, 0, 1, 1], [], []>, transpose_lhs_hint = false} : vector<256x128xf32>, vector<128x128xf32>, vector<256x128xf32> -> vector<256x128xf32>
    %get3A_1819 = arith.constant 0 : index
    %get3A_1820 = arith.constant 0 : index
    %get3A_1821 = vector.load %arg15[%get3A_1819, %get3A_1820] : memref<128x128xf32, #tpu.memory_space<vmem>>, vector<128x128xf32>
    %dot_general3A_1822 = arith.constant dense<0.000000e+00> : vector<256x128xf32>
    %dot_general3A_1823 = tpu.matmul %add3A_1800, %get3A_1821, %dot_general3A_1822 {dimension_numbers = #tpu.dot_dimension_numbers<[1], [0], [0], [1], [0, 0, 1, 1], [], []>, transpose_lhs_hint = false} : vector<256x128xf32>, vector<128x128xf32>, vector<256x128xf32> -> vector<256x128xf32>
    %add3A_1824 = arith.addf %dot_general3A_1818, %dot_general3A_1823 : vector<256x128xf32>
    %slice3A_1825 = vector.extract_strided_slice %dot_general3A_79 {offsets = [0, 2304], sizes = [256, 128], strides = [1, 1]} : vector<256x2560xf32> to vector<256x128xf32>
    %add3A_1826 = arith.addf %add3A_1824, %slice3A_1825 : vector<256x128xf32>
    %mul3A_1827 = arith.mulf %mul3A_63, %add3A_1813 : vector<256x128xf32>
    %swap3A_1828 = arith.constant 0 : index
    %swap3A_1829 = arith.constant 2304 : index
    %swap3A_1830 = vector.load %arg23[%swap3A_1828, %swap3A_1829] : memref<256x2560xf32, #tpu.memory_space<vmem>>, vector<256x128xf32>
    tpu.vector_store %arg23[%swap3A_1828, %swap3A_1829], %mul3A_1827 {strides = array<i32>} : memref<256x2560xf32, #tpu.memory_space<vmem>>, vector<256x128xf32>,
    %swap3A_1831 = arith.constant 0 : index
    %swap3A_1832 = arith.constant 2304 : index
    %swap3A_1833 = vector.load %arg24[%swap3A_1831, %swap3A_1832] : memref<256x2560xf32, #tpu.memory_space<vmem>>, vector<256x128xf32>
    tpu.vector_store %arg24[%swap3A_1831, %swap3A_1832], %add3A_1826 {strides = array<i32>} : memref<256x2560xf32, #tpu.memory_space<vmem>>, vector<256x128xf32>,
    %get3A_1834 = arith.constant 19 : index
    %get3A_1835 = arith.constant 0 : index
    %get3A_1836 = arith.constant 0 : index
    %get3A_1837 = vector.load %arg2[%get3A_1834, %get3A_1835, %get3A_1836] : memref<20x256x128xf32, #tpu.memory_space<vmem>>, vector<1x256x128xf32>
    %get3A_1838 = vector.shape_cast %get3A_1837 : vector<1x256x128xf32> to vector<256x128xf32>
    %slice3A_1839 = vector.extract_strided_slice %sub3A_87 {offsets = [0, 19], sizes = [256, 1], strides = [1, 1]} : vector<256x20xf32> to vector<256x1xf32>
    %broadcast_in_dim3A_1840 = vector.shape_cast %slice3A_1839 : vector<256x1xf32> to vector<256x1xf32>
    %broadcast_in_dim3A_1841 = vector.broadcast %broadcast_in_dim3A_1840 : vector<256x1xf32> to vector<256x128xf32>
    %mul3A_1842 = vector.broadcast %get3A_4 : vector<1x128xf32> to vector<256x128xf32>
    %mul3A_1843 = arith.mulf %broadcast_in_dim3A_1841, %mul3A_1842 : vector<256x128xf32>
    %add3A_1844 = vector.broadcast %get3A_7 : vector<1x128xf32> to vector<256x128xf32>
    %add3A_1845 = arith.addf %mul3A_1843, %add3A_1844 : vector<256x128xf32>
    %mul3A_1846 = arith.constant 0.159154937 : f32
    %mul3A_1847 = vector.broadcast %mul3A_1846 : f32 to vector<256x128xf32>
    %mul3A_1848 = arith.mulf %add3A_1845, %mul3A_1847 : vector<256x128xf32>
    %round3A_1849 = math.roundeven %mul3A_1848 : vector<256x128xf32>
    %mul3A_1850 = arith.constant 6.281250e+00 : f32
    %mul3A_1851 = vector.broadcast %mul3A_1850 : f32 to vector<256x128xf32>
    %mul3A_1852 = arith.mulf %round3A_1849, %mul3A_1851 : vector<256x128xf32>
    %sub3A_1853 = arith.subf %add3A_1845, %mul3A_1852 : vector<256x128xf32>
    %mul3A_1854 = arith.constant 0.00193530717 : f32
    %mul3A_1855 = vector.broadcast %mul3A_1854 : f32 to vector<256x128xf32>
    %mul3A_1856 = arith.mulf %round3A_1849, %mul3A_1855 : vector<256x128xf32>
    %sub3A_1857 = arith.subf %sub3A_1853, %mul3A_1856 : vector<256x128xf32>
    %mul3A_1858 = arith.constant 1.02531317E-11 : f32
    %mul3A_1859 = vector.broadcast %mul3A_1858 : f32 to vector<256x128xf32>
    %mul3A_1860 = arith.mulf %round3A_1849, %mul3A_1859 : vector<256x128xf32>
    %sub3A_1861 = arith.subf %sub3A_1857, %mul3A_1860 : vector<256x128xf32>
    %mul3A_1862 = arith.mulf %sub3A_1861, %sub3A_1861 : vector<256x128xf32>
    %broadcast_in_dim3A_1863 = arith.constant -9.66698943E-12 : f32
    %broadcast_in_dim3A_1864 = vector.broadcast %broadcast_in_dim3A_1863 : f32 to vector<256x128xf32>
    %mul3A_1865 = arith.mulf %broadcast_in_dim3A_1864, %mul3A_1862 : vector<256x128xf32>
    %add3A_1866 = arith.constant 2.058480e-09 : f32
    %add3A_1867 = vector.broadcast %add3A_1866 : f32 to vector<256x128xf32>
    %add3A_1868 = arith.addf %mul3A_1865, %add3A_1867 : vector<256x128xf32>
    %mul3A_1869 = arith.mulf %add3A_1868, %mul3A_1862 : vector<256x128xf32>
    %add3A_1870 = arith.constant -2.7532306E-7 : f32
    %add3A_1871 = vector.broadcast %add3A_1870 : f32 to vector<256x128xf32>
    %add3A_1872 = arith.addf %mul3A_1869, %add3A_1871 : vector<256x128xf32>
    %mul3A_1873 = arith.mulf %add3A_1872, %mul3A_1862 : vector<256x128xf32>
    %add3A_1874 = arith.constant 2.48003889E-5 : f32
    %add3A_1875 = vector.broadcast %add3A_1874 : f32 to vector<256x128xf32>
    %add3A_1876 = arith.addf %mul3A_1873, %add3A_1875 : vector<256x128xf32>
    %mul3A_1877 = arith.mulf %add3A_1876, %mul3A_1862 : vector<256x128xf32>
    %add3A_1878 = arith.constant -0.00138888578 : f32
    %add3A_1879 = vector.broadcast %add3A_1878 : f32 to vector<256x128xf32>
    %add3A_1880 = arith.addf %mul3A_1877, %add3A_1879 : vector<256x128xf32>
    %mul3A_1881 = arith.mulf %add3A_1880, %mul3A_1862 : vector<256x128xf32>
    %add3A_1882 = arith.constant 0.0416666642 : f32
    %add3A_1883 = vector.broadcast %add3A_1882 : f32 to vector<256x128xf32>
    %add3A_1884 = arith.addf %mul3A_1881, %add3A_1883 : vector<256x128xf32>
    %mul3A_1885 = arith.mulf %add3A_1884, %mul3A_1862 : vector<256x128xf32>
    %add3A_1886 = arith.constant -5.000000e-01 : f32
    %add3A_1887 = vector.broadcast %add3A_1886 : f32 to vector<256x128xf32>
    %add3A_1888 = arith.addf %mul3A_1885, %add3A_1887 : vector<256x128xf32>
    %mul3A_1889 = arith.mulf %add3A_1888, %mul3A_1862 : vector<256x128xf32>
    %add3A_1890 = arith.constant 1.000000e+00 : f32
    %add3A_1891 = vector.broadcast %add3A_1890 : f32 to vector<256x128xf32>
    %add3A_1892 = arith.addf %mul3A_1889, %add3A_1891 : vector<256x128xf32>
    %get3A_1893 = arith.constant 0 : index
    %get3A_1894 = arith.constant 0 : index
    %get3A_1895 = vector.load %arg11[%get3A_1893, %get3A_1894] : memref<128x128xf32, #tpu.memory_space<vmem>>, vector<128x128xf32>
    %dot_general3A_1896 = arith.constant dense<0.000000e+00> : vector<256x128xf32>
    %dot_general3A_1897 = tpu.matmul %get3A_1838, %get3A_1895, %dot_general3A_1896 {dimension_numbers = #tpu.dot_dimension_numbers<[1], [0], [0], [1], [0, 0, 1, 1], [], []>, transpose_lhs_hint = false} : vector<256x128xf32>, vector<128x128xf32>, vector<256x128xf32> -> vector<256x128xf32>
    %get3A_1898 = arith.constant 0 : index
    %get3A_1899 = arith.constant 0 : index
    %get3A_1900 = vector.load %arg12[%get3A_1898, %get3A_1899] : memref<128x128xf32, #tpu.memory_space<vmem>>, vector<128x128xf32>
    %dot_general3A_1901 = arith.constant dense<0.000000e+00> : vector<256x128xf32>
    %dot_general3A_1902 = tpu.matmul %add3A_1892, %get3A_1900, %dot_general3A_1901 {dimension_numbers = #tpu.dot_dimension_numbers<[1], [0], [0], [1], [0, 0, 1, 1], [], []>, transpose_lhs_hint = false} : vector<256x128xf32>, vector<128x128xf32>, vector<256x128xf32> -> vector<256x128xf32>
    %add3A_1903 = arith.addf %dot_general3A_1897, %dot_general3A_1902 : vector<256x128xf32>
    %slice3A_1904 = vector.extract_strided_slice %dot_general3A_71 {offsets = [0, 2432], sizes = [256, 128], strides = [1, 1]} : vector<256x2560xf32> to vector<256x128xf32>
    %add3A_1905 = arith.addf %add3A_1903, %slice3A_1904 : vector<256x128xf32>
    %get3A_1906 = arith.constant 0 : index
    %get3A_1907 = arith.constant 0 : index
    %get3A_1908 = vector.load %arg14[%get3A_1906, %get3A_1907] : memref<128x128xf32, #tpu.memory_space<vmem>>, vector<128x128xf32>
    %dot_general3A_1909 = arith.constant dense<0.000000e+00> : vector<256x128xf32>
    %dot_general3A_1910 = tpu.matmul %get3A_1838, %get3A_1908, %dot_general3A_1909 {dimension_numbers = #tpu.dot_dimension_numbers<[1], [0], [0], [1], [0, 0, 1, 1], [], []>, transpose_lhs_hint = false} : vector<256x128xf32>, vector<128x128xf32>, vector<256x128xf32> -> vector<256x128xf32>
    %get3A_1911 = arith.constant 0 : index
    %get3A_1912 = arith.constant 0 : index
    %get3A_1913 = vector.load %arg15[%get3A_1911, %get3A_1912] : memref<128x128xf32, #tpu.memory_space<vmem>>, vector<128x128xf32>
    %dot_general3A_1914 = arith.constant dense<0.000000e+00> : vector<256x128xf32>
    %dot_general3A_1915 = tpu.matmul %add3A_1892, %get3A_1913, %dot_general3A_1914 {dimension_numbers = #tpu.dot_dimension_numbers<[1], [0], [0], [1], [0, 0, 1, 1], [], []>, transpose_lhs_hint = false} : vector<256x128xf32>, vector<128x128xf32>, vector<256x128xf32> -> vector<256x128xf32>
    %add3A_1916 = arith.addf %dot_general3A_1910, %dot_general3A_1915 : vector<256x128xf32>
    %slice3A_1917 = vector.extract_strided_slice %dot_general3A_79 {offsets = [0, 2432], sizes = [256, 128], strides = [1, 1]} : vector<256x2560xf32> to vector<256x128xf32>
    %add3A_1918 = arith.addf %add3A_1916, %slice3A_1917 : vector<256x128xf32>
    %mul3A_1919 = arith.mulf %mul3A_63, %add3A_1905 : vector<256x128xf32>
    %swap3A_1920 = arith.constant 0 : index
    %swap3A_1921 = arith.constant 2432 : index
    %swap3A_1922 = vector.load %arg23[%swap3A_1920, %swap3A_1921] : memref<256x2560xf32, #tpu.memory_space<vmem>>, vector<256x128xf32>
    tpu.vector_store %arg23[%swap3A_1920, %swap3A_1921], %mul3A_1919 {strides = array<i32>} : memref<256x2560xf32, #tpu.memory_space<vmem>>, vector<256x128xf32>,
    %swap3A_1923 = arith.constant 0 : index
    %swap3A_1924 = arith.constant 2432 : index
    %swap3A_1925 = vector.load %arg24[%swap3A_1923, %swap3A_1924] : memref<256x2560xf32, #tpu.memory_space<vmem>>, vector<256x128xf32>
    tpu.vector_store %arg24[%swap3A_1923, %swap3A_1924], %add3A_1918 {strides = array<i32>} : memref<256x2560xf32, #tpu.memory_space<vmem>>, vector<256x128xf32>,
    %get3A_1926 = arith.constant 0 : index
    %get3A_1927 = arith.constant 0 : index
    %get3A_1928 = vector.load %arg23[%get3A_1926, %get3A_1927] : memref<256x2560xf32, #tpu.memory_space<vmem>>, vector<256x2560xf32>
    %get3A_1929 = arith.constant 0 : index
    %get3A_1930 = arith.constant 0 : index
    %get3A_1931 = vector.load %arg19[%get3A_1929, %get3A_1930] : memref<2560x40xf32, #tpu.memory_space<vmem>>, vector<2560x40xf32>
    %dot_general3A_1932 = arith.constant dense<0.000000e+00> : vector<256x40xf32>
    %dot_general3A_1933 = tpu.matmul %get3A_1928, %get3A_1931, %dot_general3A_1932 {dimension_numbers = #tpu.dot_dimension_numbers<[1], [0], [0], [1], [0, 0, 1, 1], [], []>, transpose_lhs_hint = false} : vector<256x2560xf32>, vector<2560x40xf32>, vector<256x40xf32> -> vector<256x40xf32>
    %get3A_1934 = arith.constant 0 : index
    %get3A_1935 = arith.constant 0 : index
    %get3A_1936 = vector.load %arg6[%get3A_1934, %get3A_1935] : memref<256x20xi32, #tpu.memory_space<vmem>>, vector<256x20xi32>
    %eq3A = arith.constant 0 : i32
    %eq3A_1937 = vector.broadcast %eq3A : i32 to vector<256x20xi32>
    %eq3A_1938 = arith.cmpi eq, %get3A_1936, %eq3A_1937 : vector<256x20xi32>
    %convert_element_type3A = arith.extui %eq3A_1938 : vector<256x20xi1> to vector<256x20xi32>
    %convert_element_type3A_1939 = arith.sitofp %convert_element_type3A : vector<256x20xi32> to vector<256x20xf32>
    %concatenate3A = tpu.concatenate %convert_element_type3A_1939, %convert_element_type3A_1939 in 1 : vector<256x20xf32>, vector<256x20xf32> -> vector<256x40xf32>
    %gt3A = arith.constant 5.000000e-01 : f32
    %gt3A_1940 = vector.broadcast %gt3A : f32 to vector<256x40xf32>
    %gt3A_1941 = arith.cmpf ogt, %concatenate3A, %gt3A_1940 : vector<256x40xf32>
    %jit3A = arith.constant -1.000000e+09 : f32
    %broadcast_in_dim3A_1942 = vector.broadcast %jit3A : f32 to vector<256x40xf32>
    %select_n3A = arith.select %gt3A_1941, %broadcast_in_dim3A_1942, %dot_general3A_1933 : vector<256x40xi1>, vector<256x40xf32>
    %slice3A_1943 = vector.extract_strided_slice %select_n3A {offsets = [0, 0], sizes = [256, 20], strides = [1, 1]} : vector<256x40xf32> to vector<256x20xf32>
    %reduce_max3A = arith.constant dense<0xFF800000> : vector<256xf32>
    %reduce_max3A_1944 = vector.multi_reduction <maximumf>, %slice3A_1943, %reduce_max3A [1] : vector<256x20xf32> to vector<256xf32>
    %broadcast_in_dim3A_1945 = vector.shape_cast %reduce_max3A_1944 : vector<256xf32> to vector<256x1xf32>
    %slice3A_1946 = vector.extract_strided_slice %select_n3A {offsets = [0, 20], sizes = [256, 20], strides = [1, 1]} : vector<256x40xf32> to vector<256x20xf32>
    %reduce_max3A_1947 = arith.constant dense<0xFF800000> : vector<256xf32>
    %reduce_max3A_1948 = vector.multi_reduction <maximumf>, %slice3A_1946, %reduce_max3A_1947 [1] : vector<256x20xf32> to vector<256xf32>
    %broadcast_in_dim3A_1949 = vector.shape_cast %reduce_max3A_1948 : vector<256xf32> to vector<256x1xf32>
    %broadcast_in_dim3A_1950 = vector.shape_cast %broadcast_in_dim3A_1945 : vector<256x1xf32> to vector<256x1xf32>
    %broadcast_in_dim3A_1951 = vector.broadcast %broadcast_in_dim3A_1950 : vector<256x1xf32> to vector<256x20xf32>
    %broadcast_in_dim3A_1952 = vector.shape_cast %broadcast_in_dim3A_1949 : vector<256x1xf32> to vector<256x1xf32>
    %broadcast_in_dim3A_1953 = vector.broadcast %broadcast_in_dim3A_1952 : vector<256x1xf32> to vector<256x20xf32>
    %concatenate3A_1954 = tpu.concatenate %broadcast_in_dim3A_1951, %broadcast_in_dim3A_1953 in 1 : vector<256x20xf32>, vector<256x20xf32> -> vector<256x40xf32>
    %sub3A_1955 = arith.subf %select_n3A, %concatenate3A_1954 : vector<256x40xf32>
    %exp3A = math.exp %sub3A_1955 : vector<256x40xf32>
    %slice3A_1956 = vector.extract_strided_slice %exp3A {offsets = [0, 0], sizes = [256, 20], strides = [1, 1]} : vector<256x40xf32> to vector<256x20xf32>
    %reduce_sum3A = arith.constant dense<0.000000e+00> : vector<256xf32>
    %reduce_sum3A_1957 = vector.multi_reduction <add>, %slice3A_1956, %reduce_sum3A [1] : vector<256x20xf32> to vector<256xf32>
    %broadcast_in_dim3A_1958 = vector.shape_cast %reduce_sum3A_1957 : vector<256xf32> to vector<256x1xf32>
    %slice3A_1959 = vector.extract_strided_slice %exp3A {offsets = [0, 20], sizes = [256, 20], strides = [1, 1]} : vector<256x40xf32> to vector<256x20xf32>
    %reduce_sum3A_1960 = arith.constant dense<0.000000e+00> : vector<256xf32>
    %reduce_sum3A_1961 = vector.multi_reduction <add>, %slice3A_1959, %reduce_sum3A_1960 [1] : vector<256x20xf32> to vector<256xf32>
    %broadcast_in_dim3A_1962 = vector.shape_cast %reduce_sum3A_1961 : vector<256xf32> to vector<256x1xf32>
    %broadcast_in_dim3A_1963 = vector.shape_cast %broadcast_in_dim3A_1958 : vector<256x1xf32> to vector<256x1xf32>
    %broadcast_in_dim3A_1964 = vector.broadcast %broadcast_in_dim3A_1963 : vector<256x1xf32> to vector<256x20xf32>
    %broadcast_in_dim3A_1965 = vector.shape_cast %broadcast_in_dim3A_1962 : vector<256x1xf32> to vector<256x1xf32>
    %broadcast_in_dim3A_1966 = vector.broadcast %broadcast_in_dim3A_1965 : vector<256x1xf32> to vector<256x20xf32>
    %concatenate3A_1967 = tpu.concatenate %broadcast_in_dim3A_1964, %broadcast_in_dim3A_1966 in 1 : vector<256x20xf32>, vector<256x20xf32> -> vector<256x40xf32>
    %div3A = arith.divf %exp3A, %concatenate3A_1967 : vector<256x40xf32>
    %get3A_1968 = arith.constant 0 : index
    %get3A_1969 = arith.constant 0 : index
    %get3A_1970 = vector.load %arg20[%get3A_1968, %get3A_1969] : memref<40x2560xf32, #tpu.memory_space<vmem>>, vector<40x2560xf32>
    %dot_general3A_1971 = arith.constant dense<0.000000e+00> : vector<256x2560xf32>
    %dot_general3A_1972 = tpu.matmul %div3A, %get3A_1970, %dot_general3A_1971 {dimension_numbers = #tpu.dot_dimension_numbers<[1], [0], [0], [1], [0, 0, 1, 1], [], []>, transpose_lhs_hint = false} : vector<256x40xf32>, vector<40x2560xf32>, vector<256x2560xf32> -> vector<256x2560xf32>
    %get3A_1973 = arith.constant 0 : index
    %get3A_1974 = arith.constant 0 : index
    %get3A_1975 = vector.load %arg24[%get3A_1973, %get3A_1974] : memref<256x2560xf32, #tpu.memory_space<vmem>>, vector<256x2560xf32>
    %mul3A_1976 = arith.mulf %dot_general3A_1972, %get3A_1975 : vector<256x2560xf32>
    %get3A_1977 = arith.constant 0 : index
    %get3A_1978 = arith.constant 0 : index
    %get3A_1979 = vector.load %arg21[%get3A_1977, %get3A_1978] : memref<2560x128xf32, #tpu.memory_space<vmem>>, vector<2560x128xf32>
    %dot_general3A_1980 = arith.constant dense<0.000000e+00> : vector<256x128xf32>
    %dot_general3A_1981 = tpu.matmul %mul3A_1976, %get3A_1979, %dot_general3A_1980 {dimension_numbers = #tpu.dot_dimension_numbers<[1], [0], [0], [1], [0, 0, 1, 1], [], []>, transpose_lhs_hint = false} : vector<256x2560xf32>, vector<2560x128xf32>, vector<256x128xf32> -> vector<256x128xf32>
    %get3A_1982 = arith.constant 0 : index
    %get3A_1983 = arith.constant 0 : index
    %get3A_1984 = vector.load %arg17[%get3A_1982, %get3A_1983] : memref<128x128xf32, #tpu.memory_space<vmem>>, vector<128x128xf32>
    %dot_general3A_1985 = arith.constant dense<0.000000e+00> : vector<256x128xf32>
    %dot_general3A_1986 = tpu.matmul %dot_general3A_1981, %get3A_1984, %dot_general3A_1985 {dimension_numbers = #tpu.dot_dimension_numbers<[1], [0], [0], [1], [0, 0, 1, 1], [], []>, transpose_lhs_hint = false} : vector<256x128xf32>, vector<128x128xf32>, vector<256x128xf32> -> vector<256x128xf32>
    %get3A_1987 = arith.constant 0 : index
    %get3A_1988 = arith.constant 0 : index
    %get3A_1989 = vector.load %arg18[%get3A_1987, %get3A_1988] : memref<128x128xf32, #tpu.memory_space<vmem>>, vector<128x128xf32>
    %dot_general3A_1990 = arith.constant dense<0.000000e+00> : vector<256x128xf32>
    %dot_general3A_1991 = tpu.matmul %get3A_1, %get3A_1989, %dot_general3A_1990 {dimension_numbers = #tpu.dot_dimension_numbers<[1], [0], [0], [1], [0, 0, 1, 1], [], []>, transpose_lhs_hint = false} : vector<256x128xf32>, vector<128x128xf32>, vector<256x128xf32> -> vector<256x128xf32>
    %add3A_1992 = arith.addf %dot_general3A_1986, %dot_general3A_1991 : vector<256x128xf32>
    %swap3A_1993 = arith.constant 0 : index
    %swap3A_1994 = arith.constant 0 : index
    %swap3A_1995 = vector.load %arg22[%swap3A_1993, %swap3A_1994] : memref<256x128xf32, #tpu.memory_space<vmem>>, vector<256x128xf32>
    tpu.vector_store %arg22[%swap3A_1993, %swap3A_1994], %add3A_1992 {strides = array<i32>} : memref<256x128xf32, #tpu.memory_space<vmem>>, vector<256x128xf32>,
    return
  }
  func.func @transform_0(%arg0: i32) -> (i32, i32) {
    %c0_i32 = arith.constant 0 : i32
    %c0_i32_0 = arith.constant 0 : i32
    return %arg0, %c0_i32 : i32, i32
  }
  func.func @transform_1(%arg0: i32) -> (i32, i32, i32) {
    %c0_i32 = arith.constant 0 : i32
    %c0_i32_0 = arith.constant 0 : i32
    %c0_i32_1 = arith.constant 0 : i32
    return %c0_i32, %arg0, %c0_i32_0 : i32, i32, i32
  }
  func.func @transform_2(%arg0: i32) -> (i32, i32) {
    %c0_i32 = arith.constant 0 : i32
    %c0_i32_0 = arith.constant 0 : i32
    return %arg0, %c0_i32 : i32, i32
  }
  func.func @transform_3(%arg0: i32) -> (i32, i32) {
    %c0_i32 = arith.constant 0 : i32
    %c0_i32_0 = arith.constant 0 : i32
    return %arg0, %c0_i32 : i32, i32
  }
  func.func @transform_4(%arg0: i32) -> (i32, i32) {
    %c0_i32 = arith.constant 0 : i32
    %c0_i32_0 = arith.constant 0 : i32
    return %arg0, %c0_i32 : i32, i32
  }
  func.func @transform_5(%arg0: i32) -> (i32, i32) {
    %c0_i32 = arith.constant 0 : i32
    %c0_i32_0 = arith.constant 0 : i32
    return %arg0, %c0_i32 : i32, i32
  }
  func.func @transform_6(%arg0: i32) -> (i32, i32) {
    %c0_i32 = arith.constant 0 : i32
    %c0_i32_0 = arith.constant 0 : i32
    %c0_i32_1 = arith.constant 0 : i32
    return %c0_i32, %c0_i32_0 : i32, i32
  }
  func.func @transform_7(%arg0: i32) -> (i32, i32) {
    %c0_i32 = arith.constant 0 : i32
    %c0_i32_0 = arith.constant 0 : i32
    %c0_i32_1 = arith.constant 0 : i32
    return %c0_i32, %c0_i32_0 : i32, i32
  }
  func.func @transform_8(%arg0: i32) -> (i32, i32) {
    %c0_i32 = arith.constant 0 : i32
    %c0_i32_0 = arith.constant 0 : i32
    %c0_i32_1 = arith.constant 0 : i32
    return %c0_i32, %c0_i32_0 : i32, i32
  }
  func.func @transform_9(%arg0: i32) -> (i32, i32) {
    %c0_i32 = arith.constant 0 : i32
    %c0_i32_0 = arith.constant 0 : i32
    %c0_i32_1 = arith.constant 0 : i32
    return %c0_i32, %c0_i32_0 : i32, i32
  }
  func.func @transform_10(%arg0: i32) -> (i32, i32) {
    %c0_i32 = arith.constant 0 : i32
    %c0_i32_0 = arith.constant 0 : i32
    %c0_i32_1 = arith.constant 0 : i32
    return %c0_i32, %c0_i32_0 : i32, i32
  }
  func.func @transform_11(%arg0: i32) -> (i32, i32) {
    %c0_i32 = arith.constant 0 : i32
    %c0_i32_0 = arith.constant 0 : i32
    %c0_i32_1 = arith.constant 0 : i32
    return %c0_i32, %c0_i32_0 : i32, i32
  }
  func.func @transform_12(%arg0: i32) -> (i32, i32) {
    %c0_i32 = arith.constant 0 : i32
    %c0_i32_0 = arith.constant 0 : i32
    %c0_i32_1 = arith.constant 0 : i32
    return %c0_i32, %c0_i32_0 : i32, i32
  }
  func.func @transform_13(%arg0: i32) -> (i32, i32) {
    %c0_i32 = arith.constant 0 : i32
    %c0_i32_0 = arith.constant 0 : i32
    %c0_i32_1 = arith.constant 0 : i32
    return %c0_i32, %c0_i32_0 : i32, i32
  }
  func.func @transform_14(%arg0: i32) -> (i32, i32) {
    %c0_i32 = arith.constant 0 : i32
    %c0_i32_0 = arith.constant 0 : i32
    %c0_i32_1 = arith.constant 0 : i32
    return %c0_i32, %c0_i32_0 : i32, i32
  }
  func.func @transform_15(%arg0: i32) -> (i32, i32) {
    %c0_i32 = arith.constant 0 : i32
    %c0_i32_0 = arith.constant 0 : i32
    %c0_i32_1 = arith.constant 0 : i32
    return %c0_i32, %c0_i32_0 : i32, i32
  }
  func.func @transform_16(%arg0: i32) -> (i32, i32) {
    %c0_i32 = arith.constant 0 : i32
    %c0_i32_0 = arith.constant 0 : i32
    %c0_i32_1 = arith.constant 0 : i32
    return %c0_i32, %c0_i32_0 : i32, i32
  }
  func.func @transform_17(%arg0: i32) -> (i32, i32) {
    %c0_i32 = arith.constant 0 : i32
    %c0_i32_0 = arith.constant 0 : i32
    %c0_i32_1 = arith.constant 0 : i32
    return %c0_i32, %c0_i32_0 : i32, i32
  }
  func.func @transform_18(%arg0: i32) -> (i32, i32) {
    %c0_i32 = arith.constant 0 : i32
    %c0_i32_0 = arith.constant 0 : i32
    %c0_i32_1 = arith.constant 0 : i32
    return %c0_i32, %c0_i32_0 : i32, i32
  }
  func.func @transform_19(%arg0: i32) -> (i32, i32) {
    %c0_i32 = arith.constant 0 : i32
    %c0_i32_0 = arith.constant 0 : i32
    %c0_i32_1 = arith.constant 0 : i32
    return %c0_i32, %c0_i32_0 : i32, i32
  }
  func.func @transform_20(%arg0: i32) -> (i32, i32) {
    %c0_i32 = arith.constant 0 : i32
    %c0_i32_0 = arith.constant 0 : i32
    %c0_i32_1 = arith.constant 0 : i32
    return %c0_i32, %c0_i32_0 : i32, i32
  }
  func.func @transform_21(%arg0: i32) -> (i32, i32) {
    %c0_i32 = arith.constant 0 : i32
    %c0_i32_0 = arith.constant 0 : i32
    return %arg0, %c0_i32 : i32, i32
  }
}

</mosaic_0001>

<sc_bundles>
// kernel: gather_offload_async_start.1
scs
__scs_entry_jumppad:
0x0: {  	(pc) =	sbr.rel $0x88, $3  }
0x1: {  	(tag) =	ssettag $0x0;
	lr =	simm.s32 $0x1  }
0x2: {  	[smem:$0x3F93] =	sst lr;
	_ =	strace $0xD0000000  }
0x3: {  	_ = 	snop  }
0x4: {  	_ = 	snop  }
0x5: {  	_ = 	snop  }
0x6: {  	_ = 	snop  }
0x7: {  	_ = 	snop  }
__scs_overlays_trampoline_lowered:
0x8: {  	[smem:$0x3FA2] =	sst s0  }
0x9: {  	[smem:$0x3FA3] =	sst s1  }
0xa: {  	[smem:$0x3FA4] =	sst s2  }
0xb: {  	[smem:$0x3FA5] =	sst s3  }
0xc: {  	[smem:$0x3FA6] =	sst s4  }
0xd: {  	[smem:$0x3FA7] =	sst s5  }
0xe: {  	[smem:$0x3FA8] =	sst s6  }
0xf: {  	[smem:$0x3FA9] =	sst s7  }
0x10: {  	[smem:$0x3FAA] =	sst s8  }
0x11: {  	[smem:$0x3FAB] =	sst s9;
	s0 =	simm.s32 @!p0 $0x0  }
0x12: {  	s1 =	sld [smem:$0x3F91];
	s0 =	simm.s32 @p0 $0x1  }
0x13: {  	[smem:$0x3FAC] =	sst s0;
	s0 =	simm.s32 @!p1 $0x0  }
0x14: {  	s2 =	sld [smem:$0x3F90];
	s0 =	simm.s32 @p1 $0x1  }
0x15: {  	[smem:$0x3FAD] =	sst s0;
	s0 =	simm.s32 @!p2 $0x0  }
0x16: {  	s3 =	sld [smem:$0x3FDB];
	s0 =	simm.s32 @p2 $0x1  }
0x17: {  	s4 =	simm.s32 $0x1BF5;
	[smem:$0x3FAF] =	sst s0  }
0x18: {  	s0 =	sld [smem:$0x3F92];
	_ =	swait.ge [sflag:s4], $0x0  }
0x19: {  	s7 =	sld [smem:$0x3F93]  }
0x1a: {  	s8 =	sadd.s32 $0xFFFFE003, lr  }
0x1b: {  	s9 =	sadd.s32 $0xFFFFFEF7, lr;
	s5 =	simm.s32 $0xFFFFFFFF;
	p2 =	slt.u32 s8, $0xFFFFF086  }
0x1c: {  	p1 =	slt.u32 s9, $0xF7A;
	s5 =	simm.s32 @!p2 $0x0  }
0x1d: {  	s5 =	simm.s32 @p1 $0x1;
	p0 =	seq.s32 s7, s2  }
0x1e: {  	s7 =	smul.u32 @!p0 $0xF7A, s2;
	p2 =	seq.s32 @!p0 s5, $0x0  }
0x1f: {  	s9 =	smul.u32 $0xF7A, s1;
	s8 =	simm.s32 @!p0 $0x1BF5;
	p2 =	por !p2, p0  }
0x20: {  	[sflag:s8] =	ssyncset.s32 @!p0 $0xFFFFF086;
	s6 =	sadd.s32 @!p0 s3, s7;
	s7 =	simm.s32 @!p0 $0x108  }
0x21: {  	s3 =	sadd.s32 s3, s9;
	s6 =	sadd.s32 @!p0 $0x88, s6;
	s7 =	simm.s32 @p2 $0x1082  }
0x22: {  	[simem:s7], [sflag:s8] =	dma.local @!p0 [hbm:s6], $0xF7A  }
0x23: {  	s9 =	sor.u32 $0xD0000000, s2;
	s6 =	simm.s32 $0x108;
	_ =	swait.ge @!p0 [sflag:s8], $0x0  }
0x24: {  	s3 =	sadd.s32 $0x88, s3;
	s6 =	simm.s32 @!p1 $0x1082;
	[sflag:s4] =	ssyncset.s32 $0xFFFFF086  }
0x25: {  	[simem:s6], [sflag:s4] =	dma.local [hbm:s3], $0xF7A  }
0x26: {  	[smem:$0x3F93] =	sst s1;
	(tag) =	ssettag s2;
	_ =	strace s9  }
0x27: {  	s1 =	sld [smem:$0x3FA3]  }
0x28: {  	s2 =	sld [smem:$0x3FA4]  }
0x29: {  	s4 =	sld [smem:$0x3FA6]  }
0x2a: {  	p0 =	seq.s32 s5, $0x0;
	s5 =	sld [smem:$0x3FA7]  }
0x2b: {  	s6 =	sld [smem:$0x3FA8]  }
0x2c: {  	s7 =	sld [smem:$0x3FA9]  }
0x2d: {  	s3 =	simm.s32 $0x108;
	s8 =	sld [smem:$0x3FAA]  }
0x2e: {  	s3 =	simm.s32 @!p0 $0x1082;
	s9 =	sld [smem:$0x3FAB]  }
0x2f: {  	lr =	sadd.s32 s0, s3;
	s0 =	sld [smem:$0x3FA2]  }
0x30: {  	s3 =	sld [smem:$0x3FA5]  }
0x31: {  	[smem:$0x3FAE] =	sst s10  }
0x32: {  	s10 =	sld [smem:$0x3FAC];
	_ =	sdelay $0x3  }
0x33: {  	p0 =	seq.s32 s10, $0x1;
	s10 =	sld [smem:$0x3FAE];
	_ =	sdelay $0x3  }
0x34: {  	[smem:$0x3FAE] =	sst s10  }
0x35: {  	s10 =	sld [smem:$0x3FAD];
	_ =	sdelay $0x3  }
0x36: {  	p1 =	seq.s32 s10, $0x1;
	s10 =	sld [smem:$0x3FAE];
	_ =	sdelay $0x3  }
0x37: {  	[smem:$0x3FAE] =	sst s10  }
0x38: {  	s10 =	sld [smem:$0x3FAF]  }
0x39: {  	_ = 	snop;
	(pc) =	sbr.ind lr, $3  }
0x3a: {  	_ = 	snop  }
0x3b: {  	_ = 	snop  }
0x3c: {  	p2 =	seq.s32 s10, $0x1;
	s10 =	sld [smem:$0x3FAE]  }
0x3d: {  	_ =	shalt  }
0x3e: {  	_ =	shalt  }
0x3f: {  	_ =	shalt  }
0x40: {  	_ =	shalt  }
0x41: {  	_ =	shalt  }
0x42: {  	_ =	shalt  }
0x43: {  	_ =	shalt  }
0x44: {  	_ =	shalt  }
0x45: {  	_ =	shalt  }
0x46: {  	_ =	shalt  }
0x47: {  	_ =	shalt  }
0x48: {  	_ =	shalt  }
0x49: {  	_ =	shalt  }
0x4a: {  	_ =	shalt  }
0x4b: {  	_ =	shalt  }
0x4c: {  	_ =	shalt  }
0x4d: {  	_ =	shalt  }
0x4e: {  	_ =	shalt  }
0x4f: {  	_ =	shalt  }
0x50: {  	_ =	shalt  }
0x51: {  	_ =	shalt  }
0x52: {  	_ =	shalt  }
0x53: {  	_ =	shalt  }
0x54: {  	_ =	shalt  }
0x55: {  	_ =	shalt  }
0x56: {  	_ =	shalt  }
0x57: {  	_ =	shalt  }
0x58: {  	_ =	shalt  }
0x59: {  	_ =	shalt  }
0x5a: {  	_ =	shalt  }
0x5b: {  	_ =	shalt  }
0x5c: {  	_ =	shalt  }
0x5d: {  	_ =	shalt  }
0x5e: {  	_ =	shalt  }
0x5f: {  	_ =	shalt  }
0x60: {  	_ =	shalt  }
0x61: {  	_ =	shalt  }
0x62: {  	_ =	shalt  }
0x63: {  	_ =	shalt  }
0x64: {  	_ =	shalt  }
0x65: {  	_ =	shalt  }
0x66: {  	_ =	shalt  }
0x67: {  	_ =	shalt  }
0x68: {  	_ =	shalt  }
0x69: {  	_ =	shalt  }
0x6a: {  	_ =	shalt  }
0x6b: {  	_ =	shalt  }
0x6c: {  	_ =	shalt  }
0x6d: {  	_ =	shalt  }
0x6e: {  	_ =	shalt  }
0x6f: {  	_ =	shalt  }
0x70: {  	_ =	shalt  }
0x71: {  	_ =	shalt  }
0x72: {  	_ =	shalt  }
0x73: {  	_ =	shalt  }
0x74: {  	_ =	shalt  }
0x75: {  	_ =	shalt  }
0x76: {  	_ =	shalt  }
0x77: {  	_ =	shalt  }
0x78: {  	_ =	shalt  }
0x79: {  	_ =	shalt  }
0x7a: {  	_ =	shalt  }
0x7b: {  	_ =	shalt  }
0x7c: {  	_ =	shalt  }
0x7d: {  	_ =	shalt  }
0x7e: {  	_ =	shalt  }
0x7f: {  	_ =	shalt  }
0x80: {  	_ =	shalt  }
0x81: {  	_ =	shalt  }
0x82: {  	_ =	shalt  }
0x83: {  	_ =	shalt  }
0x84: {  	_ =	shalt  }
0x85: {  	_ =	shalt  }
0x86: {  	_ =	shalt  }
0x87: {  	_ =	shalt  }
.Lfunc_end0:
.L_simem_size_0:
called_computation.1_lowered:
.L_overlay_start_0:
0x88: {  	s2 =	sld [smem:$0x3FD9]  }
0x89: {  	s3 =	sld [smem:$0x3FFE];
	_ =	sdelay $0x1  }
0x8a: {  	s1 =	srdreg.scid  }
0x8b: {  	s0 =	sand.u32 $0x1, s1  }
0x8c: {  	s17 =	sshll.u32 s0, $0xA;
	s2 =	sadd.s32 s3, s2  }
0x8d: {  	s2 =	sadd.s32 s2, s17  }
0x8e: {  	[smem:$0x3FBA] =	sst s2  }
0x8f: {  	_ = 	snop  }
0x90: {  	s18 =	sld [smem:$0x3FC2];
	(tm) =	ssettm $0x1  }
0x91: {  	s19 =	sld [smem:$0x3FFB];
	_ =	sdelay $0x3  }
0x92: {  	_ =	strace s19  }
0x93: {  	s2 =	sld [smem:$0x3FFC];
	_ =	sdelay $0x3  }
0x94: {  	_ =	strace s2  }
0x95: {  	s2 =	sld [smem:$0x3FFD];
	_ =	sdelay $0x3  }
0x96: {  	_ =	strace s2  }
0x97: {  	_ =	strace $0x8FFFFFFF  }
0x98: {  	s20 =	sld [smem:$0x3FDB];
	_ =	sdelay $0x1  }
0x99: {  	s4 =	simm.s32 $_scs_section_size  }
0x9a: {  	s5 =	simm.s32 $_size__tile_overlayer_lowered;
	s6 =	simm.s32 $_tile_overlayer_lowered  }
0x9b: {  	s7 =	simm.s32 $0x1BFF;
	s21 =	sshll.u32 s6, $0x1;
	s4 =	sadd.s32 s4, s20  }
0x9c: {  	s22 =	simm.s32 $0x0;
	s5 =	sshll.u32 s5, $0x1;
	s6 =	sadd.s32 s21, s4  }
0x9d: {  	[timem:s22], [sflag:s7] =	dma.local [hbm:s6], s5  }
0x9e: {  	_ =	swait.ge [sflag:s7], s5  }
0x9f: {  	s5 =	ssub.s32 $0x0, s5;
	[sflag:s7] =	ssyncset.done $0x0  }
0xa0: {  	[sflag:s7] =	ssyncadd.s32 s5;
	_ =	sdelay $0x1  }
0xa1: {  	s23 =	simm.s32 $0x1B8B  }
0xa2: {  	_ =	swait.ge [sflag:s23], $0x1  }
0xa3: {  	[sflag:s23] =	ssyncset.done $0x0  }
0xa4: {  	[sflag:s23] =	ssyncadd.s32 $0xFFFFFFFF  }
0xa5: {  	s5 =	sld [smem:$0x0]  }
0xa6: {  	s6 =	sand.u32 $0xFFFFFFFE, s1  }
0xa7: {  	p0 =	sne.s32 s1, s6  }
0xa8: {  	s6 =	sshll.u32 @p0 s6, $0xE  }
0xa9: {  	s6 =	sadd.s32 @p0 $0x11B8D, s6;
	s7 =	sshll.u32 @p0 s5, $0x11  }
0xaa: {  	s6 =	sor.u32 @p0 s7, s6  }
0xab: {  	[sflag:s6] =	ssyncadd.remote.s32 @p0 $0x1;
	_ =	sdelay $0x1  }
0xac: {  	s6 =	simm.s32 @p0 $0x1B8D  }
0xad: {  	_ =	swait.eq @p0 [sflag:s6], $0x1  }
0xae: {  	[sflag:s6] =	ssyncadd.s32 @p0 $0xFFFFFFFF  }
0xaf: {  	s7 =	sshll.u32 @!p0 s1, $0xE  }
0xb0: {  	s7 =	sor.u32 @!p0 $0x4000, s7;
	s6 =	simm.s32 @!p0 $0x1B8D  }
0xb1: {  	s5 =	sshll.u32 @!p0 s5, $0x11;
	s7 =	sadd.s32 @!p0 $0x11B8D, s7;
	_ =	swait.eq @!p0 [sflag:s6], $0x1  }
0xb2: {  	s5 =	sor.u32 @!p0 s5, s7;
	[sflag:s6] =	ssyncadd.s32 @!p0 $0xFFFFFFFF  }
0xb3: {  	s25 =	simm.s32 $0x1B8E;
	s24 =	sld [smem:$0x3FFE];
	[sflag:s5] =	ssyncadd.remote.s32 @!p0 $0x1  }
0xb4: {  	s26 =	simm.s32 $execute0_lowered;
	[smem:$0x3FD2] =	sst s25  }
0xb5: {  	s6 =	sshll.u32 s26, $0x1;
	_ =	strace $0x80000049;
	[dreg:$0x1] =	wrdreg $0xFFFFFFFF  }
0xb6: {  	s28 =	simm.s32 $_size_execute0_lowered;
	s4 =	sadd.s32 s4, s6;
	[dreg:$0x0] =	wrdreg $0x0  }
0xb7: {  	s6 =	sshll.u32 s28, $0x1;
	[dreg:$0x2] =	wrdreg s4  }
0xb8: {  	[dreg:$0x3] =	wrdreg s6  }
0xb9: {  	[dreg:$0x4] =	wrdreg $0xC0  }
0xba: {  	_ =	task [dreg:s22], $0x5FFFF  }
0xbb: {  	[dreg:$0x1] =	wrdreg $0xFFFFFFFF  }
0xbc: {  	[dreg:$0x0] =	wrdreg $0x60  }
0xbd: {  	[dreg:$0x2] =	wrdreg s18  }
0xbe: {  	[dreg:$0x3] =	wrdreg s24  }
0xbf: {  	[dreg:$0x4] =	wrdreg $0xA  }
0xc0: {  	_ =	task.clear_ibuf [dreg:s22], $0x5FFFF;
	_ =	strace $0x90000049  }
0xc1: {  	s29 =	simm.s32 $0xA;
	_ =	strace $0x8000004B  }
0xc2: {  	_ =	swait.ge [sflag:s29], $0x1  }
0xc3: {  	[sflag:s29] =	ssyncadd.s32 $0xFFFFFFFF  }
0xc4: {  	_ =	strace $0x9000004B  }
0xc5: {  	_ =	sfence  }
0xc6: {  	s30 =	sld [smem:$0x0];
	_ =	sdelay $0x2  }
0xc7: {  	s31 =	sshll.u32 s1, $0xD;
	s1 =	sshrl.u32 s1, $0x2  }
0xc8: {  	s4 =	sand.u32 $0x4000, s31;
	s1 =	sadd.s32 s1, s30  }
0xc9: {  	s0 =	sor.u32 s4, s0;
	s1 =	sshll.u32 s1, $0x11  }
0xca: {  	s0 =	sor.u32 s1, s0  }
0xcb: {  	s0 =	sadd.s32 $0x8F2B, s0  }
0xcc: {  	[sflag:s0] =	ssyncadd.remote.s32 $0x1  }
0xcd: {  	_ =	sfence.sel $0xFFFF  }
0xce: {  	[dreg:$0x0] =	wrdreg $0xFFFFFFFF;
	(pc) =	sbr.abs _section_cstart, $3  }
0xcf: {  	[dreg:$0x1] =	wrdreg $0xFFFFFFFF  }
0xd0: {  	_ =	task.clear_ibuf [dreg:s22], $0x2FFFF;
	_ =	strace $0x9FFFFFFF  }
0xd1: {  	(tm) =	ssettm $0x7FFFFFFF  }
tec
execute0_lowered:
.L_overlay_start_1:
0x0: {  	(tag) =	ssettag $0x1  }
0x1: {  	s0 =	stileid.u32;
	s2 =	rddreg [dreg:$0x0]  }
0x2: {  	s1 =	srdreg.scid;
	s9 =	rddreg [dreg:$0x1]  }
0x3: {  	s4 =	simm.s32 $0x1;
	s6 =	simm.s32 $0x2;
	s11 =	simm.s32 $0x1  }
0x4: {  	s31 =	simm.s32 $0x3;
	s1 =	sand.u32 $0x1, s1;
	s3 =	sshll.u32 s0, $0x1  }
0x5: {  	s13 =	simm.s32 $0x0;
	s12 =	simm.s32 $0x0;
	s7 =	sor.u32 s3, s1  }
0x6: {  	s1 =	rddreg [dreg:$0x2];
	_ =	strace $0x8000004A;
	s3 =	smul.u32 $0x280, s7  }
0x7: {  	[sflag:s4] =	ssyncpa.u1 $0x0;
	p0 =	seq.s32 s7, $0x0;
	s7 =	simm.s32 $0x5000  }
0x8: {  	s7 =	simm.s32 @!p0 $0x0;
	s11 =	simm.s32 @!p0 $0x0;
	[sflag:s6] =	ssyncpa.u1 $0x0  }
.Ltmp0:
0x9: {  	s5 =	sshrl.u32 s3, $0x3;
	s10 =	ssub.s32 $0x5000, s3;
	(pc) =	sbr.rel .LBB2_1-.Ltmp0, $4  }
0xa: {  	[sflag:s31] =	ssyncpa.u1 $0x0;
	p0 =	sne.s32 s10, s7;
	s7 =	simm.s32 $0x1  }
0xb: {  	s8 =	sadd.s32 s5, s9;
	s5 =	sadd.s32 $0x12400, s9;
	s7 =	simm.s32 @!p0 $0x0  }
0xc: {  	s9 =	sadd.s32 $0x17400, s9;
	s8 =	sadd.s32 $0x11A00, s8;
	s7 =	sadd.s32 s11, s7  }
0xd: {  	vm0 =	vmmov $0xffff;
	p0 =	por $0x0, $0x0;
	s11 =	simm.s32 $0x0;
	s10 =	sadd.s32 $0x1, s7  }
.LBB2_4:
0xe: {  	_ =	sdelay $0x3  }
0xf: {  	[tilespmem:s19], [sflag:$0x1] =	stream.indirect_vreg.gather [hbm4b:s2+s11], $0x1, v0, vm0, $0x4038;
	[tilespmem:$0x5500] =	vst v63  }
0x10: {  	_ =	swait.ge [sflag:s4], $0x2800  }
0x11: {  	[sflag:s4] =	ssyncset.done $0x0  }
0x12: {  	s16 =	sadd.s32 s5, s13;
	[sflag:s4] =	ssyncadd.s32 $0xFFFFD800  }
0x13: {  	[hbm:s16] =	stream.linear.scatter [tilespmem:s15], [sflag:$0x3], $0x1400, $0x38;
	[tilespmem:$0x5500] =	vst v63  }
0x14: {  	s14 =	sadd.s32 $0x1900, s14;
	s31 =	sadd.s32 s13, s9  }
0x15: {  	[hbm:s31] =	stream.linear.scatter [tilespmem:s14], [sflag:$0x3], $0x1400, $0x38;
	[tilespmem:$0x5500] =	vst v63  }
.LBB2_5:
0x16: {  	p2 =	sne.s32 s12, s10  }
.Ltmp1:
0x17: {  	p1 =	slt.u32 s12, $0x2;
	(pc) =	sbr.rel @!p2 .LBB2_6-.Ltmp1, $4  }
0x18: {  	s13 =	simm.s32 @!p1 $0x3  }
0x19: {  	_ =	swait.ge @!p1 [sflag:s13], $0x2800  }
0x1a: {  	s14 =	sadd.s32 $0x1, s12;
	p0 =	por !p0, !p0;
	[sflag:s13] =	ssyncset.done @!p1 $0x0  }
0x1b: {  	s12 =	smov.u32 s14;
	[sflag:s13] =	ssyncadd.s32 @!p1 $0xFFFFD800;
	s13 =	smov.u32 s3  }
.LBB2_1:
0x1c: {  	p1 =	sge.u32 s12, s7  }
0x1d: {  	s14 =	sxor.u32 @!p1 $0x1, s12  }
0x1e: {  	s14 =	smul.u32 @!p1 $0xA00, s14;
	_ =	sdelay $0x1  }
0x1f: {  	s31 =	sadd.s32 $0xFFFFFFFF, s12;
	s15 =	simm.s32 @!p1 $0x0;
	s14 =	sshra.s32 @!p1 s14, $0x2  }
0x20: {  	[tilespmem:s14], [sflag:$0x2] =	stream.linear.gather @!p1 [hbm4b:s8+s15], $0x280, $0x38;
	[tilespmem:$0x5500] =	vst v63  }
0x21: {  	p1 =	sge.u32 s31, s7  }
.Ltmp2:
0x22: {  	_ = 	snop;
	(pc) =	sbr.rel @p1 .LBB2_5-.Ltmp2, $1  }
0x23: {  	_ =	sdelay $0x3  }
0x24: {  	s14 =	simm.s32 $0x1  }
0x25: {  	s14 =	simm.s32 @!p0 $0x0  }
0x26: {  	_ =	swait.ge [sflag:s6], $0x280;
	s14 =	smul.u32 $0xA00, s14  }
0x27: {  	[sflag:s6] =	ssyncset.done $0x0  }
0x28: {  	[sflag:s6] =	ssyncadd.s32 $0xFFFFFD80;
	s17 =	sshrl.u32 s14, $0x2  }
0x29: {  	v0 =	vld.msk [tilespmem:s17+$0x0 ss:$0x1], $0xffff;
	_ =	sdelay $0x4  }
0x2a: {  	vm1 =	vgt.s32 v0, $0x0  }
0x2b: {  	v0 =	vnsel vm1, $0x0, v0  }
0x2c: {  	v0 =	vmin.u32 v0, $0x1869FF  }
0x2d: {  	s30 =	sand.u32 $0x1, s12;
	v1 =	vshll.u32 v0, $0x3  }
0x2e: {  	s14 =	smul.u32 $0xA000, s30;
	v0 =	vand.u32 $0x7F, v0;
	v1 =	vand.u32 $0xFFFC00, v1  }
0x2f: {  	v0 =	vor.u32 v0, v1  }
0x30: {  	s16 =	simm.s32 $0x0;
	s14 =	sshrl.u32 s14, $0x2  }
0x31: {  	s18 =	sand.u32 $0x1C00, s16;
	s15 =	sor.u32 $0x500, s14  }
0x32: {  	s19 =	sand.u32 $0x70, s16;
	(ifvalue) =	ssetifvalue $0x7FFFFFFF;
	s18 =	sadd.s32 s18, s15;
	v1 =	vor.u32 $0x80, v0  }
0x33: {  	(ifvalue) =	ssetifvalue $0x7FFFFFFF;
	s18 =	sadd.s32 s19, s18  }
0x34: {  	[tilespmem:s18], [sflag:$0x1] =	stream.indirect_vreg.gather [hbm4b:s2+s11], $0x1, v0, vm0, $0x4038;
	[tilespmem:$0x5500] =	vst v63  }
0x35: {  	v2 =	vor.u32 $0x100, v0;
	(ifvalue) =	ssetifvalue $0x7FFFFFFF  }
0x36: {  	s19 =	sadd.s32 $0x80, s18;
	(ifvalue) =	ssetifvalue $0x7FFFFFFF  }
0x37: {  	[tilespmem:s19], [sflag:$0x1] =	stream.indirect_vreg.gather [hbm4b:s2+s11], $0x1, v1, vm0, $0x4038;
	[tilespmem:$0x5500] =	vst v63  }
0x38: {  	v1 =	vor.u32 $0x180, v0;
	(ifvalue) =	ssetifvalue $0x7FFFFFFF  }
0x39: {  	s31 =	sadd.s32 $0x100, s18;
	(ifvalue) =	ssetifvalue $0x7FFFFFFF  }
0x3a: {  	[tilespmem:s31], [sflag:$0x1] =	stream.indirect_vreg.gather [hbm4b:s2+s11], $0x1, v2, vm0, $0x4038;
	[tilespmem:$0x5500] =	vst v63  }
0x3b: {  	v2 =	vor.u32 $0x200, v0;
	(ifvalue) =	ssetifvalue $0x7FFFFFFF  }
0x3c: {  	s20 =	sadd.s32 $0x180, s18;
	(ifvalue) =	ssetifvalue $0x7FFFFFFF  }
0x3d: {  	[tilespmem:s20], [sflag:$0x1] =	stream.indirect_vreg.gather [hbm4b:s2+s11], $0x1, v1, vm0, $0x4038;
	[tilespmem:$0x5500] =	vst v63  }
0x3e: {  	(ifvalue) =	ssetifvalue $0x7FFFFFFF;
	v1 =	vor.u32 $0x280, v0  }
0x3f: {  	s21 =	sadd.s32 $0x200, s18;
	(ifvalue) =	ssetifvalue $0x7FFFFFFF  }
0x40: {  	[tilespmem:s21], [sflag:$0x1] =	stream.indirect_vreg.gather [hbm4b:s2+s11], $0x1, v2, vm0, $0x4038;
	[tilespmem:$0x5500] =	vst v63  }
0x41: {  	(ifvalue) =	ssetifvalue $0x7FFFFFFF;
	v2 =	vor.u32 $0x300, v0  }
0x42: {  	s22 =	sadd.s32 $0x280, s18;
	(ifvalue) =	ssetifvalue $0x7FFFFFFF  }
0x43: {  	[tilespmem:s22], [sflag:$0x1] =	stream.indirect_vreg.gather [hbm4b:s2+s11], $0x1, v1, vm0, $0x4038;
	[tilespmem:$0x5500] =	vst v63  }
0x44: {  	(ifvalue) =	ssetifvalue $0x7FFFFFFF;
	v1 =	vor.u32 $0x380, v0  }
0x45: {  	s16 =	sor.u32 s16, s16;
	s23 =	sadd.s32 $0x300, s18;
	(ifvalue) =	ssetifvalue $0x7FFFFFFF  }
0x46: {  	[tilespmem:s23], [sflag:$0x1] =	stream.indirect_vreg.gather [hbm4b:s2+s11], $0x1, v2, vm0, $0x4038;
	[tilespmem:$0x5500] =	vst v63  }
0x47: {  	s16 =	sor.u32 $0x380, s16;
	(ifvalue) =	ssetifvalue $0x7FFFFFFF;
	v2 =	vadd.s32 $0xC35000, v0  }
0x48: {  	s16 =	sadd.s32 s16, s15;
	(ifvalue) =	ssetifvalue $0x7FFFFFFF  }
0x49: {  	[tilespmem:s16], [sflag:$0x1] =	stream.indirect_vreg.gather [hbm4b:s2+s11], $0x1, v1, vm0, $0x4038;
	[tilespmem:$0x5500] =	vst v63  }
0x4a: {  	(ifvalue) =	ssetifvalue $0x7FFFFFFF;
	v1 =	vadd.s32 $0xC35080, v0  }
0x4b: {  	s24 =	sadd.s32 $0x1400, s18;
	(ifvalue) =	ssetifvalue $0x7FFFFFFF  }
0x4c: {  	[tilespmem:s24], [sflag:$0x1] =	stream.indirect_vreg.gather [hbm4b:s2+s11], $0x1, v2, vm0, $0x4038;
	[tilespmem:$0x5500] =	vst v63  }
0x4d: {  	(ifvalue) =	ssetifvalue $0x7FFFFFFF;
	v2 =	vadd.s32 $0xC35100, v0  }
0x4e: {  	s25 =	sadd.s32 $0x1480, s18;
	(ifvalue) =	ssetifvalue $0x7FFFFFFF  }
0x4f: {  	[tilespmem:s25], [sflag:$0x1] =	stream.indirect_vreg.gather [hbm4b:s2+s11], $0x1, v1, vm0, $0x4038;
	[tilespmem:$0x5500] =	vst v63  }
0x50: {  	(ifvalue) =	ssetifvalue $0x7FFFFFFF;
	v1 =	vadd.s32 $0xC35180, v0  }
0x51: {  	s26 =	sadd.s32 $0x1500, s18;
	(ifvalue) =	ssetifvalue $0x7FFFFFFF  }
0x52: {  	[tilespmem:s26], [sflag:$0x1] =	stream.indirect_vreg.gather [hbm4b:s2+s11], $0x1, v2, vm0, $0x4038;
	[tilespmem:$0x5500] =	vst v63  }
0x53: {  	(ifvalue) =	ssetifvalue $0x7FFFFFFF;
	v2 =	vadd.s32 $0xC35200, v0  }
0x54: {  	s28 =	sadd.s32 $0x1580, s18;
	(ifvalue) =	ssetifvalue $0x7FFFFFFF  }
0x55: {  	[tilespmem:s28], [sflag:$0x1] =	stream.indirect_vreg.gather [hbm4b:s2+s11], $0x1, v1, vm0, $0x4038;
	[tilespmem:$0x5500] =	vst v63  }
0x56: {  	(ifvalue) =	ssetifvalue $0x7FFFFFFF;
	v1 =	vadd.s32 $0xC35280, v0  }
0x57: {  	s29 =	sadd.s32 $0x1600, s18;
	(ifvalue) =	ssetifvalue $0x7FFFFFFF  }
0x58: {  	[tilespmem:s29], [sflag:$0x1] =	stream.indirect_vreg.gather [hbm4b:s2+s11], $0x1, v2, vm0, $0x4038;
	[tilespmem:$0x5500] =	vst v63  }
0x59: {  	(ifvalue) =	ssetifvalue $0x7FFFFFFF;
	v2 =	vadd.s32 $0xC35300, v0  }
0x5a: {  	s30 =	sadd.s32 $0x1680, s18;
	(ifvalue) =	ssetifvalue $0x7FFFFFFF  }
0x5b: {  	[tilespmem:s30], [sflag:$0x1] =	stream.indirect_vreg.gather [hbm4b:s2+s11], $0x1, v1, vm0, $0x4038;
	[tilespmem:$0x5500] =	vst v63  }
0x5c: {  	v0 =	vadd.s32 $0xC35380, v0;
	(ifvalue) =	ssetifvalue $0x7FFFFFFF  }
0x5d: {  	s31 =	sadd.s32 $0x1700, s18;
	(ifvalue) =	ssetifvalue $0x7FFFFFFF  }
0x5e: {  	[tilespmem:s31], [sflag:$0x1] =	stream.indirect_vreg.gather [hbm4b:s2+s11], $0x1, v2, vm0, $0x4038;
	[tilespmem:$0x5500] =	vst v63  }
0x5f: {  	s17 =	sadd.s32 $0x10, s17;
	s19 =	sadd.s32 $0x1780, s18;
	(ifvalue) =	ssetifvalue $0x7FFFFFFF  }
0x60: {  	s18 =	simm.s32 $0x80;
	s16 =	simm.s32 $0x10;
	(ifvalue) =	ssetifvalue $0x7FFFFFFF  }
.LBB2_3:
0x61: {  	[tilespmem:s19], [sflag:$0x1] =	stream.indirect_vreg.gather [hbm4b:s2+s11], $0x1, v0, vm0, $0x4038;
	[tilespmem:$0x5500] =	vst v63  }
0x62: {  	p1 =	sne.s32 s16, $0x270;
	s20 =	smov.u32 s16;
	s16 =	sadd.s32 $0x10, s16;
	v0 =	vld.msk [tilespmem:s17+$0x0 ss:$0x1], $0xffff  }
0x63: {  	(ifvalue) =	ssetifvalue $0x7FFFFFFF;
	_ =	sdelay $0x4  }
0x64: {  	vm1 =	vgt.s32 v0, $0x0  }
0x65: {  	v0 =	vnsel vm1, $0x0, v0  }
0x66: {  	v0 =	vmin.u32 v0, $0x1869FF  }
0x67: {  	v1 =	vshll.u32 v0, $0x3  }
0x68: {  	v0 =	vand.u32 $0x7F, v0;
	v1 =	vand.u32 $0xFFFC00, v1  }
0x69: {  	v0 =	vor.u32 v0, v1;
	_ =	sdelay $0x1  }
0x6a: {  	s19 =	sand.u32 $0x1C00, s18  }
0x6b: {  	s21 =	sand.u32 $0x70, s20;
	s19 =	sadd.s32 s19, s15;
	v1 =	vor.u32 $0x80, v0  }
0x6c: {  	s19 =	sadd.s32 s21, s19;
	(ifvalue) =	ssetifvalue $0x7FFFFFFF  }
0x6d: {  	[tilespmem:s19], [sflag:$0x1] =	stream.indirect_vreg.gather [hbm4b:s2+s11], $0x1, v0, vm0, $0x4038;
	[tilespmem:$0x5500] =	vst v63  }
0x6e: {  	v2 =	vor.u32 $0x100, v0;
	(ifvalue) =	ssetifvalue $0x7FFFFFFF  }
0x6f: {  	s21 =	sadd.s32 $0x80, s19;
	(ifvalue) =	ssetifvalue $0x7FFFFFFF  }
0x70: {  	[tilespmem:s21], [sflag:$0x1] =	stream.indirect_vreg.gather [hbm4b:s2+s11], $0x1, v1, vm0, $0x4038;
	[tilespmem:$0x5500] =	vst v63  }
0x71: {  	v1 =	vor.u32 $0x180, v0;
	(ifvalue) =	ssetifvalue $0x7FFFFFFF  }
0x72: {  	s21 =	sadd.s32 $0x100, s19;
	(ifvalue) =	ssetifvalue $0x7FFFFFFF  }
0x73: {  	[tilespmem:s21], [sflag:$0x1] =	stream.indirect_vreg.gather [hbm4b:s2+s11], $0x1, v2, vm0, $0x4038;
	[tilespmem:$0x5500] =	vst v63  }
0x74: {  	v2 =	vor.u32 $0x200, v0;
	(ifvalue) =	ssetifvalue $0x7FFFFFFF  }
0x75: {  	s21 =	sadd.s32 $0x180, s19;
	(ifvalue) =	ssetifvalue $0x7FFFFFFF  }
0x76: {  	[tilespmem:s21], [sflag:$0x1] =	stream.indirect_vreg.gather [hbm4b:s2+s11], $0x1, v1, vm0, $0x4038;
	[tilespmem:$0x5500] =	vst v63  }
0x77: {  	v1 =	vor.u32 $0x280, v0;
	(ifvalue) =	ssetifvalue $0x7FFFFFFF  }
0x78: {  	s21 =	sadd.s32 $0x200, s19;
	(ifvalue) =	ssetifvalue $0x7FFFFFFF  }
0x79: {  	[tilespmem:s21], [sflag:$0x1] =	stream.indirect_vreg.gather [hbm4b:s2+s11], $0x1, v2, vm0, $0x4038;
	[tilespmem:$0x5500] =	vst v63  }
0x7a: {  	v2 =	vor.u32 $0x300, v0;
	(ifvalue) =	ssetifvalue $0x7FFFFFFF  }
0x7b: {  	s21 =	sadd.s32 $0x280, s19;
	(ifvalue) =	ssetifvalue $0x7FFFFFFF  }
0x7c: {  	[tilespmem:s21], [sflag:$0x1] =	stream.indirect_vreg.gather [hbm4b:s2+s11], $0x1, v1, vm0, $0x4038;
	[tilespmem:$0x5500] =	vst v63  }
0x7d: {  	v1 =	vor.u32 $0x380, v0;
	(ifvalue) =	ssetifvalue $0x7FFFFFFF  }
0x7e: {  	s20 =	sor.u32 s18, s20;
	s21 =	sadd.s32 $0x300, s19;
	(ifvalue) =	ssetifvalue $0x7FFFFFFF  }
0x7f: {  	[tilespmem:s21], [sflag:$0x1] =	stream.indirect_vreg.gather [hbm4b:s2+s11], $0x1, v2, vm0, $0x4038;
	[tilespmem:$0x5500] =	vst v63  }
0x80: {  	s20 =	sor.u32 $0x380, s20;
	v2 =	vadd.s32 $0xC35000, v0;
	(ifvalue) =	ssetifvalue $0x7FFFFFFF  }
0x81: {  	s20 =	sadd.s32 s20, s15;
	(ifvalue) =	ssetifvalue $0x7FFFFFFF  }
0x82: {  	[tilespmem:s20], [sflag:$0x1] =	stream.indirect_vreg.gather [hbm4b:s2+s11], $0x1, v1, vm0, $0x4038;
	[tilespmem:$0x5500] =	vst v63  }
0x83: {  	v1 =	vadd.s32 $0xC35080, v0;
	(ifvalue) =	ssetifvalue $0x7FFFFFFF  }
0x84: {  	s20 =	sadd.s32 $0x1400, s19;
	(ifvalue) =	ssetifvalue $0x7FFFFFFF  }
0x85: {  	[tilespmem:s20], [sflag:$0x1] =	stream.indirect_vreg.gather [hbm4b:s2+s11], $0x1, v2, vm0, $0x4038;
	[tilespmem:$0x5500] =	vst v63  }
0x86: {  	v2 =	vadd.s32 $0xC35100, v0;
	(ifvalue) =	ssetifvalue $0x7FFFFFFF  }
0x87: {  	s20 =	sadd.s32 $0x1480, s19;
	(ifvalue) =	ssetifvalue $0x7FFFFFFF  }
0x88: {  	[tilespmem:s20], [sflag:$0x1] =	stream.indirect_vreg.gather [hbm4b:s2+s11], $0x1, v1, vm0, $0x4038;
	[tilespmem:$0x5500] =	vst v63  }
0x89: {  	v1 =	vadd.s32 $0xC35180, v0;
	(ifvalue) =	ssetifvalue $0x7FFFFFFF  }
0x8a: {  	s20 =	sadd.s32 $0x1500, s19;
	(ifvalue) =	ssetifvalue $0x7FFFFFFF  }
0x8b: {  	[tilespmem:s20], [sflag:$0x1] =	stream.indirect_vreg.gather [hbm4b:s2+s11], $0x1, v2, vm0, $0x4038;
	[tilespmem:$0x5500] =	vst v63  }
0x8c: {  	v2 =	vadd.s32 $0xC35200, v0;
	(ifvalue) =	ssetifvalue $0x7FFFFFFF  }
0x8d: {  	s20 =	sadd.s32 $0x1580, s19;
	(ifvalue) =	ssetifvalue $0x7FFFFFFF  }
0x8e: {  	[tilespmem:s20], [sflag:$0x1] =	stream.indirect_vreg.gather [hbm4b:s2+s11], $0x1, v1, vm0, $0x4038;
	[tilespmem:$0x5500] =	vst v63  }
0x8f: {  	v1 =	vadd.s32 $0xC35280, v0;
	(ifvalue) =	ssetifvalue $0x7FFFFFFF  }
0x90: {  	s20 =	sadd.s32 $0x1600, s19;
	(ifvalue) =	ssetifvalue $0x7FFFFFFF  }
0x91: {  	[tilespmem:s20], [sflag:$0x1] =	stream.indirect_vreg.gather [hbm4b:s2+s11], $0x1, v2, vm0, $0x4038;
	[tilespmem:$0x5500] =	vst v63  }
0x92: {  	v2 =	vadd.s32 $0xC35300, v0;
	(ifvalue) =	ssetifvalue $0x7FFFFFFF  }
0x93: {  	s20 =	sadd.s32 $0x1680, s19;
	(ifvalue) =	ssetifvalue $0x7FFFFFFF  }
0x94: {  	[tilespmem:s20], [sflag:$0x1] =	stream.indirect_vreg.gather [hbm4b:s2+s11], $0x1, v1, vm0, $0x4038;
	[tilespmem:$0x5500] =	vst v63  }
.Ltmp3:
0x95: {  	v0 =	vadd.s32 $0xC35380, v0;
	(ifvalue) =	ssetifvalue $0x7FFFFFFF;
	(pc) =	sbr.rel @p1 .LBB2_3-.Ltmp3, $4  }
0x96: {  	s20 =	sadd.s32 $0x1700, s19;
	(ifvalue) =	ssetifvalue $0x7FFFFFFF  }
0x97: {  	[tilespmem:s20], [sflag:$0x1] =	stream.indirect_vreg.gather [hbm4b:s2+s11], $0x1, v2, vm0, $0x4038;
	[tilespmem:$0x5500] =	vst v63  }
0x98: {  	s17 =	sadd.s32 $0x10, s17;
	(ifvalue) =	ssetifvalue $0x7FFFFFFF  }
0x99: {  	s18 =	sadd.s32 $0x80, s18;
	s19 =	sadd.s32 $0x1780, s19;
	(ifvalue) =	ssetifvalue $0x7FFFFFFF  }
.Ltmp4:
0x9a: {  	_ = 	snop;
	(pc) =	sbr.rel .LBB2_4-.Ltmp4, $1  }
0x9b: {  	_ =	sdelay $0x3  }
.LBB2_6:
0x9c: {  	_ =	sfence.sel $0x180000  }
0x9d: {  	s2 =	simm.s32 $0x2;
	[bflag:$0x0] =	sbarrier.arrive $0xFFFF  }
0x9e: {  	s30 =	simm.s32 $0x3;
	[sflag:s2] =	ssyncpa.u1 $0x1  }
0x9f: {  	s31 =	simm.s32 $0x1;
	[sflag:s30] =	ssyncpa.u1 $0x1  }
0xa0: {  	[sflag:s31] =	ssyncpa.u1 $0x1  }
0xa1: {  	p0 =	sne.s32 s0, $0x0;
	_ =	strace $0x9000004A  }
0xa2: {  	s0 =	sadd.s32 @!p0 $0x100000, s1;
	[bflag:$0x2] =	sbarrier.arrive $0xFFFF  }
0xa3: {  	[sflag:s0] =	ssyncadd.tile.s32 @!p0 $0x1;
	_ =	shalt  }
.Lfunc_end2:
_tile_overlayer_lowered:
.L_overlay_start_2:
0xa4: {  	(tag) =	ssettag $0x2  }
0xa5: {  	s0 =	rddreg [dreg:$0x0];
	s2 =	stileid.u32  }
0xa6: {  	s1 =	rddreg [dreg:$0x1];
	p0 =	sne.s32 s2, $0x0  }
0xa7: {  	s3 =	rddreg [dreg:$0x2];
	[bflag:$0x3] =	sbarrier.arrive $0xFFFF;
	s2 =	simm.s32 @!p0 $0x1C01  }
0xa8: {  	[timem:s3], [sflag:s2] =	dma.local @!p0 [hbm:s0], s1  }
0xa9: {  	s0 =	simm.s32 @!p0 $0x1  }
0xaa: {  	_ =	swait.ge @!p0 [sflag:s0], s1  }
0xab: {  	s1 =	ssub.s32 @!p0 $0x0, s1;
	[sflag:s0] =	ssyncset.done @!p0 $0x0  }
0xac: {  	[sflag:s0] =	ssyncadd.s32 @!p0 s1  }
0xad: {  	[bflag:$0x3] =	sbarrier.arrive $0xFFFF  }
0xae: {  	_ =	shalt  }

// kernel: gather_offload_async_start
scs
__scs_entry_jumppad:
0x0: {  	(pc) =	sbr.rel $0x88, $3  }
0x1: {  	(tag) =	ssettag $0x0;
	lr =	simm.s32 $0x1  }
0x2: {  	[smem:$0x3F93] =	sst lr;
	_ =	strace $0xD0000000  }
0x3: {  	_ = 	snop  }
0x4: {  	_ = 	snop  }
0x5: {  	_ = 	snop  }
0x6: {  	_ = 	snop  }
0x7: {  	_ = 	snop  }
__scs_overlays_trampoline_lowered:
0x8: {  	[smem:$0x3FA2] =	sst s0  }
0x9: {  	[smem:$0x3FA3] =	sst s1  }
0xa: {  	[smem:$0x3FA4] =	sst s2  }
0xb: {  	[smem:$0x3FA5] =	sst s3  }
0xc: {  	[smem:$0x3FA6] =	sst s4  }
0xd: {  	[smem:$0x3FA7] =	sst s5  }
0xe: {  	[smem:$0x3FA8] =	sst s6  }
0xf: {  	[smem:$0x3FA9] =	sst s7  }
0x10: {  	[smem:$0x3FAA] =	sst s8  }
0x11: {  	[smem:$0x3FAB] =	sst s9;
	s0 =	simm.s32 @!p0 $0x0  }
0x12: {  	s1 =	sld [smem:$0x3F91];
	s0 =	simm.s32 @p0 $0x1  }
0x13: {  	[smem:$0x3FAC] =	sst s0;
	s0 =	simm.s32 @!p1 $0x0  }
0x14: {  	s2 =	sld [smem:$0x3F90];
	s0 =	simm.s32 @p1 $0x1  }
0x15: {  	[smem:$0x3FAD] =	sst s0;
	s0 =	simm.s32 @!p2 $0x0  }
0x16: {  	s3 =	sld [smem:$0x3FDB];
	s0 =	simm.s32 @p2 $0x1  }
0x17: {  	s4 =	simm.s32 $0x1BF5;
	[smem:$0x3FAF] =	sst s0  }
0x18: {  	s0 =	sld [smem:$0x3F92];
	_ =	swait.ge [sflag:s4], $0x0  }
0x19: {  	s7 =	sld [smem:$0x3F93]  }
0x1a: {  	s8 =	sadd.s32 $0xFFFFE003, lr  }
0x1b: {  	s9 =	sadd.s32 $0xFFFFFEF7, lr;
	s5 =	simm.s32 $0xFFFFFFFF;
	p2 =	slt.u32 s8, $0xFFFFF086  }
0x1c: {  	p1 =	slt.u32 s9, $0xF7A;
	s5 =	simm.s32 @!p2 $0x0  }
0x1d: {  	s5 =	simm.s32 @p1 $0x1;
	p0 =	seq.s32 s7, s2  }
0x1e: {  	s7 =	smul.u32 @!p0 $0xF7A, s2;
	p2 =	seq.s32 @!p0 s5, $0x0  }
0x1f: {  	s9 =	smul.u32 $0xF7A, s1;
	s8 =	simm.s32 @!p0 $0x1BF5;
	p2 =	por !p2, p0  }
0x20: {  	[sflag:s8] =	ssyncset.s32 @!p0 $0xFFFFF086;
	s6 =	sadd.s32 @!p0 s3, s7;
	s7 =	simm.s32 @!p0 $0x108  }
0x21: {  	s3 =	sadd.s32 s3, s9;
	s6 =	sadd.s32 @!p0 $0x88, s6;
	s7 =	simm.s32 @p2 $0x1082  }
0x22: {  	[simem:s7], [sflag:s8] =	dma.local @!p0 [hbm:s6], $0xF7A  }
0x23: {  	s9 =	sor.u32 $0xD0000000, s2;
	s6 =	simm.s32 $0x108;
	_ =	swait.ge @!p0 [sflag:s8], $0x0  }
0x24: {  	s3 =	sadd.s32 $0x88, s3;
	s6 =	simm.s32 @!p1 $0x1082;
	[sflag:s4] =	ssyncset.s32 $0xFFFFF086  }
0x25: {  	[simem:s6], [sflag:s4] =	dma.local [hbm:s3], $0xF7A  }
0x26: {  	[smem:$0x3F93] =	sst s1;
	(tag) =	ssettag s2;
	_ =	strace s9  }
0x27: {  	s1 =	sld [smem:$0x3FA3]  }
0x28: {  	s2 =	sld [smem:$0x3FA4]  }
0x29: {  	s4 =	sld [smem:$0x3FA6]  }
0x2a: {  	p0 =	seq.s32 s5, $0x0;
	s5 =	sld [smem:$0x3FA7]  }
0x2b: {  	s6 =	sld [smem:$0x3FA8]  }
0x2c: {  	s7 =	sld [smem:$0x3FA9]  }
0x2d: {  	s3 =	simm.s32 $0x108;
	s8 =	sld [smem:$0x3FAA]  }
0x2e: {  	s3 =	simm.s32 @!p0 $0x1082;
	s9 =	sld [smem:$0x3FAB]  }
0x2f: {  	lr =	sadd.s32 s0, s3;
	s0 =	sld [smem:$0x3FA2]  }
0x30: {  	s3 =	sld [smem:$0x3FA5]  }
0x31: {  	[smem:$0x3FAE] =	sst s10  }
0x32: {  	s10 =	sld [smem:$0x3FAC];
	_ =	sdelay $0x3  }
0x33: {  	p0 =	seq.s32 s10, $0x1;
	s10 =	sld [smem:$0x3FAE];
	_ =	sdelay $0x3  }
0x34: {  	[smem:$0x3FAE] =	sst s10  }
0x35: {  	s10 =	sld [smem:$0x3FAD];
	_ =	sdelay $0x3  }
0x36: {  	p1 =	seq.s32 s10, $0x1;
	s10 =	sld [smem:$0x3FAE];
	_ =	sdelay $0x3  }
0x37: {  	[smem:$0x3FAE] =	sst s10  }
0x38: {  	s10 =	sld [smem:$0x3FAF]  }
0x39: {  	_ = 	snop;
	(pc) =	sbr.ind lr, $3  }
0x3a: {  	_ = 	snop  }
0x3b: {  	_ = 	snop  }
0x3c: {  	p2 =	seq.s32 s10, $0x1;
	s10 =	sld [smem:$0x3FAE]  }
0x3d: {  	_ =	shalt  }
0x3e: {  	_ =	shalt  }
0x3f: {  	_ =	shalt  }
0x40: {  	_ =	shalt  }
0x41: {  	_ =	shalt  }
0x42: {  	_ =	shalt  }
0x43: {  	_ =	shalt  }
0x44: {  	_ =	shalt  }
0x45: {  	_ =	shalt  }
0x46: {  	_ =	shalt  }
0x47: {  	_ =	shalt  }
0x48: {  	_ =	shalt  }
0x49: {  	_ =	shalt  }
0x4a: {  	_ =	shalt  }
0x4b: {  	_ =	shalt  }
0x4c: {  	_ =	shalt  }
0x4d: {  	_ =	shalt  }
0x4e: {  	_ =	shalt  }
0x4f: {  	_ =	shalt  }
0x50: {  	_ =	shalt  }
0x51: {  	_ =	shalt  }
0x52: {  	_ =	shalt  }
0x53: {  	_ =	shalt  }
0x54: {  	_ =	shalt  }
0x55: {  	_ =	shalt  }
0x56: {  	_ =	shalt  }
0x57: {  	_ =	shalt  }
0x58: {  	_ =	shalt  }
0x59: {  	_ =	shalt  }
0x5a: {  	_ =	shalt  }
0x5b: {  	_ =	shalt  }
0x5c: {  	_ =	shalt  }
0x5d: {  	_ =	shalt  }
0x5e: {  	_ =	shalt  }
0x5f: {  	_ =	shalt  }
0x60: {  	_ =	shalt  }
0x61: {  	_ =	shalt  }
0x62: {  	_ =	shalt  }
0x63: {  	_ =	shalt  }
0x64: {  	_ =	shalt  }
0x65: {  	_ =	shalt  }
0x66: {  	_ =	shalt  }
0x67: {  	_ =	shalt  }
0x68: {  	_ =	shalt  }
0x69: {  	_ =	shalt  }
0x6a: {  	_ =	shalt  }
0x6b: {  	_ =	shalt  }
0x6c: {  	_ =	shalt  }
0x6d: {  	_ =	shalt  }
0x6e: {  	_ =	shalt  }
0x6f: {  	_ =	shalt  }
0x70: {  	_ =	shalt  }
0x71: {  	_ =	shalt  }
0x72: {  	_ =	shalt  }
0x73: {  	_ =	shalt  }
0x74: {  	_ =	shalt  }
0x75: {  	_ =	shalt  }
0x76: {  	_ =	shalt  }
0x77: {  	_ =	shalt  }
0x78: {  	_ =	shalt  }
0x79: {  	_ =	shalt  }
0x7a: {  	_ =	shalt  }
0x7b: {  	_ =	shalt  }
0x7c: {  	_ =	shalt  }
0x7d: {  	_ =	shalt  }
0x7e: {  	_ =	shalt  }
0x7f: {  	_ =	shalt  }
0x80: {  	_ =	shalt  }
0x81: {  	_ =	shalt  }
0x82: {  	_ =	shalt  }
0x83: {  	_ =	shalt  }
0x84: {  	_ =	shalt  }
0x85: {  	_ =	shalt  }
0x86: {  	_ =	shalt  }
0x87: {  	_ =	shalt  }
.Lfunc_end0:
.L_simem_size_0:
called_computation_lowered:
.L_overlay_start_0:
0x88: {  	s2 =	sld [smem:$0x3FD9]  }
0x89: {  	s3 =	sld [smem:$0x3FFE];
	_ =	sdelay $0x1  }
0x8a: {  	s1 =	srdreg.scid  }
0x8b: {  	s0 =	sand.u32 $0x1, s1  }
0x8c: {  	s17 =	sshll.u32 s0, $0xA;
	s2 =	sadd.s32 s3, s2  }
0x8d: {  	s2 =	sadd.s32 s2, s17  }
0x8e: {  	[smem:$0x3FBA] =	sst s2  }
0x8f: {  	_ = 	snop  }
0x90: {  	s2 =	sld [smem:$0x3FC2];
	(tm) =	ssettm $0x1  }
0x91: {  	s18 =	sld [smem:$0x3FFB];
	_ =	sdelay $0x3  }
0x92: {  	_ =	strace s18  }
0x93: {  	s3 =	sld [smem:$0x3FFC];
	_ =	sdelay $0x3  }
0x94: {  	_ =	strace s3  }
0x95: {  	s3 =	sld [smem:$0x3FFD];
	_ =	sdelay $0x3  }
0x96: {  	_ =	strace s3  }
0x97: {  	_ =	strace $0x8FFFFFFF  }
0x98: {  	s19 =	sld [smem:$0x3FDB];
	_ =	sdelay $0x1  }
0x99: {  	s4 =	simm.s32 $_scs_section_size  }
0x9a: {  	s5 =	simm.s32 $_size__tile_overlayer_lowered;
	s6 =	simm.s32 $_tile_overlayer_lowered  }
0x9b: {  	s22 =	simm.s32 $0x1BFF;
	s21 =	sshll.u32 s6, $0x1;
	s3 =	sadd.s32 s4, s19  }
0x9c: {  	s7 =	simm.s32 $0x0;
	s20 =	sshll.u32 s5, $0x1;
	s5 =	sadd.s32 s21, s3  }
0x9d: {  	[timem:s7], [sflag:s22] =	dma.local [hbm:s5], s20  }
0x9e: {  	_ =	swait.ge [sflag:s22], s20  }
0x9f: {  	s4 =	ssub.s32 $0x0, s20;
	[sflag:s22] =	ssyncset.done $0x0  }
0xa0: {  	[sflag:s22] =	ssyncadd.s32 s4;
	_ =	sdelay $0x1  }
0xa1: {  	s23 =	simm.s32 $0x1B8B  }
0xa2: {  	_ =	swait.ge [sflag:s23], $0x1  }
0xa3: {  	[sflag:s23] =	ssyncset.done $0x0  }
0xa4: {  	s25 =	simm.s32 $0x1B8E;
	s24 =	sld [smem:$0x3FFE];
	[sflag:s23] =	ssyncadd.s32 $0xFFFFFFFF  }
0xa5: {  	s26 =	simm.s32 $execute0_lowered;
	[smem:$0x3FD2] =	sst s25  }
0xa6: {  	s5 =	sshll.u32 s26, $0x1;
	_ =	strace $0x80000046;
	[dreg:$0x1] =	wrdreg $0xFFFFFFFF  }
0xa7: {  	s28 =	simm.s32 $_size_execute0_lowered;
	s3 =	sadd.s32 s3, s5;
	[dreg:$0x0] =	wrdreg $0x0  }
0xa8: {  	s5 =	sshll.u32 s28, $0x1;
	[dreg:$0x2] =	wrdreg s3  }
0xa9: {  	[dreg:$0x3] =	wrdreg s5  }
0xaa: {  	[dreg:$0x4] =	wrdreg $0xC0  }
0xab: {  	_ =	task [dreg:s7], $0x5FFFF  }
0xac: {  	[dreg:$0x1] =	wrdreg $0xFFFFFFFF  }
0xad: {  	[dreg:$0x0] =	wrdreg $0x60  }
0xae: {  	[dreg:$0x2] =	wrdreg s2  }
0xaf: {  	[dreg:$0x3] =	wrdreg s24  }
0xb0: {  	[dreg:$0x4] =	wrdreg $0x9  }
0xb1: {  	_ =	task.clear_ibuf [dreg:s7], $0x5FFFF;
	_ =	strace $0x90000046  }
0xb2: {  	s29 =	simm.s32 $0x9;
	_ =	strace $0x80000048  }
0xb3: {  	_ =	swait.ge [sflag:s29], $0x1  }
0xb4: {  	[sflag:s29] =	ssyncadd.s32 $0xFFFFFFFF  }
0xb5: {  	_ =	strace $0x90000048  }
0xb6: {  	_ =	sfence  }
0xb7: {  	s30 =	sld [smem:$0x0];
	_ =	sdelay $0x2  }
0xb8: {  	s31 =	sshll.u32 s1, $0xD;
	s1 =	sshrl.u32 s1, $0x2  }
0xb9: {  	s3 =	sand.u32 $0x4000, s31;
	s1 =	sadd.s32 s1, s30  }
0xba: {  	s0 =	sor.u32 s3, s0;
	s1 =	sshll.u32 s1, $0x11  }
0xbb: {  	s0 =	sor.u32 s1, s0  }
0xbc: {  	s0 =	sadd.s32 $0x8F2B, s0  }
0xbd: {  	[sflag:s0] =	ssyncadd.remote.s32 $0x1  }
0xbe: {  	_ =	sfence.sel $0xFFFF  }
0xbf: {  	[dreg:$0x0] =	wrdreg $0xFFFFFFFF;
	(pc) =	sbr.abs _section_cstart, $3  }
0xc0: {  	[dreg:$0x1] =	wrdreg $0xFFFFFFFF  }
0xc1: {  	_ =	task.clear_ibuf [dreg:s7], $0x2FFFF;
	_ =	strace $0x9FFFFFFF  }
0xc2: {  	(tm) =	ssettm $0x7FFFFFFF  }
0xc3: {  	_ =	shalt  }
tec
execute0_lowered:
.L_overlay_start_1:
0x0: {  	(tag) =	ssettag $0x1  }
0x1: {  	s0 =	stileid.u32;
	s2 =	rddreg [dreg:$0x0]  }
0x2: {  	s1 =	srdreg.scid;
	s9 =	rddreg [dreg:$0x1]  }
0x3: {  	s4 =	simm.s32 $0x1;
	s6 =	simm.s32 $0x2;
	s11 =	simm.s32 $0x1  }
0x4: {  	s31 =	simm.s32 $0x3;
	s1 =	sand.u32 $0x1, s1;
	s3 =	sshll.u32 s0, $0x1  }
0x5: {  	s13 =	simm.s32 $0x0;
	s12 =	simm.s32 $0x0;
	s7 =	sor.u32 s3, s1  }
0x6: {  	s1 =	rddreg [dreg:$0x2];
	_ =	strace $0x80000047;
	s3 =	smul.u32 $0x280, s7  }
0x7: {  	[sflag:s4] =	ssyncpa.u1 $0x0;
	p0 =	seq.s32 s7, $0x0;
	s7 =	simm.s32 $0x5000  }
0x8: {  	s7 =	simm.s32 @!p0 $0x0;
	s11 =	simm.s32 @!p0 $0x0;
	[sflag:s6] =	ssyncpa.u1 $0x0  }
.Ltmp0:
0x9: {  	s5 =	sshrl.u32 s3, $0x3;
	s10 =	ssub.s32 $0x5000, s3;
	(pc) =	sbr.rel .LBB2_1-.Ltmp0, $4  }
0xa: {  	[sflag:s31] =	ssyncpa.u1 $0x0;
	p0 =	sne.s32 s10, s7;
	s7 =	simm.s32 $0x1  }
0xb: {  	s8 =	sadd.s32 s5, s9;
	s5 =	sadd.s32 $0x7A00, s9;
	s7 =	simm.s32 @!p0 $0x0  }
0xc: {  	s9 =	sadd.s32 $0xCA00, s9;
	s8 =	sadd.s32 $0x6600, s8;
	s7 =	sadd.s32 s11, s7  }
0xd: {  	vm0 =	vmmov $0xffff;
	p0 =	por $0x0, $0x0;
	s11 =	simm.s32 $0x0;
	s10 =	sadd.s32 $0x1, s7  }
.LBB2_4:
0xe: {  	_ =	sdelay $0x3  }
0xf: {  	[tilespmem:s19], [sflag:$0x1] =	stream.indirect_vreg.gather [hbm4b:s2+s11], $0x1, v0, vm0, $0x4038;
	[tilespmem:$0x5500] =	vst v63  }
0x10: {  	_ =	swait.ge [sflag:s4], $0x2800  }
0x11: {  	[sflag:s4] =	ssyncset.done $0x0  }
0x12: {  	s16 =	sadd.s32 s5, s13;
	[sflag:s4] =	ssyncadd.s32 $0xFFFFD800  }
0x13: {  	[hbm:s16] =	stream.linear.scatter [tilespmem:s15], [sflag:$0x3], $0x1400, $0x38;
	[tilespmem:$0x5500] =	vst v63  }
0x14: {  	s14 =	sadd.s32 $0x1900, s14;
	s31 =	sadd.s32 s13, s9  }
0x15: {  	[hbm:s31] =	stream.linear.scatter [tilespmem:s14], [sflag:$0x3], $0x1400, $0x38;
	[tilespmem:$0x5500] =	vst v63  }
.LBB2_5:
0x16: {  	p2 =	sne.s32 s12, s10  }
.Ltmp1:
0x17: {  	p1 =	slt.u32 s12, $0x2;
	(pc) =	sbr.rel @!p2 .LBB2_6-.Ltmp1, $4  }
0x18: {  	s13 =	simm.s32 @!p1 $0x3  }
0x19: {  	_ =	swait.ge @!p1 [sflag:s13], $0x2800  }
0x1a: {  	s14 =	sadd.s32 $0x1, s12;
	p0 =	por !p0, !p0;
	[sflag:s13] =	ssyncset.done @!p1 $0x0  }
0x1b: {  	s12 =	smov.u32 s14;
	[sflag:s13] =	ssyncadd.s32 @!p1 $0xFFFFD800;
	s13 =	smov.u32 s3  }
.LBB2_1:
0x1c: {  	p1 =	sge.u32 s12, s7  }
0x1d: {  	s14 =	sxor.u32 @!p1 $0x1, s12  }
0x1e: {  	s14 =	smul.u32 @!p1 $0xA00, s14;
	_ =	sdelay $0x1  }
0x1f: {  	s31 =	sadd.s32 $0xFFFFFFFF, s12;
	s15 =	simm.s32 @!p1 $0x0;
	s14 =	sshra.s32 @!p1 s14, $0x2  }
0x20: {  	[tilespmem:s14], [sflag:$0x2] =	stream.linear.gather @!p1 [hbm4b:s8+s15], $0x280, $0x38;
	[tilespmem:$0x5500] =	vst v63  }
0x21: {  	p1 =	sge.u32 s31, s7  }
.Ltmp2:
0x22: {  	_ = 	snop;
	(pc) =	sbr.rel @p1 .LBB2_5-.Ltmp2, $1  }
0x23: {  	_ =	sdelay $0x3  }
0x24: {  	s14 =	simm.s32 $0x1  }
0x25: {  	s14 =	simm.s32 @!p0 $0x0  }
0x26: {  	_ =	swait.ge [sflag:s6], $0x280;
	s14 =	smul.u32 $0xA00, s14  }
0x27: {  	[sflag:s6] =	ssyncset.done $0x0  }
0x28: {  	[sflag:s6] =	ssyncadd.s32 $0xFFFFFD80;
	s17 =	sshrl.u32 s14, $0x2  }
0x29: {  	v0 =	vld.msk [tilespmem:s17+$0x0 ss:$0x1], $0xffff;
	_ =	sdelay $0x4  }
0x2a: {  	vm1 =	vgt.s32 v0, $0x0  }
0x2b: {  	v0 =	vnsel vm1, $0x0, v0  }
0x2c: {  	v0 =	vmin.u32 v0, $0x1869FF  }
0x2d: {  	s30 =	sand.u32 $0x1, s12;
	v1 =	vshll.u32 v0, $0x3  }
0x2e: {  	s14 =	smul.u32 $0xA000, s30;
	v0 =	vand.u32 $0x7F, v0;
	v1 =	vand.u32 $0xFFFC00, v1  }
0x2f: {  	v0 =	vor.u32 v0, v1  }
0x30: {  	s16 =	simm.s32 $0x0;
	s14 =	sshrl.u32 s14, $0x2  }
0x31: {  	s18 =	sand.u32 $0x1C00, s16;
	s15 =	sor.u32 $0x500, s14  }
0x32: {  	s19 =	sand.u32 $0x70, s16;
	(ifvalue) =	ssetifvalue $0x7FFFFFFF;
	s18 =	sadd.s32 s18, s15;
	v1 =	vor.u32 $0x80, v0  }
0x33: {  	(ifvalue) =	ssetifvalue $0x7FFFFFFF;
	s18 =	sadd.s32 s19, s18  }
0x34: {  	[tilespmem:s18], [sflag:$0x1] =	stream.indirect_vreg.gather [hbm4b:s2+s11], $0x1, v0, vm0, $0x4038;
	[tilespmem:$0x5500] =	vst v63  }
0x35: {  	v2 =	vor.u32 $0x100, v0;
	(ifvalue) =	ssetifvalue $0x7FFFFFFF  }
0x36: {  	s19 =	sadd.s32 $0x80, s18;
	(ifvalue) =	ssetifvalue $0x7FFFFFFF  }
0x37: {  	[tilespmem:s19], [sflag:$0x1] =	stream.indirect_vreg.gather [hbm4b:s2+s11], $0x1, v1, vm0, $0x4038;
	[tilespmem:$0x5500] =	vst v63  }
0x38: {  	v1 =	vor.u32 $0x180, v0;
	(ifvalue) =	ssetifvalue $0x7FFFFFFF  }
0x39: {  	s31 =	sadd.s32 $0x100, s18;
	(ifvalue) =	ssetifvalue $0x7FFFFFFF  }
0x3a: {  	[tilespmem:s31], [sflag:$0x1] =	stream.indirect_vreg.gather [hbm4b:s2+s11], $0x1, v2, vm0, $0x4038;
	[tilespmem:$0x5500] =	vst v63  }
0x3b: {  	v2 =	vor.u32 $0x200, v0;
	(ifvalue) =	ssetifvalue $0x7FFFFFFF  }
0x3c: {  	s20 =	sadd.s32 $0x180, s18;
	(ifvalue) =	ssetifvalue $0x7FFFFFFF  }
0x3d: {  	[tilespmem:s20], [sflag:$0x1] =	stream.indirect_vreg.gather [hbm4b:s2+s11], $0x1, v1, vm0, $0x4038;
	[tilespmem:$0x5500] =	vst v63  }
0x3e: {  	(ifvalue) =	ssetifvalue $0x7FFFFFFF;
	v1 =	vor.u32 $0x280, v0  }
0x3f: {  	s21 =	sadd.s32 $0x200, s18;
	(ifvalue) =	ssetifvalue $0x7FFFFFFF  }
0x40: {  	[tilespmem:s21], [sflag:$0x1] =	stream.indirect_vreg.gather [hbm4b:s2+s11], $0x1, v2, vm0, $0x4038;
	[tilespmem:$0x5500] =	vst v63  }
0x41: {  	(ifvalue) =	ssetifvalue $0x7FFFFFFF;
	v2 =	vor.u32 $0x300, v0  }
0x42: {  	s22 =	sadd.s32 $0x280, s18;
	(ifvalue) =	ssetifvalue $0x7FFFFFFF  }
0x43: {  	[tilespmem:s22], [sflag:$0x1] =	stream.indirect_vreg.gather [hbm4b:s2+s11], $0x1, v1, vm0, $0x4038;
	[tilespmem:$0x5500] =	vst v63  }
0x44: {  	(ifvalue) =	ssetifvalue $0x7FFFFFFF;
	v1 =	vor.u32 $0x380, v0  }
0x45: {  	s16 =	sor.u32 s16, s16;
	s23 =	sadd.s32 $0x300, s18;
	(ifvalue) =	ssetifvalue $0x7FFFFFFF  }
0x46: {  	[tilespmem:s23], [sflag:$0x1] =	stream.indirect_vreg.gather [hbm4b:s2+s11], $0x1, v2, vm0, $0x4038;
	[tilespmem:$0x5500] =	vst v63  }
0x47: {  	s16 =	sor.u32 $0x380, s16;
	(ifvalue) =	ssetifvalue $0x7FFFFFFF;
	v2 =	vadd.s32 $0xC35000, v0  }
0x48: {  	s16 =	sadd.s32 s16, s15;
	(ifvalue) =	ssetifvalue $0x7FFFFFFF  }
0x49: {  	[tilespmem:s16], [sflag:$0x1] =	stream.indirect_vreg.gather [hbm4b:s2+s11], $0x1, v1, vm0, $0x4038;
	[tilespmem:$0x5500] =	vst v63  }
0x4a: {  	(ifvalue) =	ssetifvalue $0x7FFFFFFF;
	v1 =	vadd.s32 $0xC35080, v0  }
0x4b: {  	s24 =	sadd.s32 $0x1400, s18;
	(ifvalue) =	ssetifvalue $0x7FFFFFFF  }
0x4c: {  	[tilespmem:s24], [sflag:$0x1] =	stream.indirect_vreg.gather [hbm4b:s2+s11], $0x1, v2, vm0, $0x4038;
	[tilespmem:$0x5500] =	vst v63  }
0x4d: {  	(ifvalue) =	ssetifvalue $0x7FFFFFFF;
	v2 =	vadd.s32 $0xC35100, v0  }
0x4e: {  	s25 =	sadd.s32 $0x1480, s18;
	(ifvalue) =	ssetifvalue $0x7FFFFFFF  }
0x4f: {  	[tilespmem:s25], [sflag:$0x1] =	stream.indirect_vreg.gather [hbm4b:s2+s11], $0x1, v1, vm0, $0x4038;
	[tilespmem:$0x5500] =	vst v63  }
0x50: {  	(ifvalue) =	ssetifvalue $0x7FFFFFFF;
	v1 =	vadd.s32 $0xC35180, v0  }
0x51: {  	s26 =	sadd.s32 $0x1500, s18;
	(ifvalue) =	ssetifvalue $0x7FFFFFFF  }
0x52: {  	[tilespmem:s26], [sflag:$0x1] =	stream.indirect_vreg.gather [hbm4b:s2+s11], $0x1, v2, vm0, $0x4038;
	[tilespmem:$0x5500] =	vst v63  }
0x53: {  	(ifvalue) =	ssetifvalue $0x7FFFFFFF;
	v2 =	vadd.s32 $0xC35200, v0  }
0x54: {  	s28 =	sadd.s32 $0x1580, s18;
	(ifvalue) =	ssetifvalue $0x7FFFFFFF  }
0x55: {  	[tilespmem:s28], [sflag:$0x1] =	stream.indirect_vreg.gather [hbm4b:s2+s11], $0x1, v1, vm0, $0x4038;
	[tilespmem:$0x5500] =	vst v63  }
0x56: {  	(ifvalue) =	ssetifvalue $0x7FFFFFFF;
	v1 =	vadd.s32 $0xC35280, v0  }
0x57: {  	s29 =	sadd.s32 $0x1600, s18;
	(ifvalue) =	ssetifvalue $0x7FFFFFFF  }
0x58: {  	[tilespmem:s29], [sflag:$0x1] =	stream.indirect_vreg.gather [hbm4b:s2+s11], $0x1, v2, vm0, $0x4038;
	[tilespmem:$0x5500] =	vst v63  }
0x59: {  	(ifvalue) =	ssetifvalue $0x7FFFFFFF;
	v2 =	vadd.s32 $0xC35300, v0  }
0x5a: {  	s30 =	sadd.s32 $0x1680, s18;
	(ifvalue) =	ssetifvalue $0x7FFFFFFF  }
0x5b: {  	[tilespmem:s30], [sflag:$0x1] =	stream.indirect_vreg.gather [hbm4b:s2+s11], $0x1, v1, vm0, $0x4038;
	[tilespmem:$0x5500] =	vst v63  }
0x5c: {  	v0 =	vadd.s32 $0xC35380, v0;
	(ifvalue) =	ssetifvalue $0x7FFFFFFF  }
0x5d: {  	s31 =	sadd.s32 $0x1700, s18;
	(ifvalue) =	ssetifvalue $0x7FFFFFFF  }
0x5e: {  	[tilespmem:s31], [sflag:$0x1] =	stream.indirect_vreg.gather [hbm4b:s2+s11], $0x1, v2, vm0, $0x4038;
	[tilespmem:$0x5500] =	vst v63  }
0x5f: {  	s17 =	sadd.s32 $0x10, s17;
	s19 =	sadd.s32 $0x1780, s18;
	(ifvalue) =	ssetifvalue $0x7FFFFFFF  }
0x60: {  	s18 =	simm.s32 $0x80;
	s16 =	simm.s32 $0x10;
	(ifvalue) =	ssetifvalue $0x7FFFFFFF  }
.LBB2_3:
0x61: {  	[tilespmem:s19], [sflag:$0x1] =	stream.indirect_vreg.gather [hbm4b:s2+s11], $0x1, v0, vm0, $0x4038;
	[tilespmem:$0x5500] =	vst v63  }
0x62: {  	p1 =	sne.s32 s16, $0x270;
	s20 =	smov.u32 s16;
	s16 =	sadd.s32 $0x10, s16;
	v0 =	vld.msk [tilespmem:s17+$0x0 ss:$0x1], $0xffff  }
0x63: {  	(ifvalue) =	ssetifvalue $0x7FFFFFFF;
	_ =	sdelay $0x4  }
0x64: {  	vm1 =	vgt.s32 v0, $0x0  }
0x65: {  	v0 =	vnsel vm1, $0x0, v0  }
0x66: {  	v0 =	vmin.u32 v0, $0x1869FF  }
0x67: {  	v1 =	vshll.u32 v0, $0x3  }
0x68: {  	v0 =	vand.u32 $0x7F, v0;
	v1 =	vand.u32 $0xFFFC00, v1  }
0x69: {  	v0 =	vor.u32 v0, v1;
	_ =	sdelay $0x1  }
0x6a: {  	s19 =	sand.u32 $0x1C00, s18  }
0x6b: {  	s21 =	sand.u32 $0x70, s20;
	s19 =	sadd.s32 s19, s15;
	v1 =	vor.u32 $0x80, v0  }
0x6c: {  	s19 =	sadd.s32 s21, s19;
	(ifvalue) =	ssetifvalue $0x7FFFFFFF  }
0x6d: {  	[tilespmem:s19], [sflag:$0x1] =	stream.indirect_vreg.gather [hbm4b:s2+s11], $0x1, v0, vm0, $0x4038;
	[tilespmem:$0x5500] =	vst v63  }
0x6e: {  	v2 =	vor.u32 $0x100, v0;
	(ifvalue) =	ssetifvalue $0x7FFFFFFF  }
0x6f: {  	s21 =	sadd.s32 $0x80, s19;
	(ifvalue) =	ssetifvalue $0x7FFFFFFF  }
0x70: {  	[tilespmem:s21], [sflag:$0x1] =	stream.indirect_vreg.gather [hbm4b:s2+s11], $0x1, v1, vm0, $0x4038;
	[tilespmem:$0x5500] =	vst v63  }
0x71: {  	v1 =	vor.u32 $0x180, v0;
	(ifvalue) =	ssetifvalue $0x7FFFFFFF  }
0x72: {  	s21 =	sadd.s32 $0x100, s19;
	(ifvalue) =	ssetifvalue $0x7FFFFFFF  }
0x73: {  	[tilespmem:s21], [sflag:$0x1] =	stream.indirect_vreg.gather [hbm4b:s2+s11], $0x1, v2, vm0, $0x4038;
	[tilespmem:$0x5500] =	vst v63  }
0x74: {  	v2 =	vor.u32 $0x200, v0;
	(ifvalue) =	ssetifvalue $0x7FFFFFFF  }
0x75: {  	s21 =	sadd.s32 $0x180, s19;
	(ifvalue) =	ssetifvalue $0x7FFFFFFF  }
0x76: {  	[tilespmem:s21], [sflag:$0x1] =	stream.indirect_vreg.gather [hbm4b:s2+s11], $0x1, v1, vm0, $0x4038;
	[tilespmem:$0x5500] =	vst v63  }
0x77: {  	v1 =	vor.u32 $0x280, v0;
	(ifvalue) =	ssetifvalue $0x7FFFFFFF  }
0x78: {  	s21 =	sadd.s32 $0x200, s19;
	(ifvalue) =	ssetifvalue $0x7FFFFFFF  }
0x79: {  	[tilespmem:s21], [sflag:$0x1] =	stream.indirect_vreg.gather [hbm4b:s2+s11], $0x1, v2, vm0, $0x4038;
	[tilespmem:$0x5500] =	vst v63  }
0x7a: {  	v2 =	vor.u32 $0x300, v0;
	(ifvalue) =	ssetifvalue $0x7FFFFFFF  }
0x7b: {  	s21 =	sadd.s32 $0x280, s19;
	(ifvalue) =	ssetifvalue $0x7FFFFFFF  }
0x7c: {  	[tilespmem:s21], [sflag:$0x1] =	stream.indirect_vreg.gather [hbm4b:s2+s11], $0x1, v1, vm0, $0x4038;
	[tilespmem:$0x5500] =	vst v63  }
0x7d: {  	v1 =	vor.u32 $0x380, v0;
	(ifvalue) =	ssetifvalue $0x7FFFFFFF  }
0x7e: {  	s20 =	sor.u32 s18, s20;
	s21 =	sadd.s32 $0x300, s19;
	(ifvalue) =	ssetifvalue $0x7FFFFFFF  }
0x7f: {  	[tilespmem:s21], [sflag:$0x1] =	stream.indirect_vreg.gather [hbm4b:s2+s11], $0x1, v2, vm0, $0x4038;
	[tilespmem:$0x5500] =	vst v63  }
0x80: {  	s20 =	sor.u32 $0x380, s20;
	v2 =	vadd.s32 $0xC35000, v0;
	(ifvalue) =	ssetifvalue $0x7FFFFFFF  }
0x81: {  	s20 =	sadd.s32 s20, s15;
	(ifvalue) =	ssetifvalue $0x7FFFFFFF  }
0x82: {  	[tilespmem:s20], [sflag:$0x1] =	stream.indirect_vreg.gather [hbm4b:s2+s11], $0x1, v1, vm0, $0x4038;
	[tilespmem:$0x5500] =	vst v63  }
0x83: {  	v1 =	vadd.s32 $0xC35080, v0;
	(ifvalue) =	ssetifvalue $0x7FFFFFFF  }
0x84: {  	s20 =	sadd.s32 $0x1400, s19;
	(ifvalue) =	ssetifvalue $0x7FFFFFFF  }
0x85: {  	[tilespmem:s20], [sflag:$0x1] =	stream.indirect_vreg.gather [hbm4b:s2+s11], $0x1, v2, vm0, $0x4038;
	[tilespmem:$0x5500] =	vst v63  }
0x86: {  	v2 =	vadd.s32 $0xC35100, v0;
	(ifvalue) =	ssetifvalue $0x7FFFFFFF  }
0x87: {  	s20 =	sadd.s32 $0x1480, s19;
	(ifvalue) =	ssetifvalue $0x7FFFFFFF  }
0x88: {  	[tilespmem:s20], [sflag:$0x1] =	stream.indirect_vreg.gather [hbm4b:s2+s11], $0x1, v1, vm0, $0x4038;
	[tilespmem:$0x5500] =	vst v63  }
0x89: {  	v1 =	vadd.s32 $0xC35180, v0;
	(ifvalue) =	ssetifvalue $0x7FFFFFFF  }
0x8a: {  	s20 =	sadd.s32 $0x1500, s19;
	(ifvalue) =	ssetifvalue $0x7FFFFFFF  }
0x8b: {  	[tilespmem:s20], [sflag:$0x1] =	stream.indirect_vreg.gather [hbm4b:s2+s11], $0x1, v2, vm0, $0x4038;
	[tilespmem:$0x5500] =	vst v63  }
0x8c: {  	v2 =	vadd.s32 $0xC35200, v0;
	(ifvalue) =	ssetifvalue $0x7FFFFFFF  }
0x8d: {  	s20 =	sadd.s32 $0x1580, s19;
	(ifvalue) =	ssetifvalue $0x7FFFFFFF  }
0x8e: {  	[tilespmem:s20], [sflag:$0x1] =	stream.indirect_vreg.gather [hbm4b:s2+s11], $0x1, v1, vm0, $0x4038;
	[tilespmem:$0x5500] =	vst v63  }
0x8f: {  	v1 =	vadd.s32 $0xC35280, v0;
	(ifvalue) =	ssetifvalue $0x7FFFFFFF  }
0x90: {  	s20 =	sadd.s32 $0x1600, s19;
	(ifvalue) =	ssetifvalue $0x7FFFFFFF  }
0x91: {  	[tilespmem:s20], [sflag:$0x1] =	stream.indirect_vreg.gather [hbm4b:s2+s11], $0x1, v2, vm0, $0x4038;
	[tilespmem:$0x5500] =	vst v63  }
0x92: {  	v2 =	vadd.s32 $0xC35300, v0;
	(ifvalue) =	ssetifvalue $0x7FFFFFFF  }
0x93: {  	s20 =	sadd.s32 $0x1680, s19;
	(ifvalue) =	ssetifvalue $0x7FFFFFFF  }
0x94: {  	[tilespmem:s20], [sflag:$0x1] =	stream.indirect_vreg.gather [hbm4b:s2+s11], $0x1, v1, vm0, $0x4038;
	[tilespmem:$0x5500] =	vst v63  }
.Ltmp3:
0x95: {  	v0 =	vadd.s32 $0xC35380, v0;
	(ifvalue) =	ssetifvalue $0x7FFFFFFF;
	(pc) =	sbr.rel @p1 .LBB2_3-.Ltmp3, $4  }
0x96: {  	s20 =	sadd.s32 $0x1700, s19;
	(ifvalue) =	ssetifvalue $0x7FFFFFFF  }
0x97: {  	[tilespmem:s20], [sflag:$0x1] =	stream.indirect_vreg.gather [hbm4b:s2+s11], $0x1, v2, vm0, $0x4038;
	[tilespmem:$0x5500] =	vst v63  }
0x98: {  	s17 =	sadd.s32 $0x10, s17;
	(ifvalue) =	ssetifvalue $0x7FFFFFFF  }
0x99: {  	s18 =	sadd.s32 $0x80, s18;
	s19 =	sadd.s32 $0x1780, s19;
	(ifvalue) =	ssetifvalue $0x7FFFFFFF  }
.Ltmp4:
0x9a: {  	_ = 	snop;
	(pc) =	sbr.rel .LBB2_4-.Ltmp4, $1  }
0x9b: {  	_ =	sdelay $0x3  }
.LBB2_6:
0x9c: {  	_ =	sfence.sel $0x180000  }
0x9d: {  	s2 =	simm.s32 $0x2;
	[bflag:$0x0] =	sbarrier.arrive $0xFFFF  }
0x9e: {  	s30 =	simm.s32 $0x3;
	[sflag:s2] =	ssyncpa.u1 $0x1  }
0x9f: {  	s31 =	simm.s32 $0x1;
	[sflag:s30] =	ssyncpa.u1 $0x1  }
0xa0: {  	[sflag:s31] =	ssyncpa.u1 $0x1  }
0xa1: {  	p0 =	sne.s32 s0, $0x0;
	_ =	strace $0x90000047  }
0xa2: {  	s0 =	sadd.s32 @!p0 $0x100000, s1;
	[bflag:$0x2] =	sbarrier.arrive $0xFFFF  }
0xa3: {  	[sflag:s0] =	ssyncadd.tile.s32 @!p0 $0x1;
	_ =	shalt  }
.Lfunc_end2:
_tile_overlayer_lowered:
.L_overlay_start_2:
0xa4: {  	(tag) =	ssettag $0x2  }
0xa5: {  	s0 =	rddreg [dreg:$0x0];
	s2 =	stileid.u32  }
0xa6: {  	s1 =	rddreg [dreg:$0x1];
	p0 =	sne.s32 s2, $0x0  }
0xa7: {  	s3 =	rddreg [dreg:$0x2];
	[bflag:$0x3] =	sbarrier.arrive $0xFFFF;
	s2 =	simm.s32 @!p0 $0x1C01  }
0xa8: {  	[timem:s3], [sflag:s2] =	dma.local @!p0 [hbm:s0], s1  }
0xa9: {  	s0 =	simm.s32 @!p0 $0x1  }
0xaa: {  	_ =	swait.ge @!p0 [sflag:s0], s1  }
0xab: {  	s1 =	ssub.s32 @!p0 $0x0, s1;
	[sflag:s0] =	ssyncset.done @!p0 $0x0  }
0xac: {  	[sflag:s0] =	ssyncadd.s32 @!p0 s1  }
0xad: {  	[bflag:$0x3] =	sbarrier.arrive $0xFFFF  }
0xae: {  	_ =	shalt  }

// kernel: kernel.6.cloned.1.call-start
scs
__scs_entry_jumppad:
0x0: {  	(pc) =	sbr.rel $0x88, $3  }
0x1: {  	(tag) =	ssettag $0x0;
	lr =	simm.s32 $0x1  }
0x2: {  	[smem:$0x3F93] =	sst lr;
	_ =	strace $0xD0000000  }
0x3: {  	_ = 	snop  }
0x4: {  	_ = 	snop  }
0x5: {  	_ = 	snop  }
0x6: {  	_ = 	snop  }
0x7: {  	_ = 	snop  }
__scs_overlays_trampoline_lowered:
0x8: {  	[smem:$0x3FA2] =	sst s0  }
0x9: {  	[smem:$0x3FA3] =	sst s1  }
0xa: {  	[smem:$0x3FA4] =	sst s2  }
0xb: {  	[smem:$0x3FA5] =	sst s3  }
0xc: {  	[smem:$0x3FA6] =	sst s4  }
0xd: {  	[smem:$0x3FA7] =	sst s5  }
0xe: {  	[smem:$0x3FA8] =	sst s6  }
0xf: {  	[smem:$0x3FA9] =	sst s7  }
0x10: {  	[smem:$0x3FAA] =	sst s8  }
0x11: {  	[smem:$0x3FAB] =	sst s9;
	s0 =	simm.s32 @!p0 $0x0  }
0x12: {  	s1 =	sld [smem:$0x3F91];
	s0 =	simm.s32 @p0 $0x1  }
0x13: {  	[smem:$0x3FAC] =	sst s0;
	s0 =	simm.s32 @!p1 $0x0  }
0x14: {  	s2 =	sld [smem:$0x3F90];
	s0 =	simm.s32 @p1 $0x1  }
0x15: {  	[smem:$0x3FAD] =	sst s0;
	s0 =	simm.s32 @!p2 $0x0  }
0x16: {  	s3 =	sld [smem:$0x3FDB];
	s0 =	simm.s32 @p2 $0x1  }
0x17: {  	s4 =	simm.s32 $0x1BF5;
	[smem:$0x3FAF] =	sst s0  }
0x18: {  	s0 =	sld [smem:$0x3F92];
	_ =	swait.ge [sflag:s4], $0x0  }
0x19: {  	s7 =	sld [smem:$0x3F93]  }
0x1a: {  	s8 =	sadd.s32 $0xFFFFE003, lr  }
0x1b: {  	s9 =	sadd.s32 $0xFFFFFEF7, lr;
	s5 =	simm.s32 $0xFFFFFFFF;
	p2 =	slt.u32 s8, $0xFFFFF086  }
0x1c: {  	p1 =	slt.u32 s9, $0xF7A;
	s5 =	simm.s32 @!p2 $0x0  }
0x1d: {  	s5 =	simm.s32 @p1 $0x1;
	p0 =	seq.s32 s7, s2  }
0x1e: {  	s7 =	smul.u32 @!p0 $0xF7A, s2;
	p2 =	seq.s32 @!p0 s5, $0x0  }
0x1f: {  	s9 =	smul.u32 $0xF7A, s1;
	s8 =	simm.s32 @!p0 $0x1BF5;
	p2 =	por !p2, p0  }
0x20: {  	[sflag:s8] =	ssyncset.s32 @!p0 $0xFFFFF086;
	s6 =	sadd.s32 @!p0 s3, s7;
	s7 =	simm.s32 @!p0 $0x108  }
0x21: {  	s3 =	sadd.s32 s3, s9;
	s6 =	sadd.s32 @!p0 $0x88, s6;
	s7 =	simm.s32 @p2 $0x1082  }
0x22: {  	[simem:s7], [sflag:s8] =	dma.local @!p0 [hbm:s6], $0xF7A  }
0x23: {  	s9 =	sor.u32 $0xD0000000, s2;
	s6 =	simm.s32 $0x108;
	_ =	swait.ge @!p0 [sflag:s8], $0x0  }
0x24: {  	s3 =	sadd.s32 $0x88, s3;
	s6 =	simm.s32 @!p1 $0x1082;
	[sflag:s4] =	ssyncset.s32 $0xFFFFF086  }
0x25: {  	[simem:s6], [sflag:s4] =	dma.local [hbm:s3], $0xF7A  }
0x26: {  	[smem:$0x3F93] =	sst s1;
	(tag) =	ssettag s2;
	_ =	strace s9  }
0x27: {  	s1 =	sld [smem:$0x3FA3]  }
0x28: {  	s2 =	sld [smem:$0x3FA4]  }
0x29: {  	s4 =	sld [smem:$0x3FA6]  }
0x2a: {  	p0 =	seq.s32 s5, $0x0;
	s5 =	sld [smem:$0x3FA7]  }
0x2b: {  	s6 =	sld [smem:$0x3FA8]  }
0x2c: {  	s7 =	sld [smem:$0x3FA9]  }
0x2d: {  	s3 =	simm.s32 $0x108;
	s8 =	sld [smem:$0x3FAA]  }
0x2e: {  	s3 =	simm.s32 @!p0 $0x1082;
	s9 =	sld [smem:$0x3FAB]  }
0x2f: {  	lr =	sadd.s32 s0, s3;
	s0 =	sld [smem:$0x3FA2]  }
0x30: {  	s3 =	sld [smem:$0x3FA5]  }
0x31: {  	[smem:$0x3FAE] =	sst s10  }
0x32: {  	s10 =	sld [smem:$0x3FAC];
	_ =	sdelay $0x3  }
0x33: {  	p0 =	seq.s32 s10, $0x1;
	s10 =	sld [smem:$0x3FAE];
	_ =	sdelay $0x3  }
0x34: {  	[smem:$0x3FAE] =	sst s10  }
0x35: {  	s10 =	sld [smem:$0x3FAD];
	_ =	sdelay $0x3  }
0x36: {  	p1 =	seq.s32 s10, $0x1;
	s10 =	sld [smem:$0x3FAE];
	_ =	sdelay $0x3  }
0x37: {  	[smem:$0x3FAE] =	sst s10  }
0x38: {  	s10 =	sld [smem:$0x3FAF]  }
0x39: {  	_ = 	snop;
	(pc) =	sbr.ind lr, $3  }
0x3a: {  	_ = 	snop  }
0x3b: {  	_ = 	snop  }
0x3c: {  	p2 =	seq.s32 s10, $0x1;
	s10 =	sld [smem:$0x3FAE]  }
0x3d: {  	_ =	shalt  }
0x3e: {  	_ =	shalt  }
0x3f: {  	_ =	shalt  }
0x40: {  	_ =	shalt  }
0x41: {  	_ =	shalt  }
0x42: {  	_ =	shalt  }
0x43: {  	_ =	shalt  }
0x44: {  	_ =	shalt  }
0x45: {  	_ =	shalt  }
0x46: {  	_ =	shalt  }
0x47: {  	_ =	shalt  }
0x48: {  	_ =	shalt  }
0x49: {  	_ =	shalt  }
0x4a: {  	_ =	shalt  }
0x4b: {  	_ =	shalt  }
0x4c: {  	_ =	shalt  }
0x4d: {  	_ =	shalt  }
0x4e: {  	_ =	shalt  }
0x4f: {  	_ =	shalt  }
0x50: {  	_ =	shalt  }
0x51: {  	_ =	shalt  }
0x52: {  	_ =	shalt  }
0x53: {  	_ =	shalt  }
0x54: {  	_ =	shalt  }
0x55: {  	_ =	shalt  }
0x56: {  	_ =	shalt  }
0x57: {  	_ =	shalt  }
0x58: {  	_ =	shalt  }
0x59: {  	_ =	shalt  }
0x5a: {  	_ =	shalt  }
0x5b: {  	_ =	shalt  }
0x5c: {  	_ =	shalt  }
0x5d: {  	_ =	shalt  }
0x5e: {  	_ =	shalt  }
0x5f: {  	_ =	shalt  }
0x60: {  	_ =	shalt  }
0x61: {  	_ =	shalt  }
0x62: {  	_ =	shalt  }
0x63: {  	_ =	shalt  }
0x64: {  	_ =	shalt  }
0x65: {  	_ =	shalt  }
0x66: {  	_ =	shalt  }
0x67: {  	_ =	shalt  }
0x68: {  	_ =	shalt  }
0x69: {  	_ =	shalt  }
0x6a: {  	_ =	shalt  }
0x6b: {  	_ =	shalt  }
0x6c: {  	_ =	shalt  }
0x6d: {  	_ =	shalt  }
0x6e: {  	_ =	shalt  }
0x6f: {  	_ =	shalt  }
0x70: {  	_ =	shalt  }
0x71: {  	_ =	shalt  }
0x72: {  	_ =	shalt  }
0x73: {  	_ =	shalt  }
0x74: {  	_ =	shalt  }
0x75: {  	_ =	shalt  }
0x76: {  	_ =	shalt  }
0x77: {  	_ =	shalt  }
0x78: {  	_ =	shalt  }
0x79: {  	_ =	shalt  }
0x7a: {  	_ =	shalt  }
0x7b: {  	_ =	shalt  }
0x7c: {  	_ =	shalt  }
0x7d: {  	_ =	shalt  }
0x7e: {  	_ =	shalt  }
0x7f: {  	_ =	shalt  }
0x80: {  	_ =	shalt  }
0x81: {  	_ =	shalt  }
0x82: {  	_ =	shalt  }
0x83: {  	_ =	shalt  }
0x84: {  	_ =	shalt  }
0x85: {  	_ =	shalt  }
0x86: {  	_ =	shalt  }
0x87: {  	_ =	shalt  }
.Lfunc_end0:
.L_simem_size_0:
called_computation.2_lowered:
.L_overlay_start_0:
0x88: {  	s2 =	sld [smem:$0x3FD9]  }
0x89: {  	s3 =	sld [smem:$0x3FFE];
	_ =	sdelay $0x1  }
0x8a: {  	s1 =	srdreg.scid  }
0x8b: {  	s0 =	sand.u32 $0x1, s1  }
0x8c: {  	s17 =	sshll.u32 s0, $0xA;
	s2 =	sadd.s32 s3, s2  }
0x8d: {  	s2 =	sadd.s32 s2, s17  }
0x8e: {  	[smem:$0x3FBA] =	sst s2  }
0x8f: {  	_ = 	snop  }
0x90: {  	s4 =	sld [smem:$0x3FC9]  }
0x91: {  	s5 =	sld [smem:$0x3FC3]  }
0x92: {  	s18 =	sld [smem:$0x3FD0];
	(tm) =	ssettm $0x1  }
0x93: {  	s19 =	sld [smem:$0x3FFB];
	_ =	sdelay $0x3  }
0x94: {  	_ =	strace s19  }
0x95: {  	s2 =	sld [smem:$0x3FFC];
	_ =	sdelay $0x3  }
0x96: {  	_ =	strace s2  }
0x97: {  	s2 =	sld [smem:$0x3FFD];
	_ =	sdelay $0x3  }
0x98: {  	_ =	strace s2  }
0x99: {  	_ =	strace $0x8FFFFFFF  }
0x9a: {  	s20 =	sld [smem:$0x3FDB];
	_ =	sdelay $0x1  }
0x9b: {  	s6 =	simm.s32 $_scs_section_size  }
0x9c: {  	s7 =	simm.s32 $_size__tile_overlayer_lowered;
	s8 =	simm.s32 $_tile_overlayer_lowered  }
0x9d: {  	s9 =	simm.s32 $0x1BFF;
	s21 =	sshll.u32 s8, $0x1;
	s6 =	sadd.s32 s6, s20  }
0x9e: {  	s22 =	simm.s32 $0x0;
	s7 =	sshll.u32 s7, $0x1;
	s8 =	sadd.s32 s21, s6  }
0x9f: {  	[timem:s22], [sflag:s9] =	dma.local [hbm:s8], s7  }
0xa0: {  	_ =	swait.ge [sflag:s9], s7  }
0xa1: {  	s7 =	ssub.s32 $0x0, s7;
	[sflag:s9] =	ssyncset.done $0x0  }
0xa2: {  	[sflag:s9] =	ssyncadd.s32 s7;
	_ =	sdelay $0x1  }
0xa3: {  	s23 =	simm.s32 $0x1B8B  }
0xa4: {  	_ =	swait.ge [sflag:s23], $0x1  }
0xa5: {  	[sflag:s23] =	ssyncset.done $0x0  }
0xa6: {  	[sflag:s23] =	ssyncadd.s32 $0xFFFFFFFF  }
0xa7: {  	s7 =	sld [smem:$0x0]  }
0xa8: {  	s8 =	sand.u32 $0xFFFFFFFE, s1  }
0xa9: {  	p0 =	sne.s32 s1, s8  }
0xaa: {  	s8 =	sshll.u32 @p0 s8, $0xE  }
0xab: {  	s8 =	sadd.s32 @p0 $0x11B8D, s8;
	s9 =	sshll.u32 @p0 s7, $0x11  }
0xac: {  	s8 =	sor.u32 @p0 s9, s8  }
0xad: {  	[sflag:s8] =	ssyncadd.remote.s32 @p0 $0x1;
	_ =	sdelay $0x1  }
0xae: {  	s8 =	simm.s32 @p0 $0x1B8D  }
0xaf: {  	_ =	swait.eq @p0 [sflag:s8], $0x1  }
0xb0: {  	[sflag:s8] =	ssyncadd.s32 @p0 $0xFFFFFFFF  }
0xb1: {  	s9 =	sshll.u32 @!p0 s1, $0xE  }
0xb2: {  	s9 =	sor.u32 @!p0 $0x4000, s9;
	s8 =	simm.s32 @!p0 $0x1B8D  }
0xb3: {  	s7 =	sshll.u32 @!p0 s7, $0x11;
	s9 =	sadd.s32 @!p0 $0x11B8D, s9;
	_ =	swait.eq @!p0 [sflag:s8], $0x1  }
0xb4: {  	s7 =	sor.u32 @!p0 s7, s9;
	[sflag:s8] =	ssyncadd.s32 @!p0 $0xFFFFFFFF  }
0xb5: {  	s25 =	simm.s32 $0x1B8E;
	s24 =	sld [smem:$0x3FFE];
	[sflag:s7] =	ssyncadd.remote.s32 @!p0 $0x1  }
0xb6: {  	s26 =	simm.s32 $execute0_lowered;
	[smem:$0x3FD2] =	sst s25  }
0xb7: {  	s8 =	sshll.u32 s26, $0x1;
	_ =	strace $0x8000004F;
	[dreg:$0x1] =	wrdreg $0xFFFFFFFF  }
0xb8: {  	s28 =	simm.s32 $_size_execute0_lowered;
	s6 =	sadd.s32 s6, s8;
	[dreg:$0x0] =	wrdreg $0x0  }
0xb9: {  	s8 =	sshll.u32 s28, $0x1;
	[dreg:$0x2] =	wrdreg s6  }
0xba: {  	[dreg:$0x3] =	wrdreg s8  }
0xbb: {  	[dreg:$0x4] =	wrdreg $0xC0  }
0xbc: {  	_ =	task [dreg:s22], $0x5FFFF  }
0xbd: {  	[dreg:$0x1] =	wrdreg $0xFFFFFFFF  }
0xbe: {  	[dreg:$0x0] =	wrdreg $0x60  }
0xbf: {  	[dreg:$0x2] =	wrdreg s4  }
0xc0: {  	[dreg:$0x3] =	wrdreg s5  }
0xc1: {  	[dreg:$0x4] =	wrdreg s24  }
0xc2: {  	[dreg:$0x5] =	wrdreg s18  }
0xc3: {  	[dreg:$0x6] =	wrdreg $0xB  }
0xc4: {  	_ =	task.clear_ibuf [dreg:s22], $0x7FFFF;
	_ =	strace $0x9000004F  }
0xc5: {  	s29 =	simm.s32 $0xB;
	_ =	strace $0x80000051  }
0xc6: {  	_ =	swait.ge [sflag:s29], $0x1  }
0xc7: {  	[sflag:s29] =	ssyncadd.s32 $0xFFFFFFFF  }
0xc8: {  	_ =	strace $0x90000051  }
0xc9: {  	_ =	sfence  }
0xca: {  	s30 =	sld [smem:$0x0];
	_ =	sdelay $0x2  }
0xcb: {  	s31 =	sshll.u32 s1, $0xD;
	s1 =	sshrl.u32 s1, $0x2  }
0xcc: {  	s4 =	sand.u32 $0x4000, s31;
	s1 =	sadd.s32 s1, s30  }
0xcd: {  	s0 =	sor.u32 s4, s0;
	s1 =	sshll.u32 s1, $0x11  }
0xce: {  	s0 =	sor.u32 s1, s0  }
0xcf: {  	s0 =	sadd.s32 $0x8F2B, s0  }
0xd0: {  	[sflag:s0] =	ssyncadd.remote.s32 $0x1  }
0xd1: {  	_ =	sfence.sel $0xFFFF  }
0xd2: {  	[dreg:$0x0] =	wrdreg $0xFFFFFFFF;
	(pc) =	sbr.abs _section_cstart, $3  }
0xd3: {  	[dreg:$0x1] =	wrdreg $0xFFFFFFFF  }
0xd4: {  	_ =	task.clear_ibuf [dreg:s22], $0x2FFFF;
	_ =	strace $0x9FFFFFFF  }
0xd5: {  	(tm) =	ssettm $0x7FFFFFFF  }
tec
execute0_lowered:
.L_overlay_start_1:
0x0: {  	(tag) =	ssettag $0x1  }
0x1: {  	s2 =	srdreg.scid;
	s0 =	stileid.u32  }
0x2: {  	s1 =	rddreg [dreg:$0x0];
	s2 =	sand.u32 $0x1, s2;
	s4 =	sshll.u32 s0, $0x1  }
0x3: {  	s3 =	rddreg [dreg:$0x1];
	s23 =	sor.u32 s2, s4  }
0x4: {  	s21 =	rddreg [dreg:$0x2];
	s5 =	sshll.u32 s23, $0x7  }
0x5: {  	s11 =	rddreg [dreg:$0x3];
	s4 =	simm.s32 $0x0;
	s5 =	sadd.s32 s5, s21  }
0x6: {  	[smem:$0x7FF] =	sst s4;
	s5 =	sadd.s32 $0x73000, s5  }
0x7: {  	_ =	strace $0x80000050;
	[dreg:$0x5] =	wrdreg s5  }
0x8: {  	s6 =	simm.s32 $0x8;
	s5 =	simm.s32 $0x80;
	s7 =	rddreg [dreg:$0x5]  }
0x9: {  	[tilespmem:s5], [sflag:$0x8] =	stream.linear.gather [hbm4b:s7+s4], $0x280, $0x38;
	[tilespmem:$0x11480] =	vst v63  }
0xa: {  	s26 =	sshll.u32 s23, $0x2;
	_ =	swait.ge [sflag:s6], $0x280  }
0xb: {  	s7 =	sadd.s32 s26, s21;
	[sflag:s6] =	ssyncset.done $0x0  }
0xc: {  	s7 =	sadd.s32 $0x1EE00, s7;
	[sflag:s6] =	ssyncadd.s32 $0xFFFFFD80  }
0xd: {  	[tilespmem:s4], [sflag:$0x8] =	stream.linear.gather [hbm4b:s7+s4], $0x20, $0x38;
	[tilespmem:$0x11480] =	vst v63  }
0xe: {  	_ =	swait.ge [sflag:s6], $0x20  }
0xf: {  	s8 =	simm.s32 $0x20;
	[sflag:s6] =	ssyncset.done $0x0  }
0x10: {  	s10 =	simm.s32 $0x10480;
	s9 =	simm.s32 $0x3;
	[sflag:s6] =	ssyncadd.s32 $0xFFFFFFE0  }
0x11: {  	[tilespmem:s10], [sflag:$0x3] =	stream.indirect.gather [hbm4b:s1+s8], $0x80, s4, s8, $0xb8;
	[tilespmem:$0x11480] =	vst v63  }
0x12: {  	_ =	swait.ge [sflag:s9], $0x1000  }
0x13: {  	[sflag:s9] =	ssyncset.done $0x0  }
0x14: {  	[sflag:s9] =	ssyncadd.s32 $0xFFFFF000  }
0x15: {  	[tilespmem:s10], [sflag:$0x3] =	stream.indirect.gather.add.f32 [hbm:s3], $0x80, s4, s8, $0xb8;
	[tilespmem:$0x11480] =	vst v63  }
0x16: {  	_ =	swait.ge [sflag:s9], $0x1000  }
0x17: {  	s12 =	sshll.u32 s23, $0x9;
	[sflag:s9] =	ssyncset.done $0x0  }
0x18: {  	s11 =	sadd.s32 s11, s12;
	[sflag:s9] =	ssyncadd.s32 $0xFFFFF000  }
0x19: {  	[hbm4b:s11+s4] =	stream.linear.scatter [tilespmem:s10], [sflag:$0x3], $0x1000, $0x38;
	[tilespmem:$0x11480] =	vst v63  }
0x1a: {  	s12 =	simm.s32 $0x480  }
0x1b: {  	[tilespmem:s12], [sflag:$0x1] =	stream.indirect.gather [hbm4b:s1+s5], $0x80, s5, s5, $0xb8;
	[tilespmem:$0x11480] =	vst v63  }
0x1c: {  	s13 =	simm.s32 $0x100;
	s14 =	simm.s32 $0x4480  }
0x1d: {  	[tilespmem:s14], [sflag:$0x1] =	stream.indirect.gather [hbm4b:s1+s5], $0x80, s13, s5, $0xb8;
	[tilespmem:$0x11480] =	vst v63  }
0x1e: {  	s15 =	simm.s32 $0x180;
	s16 =	simm.s32 $0x8480  }
0x1f: {  	[tilespmem:s16], [sflag:$0x1] =	stream.indirect.gather [hbm4b:s1+s5], $0x80, s15, s5, $0xb8;
	[tilespmem:$0x11480] =	vst v63  }
0x20: {  	s17 =	simm.s32 $0x200;
	s18 =	simm.s32 $0xC480;
	s19 =	simm.s32 $0x1  }
0x21: {  	[tilespmem:s18], [sflag:$0x1] =	stream.indirect.gather [hbm4b:s1+s5], $0x80, s17, s5, $0xb8;
	[tilespmem:$0x11480] =	vst v63  }
0x22: {  	_ =	swait.ge [sflag:s19], $0x4000  }
0x23: {  	[sflag:s19] =	ssyncset.done $0x0  }
0x24: {  	s20 =	simm.s32 $0x2;
	[sflag:s19] =	ssyncadd.s32 $0xFFFFC000  }
0x25: {  	[tilespmem:s12], [sflag:$0x2] =	stream.indirect.gather.add.f32 [hbm:s3], $0x80, s5, s5, $0xb8;
	[tilespmem:$0x11480] =	vst v63  }
0x26: {  	s22 =	smul.u32 $0x2800, s23;
	_ =	swait.ge [sflag:s20], $0x4000  }
0x27: {  	s24 =	sadd.s32 $0x74000, s21;
	[sflag:s20] =	ssyncset.done $0x0  }
0x28: {  	s21 =	sadd.s32 s24, s22;
	[sflag:s20] =	ssyncadd.s32 $0xFFFFC000  }
0x29: {  	[hbm4b:s21+s4] =	stream.linear.scatter [tilespmem:s12], [sflag:$0x4], $0x4000, $0x38;
	[tilespmem:$0x11480] =	vst v63  }
0x2a: {  	_ =	swait.ge [sflag:s19], $0x4000  }
0x2b: {  	[sflag:s19] =	ssyncset.done $0x0  }
0x2c: {  	s22 =	simm.s32 $0x4;
	[sflag:s19] =	ssyncadd.s32 $0xFFFFC000  }
0x2d: {  	[tilespmem:s14], [sflag:$0x2] =	stream.indirect.gather.add.f32 [hbm:s3], $0x80, s13, s5, $0xb8;
	[tilespmem:$0x11480] =	vst v63  }
0x2e: {  	_ =	swait.ge [sflag:s22], $0x4000  }
0x2f: {  	[sflag:s22] =	ssyncset.done $0x0  }
0x30: {  	s25 =	smul.u32 $0x14000, s23;
	s23 =	simm.s32 $0x280;
	[sflag:s22] =	ssyncadd.s32 $0xFFFFC000  }
0x31: {  	[tilespmem:s12], [sflag:$0x1] =	stream.indirect.gather [hbm4b:s1+s5], $0x80, s23, s5, $0xb8;
	[tilespmem:$0x11480] =	vst v63  }
0x32: {  	s25 =	sshrl.u32 s25, $0x3;
	_ =	swait.ge [sflag:s20], $0x4000  }
0x33: {  	s28 =	sadd.s32 s24, s25;
	[sflag:s20] =	ssyncset.done $0x0  }
0x34: {  	s24 =	sadd.s32 $0x800, s28;
	[sflag:s20] =	ssyncadd.s32 $0xFFFFC000  }
0x35: {  	[hbm4b:s24+s4] =	stream.linear.scatter [tilespmem:s14], [sflag:$0x5], $0x4000, $0x38;
	[tilespmem:$0x11480] =	vst v63  }
0x36: {  	_ =	swait.ge [sflag:s19], $0x4000  }
0x37: {  	[sflag:s19] =	ssyncset.done $0x0  }
0x38: {  	[sflag:s19] =	ssyncadd.s32 $0xFFFFC000  }
0x39: {  	[tilespmem:s16], [sflag:$0x2] =	stream.indirect.gather.add.f32 [hbm:s3], $0x80, s15, s5, $0xb8;
	[tilespmem:$0x11480] =	vst v63  }
0x3a: {  	_ =	swait.ge [sflag:s20], $0x4000  }
0x3b: {  	[sflag:s20] =	ssyncset.done $0x0  }
0x3c: {  	s25 =	sadd.s32 $0x1000, s28;
	[sflag:s20] =	ssyncadd.s32 $0xFFFFC000  }
0x3d: {  	[hbm4b:s25+s4] =	stream.linear.scatter [tilespmem:s16], [sflag:$0x6], $0x4000, $0x38;
	[tilespmem:$0x11480] =	vst v63  }
0x3e: {  	_ =	swait.ge [sflag:s19], $0x4000  }
0x3f: {  	[sflag:s19] =	ssyncset.done $0x0  }
0x40: {  	[sflag:s19] =	ssyncadd.s32 $0xFFFFC000  }
0x41: {  	[tilespmem:s18], [sflag:$0x2] =	stream.indirect.gather.add.f32 [hbm:s3], $0x80, s17, s5, $0xb8;
	[tilespmem:$0x11480] =	vst v63  }
0x42: {  	_ =	swait.ge [sflag:s20], $0x4000  }
0x43: {  	[sflag:s20] =	ssyncset.done $0x0  }
0x44: {  	s26 =	sadd.s32 $0x1800, s28;
	[sflag:s20] =	ssyncadd.s32 $0xFFFFC000  }
0x45: {  	[hbm4b:s26+s4] =	stream.linear.scatter [tilespmem:s18], [sflag:$0x7], $0x4000, $0x38;
	[tilespmem:$0x11480] =	vst v63  }
0x46: {  	_ =	swait.ge [sflag:s19], $0x4000  }
0x47: {  	[sflag:s19] =	ssyncset.done $0x0  }
0x48: {  	[sflag:s19] =	ssyncadd.s32 $0xFFFFC000  }
0x49: {  	[tilespmem:s12], [sflag:$0x2] =	stream.indirect.gather.add.f32 [hbm:s3], $0x80, s23, s5, $0xb8;
	[tilespmem:$0x11480] =	vst v63  }
0x4a: {  	_ =	swait.ge [sflag:s20], $0x4000  }
0x4b: {  	[sflag:s20] =	ssyncset.done $0x0  }
0x4c: {  	s29 =	simm.s32 $0x5;
	s28 =	sadd.s32 $0x2000, s28;
	[sflag:s20] =	ssyncadd.s32 $0xFFFFC000  }
0x4d: {  	[hbm4b:s28+s4] =	stream.linear.scatter [tilespmem:s12], [sflag:$0x4], $0x4000, $0x38;
	[tilespmem:$0x11480] =	vst v63  }
0x4e: {  	_ =	swait.ge [sflag:s29], $0x4000  }
0x4f: {  	[sflag:s29] =	ssyncset.done $0x0  }
0x50: {  	s30 =	simm.s32 $0x6;
	[sflag:s29] =	ssyncadd.s32 $0xFFFFC000  }
0x51: {  	s2 =	ssub.s32 $0x2, s2;
	_ =	swait.ge [sflag:s30], $0x4000  }
0x52: {  	s0 =	sshrl.u32 s2, $0x1;
	[sflag:s30] =	ssyncset.done $0x0  }
0x53: {  	s31 =	simm.s32 $0x7;
	s0 =	ssub.s32 s2, s0;
	[sflag:s30] =	ssyncadd.s32 $0xFFFFC000  }
0x54: {  	s0 =	smax.u32 s0, $0x1;
	_ =	swait.ge [sflag:s31], $0x4000  }
0x55: {  	p0 =	sne.s32 s0, $0x1;
	[sflag:s31] =	ssyncset.done $0x0  }
.Ltmp0:
0x56: {  	[sflag:s31] =	ssyncadd.s32 $0xFFFFC000;
	(pc) =	sbr.rel @!p0 .LBB2_2-.Ltmp0, $4  }
0x57: {  	_ =	swait.ge [sflag:s22], $0x4000  }
0x58: {  	[sflag:s22] =	ssyncset.done $0x0  }
0x59: {  	[sflag:s22] =	ssyncadd.s32 $0xFFFFC000  }
0x5a: {  	s2 =	sadd.s32 $0xFFFFFFFF, s0;
	_ =	swait.ge [sflag:s9], $0x1000  }
.LBB2_1:
0x5b: {  	[sflag:s9] =	ssyncset.done $0x0  }
0x5c: {  	s0 =	rddreg [dreg:$0x5];
	[sflag:s9] =	ssyncadd.s32 $0xFFFFF000  }
0x5d: {  	[tilespmem:s5], [sflag:$0x8] =	stream.linear.gather [hbm4b:s0+s4], $0x280, $0x38;
	[tilespmem:$0x11480] =	vst v63  }
0x5e: {  	_ =	swait.ge [sflag:s6], $0x280  }
0x5f: {  	[sflag:s6] =	ssyncset.done $0x0  }
0x60: {  	[sflag:s6] =	ssyncadd.s32 $0xFFFFFD80  }
0x61: {  	[tilespmem:s4], [sflag:$0x8] =	stream.linear.gather [hbm4b:s7+s4], $0x20, $0x38;
	[tilespmem:$0x11480] =	vst v63  }
0x62: {  	_ =	swait.ge [sflag:s6], $0x20  }
0x63: {  	[sflag:s6] =	ssyncset.done $0x0  }
0x64: {  	[sflag:s6] =	ssyncadd.s32 $0xFFFFFFE0  }
0x65: {  	[tilespmem:s10], [sflag:$0x3] =	stream.indirect.gather [hbm4b:s1+s8], $0x80, s4, s8, $0xb8;
	[tilespmem:$0x11480] =	vst v63  }
0x66: {  	_ =	swait.ge [sflag:s9], $0x1000  }
0x67: {  	[sflag:s9] =	ssyncset.done $0x0  }
0x68: {  	[sflag:s9] =	ssyncadd.s32 $0xFFFFF000  }
0x69: {  	[tilespmem:s10], [sflag:$0x3] =	stream.indirect.gather.add.f32 [hbm:s3], $0x80, s4, s8, $0xb8;
	[tilespmem:$0x11480] =	vst v63  }
0x6a: {  	_ =	swait.ge [sflag:s9], $0x1000  }
0x6b: {  	[sflag:s9] =	ssyncset.done $0x0  }
0x6c: {  	[sflag:s9] =	ssyncadd.s32 $0xFFFFF000  }
0x6d: {  	[hbm4b:s11+s4] =	stream.linear.scatter [tilespmem:s10], [sflag:$0x3], $0x1000, $0x38;
	[tilespmem:$0x11480] =	vst v63  }
0x6e: {  	_ = 	snop  }
0x6f: {  	[tilespmem:s12], [sflag:$0x1] =	stream.indirect.gather [hbm4b:s1+s5], $0x80, s5, s5, $0xb8;
	[tilespmem:$0x11480] =	vst v63  }
0x70: {  	_ = 	snop  }
0x71: {  	[tilespmem:s14], [sflag:$0x1] =	stream.indirect.gather [hbm4b:s1+s5], $0x80, s13, s5, $0xb8;
	[tilespmem:$0x11480] =	vst v63  }
0x72: {  	_ = 	snop  }
0x73: {  	[tilespmem:s16], [sflag:$0x1] =	stream.indirect.gather [hbm4b:s1+s5], $0x80, s15, s5, $0xb8;
	[tilespmem:$0x11480] =	vst v63  }
0x74: {  	_ = 	snop  }
0x75: {  	[tilespmem:s18], [sflag:$0x1] =	stream.indirect.gather [hbm4b:s1+s5], $0x80, s17, s5, $0xb8;
	[tilespmem:$0x11480] =	vst v63  }
0x76: {  	_ =	swait.ge [sflag:s19], $0x4000  }
0x77: {  	[sflag:s19] =	ssyncset.done $0x0  }
0x78: {  	[sflag:s19] =	ssyncadd.s32 $0xFFFFC000  }
0x79: {  	[tilespmem:s12], [sflag:$0x2] =	stream.indirect.gather.add.f32 [hbm:s3], $0x80, s5, s5, $0xb8;
	[tilespmem:$0x11480] =	vst v63  }
0x7a: {  	_ =	swait.ge [sflag:s20], $0x4000  }
0x7b: {  	[sflag:s20] =	ssyncset.done $0x0  }
0x7c: {  	[sflag:s20] =	ssyncadd.s32 $0xFFFFC000  }
0x7d: {  	[hbm4b:s21+s4] =	stream.linear.scatter [tilespmem:s12], [sflag:$0x4], $0x4000, $0x38;
	[tilespmem:$0x11480] =	vst v63  }
0x7e: {  	_ =	swait.ge [sflag:s19], $0x4000  }
0x7f: {  	[sflag:s19] =	ssyncset.done $0x0  }
0x80: {  	[sflag:s19] =	ssyncadd.s32 $0xFFFFC000  }
0x81: {  	[tilespmem:s14], [sflag:$0x2] =	stream.indirect.gather.add.f32 [hbm:s3], $0x80, s13, s5, $0xb8;
	[tilespmem:$0x11480] =	vst v63  }
0x82: {  	_ =	swait.ge [sflag:s22], $0x4000  }
0x83: {  	[sflag:s22] =	ssyncset.done $0x0  }
0x84: {  	[sflag:s22] =	ssyncadd.s32 $0xFFFFC000  }
0x85: {  	[tilespmem:s12], [sflag:$0x1] =	stream.indirect.gather [hbm4b:s1+s5], $0x80, s23, s5, $0xb8;
	[tilespmem:$0x11480] =	vst v63  }
0x86: {  	_ =	swait.ge [sflag:s20], $0x4000  }
0x87: {  	[sflag:s20] =	ssyncset.done $0x0  }
0x88: {  	[sflag:s20] =	ssyncadd.s32 $0xFFFFC000  }
0x89: {  	[hbm4b:s24+s4] =	stream.linear.scatter [tilespmem:s14], [sflag:$0x5], $0x4000, $0x38;
	[tilespmem:$0x11480] =	vst v63  }
0x8a: {  	_ =	swait.ge [sflag:s19], $0x4000  }
0x8b: {  	[sflag:s19] =	ssyncset.done $0x0  }
0x8c: {  	[sflag:s19] =	ssyncadd.s32 $0xFFFFC000  }
0x8d: {  	[tilespmem:s16], [sflag:$0x2] =	stream.indirect.gather.add.f32 [hbm:s3], $0x80, s15, s5, $0xb8;
	[tilespmem:$0x11480] =	vst v63  }
0x8e: {  	_ =	swait.ge [sflag:s20], $0x4000  }
0x8f: {  	[sflag:s20] =	ssyncset.done $0x0  }
0x90: {  	[sflag:s20] =	ssyncadd.s32 $0xFFFFC000  }
0x91: {  	[hbm4b:s25+s4] =	stream.linear.scatter [tilespmem:s16], [sflag:$0x6], $0x4000, $0x38;
	[tilespmem:$0x11480] =	vst v63  }
0x92: {  	_ =	swait.ge [sflag:s19], $0x4000  }
0x93: {  	[sflag:s19] =	ssyncset.done $0x0  }
0x94: {  	[sflag:s19] =	ssyncadd.s32 $0xFFFFC000  }
0x95: {  	[tilespmem:s18], [sflag:$0x2] =	stream.indirect.gather.add.f32 [hbm:s3], $0x80, s17, s5, $0xb8;
	[tilespmem:$0x11480] =	vst v63  }
0x96: {  	_ =	swait.ge [sflag:s20], $0x4000  }
0x97: {  	[sflag:s20] =	ssyncset.done $0x0  }
0x98: {  	[sflag:s20] =	ssyncadd.s32 $0xFFFFC000  }
0x99: {  	[hbm4b:s26+s4] =	stream.linear.scatter [tilespmem:s18], [sflag:$0x7], $0x4000, $0x38;
	[tilespmem:$0x11480] =	vst v63  }
0x9a: {  	_ =	swait.ge [sflag:s19], $0x4000  }
0x9b: {  	[sflag:s19] =	ssyncset.done $0x0  }
0x9c: {  	[sflag:s19] =	ssyncadd.s32 $0xFFFFC000  }
0x9d: {  	[tilespmem:s12], [sflag:$0x2] =	stream.indirect.gather.add.f32 [hbm:s3], $0x80, s23, s5, $0xb8;
	[tilespmem:$0x11480] =	vst v63  }
0x9e: {  	_ =	swait.ge [sflag:s20], $0x4000  }
0x9f: {  	[sflag:s20] =	ssyncset.done $0x0  }
0xa0: {  	[sflag:s20] =	ssyncadd.s32 $0xFFFFC000  }
0xa1: {  	[hbm4b:s28+s4] =	stream.linear.scatter [tilespmem:s12], [sflag:$0x4], $0x4000, $0x38;
	[tilespmem:$0x11480] =	vst v63  }
0xa2: {  	_ =	swait.ge [sflag:s29], $0x4000  }
0xa3: {  	[sflag:s29] =	ssyncset.done $0x0  }
0xa4: {  	[sflag:s29] =	ssyncadd.s32 $0xFFFFC000  }
0xa5: {  	_ =	swait.ge [sflag:s30], $0x4000  }
0xa6: {  	[sflag:s30] =	ssyncset.done $0x0  }
0xa7: {  	[sflag:s30] =	ssyncadd.s32 $0xFFFFC000  }
0xa8: {  	_ =	swait.ge [sflag:s31], $0x4000  }
0xa9: {  	p0 =	sne.s32 s2, $0x1;
	[sflag:s31] =	ssyncset.done $0x0  }
.Ltmp1:
0xaa: {  	[sflag:s31] =	ssyncadd.s32 $0xFFFFC000;
	(pc) =	sbr.rel @p0 .LBB2_1-.Ltmp1, $4  }
0xab: {  	_ =	swait.ge [sflag:s22], $0x4000  }
0xac: {  	[sflag:s22] =	ssyncset.done $0x0  }
0xad: {  	[sflag:s22] =	ssyncadd.s32 $0xFFFFC000  }
0xae: {  	s2 =	sadd.s32 $0xFFFFFFFF, s2;
	_ =	swait.ge [sflag:s9], $0x1000  }
.LBB2_2:
0xaf: {  	[sflag:s9] =	ssyncset.done $0x0  }
0xb0: {  	[sflag:s9] =	ssyncadd.s32 $0xFFFFF000  }
0xb1: {  	_ =	sfence.sel $0x180000  }
0xb2: {  	[bflag:$0x0] =	sbarrier.arrive $0xFFFF  }
0xb3: {  	_ =	strace $0x90000050  }
0xb4: {  	s0 =	stileid.u32;
	[bflag:$0x2] =	sbarrier.arrive $0xFFFF  }
0xb5: {  	p0 =	sne.s32 s0, $0x0;
	s0 =	rddreg [dreg:$0x4]  }
0xb6: {  	s0 =	sadd.s32 @!p0 $0x100000, s0  }
0xb7: {  	[sflag:s0] =	ssyncadd.tile.s32 @!p0 $0x1;
	_ =	shalt  }
.Lfunc_end2:
_tile_overlayer_lowered:
.L_overlay_start_2:
0xb8: {  	(tag) =	ssettag $0x2  }
0xb9: {  	s0 =	rddreg [dreg:$0x0];
	s2 =	stileid.u32  }
0xba: {  	s1 =	rddreg [dreg:$0x1];
	p0 =	sne.s32 s2, $0x0  }
0xbb: {  	s3 =	rddreg [dreg:$0x2];
	[bflag:$0x3] =	sbarrier.arrive $0xFFFF;
	s2 =	simm.s32 @!p0 $0x1C08  }
0xbc: {  	[timem:s3], [sflag:s2] =	dma.local @!p0 [hbm:s0], s1  }
0xbd: {  	s0 =	simm.s32 @!p0 $0x8  }
0xbe: {  	_ =	swait.ge @!p0 [sflag:s0], s1  }
0xbf: {  	s1 =	ssub.s32 @!p0 $0x0, s1;
	[sflag:s0] =	ssyncset.done @!p0 $0x0  }
0xc0: {  	[sflag:s0] =	ssyncadd.s32 @!p0 s1  }
0xc1: {  	[bflag:$0x3] =	sbarrier.arrive $0xFFFF  }
0xc2: {  	_ =	shalt  }

// kernel: kernel.9.cloned.1.call-start
scs
__scs_entry_jumppad:
0x0: {  	(pc) =	sbr.rel $0x88, $3  }
0x1: {  	(tag) =	ssettag $0x0;
	lr =	simm.s32 $0x1  }
0x2: {  	[smem:$0x3F93] =	sst lr;
	_ =	strace $0xD0000000  }
0x3: {  	_ = 	snop  }
0x4: {  	_ = 	snop  }
0x5: {  	_ = 	snop  }
0x6: {  	_ = 	snop  }
0x7: {  	_ = 	snop  }
__scs_overlays_trampoline_lowered:
0x8: {  	[smem:$0x3FA2] =	sst s0  }
0x9: {  	[smem:$0x3FA3] =	sst s1  }
0xa: {  	[smem:$0x3FA4] =	sst s2  }
0xb: {  	[smem:$0x3FA5] =	sst s3  }
0xc: {  	[smem:$0x3FA6] =	sst s4  }
0xd: {  	[smem:$0x3FA7] =	sst s5  }
0xe: {  	[smem:$0x3FA8] =	sst s6  }
0xf: {  	[smem:$0x3FA9] =	sst s7  }
0x10: {  	[smem:$0x3FAA] =	sst s8  }
0x11: {  	[smem:$0x3FAB] =	sst s9;
	s0 =	simm.s32 @!p0 $0x0  }
0x12: {  	s1 =	sld [smem:$0x3F91];
	s0 =	simm.s32 @p0 $0x1  }
0x13: {  	[smem:$0x3FAC] =	sst s0;
	s0 =	simm.s32 @!p1 $0x0  }
0x14: {  	s2 =	sld [smem:$0x3F90];
	s0 =	simm.s32 @p1 $0x1  }
0x15: {  	[smem:$0x3FAD] =	sst s0;
	s0 =	simm.s32 @!p2 $0x0  }
0x16: {  	s3 =	sld [smem:$0x3FDB];
	s0 =	simm.s32 @p2 $0x1  }
0x17: {  	s4 =	simm.s32 $0x1BF5;
	[smem:$0x3FAF] =	sst s0  }
0x18: {  	s0 =	sld [smem:$0x3F92];
	_ =	swait.ge [sflag:s4], $0x0  }
0x19: {  	s7 =	sld [smem:$0x3F93]  }
0x1a: {  	s8 =	sadd.s32 $0xFFFFE003, lr  }
0x1b: {  	s9 =	sadd.s32 $0xFFFFFEF7, lr;
	s5 =	simm.s32 $0xFFFFFFFF;
	p2 =	slt.u32 s8, $0xFFFFF086  }
0x1c: {  	p1 =	slt.u32 s9, $0xF7A;
	s5 =	simm.s32 @!p2 $0x0  }
0x1d: {  	s5 =	simm.s32 @p1 $0x1;
	p0 =	seq.s32 s7, s2  }
0x1e: {  	s7 =	smul.u32 @!p0 $0xF7A, s2;
	p2 =	seq.s32 @!p0 s5, $0x0  }
0x1f: {  	s9 =	smul.u32 $0xF7A, s1;
	s8 =	simm.s32 @!p0 $0x1BF5;
	p2 =	por !p2, p0  }
0x20: {  	[sflag:s8] =	ssyncset.s32 @!p0 $0xFFFFF086;
	s6 =	sadd.s32 @!p0 s3, s7;
	s7 =	simm.s32 @!p0 $0x108  }
0x21: {  	s3 =	sadd.s32 s3, s9;
	s6 =	sadd.s32 @!p0 $0x88, s6;
	s7 =	simm.s32 @p2 $0x1082  }
0x22: {  	[simem:s7], [sflag:s8] =	dma.local @!p0 [hbm:s6], $0xF7A  }
0x23: {  	s9 =	sor.u32 $0xD0000000, s2;
	s6 =	simm.s32 $0x108;
	_ =	swait.ge @!p0 [sflag:s8], $0x0  }
0x24: {  	s3 =	sadd.s32 $0x88, s3;
	s6 =	simm.s32 @!p1 $0x1082;
	[sflag:s4] =	ssyncset.s32 $0xFFFFF086  }
0x25: {  	[simem:s6], [sflag:s4] =	dma.local [hbm:s3], $0xF7A  }
0x26: {  	[smem:$0x3F93] =	sst s1;
	(tag) =	ssettag s2;
	_ =	strace s9  }
0x27: {  	s1 =	sld [smem:$0x3FA3]  }
0x28: {  	s2 =	sld [smem:$0x3FA4]  }
0x29: {  	s4 =	sld [smem:$0x3FA6]  }
0x2a: {  	p0 =	seq.s32 s5, $0x0;
	s5 =	sld [smem:$0x3FA7]  }
0x2b: {  	s6 =	sld [smem:$0x3FA8]  }
0x2c: {  	s7 =	sld [smem:$0x3FA9]  }
0x2d: {  	s3 =	simm.s32 $0x108;
	s8 =	sld [smem:$0x3FAA]  }
0x2e: {  	s3 =	simm.s32 @!p0 $0x1082;
	s9 =	sld [smem:$0x3FAB]  }
0x2f: {  	lr =	sadd.s32 s0, s3;
	s0 =	sld [smem:$0x3FA2]  }
0x30: {  	s3 =	sld [smem:$0x3FA5]  }
0x31: {  	[smem:$0x3FAE] =	sst s10  }
0x32: {  	s10 =	sld [smem:$0x3FAC];
	_ =	sdelay $0x3  }
0x33: {  	p0 =	seq.s32 s10, $0x1;
	s10 =	sld [smem:$0x3FAE];
	_ =	sdelay $0x3  }
0x34: {  	[smem:$0x3FAE] =	sst s10  }
0x35: {  	s10 =	sld [smem:$0x3FAD];
	_ =	sdelay $0x3  }
0x36: {  	p1 =	seq.s32 s10, $0x1;
	s10 =	sld [smem:$0x3FAE];
	_ =	sdelay $0x3  }
0x37: {  	[smem:$0x3FAE] =	sst s10  }
0x38: {  	s10 =	sld [smem:$0x3FAF]  }
0x39: {  	_ = 	snop;
	(pc) =	sbr.ind lr, $3  }
0x3a: {  	_ = 	snop  }
0x3b: {  	_ = 	snop  }
0x3c: {  	p2 =	seq.s32 s10, $0x1;
	s10 =	sld [smem:$0x3FAE]  }
0x3d: {  	_ =	shalt  }
0x3e: {  	_ =	shalt  }
0x3f: {  	_ =	shalt  }
0x40: {  	_ =	shalt  }
0x41: {  	_ =	shalt  }
0x42: {  	_ =	shalt  }
0x43: {  	_ =	shalt  }
0x44: {  	_ =	shalt  }
0x45: {  	_ =	shalt  }
0x46: {  	_ =	shalt  }
0x47: {  	_ =	shalt  }
0x48: {  	_ =	shalt  }
0x49: {  	_ =	shalt  }
0x4a: {  	_ =	shalt  }
0x4b: {  	_ =	shalt  }
0x4c: {  	_ =	shalt  }
0x4d: {  	_ =	shalt  }
0x4e: {  	_ =	shalt  }
0x4f: {  	_ =	shalt  }
0x50: {  	_ =	shalt  }
0x51: {  	_ =	shalt  }
0x52: {  	_ =	shalt  }
0x53: {  	_ =	shalt  }
0x54: {  	_ =	shalt  }
0x55: {  	_ =	shalt  }
0x56: {  	_ =	shalt  }
0x57: {  	_ =	shalt  }
0x58: {  	_ =	shalt  }
0x59: {  	_ =	shalt  }
0x5a: {  	_ =	shalt  }
0x5b: {  	_ =	shalt  }
0x5c: {  	_ =	shalt  }
0x5d: {  	_ =	shalt  }
0x5e: {  	_ =	shalt  }
0x5f: {  	_ =	shalt  }
0x60: {  	_ =	shalt  }
0x61: {  	_ =	shalt  }
0x62: {  	_ =	shalt  }
0x63: {  	_ =	shalt  }
0x64: {  	_ =	shalt  }
0x65: {  	_ =	shalt  }
0x66: {  	_ =	shalt  }
0x67: {  	_ =	shalt  }
0x68: {  	_ =	shalt  }
0x69: {  	_ =	shalt  }
0x6a: {  	_ =	shalt  }
0x6b: {  	_ =	shalt  }
0x6c: {  	_ =	shalt  }
0x6d: {  	_ =	shalt  }
0x6e: {  	_ =	shalt  }
0x6f: {  	_ =	shalt  }
0x70: {  	_ =	shalt  }
0x71: {  	_ =	shalt  }
0x72: {  	_ =	shalt  }
0x73: {  	_ =	shalt  }
0x74: {  	_ =	shalt  }
0x75: {  	_ =	shalt  }
0x76: {  	_ =	shalt  }
0x77: {  	_ =	shalt  }
0x78: {  	_ =	shalt  }
0x79: {  	_ =	shalt  }
0x7a: {  	_ =	shalt  }
0x7b: {  	_ =	shalt  }
0x7c: {  	_ =	shalt  }
0x7d: {  	_ =	shalt  }
0x7e: {  	_ =	shalt  }
0x7f: {  	_ =	shalt  }
0x80: {  	_ =	shalt  }
0x81: {  	_ =	shalt  }
0x82: {  	_ =	shalt  }
0x83: {  	_ =	shalt  }
0x84: {  	_ =	shalt  }
0x85: {  	_ =	shalt  }
0x86: {  	_ =	shalt  }
0x87: {  	_ =	shalt  }
.Lfunc_end0:
.L_simem_size_0:
called_computation.3_lowered:
.L_overlay_start_0:
0x88: {  	s2 =	sld [smem:$0x3FD9]  }
0x89: {  	s3 =	sld [smem:$0x3FFE];
	_ =	sdelay $0x1  }
0x8a: {  	s1 =	srdreg.scid  }
0x8b: {  	s0 =	sand.u32 $0x1, s1  }
0x8c: {  	s17 =	sshll.u32 s0, $0xA;
	s2 =	sadd.s32 s3, s2  }
0x8d: {  	s2 =	sadd.s32 s2, s17  }
0x8e: {  	[smem:$0x3FBA] =	sst s2  }
0x8f: {  	_ = 	snop  }
0x90: {  	s18 =	sld [smem:$0x3FC9]  }
0x91: {  	s4 =	sld [smem:$0x3FC3];
	(tm) =	ssettm $0x1  }
0x92: {  	s19 =	sld [smem:$0x3FFB];
	_ =	sdelay $0x3  }
0x93: {  	_ =	strace s19  }
0x94: {  	s2 =	sld [smem:$0x3FFC];
	_ =	sdelay $0x3  }
0x95: {  	_ =	strace s2  }
0x96: {  	s2 =	sld [smem:$0x3FFD];
	_ =	sdelay $0x3  }
0x97: {  	_ =	strace s2  }
0x98: {  	_ =	strace $0x8FFFFFFF  }
0x99: {  	s20 =	sld [smem:$0x3FDB];
	_ =	sdelay $0x1  }
0x9a: {  	s5 =	simm.s32 $_scs_section_size  }
0x9b: {  	s6 =	simm.s32 $_size__tile_overlayer_lowered;
	s7 =	simm.s32 $_tile_overlayer_lowered  }
0x9c: {  	s8 =	simm.s32 $0x1BFF;
	s21 =	sshll.u32 s7, $0x1;
	s5 =	sadd.s32 s5, s20  }
0x9d: {  	s22 =	simm.s32 $0x0;
	s6 =	sshll.u32 s6, $0x1;
	s7 =	sadd.s32 s21, s5  }
0x9e: {  	[timem:s22], [sflag:s8] =	dma.local [hbm:s7], s6  }
0x9f: {  	_ =	swait.ge [sflag:s8], s6  }
0xa0: {  	s6 =	ssub.s32 $0x0, s6;
	[sflag:s8] =	ssyncset.done $0x0  }
0xa1: {  	[sflag:s8] =	ssyncadd.s32 s6;
	_ =	sdelay $0x1  }
0xa2: {  	s23 =	simm.s32 $0x1B8B  }
0xa3: {  	_ =	swait.ge [sflag:s23], $0x1  }
0xa4: {  	[sflag:s23] =	ssyncset.done $0x0  }
0xa5: {  	[sflag:s23] =	ssyncadd.s32 $0xFFFFFFFF  }
0xa6: {  	s6 =	sld [smem:$0x0]  }
0xa7: {  	s7 =	sand.u32 $0xFFFFFFFE, s1  }
0xa8: {  	p0 =	sne.s32 s1, s7  }
0xa9: {  	s7 =	sshll.u32 @p0 s7, $0xE  }
0xaa: {  	s7 =	sadd.s32 @p0 $0x11B8D, s7;
	s8 =	sshll.u32 @p0 s6, $0x11  }
0xab: {  	s7 =	sor.u32 @p0 s8, s7  }
0xac: {  	[sflag:s7] =	ssyncadd.remote.s32 @p0 $0x1;
	_ =	sdelay $0x1  }
0xad: {  	s7 =	simm.s32 @p0 $0x1B8D  }
0xae: {  	_ =	swait.eq @p0 [sflag:s7], $0x1  }
0xaf: {  	[sflag:s7] =	ssyncadd.s32 @p0 $0xFFFFFFFF  }
0xb0: {  	s8 =	sshll.u32 @!p0 s1, $0xE  }
0xb1: {  	s8 =	sor.u32 @!p0 $0x4000, s8;
	s7 =	simm.s32 @!p0 $0x1B8D  }
0xb2: {  	s6 =	sshll.u32 @!p0 s6, $0x11;
	s8 =	sadd.s32 @!p0 $0x11B8D, s8;
	_ =	swait.eq @!p0 [sflag:s7], $0x1  }
0xb3: {  	s6 =	sor.u32 @!p0 s6, s8;
	[sflag:s7] =	ssyncadd.s32 @!p0 $0xFFFFFFFF  }
0xb4: {  	s25 =	simm.s32 $0x1B8E;
	s24 =	sld [smem:$0x3FFE];
	[sflag:s6] =	ssyncadd.remote.s32 @!p0 $0x1  }
0xb5: {  	s26 =	simm.s32 $execute0_lowered;
	[smem:$0x3FD2] =	sst s25  }
0xb6: {  	s7 =	sshll.u32 s26, $0x1;
	_ =	strace $0x8000004C;
	[dreg:$0x1] =	wrdreg $0xFFFFFFFF  }
0xb7: {  	s28 =	simm.s32 $_size_execute0_lowered;
	s5 =	sadd.s32 s5, s7;
	[dreg:$0x0] =	wrdreg $0x0  }
0xb8: {  	s7 =	sshll.u32 s28, $0x1;
	[dreg:$0x2] =	wrdreg s5  }
0xb9: {  	[dreg:$0x3] =	wrdreg s7  }
0xba: {  	[dreg:$0x4] =	wrdreg $0xC0  }
0xbb: {  	_ =	task [dreg:s22], $0x5FFFF  }
0xbc: {  	[dreg:$0x1] =	wrdreg $0xFFFFFFFF  }
0xbd: {  	[dreg:$0x0] =	wrdreg $0x60  }
0xbe: {  	[dreg:$0x2] =	wrdreg s18  }
0xbf: {  	[dreg:$0x3] =	wrdreg s4  }
0xc0: {  	[dreg:$0x4] =	wrdreg s24  }
0xc1: {  	[dreg:$0x5] =	wrdreg $0xC  }
0xc2: {  	_ =	task.clear_ibuf [dreg:s22], $0x6FFFF;
	_ =	strace $0x9000004C  }
0xc3: {  	s29 =	simm.s32 $0xC;
	_ =	strace $0x8000004E  }
0xc4: {  	_ =	swait.ge [sflag:s29], $0x1  }
0xc5: {  	[sflag:s29] =	ssyncadd.s32 $0xFFFFFFFF  }
0xc6: {  	_ =	strace $0x9000004E  }
0xc7: {  	_ =	sfence  }
0xc8: {  	s30 =	sld [smem:$0x0];
	_ =	sdelay $0x2  }
0xc9: {  	s31 =	sshll.u32 s1, $0xD;
	s1 =	sshrl.u32 s1, $0x2  }
0xca: {  	s4 =	sand.u32 $0x4000, s31;
	s1 =	sadd.s32 s1, s30  }
0xcb: {  	s0 =	sor.u32 s4, s0;
	s1 =	sshll.u32 s1, $0x11  }
0xcc: {  	s0 =	sor.u32 s1, s0  }
0xcd: {  	s0 =	sadd.s32 $0x8F2B, s0  }
0xce: {  	[sflag:s0] =	ssyncadd.remote.s32 $0x1  }
0xcf: {  	_ =	sfence.sel $0xFFFF  }
0xd0: {  	[dreg:$0x0] =	wrdreg $0xFFFFFFFF;
	(pc) =	sbr.abs _section_cstart, $3  }
0xd1: {  	[dreg:$0x1] =	wrdreg $0xFFFFFFFF  }
0xd2: {  	_ =	task.clear_ibuf [dreg:s22], $0x2FFFF;
	_ =	strace $0x9FFFFFFF  }
0xd3: {  	(tm) =	ssettm $0x7FFFFFFF  }
tec
execute0_lowered:
.L_overlay_start_1:
0x0: {  	(tag) =	ssettag $0x1  }
0x1: {  	s1 =	srdreg.scid;
	s0 =	stileid.u32  }
0x2: {  	s1 =	sand.u32 $0x1, s1;
	s4 =	sshll.u32 s0, $0x1  }
0x3: {  	s2 =	rddreg [dreg:$0x0];
	s23 =	sor.u32 s1, s4  }
0x4: {  	s21 =	rddreg [dreg:$0x2];
	s5 =	sshll.u32 s23, $0x7  }
0x5: {  	s3 =	rddreg [dreg:$0x1];
	s4 =	simm.s32 $0x0;
	s5 =	sadd.s32 s5, s21  }
0x6: {  	[smem:$0x7FF] =	sst s4;
	s5 =	sadd.s32 $0x1DC00, s5  }
0x7: {  	_ =	strace $0x8000004D;
	[dreg:$0x4] =	wrdreg s5  }
0x8: {  	s6 =	simm.s32 $0x8;
	s5 =	simm.s32 $0x80;
	s7 =	rddreg [dreg:$0x4]  }
0x9: {  	[tilespmem:s5], [sflag:$0x8] =	stream.linear.gather [hbm4b:s7+s4], $0x280, $0x38;
	[tilespmem:$0x11480] =	vst v63  }
0xa: {  	s26 =	sshll.u32 s23, $0x2;
	_ =	swait.ge [sflag:s6], $0x280  }
0xb: {  	s7 =	sadd.s32 s26, s21;
	[sflag:s6] =	ssyncset.done $0x0  }
0xc: {  	s7 =	sadd.s32 $0x1EC00, s7;
	[sflag:s6] =	ssyncadd.s32 $0xFFFFFD80  }
0xd: {  	[tilespmem:s4], [sflag:$0x8] =	stream.linear.gather [hbm4b:s7+s4], $0x20, $0x38;
	[tilespmem:$0x11480] =	vst v63  }
0xe: {  	_ =	swait.ge [sflag:s6], $0x20  }
0xf: {  	s8 =	simm.s32 $0x20;
	[sflag:s6] =	ssyncset.done $0x0  }
0x10: {  	s10 =	simm.s32 $0x10480;
	s9 =	simm.s32 $0x3;
	[sflag:s6] =	ssyncadd.s32 $0xFFFFFFE0  }
0x11: {  	[tilespmem:s10], [sflag:$0x3] =	stream.indirect.gather [hbm4b:s2+s8], $0x80, s4, s8, $0xb8;
	[tilespmem:$0x11480] =	vst v63  }
0x12: {  	_ =	swait.ge [sflag:s9], $0x1000  }
0x13: {  	[sflag:s9] =	ssyncset.done $0x0  }
0x14: {  	[sflag:s9] =	ssyncadd.s32 $0xFFFFF000  }
0x15: {  	[tilespmem:s10], [sflag:$0x3] =	stream.indirect.gather.add.f32 [hbm:s3], $0x80, s4, s8, $0xb8;
	[tilespmem:$0x11480] =	vst v63  }
0x16: {  	s11 =	sshll.u32 s23, $0x9;
	_ =	swait.ge [sflag:s9], $0x1000  }
0x17: {  	s11 =	sadd.s32 s11, s21;
	[sflag:s9] =	ssyncset.done $0x0  }
0x18: {  	s11 =	sadd.s32 $0x1F000, s11;
	[sflag:s9] =	ssyncadd.s32 $0xFFFFF000  }
0x19: {  	[hbm4b:s11+s4] =	stream.linear.scatter [tilespmem:s10], [sflag:$0x3], $0x1000, $0x38;
	[tilespmem:$0x11480] =	vst v63  }
0x1a: {  	s12 =	simm.s32 $0x480  }
0x1b: {  	[tilespmem:s12], [sflag:$0x1] =	stream.indirect.gather [hbm4b:s2+s5], $0x80, s5, s5, $0xb8;
	[tilespmem:$0x11480] =	vst v63  }
0x1c: {  	s13 =	simm.s32 $0x100;
	s14 =	simm.s32 $0x4480  }
0x1d: {  	[tilespmem:s14], [sflag:$0x1] =	stream.indirect.gather [hbm4b:s2+s5], $0x80, s13, s5, $0xb8;
	[tilespmem:$0x11480] =	vst v63  }
0x1e: {  	s15 =	simm.s32 $0x180;
	s16 =	simm.s32 $0x8480  }
0x1f: {  	[tilespmem:s16], [sflag:$0x1] =	stream.indirect.gather [hbm4b:s2+s5], $0x80, s15, s5, $0xb8;
	[tilespmem:$0x11480] =	vst v63  }
0x20: {  	s17 =	simm.s32 $0x200;
	s18 =	simm.s32 $0xC480;
	s19 =	simm.s32 $0x1  }
0x21: {  	[tilespmem:s18], [sflag:$0x1] =	stream.indirect.gather [hbm4b:s2+s5], $0x80, s17, s5, $0xb8;
	[tilespmem:$0x11480] =	vst v63  }
0x22: {  	_ =	swait.ge [sflag:s19], $0x4000  }
0x23: {  	[sflag:s19] =	ssyncset.done $0x0  }
0x24: {  	s20 =	simm.s32 $0x2;
	[sflag:s19] =	ssyncadd.s32 $0xFFFFC000  }
0x25: {  	[tilespmem:s12], [sflag:$0x2] =	stream.indirect.gather.add.f32 [hbm:s3], $0x80, s5, s5, $0xb8;
	[tilespmem:$0x11480] =	vst v63  }
0x26: {  	s22 =	smul.u32 $0x2800, s23;
	_ =	swait.ge [sflag:s20], $0x4000  }
0x27: {  	s24 =	sadd.s32 $0x23000, s21;
	[sflag:s20] =	ssyncset.done $0x0  }
0x28: {  	s21 =	sadd.s32 s24, s22;
	[sflag:s20] =	ssyncadd.s32 $0xFFFFC000  }
0x29: {  	[hbm4b:s21+s4] =	stream.linear.scatter [tilespmem:s12], [sflag:$0x4], $0x4000, $0x38;
	[tilespmem:$0x11480] =	vst v63  }
0x2a: {  	_ =	swait.ge [sflag:s19], $0x4000  }
0x2b: {  	[sflag:s19] =	ssyncset.done $0x0  }
0x2c: {  	s22 =	simm.s32 $0x4;
	[sflag:s19] =	ssyncadd.s32 $0xFFFFC000  }
0x2d: {  	[tilespmem:s14], [sflag:$0x2] =	stream.indirect.gather.add.f32 [hbm:s3], $0x80, s13, s5, $0xb8;
	[tilespmem:$0x11480] =	vst v63  }
0x2e: {  	_ =	swait.ge [sflag:s22], $0x4000  }
0x2f: {  	[sflag:s22] =	ssyncset.done $0x0  }
0x30: {  	s25 =	smul.u32 $0x14000, s23;
	s23 =	simm.s32 $0x280;
	[sflag:s22] =	ssyncadd.s32 $0xFFFFC000  }
0x31: {  	[tilespmem:s12], [sflag:$0x1] =	stream.indirect.gather [hbm4b:s2+s5], $0x80, s23, s5, $0xb8;
	[tilespmem:$0x11480] =	vst v63  }
0x32: {  	s25 =	sshrl.u32 s25, $0x3;
	_ =	swait.ge [sflag:s20], $0x4000  }
0x33: {  	s28 =	sadd.s32 s24, s25;
	[sflag:s20] =	ssyncset.done $0x0  }
0x34: {  	s24 =	sadd.s32 $0x800, s28;
	[sflag:s20] =	ssyncadd.s32 $0xFFFFC000  }
0x35: {  	[hbm4b:s24+s4] =	stream.linear.scatter [tilespmem:s14], [sflag:$0x5], $0x4000, $0x38;
	[tilespmem:$0x11480] =	vst v63  }
0x36: {  	_ =	swait.ge [sflag:s19], $0x4000  }
0x37: {  	[sflag:s19] =	ssyncset.done $0x0  }
0x38: {  	[sflag:s19] =	ssyncadd.s32 $0xFFFFC000  }
0x39: {  	[tilespmem:s16], [sflag:$0x2] =	stream.indirect.gather.add.f32 [hbm:s3], $0x80, s15, s5, $0xb8;
	[tilespmem:$0x11480] =	vst v63  }
0x3a: {  	_ =	swait.ge [sflag:s20], $0x4000  }
0x3b: {  	[sflag:s20] =	ssyncset.done $0x0  }
0x3c: {  	s25 =	sadd.s32 $0x1000, s28;
	[sflag:s20] =	ssyncadd.s32 $0xFFFFC000  }
0x3d: {  	[hbm4b:s25+s4] =	stream.linear.scatter [tilespmem:s16], [sflag:$0x6], $0x4000, $0x38;
	[tilespmem:$0x11480] =	vst v63  }
0x3e: {  	_ =	swait.ge [sflag:s19], $0x4000  }
0x3f: {  	[sflag:s19] =	ssyncset.done $0x0  }
0x40: {  	[sflag:s19] =	ssyncadd.s32 $0xFFFFC000  }
0x41: {  	[tilespmem:s18], [sflag:$0x2] =	stream.indirect.gather.add.f32 [hbm:s3], $0x80, s17, s5, $0xb8;
	[tilespmem:$0x11480] =	vst v63  }
0x42: {  	_ =	swait.ge [sflag:s20], $0x4000  }
0x43: {  	[sflag:s20] =	ssyncset.done $0x0  }
0x44: {  	s26 =	sadd.s32 $0x1800, s28;
	[sflag:s20] =	ssyncadd.s32 $0xFFFFC000  }
0x45: {  	[hbm4b:s26+s4] =	stream.linear.scatter [tilespmem:s18], [sflag:$0x7], $0x4000, $0x38;
	[tilespmem:$0x11480] =	vst v63  }
0x46: {  	_ =	swait.ge [sflag:s19], $0x4000  }
0x47: {  	[sflag:s19] =	ssyncset.done $0x0  }
0x48: {  	[sflag:s19] =	ssyncadd.s32 $0xFFFFC000  }
0x49: {  	[tilespmem:s12], [sflag:$0x2] =	stream.indirect.gather.add.f32 [hbm:s3], $0x80, s23, s5, $0xb8;
	[tilespmem:$0x11480] =	vst v63  }
0x4a: {  	_ =	swait.ge [sflag:s20], $0x4000  }
0x4b: {  	[sflag:s20] =	ssyncset.done $0x0  }
0x4c: {  	s29 =	simm.s32 $0x5;
	s28 =	sadd.s32 $0x2000, s28;
	[sflag:s20] =	ssyncadd.s32 $0xFFFFC000  }
0x4d: {  	[hbm4b:s28+s4] =	stream.linear.scatter [tilespmem:s12], [sflag:$0x4], $0x4000, $0x38;
	[tilespmem:$0x11480] =	vst v63  }
0x4e: {  	_ =	swait.ge [sflag:s29], $0x4000  }
0x4f: {  	[sflag:s29] =	ssyncset.done $0x0  }
0x50: {  	s30 =	simm.s32 $0x6;
	[sflag:s29] =	ssyncadd.s32 $0xFFFFC000  }
0x51: {  	s1 =	ssub.s32 $0x2, s1;
	_ =	swait.ge [sflag:s30], $0x4000  }
0x52: {  	s0 =	sshrl.u32 s1, $0x1;
	[sflag:s30] =	ssyncset.done $0x0  }
0x53: {  	s31 =	simm.s32 $0x7;
	s0 =	ssub.s32 s1, s0;
	[sflag:s30] =	ssyncadd.s32 $0xFFFFC000  }
0x54: {  	s0 =	smax.u32 s0, $0x1;
	_ =	swait.ge [sflag:s31], $0x4000  }
0x55: {  	p0 =	sne.s32 s0, $0x1;
	[sflag:s31] =	ssyncset.done $0x0  }
.Ltmp0:
0x56: {  	[sflag:s31] =	ssyncadd.s32 $0xFFFFC000;
	(pc) =	sbr.rel @!p0 .LBB2_2-.Ltmp0, $4  }
0x57: {  	_ =	swait.ge [sflag:s22], $0x4000  }
0x58: {  	[sflag:s22] =	ssyncset.done $0x0  }
0x59: {  	[sflag:s22] =	ssyncadd.s32 $0xFFFFC000  }
0x5a: {  	s1 =	sadd.s32 $0xFFFFFFFF, s0;
	_ =	swait.ge [sflag:s9], $0x1000  }
.LBB2_1:
0x5b: {  	[sflag:s9] =	ssyncset.done $0x0  }
0x5c: {  	s0 =	rddreg [dreg:$0x4];
	[sflag:s9] =	ssyncadd.s32 $0xFFFFF000  }
0x5d: {  	[tilespmem:s5], [sflag:$0x8] =	stream.linear.gather [hbm4b:s0+s4], $0x280, $0x38;
	[tilespmem:$0x11480] =	vst v63  }
0x5e: {  	_ =	swait.ge [sflag:s6], $0x280  }
0x5f: {  	[sflag:s6] =	ssyncset.done $0x0  }
0x60: {  	[sflag:s6] =	ssyncadd.s32 $0xFFFFFD80  }
0x61: {  	[tilespmem:s4], [sflag:$0x8] =	stream.linear.gather [hbm4b:s7+s4], $0x20, $0x38;
	[tilespmem:$0x11480] =	vst v63  }
0x62: {  	_ =	swait.ge [sflag:s6], $0x20  }
0x63: {  	[sflag:s6] =	ssyncset.done $0x0  }
0x64: {  	[sflag:s6] =	ssyncadd.s32 $0xFFFFFFE0  }
0x65: {  	[tilespmem:s10], [sflag:$0x3] =	stream.indirect.gather [hbm4b:s2+s8], $0x80, s4, s8, $0xb8;
	[tilespmem:$0x11480] =	vst v63  }
0x66: {  	_ =	swait.ge [sflag:s9], $0x1000  }
0x67: {  	[sflag:s9] =	ssyncset.done $0x0  }
0x68: {  	[sflag:s9] =	ssyncadd.s32 $0xFFFFF000  }
0x69: {  	[tilespmem:s10], [sflag:$0x3] =	stream.indirect.gather.add.f32 [hbm:s3], $0x80, s4, s8, $0xb8;
	[tilespmem:$0x11480] =	vst v63  }
0x6a: {  	_ =	swait.ge [sflag:s9], $0x1000  }
0x6b: {  	[sflag:s9] =	ssyncset.done $0x0  }
0x6c: {  	[sflag:s9] =	ssyncadd.s32 $0xFFFFF000  }
0x6d: {  	[hbm4b:s11+s4] =	stream.linear.scatter [tilespmem:s10], [sflag:$0x3], $0x1000, $0x38;
	[tilespmem:$0x11480] =	vst v63  }
0x6e: {  	_ = 	snop  }
0x6f: {  	[tilespmem:s12], [sflag:$0x1] =	stream.indirect.gather [hbm4b:s2+s5], $0x80, s5, s5, $0xb8;
	[tilespmem:$0x11480] =	vst v63  }
0x70: {  	_ = 	snop  }
0x71: {  	[tilespmem:s14], [sflag:$0x1] =	stream.indirect.gather [hbm4b:s2+s5], $0x80, s13, s5, $0xb8;
	[tilespmem:$0x11480] =	vst v63  }
0x72: {  	_ = 	snop  }
0x73: {  	[tilespmem:s16], [sflag:$0x1] =	stream.indirect.gather [hbm4b:s2+s5], $0x80, s15, s5, $0xb8;
	[tilespmem:$0x11480] =	vst v63  }
0x74: {  	_ = 	snop  }
0x75: {  	[tilespmem:s18], [sflag:$0x1] =	stream.indirect.gather [hbm4b:s2+s5], $0x80, s17, s5, $0xb8;
	[tilespmem:$0x11480] =	vst v63  }
0x76: {  	_ =	swait.ge [sflag:s19], $0x4000  }
0x77: {  	[sflag:s19] =	ssyncset.done $0x0  }
0x78: {  	[sflag:s19] =	ssyncadd.s32 $0xFFFFC000  }
0x79: {  	[tilespmem:s12], [sflag:$0x2] =	stream.indirect.gather.add.f32 [hbm:s3], $0x80, s5, s5, $0xb8;
	[tilespmem:$0x11480] =	vst v63  }
0x7a: {  	_ =	swait.ge [sflag:s20], $0x4000  }
0x7b: {  	[sflag:s20] =	ssyncset.done $0x0  }
0x7c: {  	[sflag:s20] =	ssyncadd.s32 $0xFFFFC000  }
0x7d: {  	[hbm4b:s21+s4] =	stream.linear.scatter [tilespmem:s12], [sflag:$0x4], $0x4000, $0x38;
	[tilespmem:$0x11480] =	vst v63  }
0x7e: {  	_ =	swait.ge [sflag:s19], $0x4000  }
0x7f: {  	[sflag:s19] =	ssyncset.done $0x0  }
0x80: {  	[sflag:s19] =	ssyncadd.s32 $0xFFFFC000  }
0x81: {  	[tilespmem:s14], [sflag:$0x2] =	stream.indirect.gather.add.f32 [hbm:s3], $0x80, s13, s5, $0xb8;
	[tilespmem:$0x11480] =	vst v63  }
0x82: {  	_ =	swait.ge [sflag:s22], $0x4000  }
0x83: {  	[sflag:s22] =	ssyncset.done $0x0  }
0x84: {  	[sflag:s22] =	ssyncadd.s32 $0xFFFFC000  }
0x85: {  	[tilespmem:s12], [sflag:$0x1] =	stream.indirect.gather [hbm4b:s2+s5], $0x80, s23, s5, $0xb8;
	[tilespmem:$0x11480] =	vst v63  }
0x86: {  	_ =	swait.ge [sflag:s20], $0x4000  }
0x87: {  	[sflag:s20] =	ssyncset.done $0x0  }
0x88: {  	[sflag:s20] =	ssyncadd.s32 $0xFFFFC000  }
0x89: {  	[hbm4b:s24+s4] =	stream.linear.scatter [tilespmem:s14], [sflag:$0x5], $0x4000, $0x38;
	[tilespmem:$0x11480] =	vst v63  }
0x8a: {  	_ =	swait.ge [sflag:s19], $0x4000  }
0x8b: {  	[sflag:s19] =	ssyncset.done $0x0  }
0x8c: {  	[sflag:s19] =	ssyncadd.s32 $0xFFFFC000  }
0x8d: {  	[tilespmem:s16], [sflag:$0x2] =	stream.indirect.gather.add.f32 [hbm:s3], $0x80, s15, s5, $0xb8;
	[tilespmem:$0x11480] =	vst v63  }
0x8e: {  	_ =	swait.ge [sflag:s20], $0x4000  }
0x8f: {  	[sflag:s20] =	ssyncset.done $0x0  }
0x90: {  	[sflag:s20] =	ssyncadd.s32 $0xFFFFC000  }
0x91: {  	[hbm4b:s25+s4] =	stream.linear.scatter [tilespmem:s16], [sflag:$0x6], $0x4000, $0x38;
	[tilespmem:$0x11480] =	vst v63  }
0x92: {  	_ =	swait.ge [sflag:s19], $0x4000  }
0x93: {  	[sflag:s19] =	ssyncset.done $0x0  }
0x94: {  	[sflag:s19] =	ssyncadd.s32 $0xFFFFC000  }
0x95: {  	[tilespmem:s18], [sflag:$0x2] =	stream.indirect.gather.add.f32 [hbm:s3], $0x80, s17, s5, $0xb8;
	[tilespmem:$0x11480] =	vst v63  }
0x96: {  	_ =	swait.ge [sflag:s20], $0x4000  }
0x97: {  	[sflag:s20] =	ssyncset.done $0x0  }
0x98: {  	[sflag:s20] =	ssyncadd.s32 $0xFFFFC000  }
0x99: {  	[hbm4b:s26+s4] =	stream.linear.scatter [tilespmem:s18], [sflag:$0x7], $0x4000, $0x38;
	[tilespmem:$0x11480] =	vst v63  }
0x9a: {  	_ =	swait.ge [sflag:s19], $0x4000  }
0x9b: {  	[sflag:s19] =	ssyncset.done $0x0  }
0x9c: {  	[sflag:s19] =	ssyncadd.s32 $0xFFFFC000  }
0x9d: {  	[tilespmem:s12], [sflag:$0x2] =	stream.indirect.gather.add.f32 [hbm:s3], $0x80, s23, s5, $0xb8;
	[tilespmem:$0x11480] =	vst v63  }
0x9e: {  	_ =	swait.ge [sflag:s20], $0x4000  }
0x9f: {  	[sflag:s20] =	ssyncset.done $0x0  }
0xa0: {  	[sflag:s20] =	ssyncadd.s32 $0xFFFFC000  }
0xa1: {  	[hbm4b:s28+s4] =	stream.linear.scatter [tilespmem:s12], [sflag:$0x4], $0x4000, $0x38;
	[tilespmem:$0x11480] =	vst v63  }
0xa2: {  	_ =	swait.ge [sflag:s29], $0x4000  }
0xa3: {  	[sflag:s29] =	ssyncset.done $0x0  }
0xa4: {  	[sflag:s29] =	ssyncadd.s32 $0xFFFFC000  }
0xa5: {  	_ =	swait.ge [sflag:s30], $0x4000  }
0xa6: {  	[sflag:s30] =	ssyncset.done $0x0  }
0xa7: {  	[sflag:s30] =	ssyncadd.s32 $0xFFFFC000  }
0xa8: {  	_ =	swait.ge [sflag:s31], $0x4000  }
0xa9: {  	p0 =	sne.s32 s1, $0x1;
	[sflag:s31] =	ssyncset.done $0x0  }
.Ltmp1:
0xaa: {  	[sflag:s31] =	ssyncadd.s32 $0xFFFFC000;
	(pc) =	sbr.rel @p0 .LBB2_1-.Ltmp1, $4  }
0xab: {  	_ =	swait.ge [sflag:s22], $0x4000  }
0xac: {  	[sflag:s22] =	ssyncset.done $0x0  }
0xad: {  	[sflag:s22] =	ssyncadd.s32 $0xFFFFC000  }
0xae: {  	s1 =	sadd.s32 $0xFFFFFFFF, s1;
	_ =	swait.ge [sflag:s9], $0x1000  }
.LBB2_2:
0xaf: {  	[sflag:s9] =	ssyncset.done $0x0  }
0xb0: {  	[sflag:s9] =	ssyncadd.s32 $0xFFFFF000  }
0xb1: {  	_ =	sfence.sel $0x180000  }
0xb2: {  	[bflag:$0x0] =	sbarrier.arrive $0xFFFF  }
0xb3: {  	_ =	strace $0x9000004D  }
0xb4: {  	s0 =	stileid.u32;
	[bflag:$0x2] =	sbarrier.arrive $0xFFFF  }
0xb5: {  	p0 =	sne.s32 s0, $0x0;
	s0 =	rddreg [dreg:$0x3]  }
0xb6: {  	s0 =	sadd.s32 @!p0 $0x100000, s0  }
0xb7: {  	[sflag:s0] =	ssyncadd.tile.s32 @!p0 $0x1;
	_ =	shalt  }
.Lfunc_end2:
_tile_overlayer_lowered:
.L_overlay_start_2:
0xb8: {  	(tag) =	ssettag $0x2  }
0xb9: {  	s0 =	rddreg [dreg:$0x0];
	s2 =	stileid.u32  }
0xba: {  	s1 =	rddreg [dreg:$0x1];
	p0 =	sne.s32 s2, $0x0  }
0xbb: {  	s3 =	rddreg [dreg:$0x2];
	[bflag:$0x3] =	sbarrier.arrive $0xFFFF;
	s2 =	simm.s32 @!p0 $0x1C08  }
0xbc: {  	[timem:s3], [sflag:s2] =	dma.local @!p0 [hbm:s0], s1  }
0xbd: {  	s0 =	simm.s32 @!p0 $0x8  }
0xbe: {  	_ =	swait.ge @!p0 [sflag:s0], s1  }
0xbf: {  	s1 =	ssub.s32 @!p0 $0x0, s1;
	[sflag:s0] =	ssyncset.done @!p0 $0x0  }
0xc0: {  	[sflag:s0] =	ssyncadd.s32 @!p0 s1  }
0xc1: {  	[bflag:$0x3] =	sbarrier.arrive $0xFFFF  }
0xc2: {  	_ =	shalt  }

</sc_bundles>
